<compile_context>
chip_gen: v7x
topology: tpu7x:2x2x1
jax: 0.10.2.dev20260603
libtpu: 0.0.44.dev20260713+nightly
codegen_flags: <defaults>
</compile_context>

<pallas_src>
import functools

import jax
import jax.numpy as jnp
from jax import lax
from jax.experimental import pallas as pl
from jax.experimental.pallas import tpu as pltpu
from jax.experimental.pallas import tpu_sc as plsc

_VB = 4096
_NBUF = 8


@functools.lru_cache(maxsize=None)
def _build_sc_gather_t(V, D, B, dtype):
    info = plsc.get_sparse_core_info()
    NC, NS = info.num_cores, info.num_subcores
    NW = NC * NS
    b_per_w = B // NW
    L = info.num_lanes
    assert B % (8 * NW) == 0 and D % L == 0 and b_per_w % L == 0
    mesh = plsc.VectorSubcoreMesh(core_axis_name="c", subcore_axis_name="s")

    @functools.partial(
        pl.kernel,
        mesh=mesh,
        compiler_params=pltpu.CompilerParams(needs_layout_passes=False),
        out_type=jax.ShapeDtypeStruct((B, D), dtype),
        scratch_types=(
            [pltpu.VMEM((b_per_w,), jnp.int32)]
            + [pltpu.VMEM((D, 128), dtype) for _ in range(_NBUF)]
            + [pltpu.VMEM((b_per_w, D), dtype)]
            + [pltpu.SemaphoreType.DMA for _ in range(_NBUF)]
        ),
    )
    def gather(tablet_hbm, idx_hbm, out_hbm, idx_v, *rest):
        bufs = rest[:_NBUF]
        rows_v = rest[_NBUF]
        sems = rest[_NBUF + 1:]
        wid = lax.axis_index("s") * NC + lax.axis_index("c")
        base = wid * b_per_w
        pltpu.sync_copy(idx_hbm.at[pl.ds(base, b_per_w)], idx_v)
        scal = []
        for g in range(b_per_w // L):
            ivec = idx_v[pl.ds(L * g, L)]
            scal.extend(ivec[j] for j in range(L))

        def start(i):
            c0 = pl.multiple_of((scal[i] // 128) * 128, 128)
            return pltpu.make_async_copy(
                tablet_hbm.at[:, pl.ds(c0, 128)],
                bufs[i % _NBUF],
                sems[i % _NBUF],
            )

        cps = {}
        for i in range(_NBUF):
            cps[i] = start(i)
            cps[i].start()
        for i in range(b_per_w):
            cps[i].wait()
            lane_vec = jnp.full((L,), 0, jnp.int32) + (scal[i] % 128)
            for k in range(D // L):
                r = lax.broadcasted_iota(jnp.int32, (L,), 0) + L * k
                vals = plsc.load_gather(bufs[i % _NBUF], [r, lane_vec])
                rows_v[i, pl.ds(L * k, L)] = vals
            if i + _NBUF < b_per_w:
                cps[i + _NBUF] = start(i + _NBUF)
                cps[i + _NBUF].start()
        pltpu.sync_copy(rows_v, out_hbm.at[pl.ds(base, b_per_w)])

    return gather


def _accum(mm, eb, m_ref, s_ref):
    p = jnp.exp2(mm - m_ref[...])
    part = lax.dot_general(
        eb, p, (((0,), (0,)), ((), ())), preferred_element_type=jnp.float32
    )
    s_ref[...] = s_ref[...] + part


def _stats_body(emb_ref, wt_ref, b_ref, m_ref, s_ref, *, V, VB, nv):
    j = pl.program_id(0)

    mm = lax.dot_general(
        wt_ref[...], emb_ref[...], (((0,), (1,)), ((), ())),
        preferred_element_type=jnp.float32,
    )
    eb = jnp.exp(b_ref[...])[:, None]

    @pl.when(j == 0)
    def _init():
        m_ref[...] = jnp.max(mm, axis=0, keepdims=True)
        s_ref[...] = jnp.zeros(s_ref.shape, jnp.float32)

    @pl.when(j != nv - 1)
    def _full():
        _accum(mm, eb, m_ref, s_ref)

    @pl.when(j == nv - 1)
    def _tail():
        row = lax.broadcasted_iota(jnp.int32, (VB, 1), 0) + j * VB
        valid = row < V
        _accum(
            jnp.where(valid, mm, -1e30),
            jnp.where(valid, eb, 0.0),
            m_ref,
            s_ref,
        )


def _norm_body(emb_ref, wt_ref, b_ref, m_ref, s_ref, o_ref):
    mm = lax.dot_general(
        wt_ref[...], emb_ref[...], (((0,), (1,)), ((), ())),
        preferred_element_type=jnp.float32,
    )
    eb = jnp.exp(b_ref[...])[:, None]
    o_ref[...] = jnp.exp2(mm - m_ref[...]) * eb * (1.0 / s_ref[...])


def kernel(x, emb_table, W, b):
    V, D = W.shape
    B = x.shape[0]
    VB = _VB
    nv = -(-V // VB)

    emb = _build_sc_gather_t(V, D, B, emb_table.dtype)(
        emb_table.T, x.astype(jnp.int32)
    )
    emb = emb * jnp.float32(1.4426950408889634)
    Wt = W.T

    f32 = jnp.float32
    emb_spec = pl.BlockSpec((B, D), lambda j: (0, 0))
    wt_spec = pl.BlockSpec((D, VB), lambda j: (0, j))
    b_spec = pl.BlockSpec((VB,), lambda j: (j,))
    stat_spec = pl.BlockSpec((1, B), lambda j: (0, 0))

    cp = pltpu.CompilerParams(vmem_limit_bytes=100 * 1024 * 1024)
    m, s = pl.pallas_call(
        functools.partial(_stats_body, V=V, VB=VB, nv=nv),
        grid=(nv,),
        compiler_params=cp,
        in_specs=[emb_spec, wt_spec, b_spec],
        out_specs=[stat_spec, stat_spec],
        out_shape=[
            jax.ShapeDtypeStruct((1, B), f32),
            jax.ShapeDtypeStruct((1, B), f32),
        ],
    )(emb, Wt, b)

    out_t = pl.pallas_call(
        _norm_body,
        grid=(nv,),
        compiler_params=cp,
        in_specs=[emb_spec, wt_spec, b_spec, stat_spec, stat_spec],
        out_specs=pl.BlockSpec((VB, B), lambda j: (j, 0)),
        out_shape=jax.ShapeDtypeStruct((V, B), f32),
    )(emb, Wt, b, m, s)
    return out_t.T

# --- scband reference (transcript-rebuilt; emitter-appended) ---
"""Pipeline reference for scband-word2-vec-21148418966188 (READ-ONLY COPY).

The authoritative reference and input builder live on the scoring server;
editing this copy changes nothing except your own understanding.
"""

import jax, jax.numpy as jnp
import numpy as np

VOCAB = 100000
EMBED_DIM = 64
BATCH = 1024


def setup_inputs(seed: int = 0) -> dict:
    key = jax.random.key(seed)
    k1, k2, k3, k4 = jax.random.split(key, 4)
    x = jax.random.randint(k1, (BATCH,), 0, VOCAB, dtype=jnp.int64) if jax.config.jax_enable_x64 else jax.random.randint(k1, (BATCH,), 0, VOCAB, dtype=jnp.int32)
    emb_table = jax.random.normal(k2, (VOCAB, EMBED_DIM), dtype=jnp.float32)
    W = jax.random.normal(k3, (VOCAB, EMBED_DIM), dtype=jnp.float32) * (1.0 / np.sqrt(EMBED_DIM))
    b = jax.random.normal(k4, (VOCAB,), dtype=jnp.float32) * 0.01
    return {"x": x, "emb_table": emb_table, "W": W, "b": b}


def reference(x, emb_table, W, b):
    # emb = self.embedding(x)
    emb = jnp.take(emb_table, x, axis=0)  # [B, D]
    # out = self.out(emb)  (nn.Linear: emb @ W.T + b)
    out = emb @ W.T + b  # [B, V]
    # softmax over dim=1
    return jax.nn.softmax(out, axis=1)

if __name__ == "__main__":
    import jax
    _d = setup_inputs()
    print(jax.jit(kernel)(*tuple(_d.values())))

</pallas_src>

<mosaic_0001>
#map = affine_map<(d0, d1) -> (0, 0)>
#map1 = affine_map<(d0, d1) -> (0)>
module attributes {stable_mosaic.version = 14 : i64} {
  func.func @gather(%arg0: i32, %arg1: i32, %arg2: memref<64x100000xf32, #tpu.memory_space<hbm>>, %arg3: memref<1024xi32, #tpu.memory_space<hbm>>, %arg4: memref<1024x64xf32, #tpu.memory_space<hbm>>, %arg5: memref<32xi32, #tpu.memory_space<vmem>>, %arg6: memref<64x128xf32, #tpu.memory_space<vmem>>, %arg7: memref<64x128xf32, #tpu.memory_space<vmem>>, %arg8: memref<64x128xf32, #tpu.memory_space<vmem>>, %arg9: memref<64x128xf32, #tpu.memory_space<vmem>>, %arg10: memref<64x128xf32, #tpu.memory_space<vmem>>, %arg11: memref<64x128xf32, #tpu.memory_space<vmem>>, %arg12: memref<64x128xf32, #tpu.memory_space<vmem>>, %arg13: memref<64x128xf32, #tpu.memory_space<vmem>>, %arg14: memref<32x64xf32, #tpu.memory_space<vmem>>, %arg15: memref<!tpu.dma_semaphore, #tpu.memory_space<semaphore_mem>>, %arg16: memref<!tpu.dma_semaphore, #tpu.memory_space<semaphore_mem>>, %arg17: memref<!tpu.dma_semaphore, #tpu.memory_space<semaphore_mem>>, %arg18: memref<!tpu.dma_semaphore, #tpu.memory_space<semaphore_mem>>, %arg19: memref<!tpu.dma_semaphore, #tpu.memory_space<semaphore_mem>>, %arg20: memref<!tpu.dma_semaphore, #tpu.memory_space<semaphore_mem>>, %arg21: memref<!tpu.dma_semaphore, #tpu.memory_space<semaphore_mem>>, %arg22: memref<!tpu.dma_semaphore, #tpu.memory_space<semaphore_mem>>) attributes {dimension_semantics = [#tpu.dimension_semantics<core_parallel>, #tpu.dimension_semantics<subcore_parallel>], iteration_bounds = array<i64: 2, 16>, scalar_prefetch = 0 : i64, scratch_operands = 18 : i64, tpu.core_type = #tpu.core_type<sc_vector_subcore>, window_params = [{transform_indices = #map}, {transform_indices = #map1}, {transform_indices = #map}]} {
    %mul3A = arith.constant 2 : i32
    %mul3A_0 = arith.muli %arg1, %mul3A : i32
    %add3A = arith.addi %mul3A_0, %arg0 : i32
    %mul3A_1 = arith.constant 32 : i32
    %mul3A_2 = arith.muli %add3A, %mul3A_1 : i32
    "tpu.region"() ({
      %run_scoped3A = tpu.sem_alloc : memref<!tpu.dma_semaphore, #tpu.memory_space<semaphore_mem>>
      %dma_start3A_2963 = tpu.memref_slice %arg3[%mul3A_2] : memref<1024xi32, #tpu.memory_space<hbm>> -> memref<32xi32, #tpu.memory_space<hbm>>
      %dma_start3A_2964 = tpu.memref_slice %arg3[%mul3A_2] : memref<1024xi32, #tpu.memory_space<hbm>> -> memref<32xi32, #tpu.memory_space<hbm>>
      tpu.enqueue_dma source(%dma_start3A_2964 : memref<32xi32, #tpu.memory_space<hbm>>) target(%arg5 : memref<32xi32, #tpu.memory_space<vmem>>) target_semaphore(%run_scoped3A : memref<!tpu.dma_semaphore, #tpu.memory_space<semaphore_mem>>)
      %dma_wait3A_2965 = tpu.memref_slice %arg3[%mul3A_2] : memref<1024xi32, #tpu.memory_space<hbm>> -> memref<32xi32, #tpu.memory_space<hbm>>
      %dma_wait3A_2966 = tpu.memref_slice %arg3[%mul3A_2] : memref<1024xi32, #tpu.memory_space<hbm>> -> memref<32xi32, #tpu.memory_space<hbm>>
      tpu.wait_dma2 semaphore(%run_scoped3A : memref<!tpu.dma_semaphore, #tpu.memory_space<semaphore_mem>>) src(%dma_wait3A_2966 : memref<32xi32, #tpu.memory_space<hbm>>) dst(%arg5 : memref<32xi32, #tpu.memory_space<vmem>>)
      tpu.yield
    }) : () -> ()
    %get3A = arith.constant 0 : index
    %get3A_3 = tpu.vector_load %arg5[%get3A] {strides = array<i32>} : memref<32xi32, #tpu.memory_space<vmem>>, vector<16xi32>,
    %slice3A = vector.extract_strided_slice %get3A_3 {offsets = [0], sizes = [1], strides = [1]} : vector<16xi32> to vector<1xi32>
    %squeeze3A = vector.extract %slice3A[0] : i32 from vector<1xi32>
    %slice3A_4 = vector.extract_strided_slice %get3A_3 {offsets = [1], sizes = [1], strides = [1]} : vector<16xi32> to vector<1xi32>
    %squeeze3A_5 = vector.extract %slice3A_4[0] : i32 from vector<1xi32>
    %slice3A_6 = vector.extract_strided_slice %get3A_3 {offsets = [2], sizes = [1], strides = [1]} : vector<16xi32> to vector<1xi32>
    %squeeze3A_7 = vector.extract %slice3A_6[0] : i32 from vector<1xi32>
    %slice3A_8 = vector.extract_strided_slice %get3A_3 {offsets = [3], sizes = [1], strides = [1]} : vector<16xi32> to vector<1xi32>
    %squeeze3A_9 = vector.extract %slice3A_8[0] : i32 from vector<1xi32>
    %slice3A_10 = vector.extract_strided_slice %get3A_3 {offsets = [4], sizes = [1], strides = [1]} : vector<16xi32> to vector<1xi32>
    %squeeze3A_11 = vector.extract %slice3A_10[0] : i32 from vector<1xi32>
    %slice3A_12 = vector.extract_strided_slice %get3A_3 {offsets = [5], sizes = [1], strides = [1]} : vector<16xi32> to vector<1xi32>
    %squeeze3A_13 = vector.extract %slice3A_12[0] : i32 from vector<1xi32>
    %slice3A_14 = vector.extract_strided_slice %get3A_3 {offsets = [6], sizes = [1], strides = [1]} : vector<16xi32> to vector<1xi32>
    %squeeze3A_15 = vector.extract %slice3A_14[0] : i32 from vector<1xi32>
    %slice3A_16 = vector.extract_strided_slice %get3A_3 {offsets = [7], sizes = [1], strides = [1]} : vector<16xi32> to vector<1xi32>
    %squeeze3A_17 = vector.extract %slice3A_16[0] : i32 from vector<1xi32>
    %slice3A_18 = vector.extract_strided_slice %get3A_3 {offsets = [8], sizes = [1], strides = [1]} : vector<16xi32> to vector<1xi32>
    %squeeze3A_19 = vector.extract %slice3A_18[0] : i32 from vector<1xi32>
    %slice3A_20 = vector.extract_strided_slice %get3A_3 {offsets = [9], sizes = [1], strides = [1]} : vector<16xi32> to vector<1xi32>
    %squeeze3A_21 = vector.extract %slice3A_20[0] : i32 from vector<1xi32>
    %slice3A_22 = vector.extract_strided_slice %get3A_3 {offsets = [10], sizes = [1], strides = [1]} : vector<16xi32> to vector<1xi32>
    %squeeze3A_23 = vector.extract %slice3A_22[0] : i32 from vector<1xi32>
    %slice3A_24 = vector.extract_strided_slice %get3A_3 {offsets = [11], sizes = [1], strides = [1]} : vector<16xi32> to vector<1xi32>
    %squeeze3A_25 = vector.extract %slice3A_24[0] : i32 from vector<1xi32>
    %slice3A_26 = vector.extract_strided_slice %get3A_3 {offsets = [12], sizes = [1], strides = [1]} : vector<16xi32> to vector<1xi32>
    %squeeze3A_27 = vector.extract %slice3A_26[0] : i32 from vector<1xi32>
    %slice3A_28 = vector.extract_strided_slice %get3A_3 {offsets = [13], sizes = [1], strides = [1]} : vector<16xi32> to vector<1xi32>
    %squeeze3A_29 = vector.extract %slice3A_28[0] : i32 from vector<1xi32>
    %slice3A_30 = vector.extract_strided_slice %get3A_3 {offsets = [14], sizes = [1], strides = [1]} : vector<16xi32> to vector<1xi32>
    %squeeze3A_31 = vector.extract %slice3A_30[0] : i32 from vector<1xi32>
    %slice3A_32 = vector.extract_strided_slice %get3A_3 {offsets = [15], sizes = [1], strides = [1]} : vector<16xi32> to vector<1xi32>
    %squeeze3A_33 = vector.extract %slice3A_32[0] : i32 from vector<1xi32>
    %get3A_34 = arith.constant 16 : index
    %get3A_35 = tpu.vector_load %arg5[%get3A_34] {strides = array<i32>} : memref<32xi32, #tpu.memory_space<vmem>>, vector<16xi32>,
    %slice3A_36 = vector.extract_strided_slice %get3A_35 {offsets = [0], sizes = [1], strides = [1]} : vector<16xi32> to vector<1xi32>
    %squeeze3A_37 = vector.extract %slice3A_36[0] : i32 from vector<1xi32>
    %slice3A_38 = vector.extract_strided_slice %get3A_35 {offsets = [1], sizes = [1], strides = [1]} : vector<16xi32> to vector<1xi32>
    %squeeze3A_39 = vector.extract %slice3A_38[0] : i32 from vector<1xi32>
    %slice3A_40 = vector.extract_strided_slice %get3A_35 {offsets = [2], sizes = [1], strides = [1]} : vector<16xi32> to vector<1xi32>
    %squeeze3A_41 = vector.extract %slice3A_40[0] : i32 from vector<1xi32>
    %slice3A_42 = vector.extract_strided_slice %get3A_35 {offsets = [3], sizes = [1], strides = [1]} : vector<16xi32> to vector<1xi32>
    %squeeze3A_43 = vector.extract %slice3A_42[0] : i32 from vector<1xi32>
    %slice3A_44 = vector.extract_strided_slice %get3A_35 {offsets = [4], sizes = [1], strides = [1]} : vector<16xi32> to vector<1xi32>
    %squeeze3A_45 = vector.extract %slice3A_44[0] : i32 from vector<1xi32>
    %slice3A_46 = vector.extract_strided_slice %get3A_35 {offsets = [5], sizes = [1], strides = [1]} : vector<16xi32> to vector<1xi32>
    %squeeze3A_47 = vector.extract %slice3A_46[0] : i32 from vector<1xi32>
    %slice3A_48 = vector.extract_strided_slice %get3A_35 {offsets = [6], sizes = [1], strides = [1]} : vector<16xi32> to vector<1xi32>
    %squeeze3A_49 = vector.extract %slice3A_48[0] : i32 from vector<1xi32>
    %slice3A_50 = vector.extract_strided_slice %get3A_35 {offsets = [7], sizes = [1], strides = [1]} : vector<16xi32> to vector<1xi32>
    %squeeze3A_51 = vector.extract %slice3A_50[0] : i32 from vector<1xi32>
    %slice3A_52 = vector.extract_strided_slice %get3A_35 {offsets = [8], sizes = [1], strides = [1]} : vector<16xi32> to vector<1xi32>
    %squeeze3A_53 = vector.extract %slice3A_52[0] : i32 from vector<1xi32>
    %slice3A_54 = vector.extract_strided_slice %get3A_35 {offsets = [9], sizes = [1], strides = [1]} : vector<16xi32> to vector<1xi32>
    %squeeze3A_55 = vector.extract %slice3A_54[0] : i32 from vector<1xi32>
    %slice3A_56 = vector.extract_strided_slice %get3A_35 {offsets = [10], sizes = [1], strides = [1]} : vector<16xi32> to vector<1xi32>
    %squeeze3A_57 = vector.extract %slice3A_56[0] : i32 from vector<1xi32>
    %slice3A_58 = vector.extract_strided_slice %get3A_35 {offsets = [11], sizes = [1], strides = [1]} : vector<16xi32> to vector<1xi32>
    %squeeze3A_59 = vector.extract %slice3A_58[0] : i32 from vector<1xi32>
    %slice3A_60 = vector.extract_strided_slice %get3A_35 {offsets = [12], sizes = [1], strides = [1]} : vector<16xi32> to vector<1xi32>
    %squeeze3A_61 = vector.extract %slice3A_60[0] : i32 from vector<1xi32>
    %slice3A_62 = vector.extract_strided_slice %get3A_35 {offsets = [13], sizes = [1], strides = [1]} : vector<16xi32> to vector<1xi32>
    %squeeze3A_63 = vector.extract %slice3A_62[0] : i32 from vector<1xi32>
    %slice3A_64 = vector.extract_strided_slice %get3A_35 {offsets = [14], sizes = [1], strides = [1]} : vector<16xi32> to vector<1xi32>
    %squeeze3A_65 = vector.extract %slice3A_64[0] : i32 from vector<1xi32>
    %slice3A_66 = vector.extract_strided_slice %get3A_35 {offsets = [15], sizes = [1], strides = [1]} : vector<16xi32> to vector<1xi32>
    %squeeze3A_67 = vector.extract %slice3A_66[0] : i32 from vector<1xi32>
    %jit3A = arith.constant 128 : i32
    %div3A = arith.divsi %squeeze3A, %jit3A : i32
    %sign3A = arith.constant 0 : i32
    %sign3A_68 = arith.cmpi sgt, %squeeze3A, %sign3A : i32
    %sign3A_69 = arith.extui %sign3A_68 : i1 to i32
    %sign3A_70 = arith.constant 0 : i32
    %sign3A_71 = arith.cmpi slt, %squeeze3A, %sign3A_70 : i32
    %sign3A_72 = arith.extui %sign3A_71 : i1 to i32
    %sign3A_73 = arith.subi %sign3A_69, %sign3A_72 : i32
    %sign3A_74 = arith.constant 0 : i32
    %sign3A_75 = arith.cmpi sgt, %jit3A, %sign3A_74 : i32
    %sign3A_76 = arith.extui %sign3A_75 : i1 to i32
    %sign3A_77 = arith.constant 0 : i32
    %sign3A_78 = arith.cmpi slt, %jit3A, %sign3A_77 : i32
    %sign3A_79 = arith.extui %sign3A_78 : i1 to i32
    %sign3A_80 = arith.subi %sign3A_76, %sign3A_79 : i32
    %ne3A = arith.cmpi ne, %sign3A_73, %sign3A_80 : i32
    %rem3A = arith.remsi %squeeze3A, %jit3A : i32
    %ne3A_81 = arith.constant 0 : i32
    %ne3A_82 = arith.cmpi ne, %rem3A, %ne3A_81 : i32
    %and3A = arith.andi %ne3A, %ne3A_82 : i1
    %sub3A = arith.constant 1 : i32
    %sub3A_83 = arith.subi %div3A, %sub3A : i32
    %select_n3A = arith.select %and3A, %sub3A_83, %div3A : i32
    %mul3A_84 = arith.constant 128 : i32
    %mul3A_85 = arith.muli %select_n3A, %mul3A_84 : i32
    %multiple_of3A = tpu.assume_multiple %mul3A_85, 128 : i32
    %dma_start3A = arith.constant 0 : i32
    %dma_start3A_86 = tpu.memref_slice %arg2[%dma_start3A, %multiple_of3A] : memref<64x100000xf32, #tpu.memory_space<hbm>> -> memref<64x128xf32, #tpu.memory_space<hbm>>
    %dma_start3A_87 = arith.constant 0 : i32
    %dma_start3A_88 = tpu.memref_slice %arg2[%dma_start3A_87, %multiple_of3A] : memref<64x100000xf32, #tpu.memory_space<hbm>> -> memref<64x128xf32, #tpu.memory_space<hbm>>
    tpu.enqueue_dma source(%dma_start3A_88 : memref<64x128xf32, #tpu.memory_space<hbm>>) target(%arg6 : memref<64x128xf32, #tpu.memory_space<vmem>>) target_semaphore(%arg15 : memref<!tpu.dma_semaphore, #tpu.memory_space<semaphore_mem>>)
    %jit3A_89 = arith.constant 128 : i32
    %div3A_90 = arith.divsi %squeeze3A_5, %jit3A_89 : i32
    %sign3A_91 = arith.constant 0 : i32
    %sign3A_92 = arith.cmpi sgt, %squeeze3A_5, %sign3A_91 : i32
    %sign3A_93 = arith.extui %sign3A_92 : i1 to i32
    %sign3A_94 = arith.constant 0 : i32
    %sign3A_95 = arith.cmpi slt, %squeeze3A_5, %sign3A_94 : i32
    %sign3A_96 = arith.extui %sign3A_95 : i1 to i32
    %sign3A_97 = arith.subi %sign3A_93, %sign3A_96 : i32
    %sign3A_98 = arith.constant 0 : i32
    %sign3A_99 = arith.cmpi sgt, %jit3A_89, %sign3A_98 : i32
    %sign3A_100 = arith.extui %sign3A_99 : i1 to i32
    %sign3A_101 = arith.constant 0 : i32
    %sign3A_102 = arith.cmpi slt, %jit3A_89, %sign3A_101 : i32
    %sign3A_103 = arith.extui %sign3A_102 : i1 to i32
    %sign3A_104 = arith.subi %sign3A_100, %sign3A_103 : i32
    %ne3A_105 = arith.cmpi ne, %sign3A_97, %sign3A_104 : i32
    %rem3A_106 = arith.remsi %squeeze3A_5, %jit3A_89 : i32
    %ne3A_107 = arith.constant 0 : i32
    %ne3A_108 = arith.cmpi ne, %rem3A_106, %ne3A_107 : i32
    %and3A_109 = arith.andi %ne3A_105, %ne3A_108 : i1
    %sub3A_110 = arith.constant 1 : i32
    %sub3A_111 = arith.subi %div3A_90, %sub3A_110 : i32
    %select_n3A_112 = arith.select %and3A_109, %sub3A_111, %div3A_90 : i32
    %mul3A_113 = arith.constant 128 : i32
    %mul3A_114 = arith.muli %select_n3A_112, %mul3A_113 : i32
    %multiple_of3A_115 = tpu.assume_multiple %mul3A_114, 128 : i32
    %dma_start3A_116 = arith.constant 0 : i32
    %dma_start3A_117 = tpu.memref_slice %arg2[%dma_start3A_116, %multiple_of3A_115] : memref<64x100000xf32, #tpu.memory_space<hbm>> -> memref<64x128xf32, #tpu.memory_space<hbm>>
    %dma_start3A_118 = arith.constant 0 : i32
    %dma_start3A_119 = tpu.memref_slice %arg2[%dma_start3A_118, %multiple_of3A_115] : memref<64x100000xf32, #tpu.memory_space<hbm>> -> memref<64x128xf32, #tpu.memory_space<hbm>>
    tpu.enqueue_dma source(%dma_start3A_119 : memref<64x128xf32, #tpu.memory_space<hbm>>) target(%arg7 : memref<64x128xf32, #tpu.memory_space<vmem>>) target_semaphore(%arg16 : memref<!tpu.dma_semaphore, #tpu.memory_space<semaphore_mem>>)
    %jit3A_120 = arith.constant 128 : i32
    %div3A_121 = arith.divsi %squeeze3A_7, %jit3A_120 : i32
    %sign3A_122 = arith.constant 0 : i32
    %sign3A_123 = arith.cmpi sgt, %squeeze3A_7, %sign3A_122 : i32
    %sign3A_124 = arith.extui %sign3A_123 : i1 to i32
    %sign3A_125 = arith.constant 0 : i32
    %sign3A_126 = arith.cmpi slt, %squeeze3A_7, %sign3A_125 : i32
    %sign3A_127 = arith.extui %sign3A_126 : i1 to i32
    %sign3A_128 = arith.subi %sign3A_124, %sign3A_127 : i32
    %sign3A_129 = arith.constant 0 : i32
    %sign3A_130 = arith.cmpi sgt, %jit3A_120, %sign3A_129 : i32
    %sign3A_131 = arith.extui %sign3A_130 : i1 to i32
    %sign3A_132 = arith.constant 0 : i32
    %sign3A_133 = arith.cmpi slt, %jit3A_120, %sign3A_132 : i32
    %sign3A_134 = arith.extui %sign3A_133 : i1 to i32
    %sign3A_135 = arith.subi %sign3A_131, %sign3A_134 : i32
    %ne3A_136 = arith.cmpi ne, %sign3A_128, %sign3A_135 : i32
    %rem3A_137 = arith.remsi %squeeze3A_7, %jit3A_120 : i32
    %ne3A_138 = arith.constant 0 : i32
    %ne3A_139 = arith.cmpi ne, %rem3A_137, %ne3A_138 : i32
    %and3A_140 = arith.andi %ne3A_136, %ne3A_139 : i1
    %sub3A_141 = arith.constant 1 : i32
    %sub3A_142 = arith.subi %div3A_121, %sub3A_141 : i32
    %select_n3A_143 = arith.select %and3A_140, %sub3A_142, %div3A_121 : i32
    %mul3A_144 = arith.constant 128 : i32
    %mul3A_145 = arith.muli %select_n3A_143, %mul3A_144 : i32
    %multiple_of3A_146 = tpu.assume_multiple %mul3A_145, 128 : i32
    %dma_start3A_147 = arith.constant 0 : i32
    %dma_start3A_148 = tpu.memref_slice %arg2[%dma_start3A_147, %multiple_of3A_146] : memref<64x100000xf32, #tpu.memory_space<hbm>> -> memref<64x128xf32, #tpu.memory_space<hbm>>
    %dma_start3A_149 = arith.constant 0 : i32
    %dma_start3A_150 = tpu.memref_slice %arg2[%dma_start3A_149, %multiple_of3A_146] : memref<64x100000xf32, #tpu.memory_space<hbm>> -> memref<64x128xf32, #tpu.memory_space<hbm>>
    tpu.enqueue_dma source(%dma_start3A_150 : memref<64x128xf32, #tpu.memory_space<hbm>>) target(%arg8 : memref<64x128xf32, #tpu.memory_space<vmem>>) target_semaphore(%arg17 : memref<!tpu.dma_semaphore, #tpu.memory_space<semaphore_mem>>)
    %jit3A_151 = arith.constant 128 : i32
    %div3A_152 = arith.divsi %squeeze3A_9, %jit3A_151 : i32
    %sign3A_153 = arith.constant 0 : i32
    %sign3A_154 = arith.cmpi sgt, %squeeze3A_9, %sign3A_153 : i32
    %sign3A_155 = arith.extui %sign3A_154 : i1 to i32
    %sign3A_156 = arith.constant 0 : i32
    %sign3A_157 = arith.cmpi slt, %squeeze3A_9, %sign3A_156 : i32
    %sign3A_158 = arith.extui %sign3A_157 : i1 to i32
    %sign3A_159 = arith.subi %sign3A_155, %sign3A_158 : i32
    %sign3A_160 = arith.constant 0 : i32
    %sign3A_161 = arith.cmpi sgt, %jit3A_151, %sign3A_160 : i32
    %sign3A_162 = arith.extui %sign3A_161 : i1 to i32
    %sign3A_163 = arith.constant 0 : i32
    %sign3A_164 = arith.cmpi slt, %jit3A_151, %sign3A_163 : i32
    %sign3A_165 = arith.extui %sign3A_164 : i1 to i32
    %sign3A_166 = arith.subi %sign3A_162, %sign3A_165 : i32
    %ne3A_167 = arith.cmpi ne, %sign3A_159, %sign3A_166 : i32
    %rem3A_168 = arith.remsi %squeeze3A_9, %jit3A_151 : i32
    %ne3A_169 = arith.constant 0 : i32
    %ne3A_170 = arith.cmpi ne, %rem3A_168, %ne3A_169 : i32
    %and3A_171 = arith.andi %ne3A_167, %ne3A_170 : i1
    %sub3A_172 = arith.constant 1 : i32
    %sub3A_173 = arith.subi %div3A_152, %sub3A_172 : i32
    %select_n3A_174 = arith.select %and3A_171, %sub3A_173, %div3A_152 : i32
    %mul3A_175 = arith.constant 128 : i32
    %mul3A_176 = arith.muli %select_n3A_174, %mul3A_175 : i32
    %multiple_of3A_177 = tpu.assume_multiple %mul3A_176, 128 : i32
    %dma_start3A_178 = arith.constant 0 : i32
    %dma_start3A_179 = tpu.memref_slice %arg2[%dma_start3A_178, %multiple_of3A_177] : memref<64x100000xf32, #tpu.memory_space<hbm>> -> memref<64x128xf32, #tpu.memory_space<hbm>>
    %dma_start3A_180 = arith.constant 0 : i32
    %dma_start3A_181 = tpu.memref_slice %arg2[%dma_start3A_180, %multiple_of3A_177] : memref<64x100000xf32, #tpu.memory_space<hbm>> -> memref<64x128xf32, #tpu.memory_space<hbm>>
    tpu.enqueue_dma source(%dma_start3A_181 : memref<64x128xf32, #tpu.memory_space<hbm>>) target(%arg9 : memref<64x128xf32, #tpu.memory_space<vmem>>) target_semaphore(%arg18 : memref<!tpu.dma_semaphore, #tpu.memory_space<semaphore_mem>>)
    %jit3A_182 = arith.constant 128 : i32
    %div3A_183 = arith.divsi %squeeze3A_11, %jit3A_182 : i32
    %sign3A_184 = arith.constant 0 : i32
    %sign3A_185 = arith.cmpi sgt, %squeeze3A_11, %sign3A_184 : i32
    %sign3A_186 = arith.extui %sign3A_185 : i1 to i32
    %sign3A_187 = arith.constant 0 : i32
    %sign3A_188 = arith.cmpi slt, %squeeze3A_11, %sign3A_187 : i32
    %sign3A_189 = arith.extui %sign3A_188 : i1 to i32
    %sign3A_190 = arith.subi %sign3A_186, %sign3A_189 : i32
    %sign3A_191 = arith.constant 0 : i32
    %sign3A_192 = arith.cmpi sgt, %jit3A_182, %sign3A_191 : i32
    %sign3A_193 = arith.extui %sign3A_192 : i1 to i32
    %sign3A_194 = arith.constant 0 : i32
    %sign3A_195 = arith.cmpi slt, %jit3A_182, %sign3A_194 : i32
    %sign3A_196 = arith.extui %sign3A_195 : i1 to i32
    %sign3A_197 = arith.subi %sign3A_193, %sign3A_196 : i32
    %ne3A_198 = arith.cmpi ne, %sign3A_190, %sign3A_197 : i32
    %rem3A_199 = arith.remsi %squeeze3A_11, %jit3A_182 : i32
    %ne3A_200 = arith.constant 0 : i32
    %ne3A_201 = arith.cmpi ne, %rem3A_199, %ne3A_200 : i32
    %and3A_202 = arith.andi %ne3A_198, %ne3A_201 : i1
    %sub3A_203 = arith.constant 1 : i32
    %sub3A_204 = arith.subi %div3A_183, %sub3A_203 : i32
    %select_n3A_205 = arith.select %and3A_202, %sub3A_204, %div3A_183 : i32
    %mul3A_206 = arith.constant 128 : i32
    %mul3A_207 = arith.muli %select_n3A_205, %mul3A_206 : i32
    %multiple_of3A_208 = tpu.assume_multiple %mul3A_207, 128 : i32
    %dma_start3A_209 = arith.constant 0 : i32
    %dma_start3A_210 = tpu.memref_slice %arg2[%dma_start3A_209, %multiple_of3A_208] : memref<64x100000xf32, #tpu.memory_space<hbm>> -> memref<64x128xf32, #tpu.memory_space<hbm>>
    %dma_start3A_211 = arith.constant 0 : i32
    %dma_start3A_212 = tpu.memref_slice %arg2[%dma_start3A_211, %multiple_of3A_208] : memref<64x100000xf32, #tpu.memory_space<hbm>> -> memref<64x128xf32, #tpu.memory_space<hbm>>
    tpu.enqueue_dma source(%dma_start3A_212 : memref<64x128xf32, #tpu.memory_space<hbm>>) target(%arg10 : memref<64x128xf32, #tpu.memory_space<vmem>>) target_semaphore(%arg19 : memref<!tpu.dma_semaphore, #tpu.memory_space<semaphore_mem>>)
    %jit3A_213 = arith.constant 128 : i32
    %div3A_214 = arith.divsi %squeeze3A_13, %jit3A_213 : i32
    %sign3A_215 = arith.constant 0 : i32
    %sign3A_216 = arith.cmpi sgt, %squeeze3A_13, %sign3A_215 : i32
    %sign3A_217 = arith.extui %sign3A_216 : i1 to i32
    %sign3A_218 = arith.constant 0 : i32
    %sign3A_219 = arith.cmpi slt, %squeeze3A_13, %sign3A_218 : i32
    %sign3A_220 = arith.extui %sign3A_219 : i1 to i32
    %sign3A_221 = arith.subi %sign3A_217, %sign3A_220 : i32
    %sign3A_222 = arith.constant 0 : i32
    %sign3A_223 = arith.cmpi sgt, %jit3A_213, %sign3A_222 : i32
    %sign3A_224 = arith.extui %sign3A_223 : i1 to i32
    %sign3A_225 = arith.constant 0 : i32
    %sign3A_226 = arith.cmpi slt, %jit3A_213, %sign3A_225 : i32
    %sign3A_227 = arith.extui %sign3A_226 : i1 to i32
    %sign3A_228 = arith.subi %sign3A_224, %sign3A_227 : i32
    %ne3A_229 = arith.cmpi ne, %sign3A_221, %sign3A_228 : i32
    %rem3A_230 = arith.remsi %squeeze3A_13, %jit3A_213 : i32
    %ne3A_231 = arith.constant 0 : i32
    %ne3A_232 = arith.cmpi ne, %rem3A_230, %ne3A_231 : i32
    %and3A_233 = arith.andi %ne3A_229, %ne3A_232 : i1
    %sub3A_234 = arith.constant 1 : i32
    %sub3A_235 = arith.subi %div3A_214, %sub3A_234 : i32
    %select_n3A_236 = arith.select %and3A_233, %sub3A_235, %div3A_214 : i32
    %mul3A_237 = arith.constant 128 : i32
    %mul3A_238 = arith.muli %select_n3A_236, %mul3A_237 : i32
    %multiple_of3A_239 = tpu.assume_multiple %mul3A_238, 128 : i32
    %dma_start3A_240 = arith.constant 0 : i32
    %dma_start3A_241 = tpu.memref_slice %arg2[%dma_start3A_240, %multiple_of3A_239] : memref<64x100000xf32, #tpu.memory_space<hbm>> -> memref<64x128xf32, #tpu.memory_space<hbm>>
    %dma_start3A_242 = arith.constant 0 : i32
    %dma_start3A_243 = tpu.memref_slice %arg2[%dma_start3A_242, %multiple_of3A_239] : memref<64x100000xf32, #tpu.memory_space<hbm>> -> memref<64x128xf32, #tpu.memory_space<hbm>>
    tpu.enqueue_dma source(%dma_start3A_243 : memref<64x128xf32, #tpu.memory_space<hbm>>) target(%arg11 : memref<64x128xf32, #tpu.memory_space<vmem>>) target_semaphore(%arg20 : memref<!tpu.dma_semaphore, #tpu.memory_space<semaphore_mem>>)
    %jit3A_244 = arith.constant 128 : i32
    %div3A_245 = arith.divsi %squeeze3A_15, %jit3A_244 : i32
    %sign3A_246 = arith.constant 0 : i32
    %sign3A_247 = arith.cmpi sgt, %squeeze3A_15, %sign3A_246 : i32
    %sign3A_248 = arith.extui %sign3A_247 : i1 to i32
    %sign3A_249 = arith.constant 0 : i32
    %sign3A_250 = arith.cmpi slt, %squeeze3A_15, %sign3A_249 : i32
    %sign3A_251 = arith.extui %sign3A_250 : i1 to i32
    %sign3A_252 = arith.subi %sign3A_248, %sign3A_251 : i32
    %sign3A_253 = arith.constant 0 : i32
    %sign3A_254 = arith.cmpi sgt, %jit3A_244, %sign3A_253 : i32
    %sign3A_255 = arith.extui %sign3A_254 : i1 to i32
    %sign3A_256 = arith.constant 0 : i32
    %sign3A_257 = arith.cmpi slt, %jit3A_244, %sign3A_256 : i32
    %sign3A_258 = arith.extui %sign3A_257 : i1 to i32
    %sign3A_259 = arith.subi %sign3A_255, %sign3A_258 : i32
    %ne3A_260 = arith.cmpi ne, %sign3A_252, %sign3A_259 : i32
    %rem3A_261 = arith.remsi %squeeze3A_15, %jit3A_244 : i32
    %ne3A_262 = arith.constant 0 : i32
    %ne3A_263 = arith.cmpi ne, %rem3A_261, %ne3A_262 : i32
    %and3A_264 = arith.andi %ne3A_260, %ne3A_263 : i1
    %sub3A_265 = arith.constant 1 : i32
    %sub3A_266 = arith.subi %div3A_245, %sub3A_265 : i32
    %select_n3A_267 = arith.select %and3A_264, %sub3A_266, %div3A_245 : i32
    %mul3A_268 = arith.constant 128 : i32
    %mul3A_269 = arith.muli %select_n3A_267, %mul3A_268 : i32
    %multiple_of3A_270 = tpu.assume_multiple %mul3A_269, 128 : i32
    %dma_start3A_271 = arith.constant 0 : i32
    %dma_start3A_272 = tpu.memref_slice %arg2[%dma_start3A_271, %multiple_of3A_270] : memref<64x100000xf32, #tpu.memory_space<hbm>> -> memref<64x128xf32, #tpu.memory_space<hbm>>
    %dma_start3A_273 = arith.constant 0 : i32
    %dma_start3A_274 = tpu.memref_slice %arg2[%dma_start3A_273, %multiple_of3A_270] : memref<64x100000xf32, #tpu.memory_space<hbm>> -> memref<64x128xf32, #tpu.memory_space<hbm>>
    tpu.enqueue_dma source(%dma_start3A_274 : memref<64x128xf32, #tpu.memory_space<hbm>>) target(%arg12 : memref<64x128xf32, #tpu.memory_space<vmem>>) target_semaphore(%arg21 : memref<!tpu.dma_semaphore, #tpu.memory_space<semaphore_mem>>)
    %jit3A_275 = arith.constant 128 : i32
    %div3A_276 = arith.divsi %squeeze3A_17, %jit3A_275 : i32
    %sign3A_277 = arith.constant 0 : i32
    %sign3A_278 = arith.cmpi sgt, %squeeze3A_17, %sign3A_277 : i32
    %sign3A_279 = arith.extui %sign3A_278 : i1 to i32
    %sign3A_280 = arith.constant 0 : i32
    %sign3A_281 = arith.cmpi slt, %squeeze3A_17, %sign3A_280 : i32
    %sign3A_282 = arith.extui %sign3A_281 : i1 to i32
    %sign3A_283 = arith.subi %sign3A_279, %sign3A_282 : i32
    %sign3A_284 = arith.constant 0 : i32
    %sign3A_285 = arith.cmpi sgt, %jit3A_275, %sign3A_284 : i32
    %sign3A_286 = arith.extui %sign3A_285 : i1 to i32
    %sign3A_287 = arith.constant 0 : i32
    %sign3A_288 = arith.cmpi slt, %jit3A_275, %sign3A_287 : i32
    %sign3A_289 = arith.extui %sign3A_288 : i1 to i32
    %sign3A_290 = arith.subi %sign3A_286, %sign3A_289 : i32
    %ne3A_291 = arith.cmpi ne, %sign3A_283, %sign3A_290 : i32
    %rem3A_292 = arith.remsi %squeeze3A_17, %jit3A_275 : i32
    %ne3A_293 = arith.constant 0 : i32
    %ne3A_294 = arith.cmpi ne, %rem3A_292, %ne3A_293 : i32
    %and3A_295 = arith.andi %ne3A_291, %ne3A_294 : i1
    %sub3A_296 = arith.constant 1 : i32
    %sub3A_297 = arith.subi %div3A_276, %sub3A_296 : i32
    %select_n3A_298 = arith.select %and3A_295, %sub3A_297, %div3A_276 : i32
    %mul3A_299 = arith.constant 128 : i32
    %mul3A_300 = arith.muli %select_n3A_298, %mul3A_299 : i32
    %multiple_of3A_301 = tpu.assume_multiple %mul3A_300, 128 : i32
    %dma_start3A_302 = arith.constant 0 : i32
    %dma_start3A_303 = tpu.memref_slice %arg2[%dma_start3A_302, %multiple_of3A_301] : memref<64x100000xf32, #tpu.memory_space<hbm>> -> memref<64x128xf32, #tpu.memory_space<hbm>>
    %dma_start3A_304 = arith.constant 0 : i32
    %dma_start3A_305 = tpu.memref_slice %arg2[%dma_start3A_304, %multiple_of3A_301] : memref<64x100000xf32, #tpu.memory_space<hbm>> -> memref<64x128xf32, #tpu.memory_space<hbm>>
    tpu.enqueue_dma source(%dma_start3A_305 : memref<64x128xf32, #tpu.memory_space<hbm>>) target(%arg13 : memref<64x128xf32, #tpu.memory_space<vmem>>) target_semaphore(%arg22 : memref<!tpu.dma_semaphore, #tpu.memory_space<semaphore_mem>>)
    %dma_wait3A = arith.constant 0 : i32
    %dma_wait3A_306 = tpu.memref_slice %arg2[%dma_wait3A, %multiple_of3A] : memref<64x100000xf32, #tpu.memory_space<hbm>> -> memref<64x128xf32, #tpu.memory_space<hbm>>
    %dma_wait3A_307 = arith.constant 0 : i32
    %dma_wait3A_308 = tpu.memref_slice %arg2[%dma_wait3A_307, %multiple_of3A] : memref<64x100000xf32, #tpu.memory_space<hbm>> -> memref<64x128xf32, #tpu.memory_space<hbm>>
    tpu.wait_dma2 semaphore(%arg15 : memref<!tpu.dma_semaphore, #tpu.memory_space<semaphore_mem>>) src(%dma_wait3A_308 : memref<64x128xf32, #tpu.memory_space<hbm>>) dst(%arg6 : memref<64x128xf32, #tpu.memory_space<vmem>>)
    %broadcast_in_dim3A = arith.constant 0 : i32
    %broadcast_in_dim3A_309 = vector.broadcast %broadcast_in_dim3A : i32 to vector<16xi32>
    %jit3A_310 = arith.constant 128 : i32
    %eq3A = arith.constant 0 : i32
    %eq3A_311 = arith.cmpi eq, %jit3A_310, %eq3A : i32
    %jit3A_312 = arith.constant 1 : i32
    %select_n3A_313 = arith.select %eq3A_311, %jit3A_312, %jit3A_310 : i32
    %rem3A_314 = arith.remsi %squeeze3A, %select_n3A_313 : i32
    %ne3A_315 = arith.constant 0 : i32
    %ne3A_316 = arith.cmpi ne, %rem3A_314, %ne3A_315 : i32
    %lt3A = arith.constant 0 : i32
    %lt3A_317 = arith.cmpi slt, %rem3A_314, %lt3A : i32
    %lt3A_318 = arith.constant 0 : i32
    %lt3A_319 = arith.cmpi slt, %select_n3A_313, %lt3A_318 : i32
    %ne3A_320 = arith.xori %lt3A_317, %lt3A_319 : i1
    %and3A_321 = arith.andi %ne3A_320, %ne3A_316 : i1
    %add3A_322 = arith.addi %rem3A_314, %select_n3A_313 : i32
    %select_n3A_323 = arith.select %and3A_321, %add3A_322, %rem3A_314 : i32
    %add3A_324 = vector.broadcast %select_n3A_323 : i32 to vector<16xi32>
    %add3A_325 = arith.addi %broadcast_in_dim3A_309, %add3A_324 : vector<16xi32>
    %iota3A = tpu.iota {dimensions = array<i32: 0>} : vector<16xi32>
    %add3A_326 = arith.constant 0 : i32
    %add3A_327 = vector.broadcast %add3A_326 : i32 to vector<16xi32>
    %add3A_328 = arith.addi %iota3A, %add3A_327 : vector<16xi32>
    %gather3A = tpu.vector_load_idx %arg6[%add3A_328, %add3A_325] : memref<64x128xf32, #tpu.memory_space<vmem>>[vector<16xi32>, vector<16xi32>], vector<16xf32>,
    %swap3A = arith.constant 0 : i32
    %swap3A_329 = arith.index_cast %swap3A : i32 to index
    %swap3A_330 = arith.constant 0 : index
    %swap3A_331 = tpu.vector_load %arg14[%swap3A_329, %swap3A_330] {strides = array<i32>} : memref<32x64xf32, #tpu.memory_space<vmem>>, vector<16xf32>,
    tpu.vector_store %arg14[%swap3A_329, %swap3A_330], %gather3A {strides = array<i32>} : memref<32x64xf32, #tpu.memory_space<vmem>>, vector<16xf32>,
    %iota3A_332 = tpu.iota {dimensions = array<i32: 0>} : vector<16xi32>
    %add3A_333 = arith.constant 16 : i32
    %add3A_334 = vector.broadcast %add3A_333 : i32 to vector<16xi32>
    %add3A_335 = arith.addi %iota3A_332, %add3A_334 : vector<16xi32>
    %gather3A_336 = tpu.vector_load_idx %arg6[%add3A_335, %add3A_325] : memref<64x128xf32, #tpu.memory_space<vmem>>[vector<16xi32>, vector<16xi32>], vector<16xf32>,
    %swap3A_337 = arith.constant 0 : i32
    %swap3A_338 = arith.index_cast %swap3A_337 : i32 to index
    %swap3A_339 = arith.constant 16 : index
    %swap3A_340 = tpu.vector_load %arg14[%swap3A_338, %swap3A_339] {strides = array<i32>} : memref<32x64xf32, #tpu.memory_space<vmem>>, vector<16xf32>,
    tpu.vector_store %arg14[%swap3A_338, %swap3A_339], %gather3A_336 {strides = array<i32>} : memref<32x64xf32, #tpu.memory_space<vmem>>, vector<16xf32>,
    %iota3A_341 = tpu.iota {dimensions = array<i32: 0>} : vector<16xi32>
    %add3A_342 = arith.constant 32 : i32
    %add3A_343 = vector.broadcast %add3A_342 : i32 to vector<16xi32>
    %add3A_344 = arith.addi %iota3A_341, %add3A_343 : vector<16xi32>
    %gather3A_345 = tpu.vector_load_idx %arg6[%add3A_344, %add3A_325] : memref<64x128xf32, #tpu.memory_space<vmem>>[vector<16xi32>, vector<16xi32>], vector<16xf32>,
    %swap3A_346 = arith.constant 0 : i32
    %swap3A_347 = arith.index_cast %swap3A_346 : i32 to index
    %swap3A_348 = arith.constant 32 : index
    %swap3A_349 = tpu.vector_load %arg14[%swap3A_347, %swap3A_348] {strides = array<i32>} : memref<32x64xf32, #tpu.memory_space<vmem>>, vector<16xf32>,
    tpu.vector_store %arg14[%swap3A_347, %swap3A_348], %gather3A_345 {strides = array<i32>} : memref<32x64xf32, #tpu.memory_space<vmem>>, vector<16xf32>,
    %iota3A_350 = tpu.iota {dimensions = array<i32: 0>} : vector<16xi32>
    %add3A_351 = arith.constant 48 : i32
    %add3A_352 = vector.broadcast %add3A_351 : i32 to vector<16xi32>
    %add3A_353 = arith.addi %iota3A_350, %add3A_352 : vector<16xi32>
    %gather3A_354 = tpu.vector_load_idx %arg6[%add3A_353, %add3A_325] : memref<64x128xf32, #tpu.memory_space<vmem>>[vector<16xi32>, vector<16xi32>], vector<16xf32>,
    %swap3A_355 = arith.constant 0 : i32
    %swap3A_356 = arith.index_cast %swap3A_355 : i32 to index
    %swap3A_357 = arith.constant 48 : index
    %swap3A_358 = tpu.vector_load %arg14[%swap3A_356, %swap3A_357] {strides = array<i32>} : memref<32x64xf32, #tpu.memory_space<vmem>>, vector<16xf32>,
    tpu.vector_store %arg14[%swap3A_356, %swap3A_357], %gather3A_354 {strides = array<i32>} : memref<32x64xf32, #tpu.memory_space<vmem>>, vector<16xf32>,
    %jit3A_359 = arith.constant 128 : i32
    %div3A_360 = arith.divsi %squeeze3A_19, %jit3A_359 : i32
    %sign3A_361 = arith.constant 0 : i32
    %sign3A_362 = arith.cmpi sgt, %squeeze3A_19, %sign3A_361 : i32
    %sign3A_363 = arith.extui %sign3A_362 : i1 to i32
    %sign3A_364 = arith.constant 0 : i32
    %sign3A_365 = arith.cmpi slt, %squeeze3A_19, %sign3A_364 : i32
    %sign3A_366 = arith.extui %sign3A_365 : i1 to i32
    %sign3A_367 = arith.subi %sign3A_363, %sign3A_366 : i32
    %sign3A_368 = arith.constant 0 : i32
    %sign3A_369 = arith.cmpi sgt, %jit3A_359, %sign3A_368 : i32
    %sign3A_370 = arith.extui %sign3A_369 : i1 to i32
    %sign3A_371 = arith.constant 0 : i32
    %sign3A_372 = arith.cmpi slt, %jit3A_359, %sign3A_371 : i32
    %sign3A_373 = arith.extui %sign3A_372 : i1 to i32
    %sign3A_374 = arith.subi %sign3A_370, %sign3A_373 : i32
    %ne3A_375 = arith.cmpi ne, %sign3A_367, %sign3A_374 : i32
    %rem3A_376 = arith.remsi %squeeze3A_19, %jit3A_359 : i32
    %ne3A_377 = arith.constant 0 : i32
    %ne3A_378 = arith.cmpi ne, %rem3A_376, %ne3A_377 : i32
    %and3A_379 = arith.andi %ne3A_375, %ne3A_378 : i1
    %sub3A_380 = arith.constant 1 : i32
    %sub3A_381 = arith.subi %div3A_360, %sub3A_380 : i32
    %select_n3A_382 = arith.select %and3A_379, %sub3A_381, %div3A_360 : i32
    %mul3A_383 = arith.constant 128 : i32
    %mul3A_384 = arith.muli %select_n3A_382, %mul3A_383 : i32
    %multiple_of3A_385 = tpu.assume_multiple %mul3A_384, 128 : i32
    %dma_start3A_386 = arith.constant 0 : i32
    %dma_start3A_387 = tpu.memref_slice %arg2[%dma_start3A_386, %multiple_of3A_385] : memref<64x100000xf32, #tpu.memory_space<hbm>> -> memref<64x128xf32, #tpu.memory_space<hbm>>
    %dma_start3A_388 = arith.constant 0 : i32
    %dma_start3A_389 = tpu.memref_slice %arg2[%dma_start3A_388, %multiple_of3A_385] : memref<64x100000xf32, #tpu.memory_space<hbm>> -> memref<64x128xf32, #tpu.memory_space<hbm>>
    tpu.enqueue_dma source(%dma_start3A_389 : memref<64x128xf32, #tpu.memory_space<hbm>>) target(%arg6 : memref<64x128xf32, #tpu.memory_space<vmem>>) target_semaphore(%arg15 : memref<!tpu.dma_semaphore, #tpu.memory_space<semaphore_mem>>)
    %dma_wait3A_390 = arith.constant 0 : i32
    %dma_wait3A_391 = tpu.memref_slice %arg2[%dma_wait3A_390, %multiple_of3A_115] : memref<64x100000xf32, #tpu.memory_space<hbm>> -> memref<64x128xf32, #tpu.memory_space<hbm>>
    %dma_wait3A_392 = arith.constant 0 : i32
    %dma_wait3A_393 = tpu.memref_slice %arg2[%dma_wait3A_392, %multiple_of3A_115] : memref<64x100000xf32, #tpu.memory_space<hbm>> -> memref<64x128xf32, #tpu.memory_space<hbm>>
    tpu.wait_dma2 semaphore(%arg16 : memref<!tpu.dma_semaphore, #tpu.memory_space<semaphore_mem>>) src(%dma_wait3A_393 : memref<64x128xf32, #tpu.memory_space<hbm>>) dst(%arg7 : memref<64x128xf32, #tpu.memory_space<vmem>>)
    %broadcast_in_dim3A_394 = arith.constant 0 : i32
    %broadcast_in_dim3A_395 = vector.broadcast %broadcast_in_dim3A_394 : i32 to vector<16xi32>
    %jit3A_396 = arith.constant 128 : i32
    %eq3A_397 = arith.constant 0 : i32
    %eq3A_398 = arith.cmpi eq, %jit3A_396, %eq3A_397 : i32
    %jit3A_399 = arith.constant 1 : i32
    %select_n3A_400 = arith.select %eq3A_398, %jit3A_399, %jit3A_396 : i32
    %rem3A_401 = arith.remsi %squeeze3A_5, %select_n3A_400 : i32
    %ne3A_402 = arith.constant 0 : i32
    %ne3A_403 = arith.cmpi ne, %rem3A_401, %ne3A_402 : i32
    %lt3A_404 = arith.constant 0 : i32
    %lt3A_405 = arith.cmpi slt, %rem3A_401, %lt3A_404 : i32
    %lt3A_406 = arith.constant 0 : i32
    %lt3A_407 = arith.cmpi slt, %select_n3A_400, %lt3A_406 : i32
    %ne3A_408 = arith.xori %lt3A_405, %lt3A_407 : i1
    %and3A_409 = arith.andi %ne3A_408, %ne3A_403 : i1
    %add3A_410 = arith.addi %rem3A_401, %select_n3A_400 : i32
    %select_n3A_411 = arith.select %and3A_409, %add3A_410, %rem3A_401 : i32
    %add3A_412 = vector.broadcast %select_n3A_411 : i32 to vector<16xi32>
    %add3A_413 = arith.addi %broadcast_in_dim3A_395, %add3A_412 : vector<16xi32>
    %iota3A_414 = tpu.iota {dimensions = array<i32: 0>} : vector<16xi32>
    %add3A_415 = arith.constant 0 : i32
    %add3A_416 = vector.broadcast %add3A_415 : i32 to vector<16xi32>
    %add3A_417 = arith.addi %iota3A_414, %add3A_416 : vector<16xi32>
    %gather3A_418 = tpu.vector_load_idx %arg7[%add3A_417, %add3A_413] : memref<64x128xf32, #tpu.memory_space<vmem>>[vector<16xi32>, vector<16xi32>], vector<16xf32>,
    %swap3A_419 = arith.constant 1 : i32
    %swap3A_420 = arith.index_cast %swap3A_419 : i32 to index
    %swap3A_421 = arith.constant 0 : index
    %swap3A_422 = tpu.vector_load %arg14[%swap3A_420, %swap3A_421] {strides = array<i32>} : memref<32x64xf32, #tpu.memory_space<vmem>>, vector<16xf32>,
    tpu.vector_store %arg14[%swap3A_420, %swap3A_421], %gather3A_418 {strides = array<i32>} : memref<32x64xf32, #tpu.memory_space<vmem>>, vector<16xf32>,
    %iota3A_423 = tpu.iota {dimensions = array<i32: 0>} : vector<16xi32>
    %add3A_424 = arith.constant 16 : i32
    %add3A_425 = vector.broadcast %add3A_424 : i32 to vector<16xi32>
    %add3A_426 = arith.addi %iota3A_423, %add3A_425 : vector<16xi32>
    %gather3A_427 = tpu.vector_load_idx %arg7[%add3A_426, %add3A_413] : memref<64x128xf32, #tpu.memory_space<vmem>>[vector<16xi32>, vector<16xi32>], vector<16xf32>,
    %swap3A_428 = arith.constant 1 : i32
    %swap3A_429 = arith.index_cast %swap3A_428 : i32 to index
    %swap3A_430 = arith.constant 16 : index
    %swap3A_431 = tpu.vector_load %arg14[%swap3A_429, %swap3A_430] {strides = array<i32>} : memref<32x64xf32, #tpu.memory_space<vmem>>, vector<16xf32>,
    tpu.vector_store %arg14[%swap3A_429, %swap3A_430], %gather3A_427 {strides = array<i32>} : memref<32x64xf32, #tpu.memory_space<vmem>>, vector<16xf32>,
    %iota3A_432 = tpu.iota {dimensions = array<i32: 0>} : vector<16xi32>
    %add3A_433 = arith.constant 32 : i32
    %add3A_434 = vector.broadcast %add3A_433 : i32 to vector<16xi32>
    %add3A_435 = arith.addi %iota3A_432, %add3A_434 : vector<16xi32>
    %gather3A_436 = tpu.vector_load_idx %arg7[%add3A_435, %add3A_413] : memref<64x128xf32, #tpu.memory_space<vmem>>[vector<16xi32>, vector<16xi32>], vector<16xf32>,
    %swap3A_437 = arith.constant 1 : i32
    %swap3A_438 = arith.index_cast %swap3A_437 : i32 to index
    %swap3A_439 = arith.constant 32 : index
    %swap3A_440 = tpu.vector_load %arg14[%swap3A_438, %swap3A_439] {strides = array<i32>} : memref<32x64xf32, #tpu.memory_space<vmem>>, vector<16xf32>,
    tpu.vector_store %arg14[%swap3A_438, %swap3A_439], %gather3A_436 {strides = array<i32>} : memref<32x64xf32, #tpu.memory_space<vmem>>, vector<16xf32>,
    %iota3A_441 = tpu.iota {dimensions = array<i32: 0>} : vector<16xi32>
    %add3A_442 = arith.constant 48 : i32
    %add3A_443 = vector.broadcast %add3A_442 : i32 to vector<16xi32>
    %add3A_444 = arith.addi %iota3A_441, %add3A_443 : vector<16xi32>
    %gather3A_445 = tpu.vector_load_idx %arg7[%add3A_444, %add3A_413] : memref<64x128xf32, #tpu.memory_space<vmem>>[vector<16xi32>, vector<16xi32>], vector<16xf32>,
    %swap3A_446 = arith.constant 1 : i32
    %swap3A_447 = arith.index_cast %swap3A_446 : i32 to index
    %swap3A_448 = arith.constant 48 : index
    %swap3A_449 = tpu.vector_load %arg14[%swap3A_447, %swap3A_448] {strides = array<i32>} : memref<32x64xf32, #tpu.memory_space<vmem>>, vector<16xf32>,
    tpu.vector_store %arg14[%swap3A_447, %swap3A_448], %gather3A_445 {strides = array<i32>} : memref<32x64xf32, #tpu.memory_space<vmem>>, vector<16xf32>,
    %jit3A_450 = arith.constant 128 : i32
    %div3A_451 = arith.divsi %squeeze3A_21, %jit3A_450 : i32
    %sign3A_452 = arith.constant 0 : i32
    %sign3A_453 = arith.cmpi sgt, %squeeze3A_21, %sign3A_452 : i32
    %sign3A_454 = arith.extui %sign3A_453 : i1 to i32
    %sign3A_455 = arith.constant 0 : i32
    %sign3A_456 = arith.cmpi slt, %squeeze3A_21, %sign3A_455 : i32
    %sign3A_457 = arith.extui %sign3A_456 : i1 to i32
    %sign3A_458 = arith.subi %sign3A_454, %sign3A_457 : i32
    %sign3A_459 = arith.constant 0 : i32
    %sign3A_460 = arith.cmpi sgt, %jit3A_450, %sign3A_459 : i32
    %sign3A_461 = arith.extui %sign3A_460 : i1 to i32
    %sign3A_462 = arith.constant 0 : i32
    %sign3A_463 = arith.cmpi slt, %jit3A_450, %sign3A_462 : i32
    %sign3A_464 = arith.extui %sign3A_463 : i1 to i32
    %sign3A_465 = arith.subi %sign3A_461, %sign3A_464 : i32
    %ne3A_466 = arith.cmpi ne, %sign3A_458, %sign3A_465 : i32
    %rem3A_467 = arith.remsi %squeeze3A_21, %jit3A_450 : i32
    %ne3A_468 = arith.constant 0 : i32
    %ne3A_469 = arith.cmpi ne, %rem3A_467, %ne3A_468 : i32
    %and3A_470 = arith.andi %ne3A_466, %ne3A_469 : i1
    %sub3A_471 = arith.constant 1 : i32
    %sub3A_472 = arith.subi %div3A_451, %sub3A_471 : i32
    %select_n3A_473 = arith.select %and3A_470, %sub3A_472, %div3A_451 : i32
    %mul3A_474 = arith.constant 128 : i32
    %mul3A_475 = arith.muli %select_n3A_473, %mul3A_474 : i32
    %multiple_of3A_476 = tpu.assume_multiple %mul3A_475, 128 : i32
    %dma_start3A_477 = arith.constant 0 : i32
    %dma_start3A_478 = tpu.memref_slice %arg2[%dma_start3A_477, %multiple_of3A_476] : memref<64x100000xf32, #tpu.memory_space<hbm>> -> memref<64x128xf32, #tpu.memory_space<hbm>>
    %dma_start3A_479 = arith.constant 0 : i32
    %dma_start3A_480 = tpu.memref_slice %arg2[%dma_start3A_479, %multiple_of3A_476] : memref<64x100000xf32, #tpu.memory_space<hbm>> -> memref<64x128xf32, #tpu.memory_space<hbm>>
    tpu.enqueue_dma source(%dma_start3A_480 : memref<64x128xf32, #tpu.memory_space<hbm>>) target(%arg7 : memref<64x128xf32, #tpu.memory_space<vmem>>) target_semaphore(%arg16 : memref<!tpu.dma_semaphore, #tpu.memory_space<semaphore_mem>>)
    %dma_wait3A_481 = arith.constant 0 : i32
    %dma_wait3A_482 = tpu.memref_slice %arg2[%dma_wait3A_481, %multiple_of3A_146] : memref<64x100000xf32, #tpu.memory_space<hbm>> -> memref<64x128xf32, #tpu.memory_space<hbm>>
    %dma_wait3A_483 = arith.constant 0 : i32
    %dma_wait3A_484 = tpu.memref_slice %arg2[%dma_wait3A_483, %multiple_of3A_146] : memref<64x100000xf32, #tpu.memory_space<hbm>> -> memref<64x128xf32, #tpu.memory_space<hbm>>
    tpu.wait_dma2 semaphore(%arg17 : memref<!tpu.dma_semaphore, #tpu.memory_space<semaphore_mem>>) src(%dma_wait3A_484 : memref<64x128xf32, #tpu.memory_space<hbm>>) dst(%arg8 : memref<64x128xf32, #tpu.memory_space<vmem>>)
    %broadcast_in_dim3A_485 = arith.constant 0 : i32
    %broadcast_in_dim3A_486 = vector.broadcast %broadcast_in_dim3A_485 : i32 to vector<16xi32>
    %jit3A_487 = arith.constant 128 : i32
    %eq3A_488 = arith.constant 0 : i32
    %eq3A_489 = arith.cmpi eq, %jit3A_487, %eq3A_488 : i32
    %jit3A_490 = arith.constant 1 : i32
    %select_n3A_491 = arith.select %eq3A_489, %jit3A_490, %jit3A_487 : i32
    %rem3A_492 = arith.remsi %squeeze3A_7, %select_n3A_491 : i32
    %ne3A_493 = arith.constant 0 : i32
    %ne3A_494 = arith.cmpi ne, %rem3A_492, %ne3A_493 : i32
    %lt3A_495 = arith.constant 0 : i32
    %lt3A_496 = arith.cmpi slt, %rem3A_492, %lt3A_495 : i32
    %lt3A_497 = arith.constant 0 : i32
    %lt3A_498 = arith.cmpi slt, %select_n3A_491, %lt3A_497 : i32
    %ne3A_499 = arith.xori %lt3A_496, %lt3A_498 : i1
    %and3A_500 = arith.andi %ne3A_499, %ne3A_494 : i1
    %add3A_501 = arith.addi %rem3A_492, %select_n3A_491 : i32
    %select_n3A_502 = arith.select %and3A_500, %add3A_501, %rem3A_492 : i32
    %add3A_503 = vector.broadcast %select_n3A_502 : i32 to vector<16xi32>
    %add3A_504 = arith.addi %broadcast_in_dim3A_486, %add3A_503 : vector<16xi32>
    %iota3A_505 = tpu.iota {dimensions = array<i32: 0>} : vector<16xi32>
    %add3A_506 = arith.constant 0 : i32
    %add3A_507 = vector.broadcast %add3A_506 : i32 to vector<16xi32>
    %add3A_508 = arith.addi %iota3A_505, %add3A_507 : vector<16xi32>
    %gather3A_509 = tpu.vector_load_idx %arg8[%add3A_508, %add3A_504] : memref<64x128xf32, #tpu.memory_space<vmem>>[vector<16xi32>, vector<16xi32>], vector<16xf32>,
    %swap3A_510 = arith.constant 2 : i32
    %swap3A_511 = arith.index_cast %swap3A_510 : i32 to index
    %swap3A_512 = arith.constant 0 : index
    %swap3A_513 = tpu.vector_load %arg14[%swap3A_511, %swap3A_512] {strides = array<i32>} : memref<32x64xf32, #tpu.memory_space<vmem>>, vector<16xf32>,
    tpu.vector_store %arg14[%swap3A_511, %swap3A_512], %gather3A_509 {strides = array<i32>} : memref<32x64xf32, #tpu.memory_space<vmem>>, vector<16xf32>,
    %iota3A_514 = tpu.iota {dimensions = array<i32: 0>} : vector<16xi32>
    %add3A_515 = arith.constant 16 : i32
    %add3A_516 = vector.broadcast %add3A_515 : i32 to vector<16xi32>
    %add3A_517 = arith.addi %iota3A_514, %add3A_516 : vector<16xi32>
    %gather3A_518 = tpu.vector_load_idx %arg8[%add3A_517, %add3A_504] : memref<64x128xf32, #tpu.memory_space<vmem>>[vector<16xi32>, vector<16xi32>], vector<16xf32>,
    %swap3A_519 = arith.constant 2 : i32
    %swap3A_520 = arith.index_cast %swap3A_519 : i32 to index
    %swap3A_521 = arith.constant 16 : index
    %swap3A_522 = tpu.vector_load %arg14[%swap3A_520, %swap3A_521] {strides = array<i32>} : memref<32x64xf32, #tpu.memory_space<vmem>>, vector<16xf32>,
    tpu.vector_store %arg14[%swap3A_520, %swap3A_521], %gather3A_518 {strides = array<i32>} : memref<32x64xf32, #tpu.memory_space<vmem>>, vector<16xf32>,
    %iota3A_523 = tpu.iota {dimensions = array<i32: 0>} : vector<16xi32>
    %add3A_524 = arith.constant 32 : i32
    %add3A_525 = vector.broadcast %add3A_524 : i32 to vector<16xi32>
    %add3A_526 = arith.addi %iota3A_523, %add3A_525 : vector<16xi32>
    %gather3A_527 = tpu.vector_load_idx %arg8[%add3A_526, %add3A_504] : memref<64x128xf32, #tpu.memory_space<vmem>>[vector<16xi32>, vector<16xi32>], vector<16xf32>,
    %swap3A_528 = arith.constant 2 : i32
    %swap3A_529 = arith.index_cast %swap3A_528 : i32 to index
    %swap3A_530 = arith.constant 32 : index
    %swap3A_531 = tpu.vector_load %arg14[%swap3A_529, %swap3A_530] {strides = array<i32>} : memref<32x64xf32, #tpu.memory_space<vmem>>, vector<16xf32>,
    tpu.vector_store %arg14[%swap3A_529, %swap3A_530], %gather3A_527 {strides = array<i32>} : memref<32x64xf32, #tpu.memory_space<vmem>>, vector<16xf32>,
    %iota3A_532 = tpu.iota {dimensions = array<i32: 0>} : vector<16xi32>
    %add3A_533 = arith.constant 48 : i32
    %add3A_534 = vector.broadcast %add3A_533 : i32 to vector<16xi32>
    %add3A_535 = arith.addi %iota3A_532, %add3A_534 : vector<16xi32>
    %gather3A_536 = tpu.vector_load_idx %arg8[%add3A_535, %add3A_504] : memref<64x128xf32, #tpu.memory_space<vmem>>[vector<16xi32>, vector<16xi32>], vector<16xf32>,
    %swap3A_537 = arith.constant 2 : i32
    %swap3A_538 = arith.index_cast %swap3A_537 : i32 to index
    %swap3A_539 = arith.constant 48 : index
    %swap3A_540 = tpu.vector_load %arg14[%swap3A_538, %swap3A_539] {strides = array<i32>} : memref<32x64xf32, #tpu.memory_space<vmem>>, vector<16xf32>,
    tpu.vector_store %arg14[%swap3A_538, %swap3A_539], %gather3A_536 {strides = array<i32>} : memref<32x64xf32, #tpu.memory_space<vmem>>, vector<16xf32>,
    %jit3A_541 = arith.constant 128 : i32
    %div3A_542 = arith.divsi %squeeze3A_23, %jit3A_541 : i32
    %sign3A_543 = arith.constant 0 : i32
    %sign3A_544 = arith.cmpi sgt, %squeeze3A_23, %sign3A_543 : i32
    %sign3A_545 = arith.extui %sign3A_544 : i1 to i32
    %sign3A_546 = arith.constant 0 : i32
    %sign3A_547 = arith.cmpi slt, %squeeze3A_23, %sign3A_546 : i32
    %sign3A_548 = arith.extui %sign3A_547 : i1 to i32
    %sign3A_549 = arith.subi %sign3A_545, %sign3A_548 : i32
    %sign3A_550 = arith.constant 0 : i32
    %sign3A_551 = arith.cmpi sgt, %jit3A_541, %sign3A_550 : i32
    %sign3A_552 = arith.extui %sign3A_551 : i1 to i32
    %sign3A_553 = arith.constant 0 : i32
    %sign3A_554 = arith.cmpi slt, %jit3A_541, %sign3A_553 : i32
    %sign3A_555 = arith.extui %sign3A_554 : i1 to i32
    %sign3A_556 = arith.subi %sign3A_552, %sign3A_555 : i32
    %ne3A_557 = arith.cmpi ne, %sign3A_549, %sign3A_556 : i32
    %rem3A_558 = arith.remsi %squeeze3A_23, %jit3A_541 : i32
    %ne3A_559 = arith.constant 0 : i32
    %ne3A_560 = arith.cmpi ne, %rem3A_558, %ne3A_559 : i32
    %and3A_561 = arith.andi %ne3A_557, %ne3A_560 : i1
    %sub3A_562 = arith.constant 1 : i32
    %sub3A_563 = arith.subi %div3A_542, %sub3A_562 : i32
    %select_n3A_564 = arith.select %and3A_561, %sub3A_563, %div3A_542 : i32
    %mul3A_565 = arith.constant 128 : i32
    %mul3A_566 = arith.muli %select_n3A_564, %mul3A_565 : i32
    %multiple_of3A_567 = tpu.assume_multiple %mul3A_566, 128 : i32
    %dma_start3A_568 = arith.constant 0 : i32
    %dma_start3A_569 = tpu.memref_slice %arg2[%dma_start3A_568, %multiple_of3A_567] : memref<64x100000xf32, #tpu.memory_space<hbm>> -> memref<64x128xf32, #tpu.memory_space<hbm>>
    %dma_start3A_570 = arith.constant 0 : i32
    %dma_start3A_571 = tpu.memref_slice %arg2[%dma_start3A_570, %multiple_of3A_567] : memref<64x100000xf32, #tpu.memory_space<hbm>> -> memref<64x128xf32, #tpu.memory_space<hbm>>
    tpu.enqueue_dma source(%dma_start3A_571 : memref<64x128xf32, #tpu.memory_space<hbm>>) target(%arg8 : memref<64x128xf32, #tpu.memory_space<vmem>>) target_semaphore(%arg17 : memref<!tpu.dma_semaphore, #tpu.memory_space<semaphore_mem>>)
    %dma_wait3A_572 = arith.constant 0 : i32
    %dma_wait3A_573 = tpu.memref_slice %arg2[%dma_wait3A_572, %multiple_of3A_177] : memref<64x100000xf32, #tpu.memory_space<hbm>> -> memref<64x128xf32, #tpu.memory_space<hbm>>
    %dma_wait3A_574 = arith.constant 0 : i32
    %dma_wait3A_575 = tpu.memref_slice %arg2[%dma_wait3A_574, %multiple_of3A_177] : memref<64x100000xf32, #tpu.memory_space<hbm>> -> memref<64x128xf32, #tpu.memory_space<hbm>>
    tpu.wait_dma2 semaphore(%arg18 : memref<!tpu.dma_semaphore, #tpu.memory_space<semaphore_mem>>) src(%dma_wait3A_575 : memref<64x128xf32, #tpu.memory_space<hbm>>) dst(%arg9 : memref<64x128xf32, #tpu.memory_space<vmem>>)
    %broadcast_in_dim3A_576 = arith.constant 0 : i32
    %broadcast_in_dim3A_577 = vector.broadcast %broadcast_in_dim3A_576 : i32 to vector<16xi32>
    %jit3A_578 = arith.constant 128 : i32
    %eq3A_579 = arith.constant 0 : i32
    %eq3A_580 = arith.cmpi eq, %jit3A_578, %eq3A_579 : i32
    %jit3A_581 = arith.constant 1 : i32
    %select_n3A_582 = arith.select %eq3A_580, %jit3A_581, %jit3A_578 : i32
    %rem3A_583 = arith.remsi %squeeze3A_9, %select_n3A_582 : i32
    %ne3A_584 = arith.constant 0 : i32
    %ne3A_585 = arith.cmpi ne, %rem3A_583, %ne3A_584 : i32
    %lt3A_586 = arith.constant 0 : i32
    %lt3A_587 = arith.cmpi slt, %rem3A_583, %lt3A_586 : i32
    %lt3A_588 = arith.constant 0 : i32
    %lt3A_589 = arith.cmpi slt, %select_n3A_582, %lt3A_588 : i32
    %ne3A_590 = arith.xori %lt3A_587, %lt3A_589 : i1
    %and3A_591 = arith.andi %ne3A_590, %ne3A_585 : i1
    %add3A_592 = arith.addi %rem3A_583, %select_n3A_582 : i32
    %select_n3A_593 = arith.select %and3A_591, %add3A_592, %rem3A_583 : i32
    %add3A_594 = vector.broadcast %select_n3A_593 : i32 to vector<16xi32>
    %add3A_595 = arith.addi %broadcast_in_dim3A_577, %add3A_594 : vector<16xi32>
    %iota3A_596 = tpu.iota {dimensions = array<i32: 0>} : vector<16xi32>
    %add3A_597 = arith.constant 0 : i32
    %add3A_598 = vector.broadcast %add3A_597 : i32 to vector<16xi32>
    %add3A_599 = arith.addi %iota3A_596, %add3A_598 : vector<16xi32>
    %gather3A_600 = tpu.vector_load_idx %arg9[%add3A_599, %add3A_595] : memref<64x128xf32, #tpu.memory_space<vmem>>[vector<16xi32>, vector<16xi32>], vector<16xf32>,
    %swap3A_601 = arith.constant 3 : i32
    %swap3A_602 = arith.index_cast %swap3A_601 : i32 to index
    %swap3A_603 = arith.constant 0 : index
    %swap3A_604 = tpu.vector_load %arg14[%swap3A_602, %swap3A_603] {strides = array<i32>} : memref<32x64xf32, #tpu.memory_space<vmem>>, vector<16xf32>,
    tpu.vector_store %arg14[%swap3A_602, %swap3A_603], %gather3A_600 {strides = array<i32>} : memref<32x64xf32, #tpu.memory_space<vmem>>, vector<16xf32>,
    %iota3A_605 = tpu.iota {dimensions = array<i32: 0>} : vector<16xi32>
    %add3A_606 = arith.constant 16 : i32
    %add3A_607 = vector.broadcast %add3A_606 : i32 to vector<16xi32>
    %add3A_608 = arith.addi %iota3A_605, %add3A_607 : vector<16xi32>
    %gather3A_609 = tpu.vector_load_idx %arg9[%add3A_608, %add3A_595] : memref<64x128xf32, #tpu.memory_space<vmem>>[vector<16xi32>, vector<16xi32>], vector<16xf32>,
    %swap3A_610 = arith.constant 3 : i32
    %swap3A_611 = arith.index_cast %swap3A_610 : i32 to index
    %swap3A_612 = arith.constant 16 : index
    %swap3A_613 = tpu.vector_load %arg14[%swap3A_611, %swap3A_612] {strides = array<i32>} : memref<32x64xf32, #tpu.memory_space<vmem>>, vector<16xf32>,
    tpu.vector_store %arg14[%swap3A_611, %swap3A_612], %gather3A_609 {strides = array<i32>} : memref<32x64xf32, #tpu.memory_space<vmem>>, vector<16xf32>,
    %iota3A_614 = tpu.iota {dimensions = array<i32: 0>} : vector<16xi32>
    %add3A_615 = arith.constant 32 : i32
    %add3A_616 = vector.broadcast %add3A_615 : i32 to vector<16xi32>
    %add3A_617 = arith.addi %iota3A_614, %add3A_616 : vector<16xi32>
    %gather3A_618 = tpu.vector_load_idx %arg9[%add3A_617, %add3A_595] : memref<64x128xf32, #tpu.memory_space<vmem>>[vector<16xi32>, vector<16xi32>], vector<16xf32>,
    %swap3A_619 = arith.constant 3 : i32
    %swap3A_620 = arith.index_cast %swap3A_619 : i32 to index
    %swap3A_621 = arith.constant 32 : index
    %swap3A_622 = tpu.vector_load %arg14[%swap3A_620, %swap3A_621] {strides = array<i32>} : memref<32x64xf32, #tpu.memory_space<vmem>>, vector<16xf32>,
    tpu.vector_store %arg14[%swap3A_620, %swap3A_621], %gather3A_618 {strides = array<i32>} : memref<32x64xf32, #tpu.memory_space<vmem>>, vector<16xf32>,
    %iota3A_623 = tpu.iota {dimensions = array<i32: 0>} : vector<16xi32>
    %add3A_624 = arith.constant 48 : i32
    %add3A_625 = vector.broadcast %add3A_624 : i32 to vector<16xi32>
    %add3A_626 = arith.addi %iota3A_623, %add3A_625 : vector<16xi32>
    %gather3A_627 = tpu.vector_load_idx %arg9[%add3A_626, %add3A_595] : memref<64x128xf32, #tpu.memory_space<vmem>>[vector<16xi32>, vector<16xi32>], vector<16xf32>,
    %swap3A_628 = arith.constant 3 : i32
    %swap3A_629 = arith.index_cast %swap3A_628 : i32 to index
    %swap3A_630 = arith.constant 48 : index
    %swap3A_631 = tpu.vector_load %arg14[%swap3A_629, %swap3A_630] {strides = array<i32>} : memref<32x64xf32, #tpu.memory_space<vmem>>, vector<16xf32>,
    tpu.vector_store %arg14[%swap3A_629, %swap3A_630], %gather3A_627 {strides = array<i32>} : memref<32x64xf32, #tpu.memory_space<vmem>>, vector<16xf32>,
    %jit3A_632 = arith.constant 128 : i32
    %div3A_633 = arith.divsi %squeeze3A_25, %jit3A_632 : i32
    %sign3A_634 = arith.constant 0 : i32
    %sign3A_635 = arith.cmpi sgt, %squeeze3A_25, %sign3A_634 : i32
    %sign3A_636 = arith.extui %sign3A_635 : i1 to i32
    %sign3A_637 = arith.constant 0 : i32
    %sign3A_638 = arith.cmpi slt, %squeeze3A_25, %sign3A_637 : i32
    %sign3A_639 = arith.extui %sign3A_638 : i1 to i32
    %sign3A_640 = arith.subi %sign3A_636, %sign3A_639 : i32
    %sign3A_641 = arith.constant 0 : i32
    %sign3A_642 = arith.cmpi sgt, %jit3A_632, %sign3A_641 : i32
    %sign3A_643 = arith.extui %sign3A_642 : i1 to i32
    %sign3A_644 = arith.constant 0 : i32
    %sign3A_645 = arith.cmpi slt, %jit3A_632, %sign3A_644 : i32
    %sign3A_646 = arith.extui %sign3A_645 : i1 to i32
    %sign3A_647 = arith.subi %sign3A_643, %sign3A_646 : i32
    %ne3A_648 = arith.cmpi ne, %sign3A_640, %sign3A_647 : i32
    %rem3A_649 = arith.remsi %squeeze3A_25, %jit3A_632 : i32
    %ne3A_650 = arith.constant 0 : i32
    %ne3A_651 = arith.cmpi ne, %rem3A_649, %ne3A_650 : i32
    %and3A_652 = arith.andi %ne3A_648, %ne3A_651 : i1
    %sub3A_653 = arith.constant 1 : i32
    %sub3A_654 = arith.subi %div3A_633, %sub3A_653 : i32
    %select_n3A_655 = arith.select %and3A_652, %sub3A_654, %div3A_633 : i32
    %mul3A_656 = arith.constant 128 : i32
    %mul3A_657 = arith.muli %select_n3A_655, %mul3A_656 : i32
    %multiple_of3A_658 = tpu.assume_multiple %mul3A_657, 128 : i32
    %dma_start3A_659 = arith.constant 0 : i32
    %dma_start3A_660 = tpu.memref_slice %arg2[%dma_start3A_659, %multiple_of3A_658] : memref<64x100000xf32, #tpu.memory_space<hbm>> -> memref<64x128xf32, #tpu.memory_space<hbm>>
    %dma_start3A_661 = arith.constant 0 : i32
    %dma_start3A_662 = tpu.memref_slice %arg2[%dma_start3A_661, %multiple_of3A_658] : memref<64x100000xf32, #tpu.memory_space<hbm>> -> memref<64x128xf32, #tpu.memory_space<hbm>>
    tpu.enqueue_dma source(%dma_start3A_662 : memref<64x128xf32, #tpu.memory_space<hbm>>) target(%arg9 : memref<64x128xf32, #tpu.memory_space<vmem>>) target_semaphore(%arg18 : memref<!tpu.dma_semaphore, #tpu.memory_space<semaphore_mem>>)
    %dma_wait3A_663 = arith.constant 0 : i32
    %dma_wait3A_664 = tpu.memref_slice %arg2[%dma_wait3A_663, %multiple_of3A_208] : memref<64x100000xf32, #tpu.memory_space<hbm>> -> memref<64x128xf32, #tpu.memory_space<hbm>>
    %dma_wait3A_665 = arith.constant 0 : i32
    %dma_wait3A_666 = tpu.memref_slice %arg2[%dma_wait3A_665, %multiple_of3A_208] : memref<64x100000xf32, #tpu.memory_space<hbm>> -> memref<64x128xf32, #tpu.memory_space<hbm>>
    tpu.wait_dma2 semaphore(%arg19 : memref<!tpu.dma_semaphore, #tpu.memory_space<semaphore_mem>>) src(%dma_wait3A_666 : memref<64x128xf32, #tpu.memory_space<hbm>>) dst(%arg10 : memref<64x128xf32, #tpu.memory_space<vmem>>)
    %broadcast_in_dim3A_667 = arith.constant 0 : i32
    %broadcast_in_dim3A_668 = vector.broadcast %broadcast_in_dim3A_667 : i32 to vector<16xi32>
    %jit3A_669 = arith.constant 128 : i32
    %eq3A_670 = arith.constant 0 : i32
    %eq3A_671 = arith.cmpi eq, %jit3A_669, %eq3A_670 : i32
    %jit3A_672 = arith.constant 1 : i32
    %select_n3A_673 = arith.select %eq3A_671, %jit3A_672, %jit3A_669 : i32
    %rem3A_674 = arith.remsi %squeeze3A_11, %select_n3A_673 : i32
    %ne3A_675 = arith.constant 0 : i32
    %ne3A_676 = arith.cmpi ne, %rem3A_674, %ne3A_675 : i32
    %lt3A_677 = arith.constant 0 : i32
    %lt3A_678 = arith.cmpi slt, %rem3A_674, %lt3A_677 : i32
    %lt3A_679 = arith.constant 0 : i32
    %lt3A_680 = arith.cmpi slt, %select_n3A_673, %lt3A_679 : i32
    %ne3A_681 = arith.xori %lt3A_678, %lt3A_680 : i1
    %and3A_682 = arith.andi %ne3A_681, %ne3A_676 : i1
    %add3A_683 = arith.addi %rem3A_674, %select_n3A_673 : i32
    %select_n3A_684 = arith.select %and3A_682, %add3A_683, %rem3A_674 : i32
    %add3A_685 = vector.broadcast %select_n3A_684 : i32 to vector<16xi32>
    %add3A_686 = arith.addi %broadcast_in_dim3A_668, %add3A_685 : vector<16xi32>
    %iota3A_687 = tpu.iota {dimensions = array<i32: 0>} : vector<16xi32>
    %add3A_688 = arith.constant 0 : i32
    %add3A_689 = vector.broadcast %add3A_688 : i32 to vector<16xi32>
    %add3A_690 = arith.addi %iota3A_687, %add3A_689 : vector<16xi32>
    %gather3A_691 = tpu.vector_load_idx %arg10[%add3A_690, %add3A_686] : memref<64x128xf32, #tpu.memory_space<vmem>>[vector<16xi32>, vector<16xi32>], vector<16xf32>,
    %swap3A_692 = arith.constant 4 : i32
    %swap3A_693 = arith.index_cast %swap3A_692 : i32 to index
    %swap3A_694 = arith.constant 0 : index
    %swap3A_695 = tpu.vector_load %arg14[%swap3A_693, %swap3A_694] {strides = array<i32>} : memref<32x64xf32, #tpu.memory_space<vmem>>, vector<16xf32>,
    tpu.vector_store %arg14[%swap3A_693, %swap3A_694], %gather3A_691 {strides = array<i32>} : memref<32x64xf32, #tpu.memory_space<vmem>>, vector<16xf32>,
    %iota3A_696 = tpu.iota {dimensions = array<i32: 0>} : vector<16xi32>
    %add3A_697 = arith.constant 16 : i32
    %add3A_698 = vector.broadcast %add3A_697 : i32 to vector<16xi32>
    %add3A_699 = arith.addi %iota3A_696, %add3A_698 : vector<16xi32>
    %gather3A_700 = tpu.vector_load_idx %arg10[%add3A_699, %add3A_686] : memref<64x128xf32, #tpu.memory_space<vmem>>[vector<16xi32>, vector<16xi32>], vector<16xf32>,
    %swap3A_701 = arith.constant 4 : i32
    %swap3A_702 = arith.index_cast %swap3A_701 : i32 to index
    %swap3A_703 = arith.constant 16 : index
    %swap3A_704 = tpu.vector_load %arg14[%swap3A_702, %swap3A_703] {strides = array<i32>} : memref<32x64xf32, #tpu.memory_space<vmem>>, vector<16xf32>,
    tpu.vector_store %arg14[%swap3A_702, %swap3A_703], %gather3A_700 {strides = array<i32>} : memref<32x64xf32, #tpu.memory_space<vmem>>, vector<16xf32>,
    %iota3A_705 = tpu.iota {dimensions = array<i32: 0>} : vector<16xi32>
    %add3A_706 = arith.constant 32 : i32
    %add3A_707 = vector.broadcast %add3A_706 : i32 to vector<16xi32>
    %add3A_708 = arith.addi %iota3A_705, %add3A_707 : vector<16xi32>
    %gather3A_709 = tpu.vector_load_idx %arg10[%add3A_708, %add3A_686] : memref<64x128xf32, #tpu.memory_space<vmem>>[vector<16xi32>, vector<16xi32>], vector<16xf32>,
    %swap3A_710 = arith.constant 4 : i32
    %swap3A_711 = arith.index_cast %swap3A_710 : i32 to index
    %swap3A_712 = arith.constant 32 : index
    %swap3A_713 = tpu.vector_load %arg14[%swap3A_711, %swap3A_712] {strides = array<i32>} : memref<32x64xf32, #tpu.memory_space<vmem>>, vector<16xf32>,
    tpu.vector_store %arg14[%swap3A_711, %swap3A_712], %gather3A_709 {strides = array<i32>} : memref<32x64xf32, #tpu.memory_space<vmem>>, vector<16xf32>,
    %iota3A_714 = tpu.iota {dimensions = array<i32: 0>} : vector<16xi32>
    %add3A_715 = arith.constant 48 : i32
    %add3A_716 = vector.broadcast %add3A_715 : i32 to vector<16xi32>
    %add3A_717 = arith.addi %iota3A_714, %add3A_716 : vector<16xi32>
    %gather3A_718 = tpu.vector_load_idx %arg10[%add3A_717, %add3A_686] : memref<64x128xf32, #tpu.memory_space<vmem>>[vector<16xi32>, vector<16xi32>], vector<16xf32>,
    %swap3A_719 = arith.constant 4 : i32
    %swap3A_720 = arith.index_cast %swap3A_719 : i32 to index
    %swap3A_721 = arith.constant 48 : index
    %swap3A_722 = tpu.vector_load %arg14[%swap3A_720, %swap3A_721] {strides = array<i32>} : memref<32x64xf32, #tpu.memory_space<vmem>>, vector<16xf32>,
    tpu.vector_store %arg14[%swap3A_720, %swap3A_721], %gather3A_718 {strides = array<i32>} : memref<32x64xf32, #tpu.memory_space<vmem>>, vector<16xf32>,
    %jit3A_723 = arith.constant 128 : i32
    %div3A_724 = arith.divsi %squeeze3A_27, %jit3A_723 : i32
    %sign3A_725 = arith.constant 0 : i32
    %sign3A_726 = arith.cmpi sgt, %squeeze3A_27, %sign3A_725 : i32
    %sign3A_727 = arith.extui %sign3A_726 : i1 to i32
    %sign3A_728 = arith.constant 0 : i32
    %sign3A_729 = arith.cmpi slt, %squeeze3A_27, %sign3A_728 : i32
    %sign3A_730 = arith.extui %sign3A_729 : i1 to i32
    %sign3A_731 = arith.subi %sign3A_727, %sign3A_730 : i32
    %sign3A_732 = arith.constant 0 : i32
    %sign3A_733 = arith.cmpi sgt, %jit3A_723, %sign3A_732 : i32
    %sign3A_734 = arith.extui %sign3A_733 : i1 to i32
    %sign3A_735 = arith.constant 0 : i32
    %sign3A_736 = arith.cmpi slt, %jit3A_723, %sign3A_735 : i32
    %sign3A_737 = arith.extui %sign3A_736 : i1 to i32
    %sign3A_738 = arith.subi %sign3A_734, %sign3A_737 : i32
    %ne3A_739 = arith.cmpi ne, %sign3A_731, %sign3A_738 : i32
    %rem3A_740 = arith.remsi %squeeze3A_27, %jit3A_723 : i32
    %ne3A_741 = arith.constant 0 : i32
    %ne3A_742 = arith.cmpi ne, %rem3A_740, %ne3A_741 : i32
    %and3A_743 = arith.andi %ne3A_739, %ne3A_742 : i1
    %sub3A_744 = arith.constant 1 : i32
    %sub3A_745 = arith.subi %div3A_724, %sub3A_744 : i32
    %select_n3A_746 = arith.select %and3A_743, %sub3A_745, %div3A_724 : i32
    %mul3A_747 = arith.constant 128 : i32
    %mul3A_748 = arith.muli %select_n3A_746, %mul3A_747 : i32
    %multiple_of3A_749 = tpu.assume_multiple %mul3A_748, 128 : i32
    %dma_start3A_750 = arith.constant 0 : i32
    %dma_start3A_751 = tpu.memref_slice %arg2[%dma_start3A_750, %multiple_of3A_749] : memref<64x100000xf32, #tpu.memory_space<hbm>> -> memref<64x128xf32, #tpu.memory_space<hbm>>
    %dma_start3A_752 = arith.constant 0 : i32
    %dma_start3A_753 = tpu.memref_slice %arg2[%dma_start3A_752, %multiple_of3A_749] : memref<64x100000xf32, #tpu.memory_space<hbm>> -> memref<64x128xf32, #tpu.memory_space<hbm>>
    tpu.enqueue_dma source(%dma_start3A_753 : memref<64x128xf32, #tpu.memory_space<hbm>>) target(%arg10 : memref<64x128xf32, #tpu.memory_space<vmem>>) target_semaphore(%arg19 : memref<!tpu.dma_semaphore, #tpu.memory_space<semaphore_mem>>)
    %dma_wait3A_754 = arith.constant 0 : i32
    %dma_wait3A_755 = tpu.memref_slice %arg2[%dma_wait3A_754, %multiple_of3A_239] : memref<64x100000xf32, #tpu.memory_space<hbm>> -> memref<64x128xf32, #tpu.memory_space<hbm>>
    %dma_wait3A_756 = arith.constant 0 : i32
    %dma_wait3A_757 = tpu.memref_slice %arg2[%dma_wait3A_756, %multiple_of3A_239] : memref<64x100000xf32, #tpu.memory_space<hbm>> -> memref<64x128xf32, #tpu.memory_space<hbm>>
    tpu.wait_dma2 semaphore(%arg20 : memref<!tpu.dma_semaphore, #tpu.memory_space<semaphore_mem>>) src(%dma_wait3A_757 : memref<64x128xf32, #tpu.memory_space<hbm>>) dst(%arg11 : memref<64x128xf32, #tpu.memory_space<vmem>>)
    %broadcast_in_dim3A_758 = arith.constant 0 : i32
    %broadcast_in_dim3A_759 = vector.broadcast %broadcast_in_dim3A_758 : i32 to vector<16xi32>
    %jit3A_760 = arith.constant 128 : i32
    %eq3A_761 = arith.constant 0 : i32
    %eq3A_762 = arith.cmpi eq, %jit3A_760, %eq3A_761 : i32
    %jit3A_763 = arith.constant 1 : i32
    %select_n3A_764 = arith.select %eq3A_762, %jit3A_763, %jit3A_760 : i32
    %rem3A_765 = arith.remsi %squeeze3A_13, %select_n3A_764 : i32
    %ne3A_766 = arith.constant 0 : i32
    %ne3A_767 = arith.cmpi ne, %rem3A_765, %ne3A_766 : i32
    %lt3A_768 = arith.constant 0 : i32
    %lt3A_769 = arith.cmpi slt, %rem3A_765, %lt3A_768 : i32
    %lt3A_770 = arith.constant 0 : i32
    %lt3A_771 = arith.cmpi slt, %select_n3A_764, %lt3A_770 : i32
    %ne3A_772 = arith.xori %lt3A_769, %lt3A_771 : i1
    %and3A_773 = arith.andi %ne3A_772, %ne3A_767 : i1
    %add3A_774 = arith.addi %rem3A_765, %select_n3A_764 : i32
    %select_n3A_775 = arith.select %and3A_773, %add3A_774, %rem3A_765 : i32
    %add3A_776 = vector.broadcast %select_n3A_775 : i32 to vector<16xi32>
    %add3A_777 = arith.addi %broadcast_in_dim3A_759, %add3A_776 : vector<16xi32>
    %iota3A_778 = tpu.iota {dimensions = array<i32: 0>} : vector<16xi32>
    %add3A_779 = arith.constant 0 : i32
    %add3A_780 = vector.broadcast %add3A_779 : i32 to vector<16xi32>
    %add3A_781 = arith.addi %iota3A_778, %add3A_780 : vector<16xi32>
    %gather3A_782 = tpu.vector_load_idx %arg11[%add3A_781, %add3A_777] : memref<64x128xf32, #tpu.memory_space<vmem>>[vector<16xi32>, vector<16xi32>], vector<16xf32>,
    %swap3A_783 = arith.constant 5 : i32
    %swap3A_784 = arith.index_cast %swap3A_783 : i32 to index
    %swap3A_785 = arith.constant 0 : index
    %swap3A_786 = tpu.vector_load %arg14[%swap3A_784, %swap3A_785] {strides = array<i32>} : memref<32x64xf32, #tpu.memory_space<vmem>>, vector<16xf32>,
    tpu.vector_store %arg14[%swap3A_784, %swap3A_785], %gather3A_782 {strides = array<i32>} : memref<32x64xf32, #tpu.memory_space<vmem>>, vector<16xf32>,
    %iota3A_787 = tpu.iota {dimensions = array<i32: 0>} : vector<16xi32>
    %add3A_788 = arith.constant 16 : i32
    %add3A_789 = vector.broadcast %add3A_788 : i32 to vector<16xi32>
    %add3A_790 = arith.addi %iota3A_787, %add3A_789 : vector<16xi32>
    %gather3A_791 = tpu.vector_load_idx %arg11[%add3A_790, %add3A_777] : memref<64x128xf32, #tpu.memory_space<vmem>>[vector<16xi32>, vector<16xi32>], vector<16xf32>,
    %swap3A_792 = arith.constant 5 : i32
    %swap3A_793 = arith.index_cast %swap3A_792 : i32 to index
    %swap3A_794 = arith.constant 16 : index
    %swap3A_795 = tpu.vector_load %arg14[%swap3A_793, %swap3A_794] {strides = array<i32>} : memref<32x64xf32, #tpu.memory_space<vmem>>, vector<16xf32>,
    tpu.vector_store %arg14[%swap3A_793, %swap3A_794], %gather3A_791 {strides = array<i32>} : memref<32x64xf32, #tpu.memory_space<vmem>>, vector<16xf32>,
    %iota3A_796 = tpu.iota {dimensions = array<i32: 0>} : vector<16xi32>
    %add3A_797 = arith.constant 32 : i32
    %add3A_798 = vector.broadcast %add3A_797 : i32 to vector<16xi32>
    %add3A_799 = arith.addi %iota3A_796, %add3A_798 : vector<16xi32>
    %gather3A_800 = tpu.vector_load_idx %arg11[%add3A_799, %add3A_777] : memref<64x128xf32, #tpu.memory_space<vmem>>[vector<16xi32>, vector<16xi32>], vector<16xf32>,
    %swap3A_801 = arith.constant 5 : i32
    %swap3A_802 = arith.index_cast %swap3A_801 : i32 to index
    %swap3A_803 = arith.constant 32 : index
    %swap3A_804 = tpu.vector_load %arg14[%swap3A_802, %swap3A_803] {strides = array<i32>} : memref<32x64xf32, #tpu.memory_space<vmem>>, vector<16xf32>,
    tpu.vector_store %arg14[%swap3A_802, %swap3A_803], %gather3A_800 {strides = array<i32>} : memref<32x64xf32, #tpu.memory_space<vmem>>, vector<16xf32>,
    %iota3A_805 = tpu.iota {dimensions = array<i32: 0>} : vector<16xi32>
    %add3A_806 = arith.constant 48 : i32
    %add3A_807 = vector.broadcast %add3A_806 : i32 to vector<16xi32>
    %add3A_808 = arith.addi %iota3A_805, %add3A_807 : vector<16xi32>
    %gather3A_809 = tpu.vector_load_idx %arg11[%add3A_808, %add3A_777] : memref<64x128xf32, #tpu.memory_space<vmem>>[vector<16xi32>, vector<16xi32>], vector<16xf32>,
    %swap3A_810 = arith.constant 5 : i32
    %swap3A_811 = arith.index_cast %swap3A_810 : i32 to index
    %swap3A_812 = arith.constant 48 : index
    %swap3A_813 = tpu.vector_load %arg14[%swap3A_811, %swap3A_812] {strides = array<i32>} : memref<32x64xf32, #tpu.memory_space<vmem>>, vector<16xf32>,
    tpu.vector_store %arg14[%swap3A_811, %swap3A_812], %gather3A_809 {strides = array<i32>} : memref<32x64xf32, #tpu.memory_space<vmem>>, vector<16xf32>,
    %jit3A_814 = arith.constant 128 : i32
    %div3A_815 = arith.divsi %squeeze3A_29, %jit3A_814 : i32
    %sign3A_816 = arith.constant 0 : i32
    %sign3A_817 = arith.cmpi sgt, %squeeze3A_29, %sign3A_816 : i32
    %sign3A_818 = arith.extui %sign3A_817 : i1 to i32
    %sign3A_819 = arith.constant 0 : i32
    %sign3A_820 = arith.cmpi slt, %squeeze3A_29, %sign3A_819 : i32
    %sign3A_821 = arith.extui %sign3A_820 : i1 to i32
    %sign3A_822 = arith.subi %sign3A_818, %sign3A_821 : i32
    %sign3A_823 = arith.constant 0 : i32
    %sign3A_824 = arith.cmpi sgt, %jit3A_814, %sign3A_823 : i32
    %sign3A_825 = arith.extui %sign3A_824 : i1 to i32
    %sign3A_826 = arith.constant 0 : i32
    %sign3A_827 = arith.cmpi slt, %jit3A_814, %sign3A_826 : i32
    %sign3A_828 = arith.extui %sign3A_827 : i1 to i32
    %sign3A_829 = arith.subi %sign3A_825, %sign3A_828 : i32
    %ne3A_830 = arith.cmpi ne, %sign3A_822, %sign3A_829 : i32
    %rem3A_831 = arith.remsi %squeeze3A_29, %jit3A_814 : i32
    %ne3A_832 = arith.constant 0 : i32
    %ne3A_833 = arith.cmpi ne, %rem3A_831, %ne3A_832 : i32
    %and3A_834 = arith.andi %ne3A_830, %ne3A_833 : i1
    %sub3A_835 = arith.constant 1 : i32
    %sub3A_836 = arith.subi %div3A_815, %sub3A_835 : i32
    %select_n3A_837 = arith.select %and3A_834, %sub3A_836, %div3A_815 : i32
    %mul3A_838 = arith.constant 128 : i32
    %mul3A_839 = arith.muli %select_n3A_837, %mul3A_838 : i32
    %multiple_of3A_840 = tpu.assume_multiple %mul3A_839, 128 : i32
    %dma_start3A_841 = arith.constant 0 : i32
    %dma_start3A_842 = tpu.memref_slice %arg2[%dma_start3A_841, %multiple_of3A_840] : memref<64x100000xf32, #tpu.memory_space<hbm>> -> memref<64x128xf32, #tpu.memory_space<hbm>>
    %dma_start3A_843 = arith.constant 0 : i32
    %dma_start3A_844 = tpu.memref_slice %arg2[%dma_start3A_843, %multiple_of3A_840] : memref<64x100000xf32, #tpu.memory_space<hbm>> -> memref<64x128xf32, #tpu.memory_space<hbm>>
    tpu.enqueue_dma source(%dma_start3A_844 : memref<64x128xf32, #tpu.memory_space<hbm>>) target(%arg11 : memref<64x128xf32, #tpu.memory_space<vmem>>) target_semaphore(%arg20 : memref<!tpu.dma_semaphore, #tpu.memory_space<semaphore_mem>>)
    %dma_wait3A_845 = arith.constant 0 : i32
    %dma_wait3A_846 = tpu.memref_slice %arg2[%dma_wait3A_845, %multiple_of3A_270] : memref<64x100000xf32, #tpu.memory_space<hbm>> -> memref<64x128xf32, #tpu.memory_space<hbm>>
    %dma_wait3A_847 = arith.constant 0 : i32
    %dma_wait3A_848 = tpu.memref_slice %arg2[%dma_wait3A_847, %multiple_of3A_270] : memref<64x100000xf32, #tpu.memory_space<hbm>> -> memref<64x128xf32, #tpu.memory_space<hbm>>
    tpu.wait_dma2 semaphore(%arg21 : memref<!tpu.dma_semaphore, #tpu.memory_space<semaphore_mem>>) src(%dma_wait3A_848 : memref<64x128xf32, #tpu.memory_space<hbm>>) dst(%arg12 : memref<64x128xf32, #tpu.memory_space<vmem>>)
    %broadcast_in_dim3A_849 = arith.constant 0 : i32
    %broadcast_in_dim3A_850 = vector.broadcast %broadcast_in_dim3A_849 : i32 to vector<16xi32>
    %jit3A_851 = arith.constant 128 : i32
    %eq3A_852 = arith.constant 0 : i32
    %eq3A_853 = arith.cmpi eq, %jit3A_851, %eq3A_852 : i32
    %jit3A_854 = arith.constant 1 : i32
    %select_n3A_855 = arith.select %eq3A_853, %jit3A_854, %jit3A_851 : i32
    %rem3A_856 = arith.remsi %squeeze3A_15, %select_n3A_855 : i32
    %ne3A_857 = arith.constant 0 : i32
    %ne3A_858 = arith.cmpi ne, %rem3A_856, %ne3A_857 : i32
    %lt3A_859 = arith.constant 0 : i32
    %lt3A_860 = arith.cmpi slt, %rem3A_856, %lt3A_859 : i32
    %lt3A_861 = arith.constant 0 : i32
    %lt3A_862 = arith.cmpi slt, %select_n3A_855, %lt3A_861 : i32
    %ne3A_863 = arith.xori %lt3A_860, %lt3A_862 : i1
    %and3A_864 = arith.andi %ne3A_863, %ne3A_858 : i1
    %add3A_865 = arith.addi %rem3A_856, %select_n3A_855 : i32
    %select_n3A_866 = arith.select %and3A_864, %add3A_865, %rem3A_856 : i32
    %add3A_867 = vector.broadcast %select_n3A_866 : i32 to vector<16xi32>
    %add3A_868 = arith.addi %broadcast_in_dim3A_850, %add3A_867 : vector<16xi32>
    %iota3A_869 = tpu.iota {dimensions = array<i32: 0>} : vector<16xi32>
    %add3A_870 = arith.constant 0 : i32
    %add3A_871 = vector.broadcast %add3A_870 : i32 to vector<16xi32>
    %add3A_872 = arith.addi %iota3A_869, %add3A_871 : vector<16xi32>
    %gather3A_873 = tpu.vector_load_idx %arg12[%add3A_872, %add3A_868] : memref<64x128xf32, #tpu.memory_space<vmem>>[vector<16xi32>, vector<16xi32>], vector<16xf32>,
    %swap3A_874 = arith.constant 6 : i32
    %swap3A_875 = arith.index_cast %swap3A_874 : i32 to index
    %swap3A_876 = arith.constant 0 : index
    %swap3A_877 = tpu.vector_load %arg14[%swap3A_875, %swap3A_876] {strides = array<i32>} : memref<32x64xf32, #tpu.memory_space<vmem>>, vector<16xf32>,
    tpu.vector_store %arg14[%swap3A_875, %swap3A_876], %gather3A_873 {strides = array<i32>} : memref<32x64xf32, #tpu.memory_space<vmem>>, vector<16xf32>,
    %iota3A_878 = tpu.iota {dimensions = array<i32: 0>} : vector<16xi32>
    %add3A_879 = arith.constant 16 : i32
    %add3A_880 = vector.broadcast %add3A_879 : i32 to vector<16xi32>
    %add3A_881 = arith.addi %iota3A_878, %add3A_880 : vector<16xi32>
    %gather3A_882 = tpu.vector_load_idx %arg12[%add3A_881, %add3A_868] : memref<64x128xf32, #tpu.memory_space<vmem>>[vector<16xi32>, vector<16xi32>], vector<16xf32>,
    %swap3A_883 = arith.constant 6 : i32
    %swap3A_884 = arith.index_cast %swap3A_883 : i32 to index
    %swap3A_885 = arith.constant 16 : index
    %swap3A_886 = tpu.vector_load %arg14[%swap3A_884, %swap3A_885] {strides = array<i32>} : memref<32x64xf32, #tpu.memory_space<vmem>>, vector<16xf32>,
    tpu.vector_store %arg14[%swap3A_884, %swap3A_885], %gather3A_882 {strides = array<i32>} : memref<32x64xf32, #tpu.memory_space<vmem>>, vector<16xf32>,
    %iota3A_887 = tpu.iota {dimensions = array<i32: 0>} : vector<16xi32>
    %add3A_888 = arith.constant 32 : i32
    %add3A_889 = vector.broadcast %add3A_888 : i32 to vector<16xi32>
    %add3A_890 = arith.addi %iota3A_887, %add3A_889 : vector<16xi32>
    %gather3A_891 = tpu.vector_load_idx %arg12[%add3A_890, %add3A_868] : memref<64x128xf32, #tpu.memory_space<vmem>>[vector<16xi32>, vector<16xi32>], vector<16xf32>,
    %swap3A_892 = arith.constant 6 : i32
    %swap3A_893 = arith.index_cast %swap3A_892 : i32 to index
    %swap3A_894 = arith.constant 32 : index
    %swap3A_895 = tpu.vector_load %arg14[%swap3A_893, %swap3A_894] {strides = array<i32>} : memref<32x64xf32, #tpu.memory_space<vmem>>, vector<16xf32>,
    tpu.vector_store %arg14[%swap3A_893, %swap3A_894], %gather3A_891 {strides = array<i32>} : memref<32x64xf32, #tpu.memory_space<vmem>>, vector<16xf32>,
    %iota3A_896 = tpu.iota {dimensions = array<i32: 0>} : vector<16xi32>
    %add3A_897 = arith.constant 48 : i32
    %add3A_898 = vector.broadcast %add3A_897 : i32 to vector<16xi32>
    %add3A_899 = arith.addi %iota3A_896, %add3A_898 : vector<16xi32>
    %gather3A_900 = tpu.vector_load_idx %arg12[%add3A_899, %add3A_868] : memref<64x128xf32, #tpu.memory_space<vmem>>[vector<16xi32>, vector<16xi32>], vector<16xf32>,
    %swap3A_901 = arith.constant 6 : i32
    %swap3A_902 = arith.index_cast %swap3A_901 : i32 to index
    %swap3A_903 = arith.constant 48 : index
    %swap3A_904 = tpu.vector_load %arg14[%swap3A_902, %swap3A_903] {strides = array<i32>} : memref<32x64xf32, #tpu.memory_space<vmem>>, vector<16xf32>,
    tpu.vector_store %arg14[%swap3A_902, %swap3A_903], %gather3A_900 {strides = array<i32>} : memref<32x64xf32, #tpu.memory_space<vmem>>, vector<16xf32>,
    %jit3A_905 = arith.constant 128 : i32
    %div3A_906 = arith.divsi %squeeze3A_31, %jit3A_905 : i32
    %sign3A_907 = arith.constant 0 : i32
    %sign3A_908 = arith.cmpi sgt, %squeeze3A_31, %sign3A_907 : i32
    %sign3A_909 = arith.extui %sign3A_908 : i1 to i32
    %sign3A_910 = arith.constant 0 : i32
    %sign3A_911 = arith.cmpi slt, %squeeze3A_31, %sign3A_910 : i32
    %sign3A_912 = arith.extui %sign3A_911 : i1 to i32
    %sign3A_913 = arith.subi %sign3A_909, %sign3A_912 : i32
    %sign3A_914 = arith.constant 0 : i32
    %sign3A_915 = arith.cmpi sgt, %jit3A_905, %sign3A_914 : i32
    %sign3A_916 = arith.extui %sign3A_915 : i1 to i32
    %sign3A_917 = arith.constant 0 : i32
    %sign3A_918 = arith.cmpi slt, %jit3A_905, %sign3A_917 : i32
    %sign3A_919 = arith.extui %sign3A_918 : i1 to i32
    %sign3A_920 = arith.subi %sign3A_916, %sign3A_919 : i32
    %ne3A_921 = arith.cmpi ne, %sign3A_913, %sign3A_920 : i32
    %rem3A_922 = arith.remsi %squeeze3A_31, %jit3A_905 : i32
    %ne3A_923 = arith.constant 0 : i32
    %ne3A_924 = arith.cmpi ne, %rem3A_922, %ne3A_923 : i32
    %and3A_925 = arith.andi %ne3A_921, %ne3A_924 : i1
    %sub3A_926 = arith.constant 1 : i32
    %sub3A_927 = arith.subi %div3A_906, %sub3A_926 : i32
    %select_n3A_928 = arith.select %and3A_925, %sub3A_927, %div3A_906 : i32
    %mul3A_929 = arith.constant 128 : i32
    %mul3A_930 = arith.muli %select_n3A_928, %mul3A_929 : i32
    %multiple_of3A_931 = tpu.assume_multiple %mul3A_930, 128 : i32
    %dma_start3A_932 = arith.constant 0 : i32
    %dma_start3A_933 = tpu.memref_slice %arg2[%dma_start3A_932, %multiple_of3A_931] : memref<64x100000xf32, #tpu.memory_space<hbm>> -> memref<64x128xf32, #tpu.memory_space<hbm>>
    %dma_start3A_934 = arith.constant 0 : i32
    %dma_start3A_935 = tpu.memref_slice %arg2[%dma_start3A_934, %multiple_of3A_931] : memref<64x100000xf32, #tpu.memory_space<hbm>> -> memref<64x128xf32, #tpu.memory_space<hbm>>
    tpu.enqueue_dma source(%dma_start3A_935 : memref<64x128xf32, #tpu.memory_space<hbm>>) target(%arg12 : memref<64x128xf32, #tpu.memory_space<vmem>>) target_semaphore(%arg21 : memref<!tpu.dma_semaphore, #tpu.memory_space<semaphore_mem>>)
    %dma_wait3A_936 = arith.constant 0 : i32
    %dma_wait3A_937 = tpu.memref_slice %arg2[%dma_wait3A_936, %multiple_of3A_301] : memref<64x100000xf32, #tpu.memory_space<hbm>> -> memref<64x128xf32, #tpu.memory_space<hbm>>
    %dma_wait3A_938 = arith.constant 0 : i32
    %dma_wait3A_939 = tpu.memref_slice %arg2[%dma_wait3A_938, %multiple_of3A_301] : memref<64x100000xf32, #tpu.memory_space<hbm>> -> memref<64x128xf32, #tpu.memory_space<hbm>>
    tpu.wait_dma2 semaphore(%arg22 : memref<!tpu.dma_semaphore, #tpu.memory_space<semaphore_mem>>) src(%dma_wait3A_939 : memref<64x128xf32, #tpu.memory_space<hbm>>) dst(%arg13 : memref<64x128xf32, #tpu.memory_space<vmem>>)
    %broadcast_in_dim3A_940 = arith.constant 0 : i32
    %broadcast_in_dim3A_941 = vector.broadcast %broadcast_in_dim3A_940 : i32 to vector<16xi32>
    %jit3A_942 = arith.constant 128 : i32
    %eq3A_943 = arith.constant 0 : i32
    %eq3A_944 = arith.cmpi eq, %jit3A_942, %eq3A_943 : i32
    %jit3A_945 = arith.constant 1 : i32
    %select_n3A_946 = arith.select %eq3A_944, %jit3A_945, %jit3A_942 : i32
    %rem3A_947 = arith.remsi %squeeze3A_17, %select_n3A_946 : i32
    %ne3A_948 = arith.constant 0 : i32
    %ne3A_949 = arith.cmpi ne, %rem3A_947, %ne3A_948 : i32
    %lt3A_950 = arith.constant 0 : i32
    %lt3A_951 = arith.cmpi slt, %rem3A_947, %lt3A_950 : i32
    %lt3A_952 = arith.constant 0 : i32
    %lt3A_953 = arith.cmpi slt, %select_n3A_946, %lt3A_952 : i32
    %ne3A_954 = arith.xori %lt3A_951, %lt3A_953 : i1
    %and3A_955 = arith.andi %ne3A_954, %ne3A_949 : i1
    %add3A_956 = arith.addi %rem3A_947, %select_n3A_946 : i32
    %select_n3A_957 = arith.select %and3A_955, %add3A_956, %rem3A_947 : i32
    %add3A_958 = vector.broadcast %select_n3A_957 : i32 to vector<16xi32>
    %add3A_959 = arith.addi %broadcast_in_dim3A_941, %add3A_958 : vector<16xi32>
    %iota3A_960 = tpu.iota {dimensions = array<i32: 0>} : vector<16xi32>
    %add3A_961 = arith.constant 0 : i32
    %add3A_962 = vector.broadcast %add3A_961 : i32 to vector<16xi32>
    %add3A_963 = arith.addi %iota3A_960, %add3A_962 : vector<16xi32>
    %gather3A_964 = tpu.vector_load_idx %arg13[%add3A_963, %add3A_959] : memref<64x128xf32, #tpu.memory_space<vmem>>[vector<16xi32>, vector<16xi32>], vector<16xf32>,
    %swap3A_965 = arith.constant 7 : i32
    %swap3A_966 = arith.index_cast %swap3A_965 : i32 to index
    %swap3A_967 = arith.constant 0 : index
    %swap3A_968 = tpu.vector_load %arg14[%swap3A_966, %swap3A_967] {strides = array<i32>} : memref<32x64xf32, #tpu.memory_space<vmem>>, vector<16xf32>,
    tpu.vector_store %arg14[%swap3A_966, %swap3A_967], %gather3A_964 {strides = array<i32>} : memref<32x64xf32, #tpu.memory_space<vmem>>, vector<16xf32>,
    %iota3A_969 = tpu.iota {dimensions = array<i32: 0>} : vector<16xi32>
    %add3A_970 = arith.constant 16 : i32
    %add3A_971 = vector.broadcast %add3A_970 : i32 to vector<16xi32>
    %add3A_972 = arith.addi %iota3A_969, %add3A_971 : vector<16xi32>
    %gather3A_973 = tpu.vector_load_idx %arg13[%add3A_972, %add3A_959] : memref<64x128xf32, #tpu.memory_space<vmem>>[vector<16xi32>, vector<16xi32>], vector<16xf32>,
    %swap3A_974 = arith.constant 7 : i32
    %swap3A_975 = arith.index_cast %swap3A_974 : i32 to index
    %swap3A_976 = arith.constant 16 : index
    %swap3A_977 = tpu.vector_load %arg14[%swap3A_975, %swap3A_976] {strides = array<i32>} : memref<32x64xf32, #tpu.memory_space<vmem>>, vector<16xf32>,
    tpu.vector_store %arg14[%swap3A_975, %swap3A_976], %gather3A_973 {strides = array<i32>} : memref<32x64xf32, #tpu.memory_space<vmem>>, vector<16xf32>,
    %iota3A_978 = tpu.iota {dimensions = array<i32: 0>} : vector<16xi32>
    %add3A_979 = arith.constant 32 : i32
    %add3A_980 = vector.broadcast %add3A_979 : i32 to vector<16xi32>
    %add3A_981 = arith.addi %iota3A_978, %add3A_980 : vector<16xi32>
    %gather3A_982 = tpu.vector_load_idx %arg13[%add3A_981, %add3A_959] : memref<64x128xf32, #tpu.memory_space<vmem>>[vector<16xi32>, vector<16xi32>], vector<16xf32>,
    %swap3A_983 = arith.constant 7 : i32
    %swap3A_984 = arith.index_cast %swap3A_983 : i32 to index
    %swap3A_985 = arith.constant 32 : index
    %swap3A_986 = tpu.vector_load %arg14[%swap3A_984, %swap3A_985] {strides = array<i32>} : memref<32x64xf32, #tpu.memory_space<vmem>>, vector<16xf32>,
    tpu.vector_store %arg14[%swap3A_984, %swap3A_985], %gather3A_982 {strides = array<i32>} : memref<32x64xf32, #tpu.memory_space<vmem>>, vector<16xf32>,
    %iota3A_987 = tpu.iota {dimensions = array<i32: 0>} : vector<16xi32>
    %add3A_988 = arith.constant 48 : i32
    %add3A_989 = vector.broadcast %add3A_988 : i32 to vector<16xi32>
    %add3A_990 = arith.addi %iota3A_987, %add3A_989 : vector<16xi32>
    %gather3A_991 = tpu.vector_load_idx %arg13[%add3A_990, %add3A_959] : memref<64x128xf32, #tpu.memory_space<vmem>>[vector<16xi32>, vector<16xi32>], vector<16xf32>,
    %swap3A_992 = arith.constant 7 : i32
    %swap3A_993 = arith.index_cast %swap3A_992 : i32 to index
    %swap3A_994 = arith.constant 48 : index
    %swap3A_995 = tpu.vector_load %arg14[%swap3A_993, %swap3A_994] {strides = array<i32>} : memref<32x64xf32, #tpu.memory_space<vmem>>, vector<16xf32>,
    tpu.vector_store %arg14[%swap3A_993, %swap3A_994], %gather3A_991 {strides = array<i32>} : memref<32x64xf32, #tpu.memory_space<vmem>>, vector<16xf32>,
    %jit3A_996 = arith.constant 128 : i32
    %div3A_997 = arith.divsi %squeeze3A_33, %jit3A_996 : i32
    %sign3A_998 = arith.constant 0 : i32
    %sign3A_999 = arith.cmpi sgt, %squeeze3A_33, %sign3A_998 : i32
    %sign3A_1000 = arith.extui %sign3A_999 : i1 to i32
    %sign3A_1001 = arith.constant 0 : i32
    %sign3A_1002 = arith.cmpi slt, %squeeze3A_33, %sign3A_1001 : i32
    %sign3A_1003 = arith.extui %sign3A_1002 : i1 to i32
    %sign3A_1004 = arith.subi %sign3A_1000, %sign3A_1003 : i32
    %sign3A_1005 = arith.constant 0 : i32
    %sign3A_1006 = arith.cmpi sgt, %jit3A_996, %sign3A_1005 : i32
    %sign3A_1007 = arith.extui %sign3A_1006 : i1 to i32
    %sign3A_1008 = arith.constant 0 : i32
    %sign3A_1009 = arith.cmpi slt, %jit3A_996, %sign3A_1008 : i32
    %sign3A_1010 = arith.extui %sign3A_1009 : i1 to i32
    %sign3A_1011 = arith.subi %sign3A_1007, %sign3A_1010 : i32
    %ne3A_1012 = arith.cmpi ne, %sign3A_1004, %sign3A_1011 : i32
    %rem3A_1013 = arith.remsi %squeeze3A_33, %jit3A_996 : i32
    %ne3A_1014 = arith.constant 0 : i32
    %ne3A_1015 = arith.cmpi ne, %rem3A_1013, %ne3A_1014 : i32
    %and3A_1016 = arith.andi %ne3A_1012, %ne3A_1015 : i1
    %sub3A_1017 = arith.constant 1 : i32
    %sub3A_1018 = arith.subi %div3A_997, %sub3A_1017 : i32
    %select_n3A_1019 = arith.select %and3A_1016, %sub3A_1018, %div3A_997 : i32
    %mul3A_1020 = arith.constant 128 : i32
    %mul3A_1021 = arith.muli %select_n3A_1019, %mul3A_1020 : i32
    %multiple_of3A_1022 = tpu.assume_multiple %mul3A_1021, 128 : i32
    %dma_start3A_1023 = arith.constant 0 : i32
    %dma_start3A_1024 = tpu.memref_slice %arg2[%dma_start3A_1023, %multiple_of3A_1022] : memref<64x100000xf32, #tpu.memory_space<hbm>> -> memref<64x128xf32, #tpu.memory_space<hbm>>
    %dma_start3A_1025 = arith.constant 0 : i32
    %dma_start3A_1026 = tpu.memref_slice %arg2[%dma_start3A_1025, %multiple_of3A_1022] : memref<64x100000xf32, #tpu.memory_space<hbm>> -> memref<64x128xf32, #tpu.memory_space<hbm>>
    tpu.enqueue_dma source(%dma_start3A_1026 : memref<64x128xf32, #tpu.memory_space<hbm>>) target(%arg13 : memref<64x128xf32, #tpu.memory_space<vmem>>) target_semaphore(%arg22 : memref<!tpu.dma_semaphore, #tpu.memory_space<semaphore_mem>>)
    %dma_wait3A_1027 = arith.constant 0 : i32
    %dma_wait3A_1028 = tpu.memref_slice %arg2[%dma_wait3A_1027, %multiple_of3A_385] : memref<64x100000xf32, #tpu.memory_space<hbm>> -> memref<64x128xf32, #tpu.memory_space<hbm>>
    %dma_wait3A_1029 = arith.constant 0 : i32
    %dma_wait3A_1030 = tpu.memref_slice %arg2[%dma_wait3A_1029, %multiple_of3A_385] : memref<64x100000xf32, #tpu.memory_space<hbm>> -> memref<64x128xf32, #tpu.memory_space<hbm>>
    tpu.wait_dma2 semaphore(%arg15 : memref<!tpu.dma_semaphore, #tpu.memory_space<semaphore_mem>>) src(%dma_wait3A_1030 : memref<64x128xf32, #tpu.memory_space<hbm>>) dst(%arg6 : memref<64x128xf32, #tpu.memory_space<vmem>>)
    %broadcast_in_dim3A_1031 = arith.constant 0 : i32
    %broadcast_in_dim3A_1032 = vector.broadcast %broadcast_in_dim3A_1031 : i32 to vector<16xi32>
    %jit3A_1033 = arith.constant 128 : i32
    %eq3A_1034 = arith.constant 0 : i32
    %eq3A_1035 = arith.cmpi eq, %jit3A_1033, %eq3A_1034 : i32
    %jit3A_1036 = arith.constant 1 : i32
    %select_n3A_1037 = arith.select %eq3A_1035, %jit3A_1036, %jit3A_1033 : i32
    %rem3A_1038 = arith.remsi %squeeze3A_19, %select_n3A_1037 : i32
    %ne3A_1039 = arith.constant 0 : i32
    %ne3A_1040 = arith.cmpi ne, %rem3A_1038, %ne3A_1039 : i32
    %lt3A_1041 = arith.constant 0 : i32
    %lt3A_1042 = arith.cmpi slt, %rem3A_1038, %lt3A_1041 : i32
    %lt3A_1043 = arith.constant 0 : i32
    %lt3A_1044 = arith.cmpi slt, %select_n3A_1037, %lt3A_1043 : i32
    %ne3A_1045 = arith.xori %lt3A_1042, %lt3A_1044 : i1
    %and3A_1046 = arith.andi %ne3A_1045, %ne3A_1040 : i1
    %add3A_1047 = arith.addi %rem3A_1038, %select_n3A_1037 : i32
    %select_n3A_1048 = arith.select %and3A_1046, %add3A_1047, %rem3A_1038 : i32
    %add3A_1049 = vector.broadcast %select_n3A_1048 : i32 to vector<16xi32>
    %add3A_1050 = arith.addi %broadcast_in_dim3A_1032, %add3A_1049 : vector<16xi32>
    %iota3A_1051 = tpu.iota {dimensions = array<i32: 0>} : vector<16xi32>
    %add3A_1052 = arith.constant 0 : i32
    %add3A_1053 = vector.broadcast %add3A_1052 : i32 to vector<16xi32>
    %add3A_1054 = arith.addi %iota3A_1051, %add3A_1053 : vector<16xi32>
    %gather3A_1055 = tpu.vector_load_idx %arg6[%add3A_1054, %add3A_1050] : memref<64x128xf32, #tpu.memory_space<vmem>>[vector<16xi32>, vector<16xi32>], vector<16xf32>,
    %swap3A_1056 = arith.constant 8 : i32
    %swap3A_1057 = arith.index_cast %swap3A_1056 : i32 to index
    %swap3A_1058 = arith.constant 0 : index
    %swap3A_1059 = tpu.vector_load %arg14[%swap3A_1057, %swap3A_1058] {strides = array<i32>} : memref<32x64xf32, #tpu.memory_space<vmem>>, vector<16xf32>,
    tpu.vector_store %arg14[%swap3A_1057, %swap3A_1058], %gather3A_1055 {strides = array<i32>} : memref<32x64xf32, #tpu.memory_space<vmem>>, vector<16xf32>,
    %iota3A_1060 = tpu.iota {dimensions = array<i32: 0>} : vector<16xi32>
    %add3A_1061 = arith.constant 16 : i32
    %add3A_1062 = vector.broadcast %add3A_1061 : i32 to vector<16xi32>
    %add3A_1063 = arith.addi %iota3A_1060, %add3A_1062 : vector<16xi32>
    %gather3A_1064 = tpu.vector_load_idx %arg6[%add3A_1063, %add3A_1050] : memref<64x128xf32, #tpu.memory_space<vmem>>[vector<16xi32>, vector<16xi32>], vector<16xf32>,
    %swap3A_1065 = arith.constant 8 : i32
    %swap3A_1066 = arith.index_cast %swap3A_1065 : i32 to index
    %swap3A_1067 = arith.constant 16 : index
    %swap3A_1068 = tpu.vector_load %arg14[%swap3A_1066, %swap3A_1067] {strides = array<i32>} : memref<32x64xf32, #tpu.memory_space<vmem>>, vector<16xf32>,
    tpu.vector_store %arg14[%swap3A_1066, %swap3A_1067], %gather3A_1064 {strides = array<i32>} : memref<32x64xf32, #tpu.memory_space<vmem>>, vector<16xf32>,
    %iota3A_1069 = tpu.iota {dimensions = array<i32: 0>} : vector<16xi32>
    %add3A_1070 = arith.constant 32 : i32
    %add3A_1071 = vector.broadcast %add3A_1070 : i32 to vector<16xi32>
    %add3A_1072 = arith.addi %iota3A_1069, %add3A_1071 : vector<16xi32>
    %gather3A_1073 = tpu.vector_load_idx %arg6[%add3A_1072, %add3A_1050] : memref<64x128xf32, #tpu.memory_space<vmem>>[vector<16xi32>, vector<16xi32>], vector<16xf32>,
    %swap3A_1074 = arith.constant 8 : i32
    %swap3A_1075 = arith.index_cast %swap3A_1074 : i32 to index
    %swap3A_1076 = arith.constant 32 : index
    %swap3A_1077 = tpu.vector_load %arg14[%swap3A_1075, %swap3A_1076] {strides = array<i32>} : memref<32x64xf32, #tpu.memory_space<vmem>>, vector<16xf32>,
    tpu.vector_store %arg14[%swap3A_1075, %swap3A_1076], %gather3A_1073 {strides = array<i32>} : memref<32x64xf32, #tpu.memory_space<vmem>>, vector<16xf32>,
    %iota3A_1078 = tpu.iota {dimensions = array<i32: 0>} : vector<16xi32>
    %add3A_1079 = arith.constant 48 : i32
    %add3A_1080 = vector.broadcast %add3A_1079 : i32 to vector<16xi32>
    %add3A_1081 = arith.addi %iota3A_1078, %add3A_1080 : vector<16xi32>
    %gather3A_1082 = tpu.vector_load_idx %arg6[%add3A_1081, %add3A_1050] : memref<64x128xf32, #tpu.memory_space<vmem>>[vector<16xi32>, vector<16xi32>], vector<16xf32>,
    %swap3A_1083 = arith.constant 8 : i32
    %swap3A_1084 = arith.index_cast %swap3A_1083 : i32 to index
    %swap3A_1085 = arith.constant 48 : index
    %swap3A_1086 = tpu.vector_load %arg14[%swap3A_1084, %swap3A_1085] {strides = array<i32>} : memref<32x64xf32, #tpu.memory_space<vmem>>, vector<16xf32>,
    tpu.vector_store %arg14[%swap3A_1084, %swap3A_1085], %gather3A_1082 {strides = array<i32>} : memref<32x64xf32, #tpu.memory_space<vmem>>, vector<16xf32>,
    %jit3A_1087 = arith.constant 128 : i32
    %div3A_1088 = arith.divsi %squeeze3A_37, %jit3A_1087 : i32
    %sign3A_1089 = arith.constant 0 : i32
    %sign3A_1090 = arith.cmpi sgt, %squeeze3A_37, %sign3A_1089 : i32
    %sign3A_1091 = arith.extui %sign3A_1090 : i1 to i32
    %sign3A_1092 = arith.constant 0 : i32
    %sign3A_1093 = arith.cmpi slt, %squeeze3A_37, %sign3A_1092 : i32
    %sign3A_1094 = arith.extui %sign3A_1093 : i1 to i32
    %sign3A_1095 = arith.subi %sign3A_1091, %sign3A_1094 : i32
    %sign3A_1096 = arith.constant 0 : i32
    %sign3A_1097 = arith.cmpi sgt, %jit3A_1087, %sign3A_1096 : i32
    %sign3A_1098 = arith.extui %sign3A_1097 : i1 to i32
    %sign3A_1099 = arith.constant 0 : i32
    %sign3A_1100 = arith.cmpi slt, %jit3A_1087, %sign3A_1099 : i32
    %sign3A_1101 = arith.extui %sign3A_1100 : i1 to i32
    %sign3A_1102 = arith.subi %sign3A_1098, %sign3A_1101 : i32
    %ne3A_1103 = arith.cmpi ne, %sign3A_1095, %sign3A_1102 : i32
    %rem3A_1104 = arith.remsi %squeeze3A_37, %jit3A_1087 : i32
    %ne3A_1105 = arith.constant 0 : i32
    %ne3A_1106 = arith.cmpi ne, %rem3A_1104, %ne3A_1105 : i32
    %and3A_1107 = arith.andi %ne3A_1103, %ne3A_1106 : i1
    %sub3A_1108 = arith.constant 1 : i32
    %sub3A_1109 = arith.subi %div3A_1088, %sub3A_1108 : i32
    %select_n3A_1110 = arith.select %and3A_1107, %sub3A_1109, %div3A_1088 : i32
    %mul3A_1111 = arith.constant 128 : i32
    %mul3A_1112 = arith.muli %select_n3A_1110, %mul3A_1111 : i32
    %multiple_of3A_1113 = tpu.assume_multiple %mul3A_1112, 128 : i32
    %dma_start3A_1114 = arith.constant 0 : i32
    %dma_start3A_1115 = tpu.memref_slice %arg2[%dma_start3A_1114, %multiple_of3A_1113] : memref<64x100000xf32, #tpu.memory_space<hbm>> -> memref<64x128xf32, #tpu.memory_space<hbm>>
    %dma_start3A_1116 = arith.constant 0 : i32
    %dma_start3A_1117 = tpu.memref_slice %arg2[%dma_start3A_1116, %multiple_of3A_1113] : memref<64x100000xf32, #tpu.memory_space<hbm>> -> memref<64x128xf32, #tpu.memory_space<hbm>>
    tpu.enqueue_dma source(%dma_start3A_1117 : memref<64x128xf32, #tpu.memory_space<hbm>>) target(%arg6 : memref<64x128xf32, #tpu.memory_space<vmem>>) target_semaphore(%arg15 : memref<!tpu.dma_semaphore, #tpu.memory_space<semaphore_mem>>)
    %dma_wait3A_1118 = arith.constant 0 : i32
    %dma_wait3A_1119 = tpu.memref_slice %arg2[%dma_wait3A_1118, %multiple_of3A_476] : memref<64x100000xf32, #tpu.memory_space<hbm>> -> memref<64x128xf32, #tpu.memory_space<hbm>>
    %dma_wait3A_1120 = arith.constant 0 : i32
    %dma_wait3A_1121 = tpu.memref_slice %arg2[%dma_wait3A_1120, %multiple_of3A_476] : memref<64x100000xf32, #tpu.memory_space<hbm>> -> memref<64x128xf32, #tpu.memory_space<hbm>>
    tpu.wait_dma2 semaphore(%arg16 : memref<!tpu.dma_semaphore, #tpu.memory_space<semaphore_mem>>) src(%dma_wait3A_1121 : memref<64x128xf32, #tpu.memory_space<hbm>>) dst(%arg7 : memref<64x128xf32, #tpu.memory_space<vmem>>)
    %broadcast_in_dim3A_1122 = arith.constant 0 : i32
    %broadcast_in_dim3A_1123 = vector.broadcast %broadcast_in_dim3A_1122 : i32 to vector<16xi32>
    %jit3A_1124 = arith.constant 128 : i32
    %eq3A_1125 = arith.constant 0 : i32
    %eq3A_1126 = arith.cmpi eq, %jit3A_1124, %eq3A_1125 : i32
    %jit3A_1127 = arith.constant 1 : i32
    %select_n3A_1128 = arith.select %eq3A_1126, %jit3A_1127, %jit3A_1124 : i32
    %rem3A_1129 = arith.remsi %squeeze3A_21, %select_n3A_1128 : i32
    %ne3A_1130 = arith.constant 0 : i32
    %ne3A_1131 = arith.cmpi ne, %rem3A_1129, %ne3A_1130 : i32
    %lt3A_1132 = arith.constant 0 : i32
    %lt3A_1133 = arith.cmpi slt, %rem3A_1129, %lt3A_1132 : i32
    %lt3A_1134 = arith.constant 0 : i32
    %lt3A_1135 = arith.cmpi slt, %select_n3A_1128, %lt3A_1134 : i32
    %ne3A_1136 = arith.xori %lt3A_1133, %lt3A_1135 : i1
    %and3A_1137 = arith.andi %ne3A_1136, %ne3A_1131 : i1
    %add3A_1138 = arith.addi %rem3A_1129, %select_n3A_1128 : i32
    %select_n3A_1139 = arith.select %and3A_1137, %add3A_1138, %rem3A_1129 : i32
    %add3A_1140 = vector.broadcast %select_n3A_1139 : i32 to vector<16xi32>
    %add3A_1141 = arith.addi %broadcast_in_dim3A_1123, %add3A_1140 : vector<16xi32>
    %iota3A_1142 = tpu.iota {dimensions = array<i32: 0>} : vector<16xi32>
    %add3A_1143 = arith.constant 0 : i32
    %add3A_1144 = vector.broadcast %add3A_1143 : i32 to vector<16xi32>
    %add3A_1145 = arith.addi %iota3A_1142, %add3A_1144 : vector<16xi32>
    %gather3A_1146 = tpu.vector_load_idx %arg7[%add3A_1145, %add3A_1141] : memref<64x128xf32, #tpu.memory_space<vmem>>[vector<16xi32>, vector<16xi32>], vector<16xf32>,
    %swap3A_1147 = arith.constant 9 : i32
    %swap3A_1148 = arith.index_cast %swap3A_1147 : i32 to index
    %swap3A_1149 = arith.constant 0 : index
    %swap3A_1150 = tpu.vector_load %arg14[%swap3A_1148, %swap3A_1149] {strides = array<i32>} : memref<32x64xf32, #tpu.memory_space<vmem>>, vector<16xf32>,
    tpu.vector_store %arg14[%swap3A_1148, %swap3A_1149], %gather3A_1146 {strides = array<i32>} : memref<32x64xf32, #tpu.memory_space<vmem>>, vector<16xf32>,
    %iota3A_1151 = tpu.iota {dimensions = array<i32: 0>} : vector<16xi32>
    %add3A_1152 = arith.constant 16 : i32
    %add3A_1153 = vector.broadcast %add3A_1152 : i32 to vector<16xi32>
    %add3A_1154 = arith.addi %iota3A_1151, %add3A_1153 : vector<16xi32>
    %gather3A_1155 = tpu.vector_load_idx %arg7[%add3A_1154, %add3A_1141] : memref<64x128xf32, #tpu.memory_space<vmem>>[vector<16xi32>, vector<16xi32>], vector<16xf32>,
    %swap3A_1156 = arith.constant 9 : i32
    %swap3A_1157 = arith.index_cast %swap3A_1156 : i32 to index
    %swap3A_1158 = arith.constant 16 : index
    %swap3A_1159 = tpu.vector_load %arg14[%swap3A_1157, %swap3A_1158] {strides = array<i32>} : memref<32x64xf32, #tpu.memory_space<vmem>>, vector<16xf32>,
    tpu.vector_store %arg14[%swap3A_1157, %swap3A_1158], %gather3A_1155 {strides = array<i32>} : memref<32x64xf32, #tpu.memory_space<vmem>>, vector<16xf32>,
    %iota3A_1160 = tpu.iota {dimensions = array<i32: 0>} : vector<16xi32>
    %add3A_1161 = arith.constant 32 : i32
    %add3A_1162 = vector.broadcast %add3A_1161 : i32 to vector<16xi32>
    %add3A_1163 = arith.addi %iota3A_1160, %add3A_1162 : vector<16xi32>
    %gather3A_1164 = tpu.vector_load_idx %arg7[%add3A_1163, %add3A_1141] : memref<64x128xf32, #tpu.memory_space<vmem>>[vector<16xi32>, vector<16xi32>], vector<16xf32>,
    %swap3A_1165 = arith.constant 9 : i32
    %swap3A_1166 = arith.index_cast %swap3A_1165 : i32 to index
    %swap3A_1167 = arith.constant 32 : index
    %swap3A_1168 = tpu.vector_load %arg14[%swap3A_1166, %swap3A_1167] {strides = array<i32>} : memref<32x64xf32, #tpu.memory_space<vmem>>, vector<16xf32>,
    tpu.vector_store %arg14[%swap3A_1166, %swap3A_1167], %gather3A_1164 {strides = array<i32>} : memref<32x64xf32, #tpu.memory_space<vmem>>, vector<16xf32>,
    %iota3A_1169 = tpu.iota {dimensions = array<i32: 0>} : vector<16xi32>
    %add3A_1170 = arith.constant 48 : i32
    %add3A_1171 = vector.broadcast %add3A_1170 : i32 to vector<16xi32>
    %add3A_1172 = arith.addi %iota3A_1169, %add3A_1171 : vector<16xi32>
    %gather3A_1173 = tpu.vector_load_idx %arg7[%add3A_1172, %add3A_1141] : memref<64x128xf32, #tpu.memory_space<vmem>>[vector<16xi32>, vector<16xi32>], vector<16xf32>,
    %swap3A_1174 = arith.constant 9 : i32
    %swap3A_1175 = arith.index_cast %swap3A_1174 : i32 to index
    %swap3A_1176 = arith.constant 48 : index
    %swap3A_1177 = tpu.vector_load %arg14[%swap3A_1175, %swap3A_1176] {strides = array<i32>} : memref<32x64xf32, #tpu.memory_space<vmem>>, vector<16xf32>,
    tpu.vector_store %arg14[%swap3A_1175, %swap3A_1176], %gather3A_1173 {strides = array<i32>} : memref<32x64xf32, #tpu.memory_space<vmem>>, vector<16xf32>,
    %jit3A_1178 = arith.constant 128 : i32
    %div3A_1179 = arith.divsi %squeeze3A_39, %jit3A_1178 : i32
    %sign3A_1180 = arith.constant 0 : i32
    %sign3A_1181 = arith.cmpi sgt, %squeeze3A_39, %sign3A_1180 : i32
    %sign3A_1182 = arith.extui %sign3A_1181 : i1 to i32
    %sign3A_1183 = arith.constant 0 : i32
    %sign3A_1184 = arith.cmpi slt, %squeeze3A_39, %sign3A_1183 : i32
    %sign3A_1185 = arith.extui %sign3A_1184 : i1 to i32
    %sign3A_1186 = arith.subi %sign3A_1182, %sign3A_1185 : i32
    %sign3A_1187 = arith.constant 0 : i32
    %sign3A_1188 = arith.cmpi sgt, %jit3A_1178, %sign3A_1187 : i32
    %sign3A_1189 = arith.extui %sign3A_1188 : i1 to i32
    %sign3A_1190 = arith.constant 0 : i32
    %sign3A_1191 = arith.cmpi slt, %jit3A_1178, %sign3A_1190 : i32
    %sign3A_1192 = arith.extui %sign3A_1191 : i1 to i32
    %sign3A_1193 = arith.subi %sign3A_1189, %sign3A_1192 : i32
    %ne3A_1194 = arith.cmpi ne, %sign3A_1186, %sign3A_1193 : i32
    %rem3A_1195 = arith.remsi %squeeze3A_39, %jit3A_1178 : i32
    %ne3A_1196 = arith.constant 0 : i32
    %ne3A_1197 = arith.cmpi ne, %rem3A_1195, %ne3A_1196 : i32
    %and3A_1198 = arith.andi %ne3A_1194, %ne3A_1197 : i1
    %sub3A_1199 = arith.constant 1 : i32
    %sub3A_1200 = arith.subi %div3A_1179, %sub3A_1199 : i32
    %select_n3A_1201 = arith.select %and3A_1198, %sub3A_1200, %div3A_1179 : i32
    %mul3A_1202 = arith.constant 128 : i32
    %mul3A_1203 = arith.muli %select_n3A_1201, %mul3A_1202 : i32
    %multiple_of3A_1204 = tpu.assume_multiple %mul3A_1203, 128 : i32
    %dma_start3A_1205 = arith.constant 0 : i32
    %dma_start3A_1206 = tpu.memref_slice %arg2[%dma_start3A_1205, %multiple_of3A_1204] : memref<64x100000xf32, #tpu.memory_space<hbm>> -> memref<64x128xf32, #tpu.memory_space<hbm>>
    %dma_start3A_1207 = arith.constant 0 : i32
    %dma_start3A_1208 = tpu.memref_slice %arg2[%dma_start3A_1207, %multiple_of3A_1204] : memref<64x100000xf32, #tpu.memory_space<hbm>> -> memref<64x128xf32, #tpu.memory_space<hbm>>
    tpu.enqueue_dma source(%dma_start3A_1208 : memref<64x128xf32, #tpu.memory_space<hbm>>) target(%arg7 : memref<64x128xf32, #tpu.memory_space<vmem>>) target_semaphore(%arg16 : memref<!tpu.dma_semaphore, #tpu.memory_space<semaphore_mem>>)
    %dma_wait3A_1209 = arith.constant 0 : i32
    %dma_wait3A_1210 = tpu.memref_slice %arg2[%dma_wait3A_1209, %multiple_of3A_567] : memref<64x100000xf32, #tpu.memory_space<hbm>> -> memref<64x128xf32, #tpu.memory_space<hbm>>
    %dma_wait3A_1211 = arith.constant 0 : i32
    %dma_wait3A_1212 = tpu.memref_slice %arg2[%dma_wait3A_1211, %multiple_of3A_567] : memref<64x100000xf32, #tpu.memory_space<hbm>> -> memref<64x128xf32, #tpu.memory_space<hbm>>
    tpu.wait_dma2 semaphore(%arg17 : memref<!tpu.dma_semaphore, #tpu.memory_space<semaphore_mem>>) src(%dma_wait3A_1212 : memref<64x128xf32, #tpu.memory_space<hbm>>) dst(%arg8 : memref<64x128xf32, #tpu.memory_space<vmem>>)
    %broadcast_in_dim3A_1213 = arith.constant 0 : i32
    %broadcast_in_dim3A_1214 = vector.broadcast %broadcast_in_dim3A_1213 : i32 to vector<16xi32>
    %jit3A_1215 = arith.constant 128 : i32
    %eq3A_1216 = arith.constant 0 : i32
    %eq3A_1217 = arith.cmpi eq, %jit3A_1215, %eq3A_1216 : i32
    %jit3A_1218 = arith.constant 1 : i32
    %select_n3A_1219 = arith.select %eq3A_1217, %jit3A_1218, %jit3A_1215 : i32
    %rem3A_1220 = arith.remsi %squeeze3A_23, %select_n3A_1219 : i32
    %ne3A_1221 = arith.constant 0 : i32
    %ne3A_1222 = arith.cmpi ne, %rem3A_1220, %ne3A_1221 : i32
    %lt3A_1223 = arith.constant 0 : i32
    %lt3A_1224 = arith.cmpi slt, %rem3A_1220, %lt3A_1223 : i32
    %lt3A_1225 = arith.constant 0 : i32
    %lt3A_1226 = arith.cmpi slt, %select_n3A_1219, %lt3A_1225 : i32
    %ne3A_1227 = arith.xori %lt3A_1224, %lt3A_1226 : i1
    %and3A_1228 = arith.andi %ne3A_1227, %ne3A_1222 : i1
    %add3A_1229 = arith.addi %rem3A_1220, %select_n3A_1219 : i32
    %select_n3A_1230 = arith.select %and3A_1228, %add3A_1229, %rem3A_1220 : i32
    %add3A_1231 = vector.broadcast %select_n3A_1230 : i32 to vector<16xi32>
    %add3A_1232 = arith.addi %broadcast_in_dim3A_1214, %add3A_1231 : vector<16xi32>
    %iota3A_1233 = tpu.iota {dimensions = array<i32: 0>} : vector<16xi32>
    %add3A_1234 = arith.constant 0 : i32
    %add3A_1235 = vector.broadcast %add3A_1234 : i32 to vector<16xi32>
    %add3A_1236 = arith.addi %iota3A_1233, %add3A_1235 : vector<16xi32>
    %gather3A_1237 = tpu.vector_load_idx %arg8[%add3A_1236, %add3A_1232] : memref<64x128xf32, #tpu.memory_space<vmem>>[vector<16xi32>, vector<16xi32>], vector<16xf32>,
    %swap3A_1238 = arith.constant 10 : i32
    %swap3A_1239 = arith.index_cast %swap3A_1238 : i32 to index
    %swap3A_1240 = arith.constant 0 : index
    %swap3A_1241 = tpu.vector_load %arg14[%swap3A_1239, %swap3A_1240] {strides = array<i32>} : memref<32x64xf32, #tpu.memory_space<vmem>>, vector<16xf32>,
    tpu.vector_store %arg14[%swap3A_1239, %swap3A_1240], %gather3A_1237 {strides = array<i32>} : memref<32x64xf32, #tpu.memory_space<vmem>>, vector<16xf32>,
    %iota3A_1242 = tpu.iota {dimensions = array<i32: 0>} : vector<16xi32>
    %add3A_1243 = arith.constant 16 : i32
    %add3A_1244 = vector.broadcast %add3A_1243 : i32 to vector<16xi32>
    %add3A_1245 = arith.addi %iota3A_1242, %add3A_1244 : vector<16xi32>
    %gather3A_1246 = tpu.vector_load_idx %arg8[%add3A_1245, %add3A_1232] : memref<64x128xf32, #tpu.memory_space<vmem>>[vector<16xi32>, vector<16xi32>], vector<16xf32>,
    %swap3A_1247 = arith.constant 10 : i32
    %swap3A_1248 = arith.index_cast %swap3A_1247 : i32 to index
    %swap3A_1249 = arith.constant 16 : index
    %swap3A_1250 = tpu.vector_load %arg14[%swap3A_1248, %swap3A_1249] {strides = array<i32>} : memref<32x64xf32, #tpu.memory_space<vmem>>, vector<16xf32>,
    tpu.vector_store %arg14[%swap3A_1248, %swap3A_1249], %gather3A_1246 {strides = array<i32>} : memref<32x64xf32, #tpu.memory_space<vmem>>, vector<16xf32>,
    %iota3A_1251 = tpu.iota {dimensions = array<i32: 0>} : vector<16xi32>
    %add3A_1252 = arith.constant 32 : i32
    %add3A_1253 = vector.broadcast %add3A_1252 : i32 to vector<16xi32>
    %add3A_1254 = arith.addi %iota3A_1251, %add3A_1253 : vector<16xi32>
    %gather3A_1255 = tpu.vector_load_idx %arg8[%add3A_1254, %add3A_1232] : memref<64x128xf32, #tpu.memory_space<vmem>>[vector<16xi32>, vector<16xi32>], vector<16xf32>,
    %swap3A_1256 = arith.constant 10 : i32
    %swap3A_1257 = arith.index_cast %swap3A_1256 : i32 to index
    %swap3A_1258 = arith.constant 32 : index
    %swap3A_1259 = tpu.vector_load %arg14[%swap3A_1257, %swap3A_1258] {strides = array<i32>} : memref<32x64xf32, #tpu.memory_space<vmem>>, vector<16xf32>,
    tpu.vector_store %arg14[%swap3A_1257, %swap3A_1258], %gather3A_1255 {strides = array<i32>} : memref<32x64xf32, #tpu.memory_space<vmem>>, vector<16xf32>,
    %iota3A_1260 = tpu.iota {dimensions = array<i32: 0>} : vector<16xi32>
    %add3A_1261 = arith.constant 48 : i32
    %add3A_1262 = vector.broadcast %add3A_1261 : i32 to vector<16xi32>
    %add3A_1263 = arith.addi %iota3A_1260, %add3A_1262 : vector<16xi32>
    %gather3A_1264 = tpu.vector_load_idx %arg8[%add3A_1263, %add3A_1232] : memref<64x128xf32, #tpu.memory_space<vmem>>[vector<16xi32>, vector<16xi32>], vector<16xf32>,
    %swap3A_1265 = arith.constant 10 : i32
    %swap3A_1266 = arith.index_cast %swap3A_1265 : i32 to index
    %swap3A_1267 = arith.constant 48 : index
    %swap3A_1268 = tpu.vector_load %arg14[%swap3A_1266, %swap3A_1267] {strides = array<i32>} : memref<32x64xf32, #tpu.memory_space<vmem>>, vector<16xf32>,
    tpu.vector_store %arg14[%swap3A_1266, %swap3A_1267], %gather3A_1264 {strides = array<i32>} : memref<32x64xf32, #tpu.memory_space<vmem>>, vector<16xf32>,
    %jit3A_1269 = arith.constant 128 : i32
    %div3A_1270 = arith.divsi %squeeze3A_41, %jit3A_1269 : i32
    %sign3A_1271 = arith.constant 0 : i32
    %sign3A_1272 = arith.cmpi sgt, %squeeze3A_41, %sign3A_1271 : i32
    %sign3A_1273 = arith.extui %sign3A_1272 : i1 to i32
    %sign3A_1274 = arith.constant 0 : i32
    %sign3A_1275 = arith.cmpi slt, %squeeze3A_41, %sign3A_1274 : i32
    %sign3A_1276 = arith.extui %sign3A_1275 : i1 to i32
    %sign3A_1277 = arith.subi %sign3A_1273, %sign3A_1276 : i32
    %sign3A_1278 = arith.constant 0 : i32
    %sign3A_1279 = arith.cmpi sgt, %jit3A_1269, %sign3A_1278 : i32
    %sign3A_1280 = arith.extui %sign3A_1279 : i1 to i32
    %sign3A_1281 = arith.constant 0 : i32
    %sign3A_1282 = arith.cmpi slt, %jit3A_1269, %sign3A_1281 : i32
    %sign3A_1283 = arith.extui %sign3A_1282 : i1 to i32
    %sign3A_1284 = arith.subi %sign3A_1280, %sign3A_1283 : i32
    %ne3A_1285 = arith.cmpi ne, %sign3A_1277, %sign3A_1284 : i32
    %rem3A_1286 = arith.remsi %squeeze3A_41, %jit3A_1269 : i32
    %ne3A_1287 = arith.constant 0 : i32
    %ne3A_1288 = arith.cmpi ne, %rem3A_1286, %ne3A_1287 : i32
    %and3A_1289 = arith.andi %ne3A_1285, %ne3A_1288 : i1
    %sub3A_1290 = arith.constant 1 : i32
    %sub3A_1291 = arith.subi %div3A_1270, %sub3A_1290 : i32
    %select_n3A_1292 = arith.select %and3A_1289, %sub3A_1291, %div3A_1270 : i32
    %mul3A_1293 = arith.constant 128 : i32
    %mul3A_1294 = arith.muli %select_n3A_1292, %mul3A_1293 : i32
    %multiple_of3A_1295 = tpu.assume_multiple %mul3A_1294, 128 : i32
    %dma_start3A_1296 = arith.constant 0 : i32
    %dma_start3A_1297 = tpu.memref_slice %arg2[%dma_start3A_1296, %multiple_of3A_1295] : memref<64x100000xf32, #tpu.memory_space<hbm>> -> memref<64x128xf32, #tpu.memory_space<hbm>>
    %dma_start3A_1298 = arith.constant 0 : i32
    %dma_start3A_1299 = tpu.memref_slice %arg2[%dma_start3A_1298, %multiple_of3A_1295] : memref<64x100000xf32, #tpu.memory_space<hbm>> -> memref<64x128xf32, #tpu.memory_space<hbm>>
    tpu.enqueue_dma source(%dma_start3A_1299 : memref<64x128xf32, #tpu.memory_space<hbm>>) target(%arg8 : memref<64x128xf32, #tpu.memory_space<vmem>>) target_semaphore(%arg17 : memref<!tpu.dma_semaphore, #tpu.memory_space<semaphore_mem>>)
    %dma_wait3A_1300 = arith.constant 0 : i32
    %dma_wait3A_1301 = tpu.memref_slice %arg2[%dma_wait3A_1300, %multiple_of3A_658] : memref<64x100000xf32, #tpu.memory_space<hbm>> -> memref<64x128xf32, #tpu.memory_space<hbm>>
    %dma_wait3A_1302 = arith.constant 0 : i32
    %dma_wait3A_1303 = tpu.memref_slice %arg2[%dma_wait3A_1302, %multiple_of3A_658] : memref<64x100000xf32, #tpu.memory_space<hbm>> -> memref<64x128xf32, #tpu.memory_space<hbm>>
    tpu.wait_dma2 semaphore(%arg18 : memref<!tpu.dma_semaphore, #tpu.memory_space<semaphore_mem>>) src(%dma_wait3A_1303 : memref<64x128xf32, #tpu.memory_space<hbm>>) dst(%arg9 : memref<64x128xf32, #tpu.memory_space<vmem>>)
    %broadcast_in_dim3A_1304 = arith.constant 0 : i32
    %broadcast_in_dim3A_1305 = vector.broadcast %broadcast_in_dim3A_1304 : i32 to vector<16xi32>
    %jit3A_1306 = arith.constant 128 : i32
    %eq3A_1307 = arith.constant 0 : i32
    %eq3A_1308 = arith.cmpi eq, %jit3A_1306, %eq3A_1307 : i32
    %jit3A_1309 = arith.constant 1 : i32
    %select_n3A_1310 = arith.select %eq3A_1308, %jit3A_1309, %jit3A_1306 : i32
    %rem3A_1311 = arith.remsi %squeeze3A_25, %select_n3A_1310 : i32
    %ne3A_1312 = arith.constant 0 : i32
    %ne3A_1313 = arith.cmpi ne, %rem3A_1311, %ne3A_1312 : i32
    %lt3A_1314 = arith.constant 0 : i32
    %lt3A_1315 = arith.cmpi slt, %rem3A_1311, %lt3A_1314 : i32
    %lt3A_1316 = arith.constant 0 : i32
    %lt3A_1317 = arith.cmpi slt, %select_n3A_1310, %lt3A_1316 : i32
    %ne3A_1318 = arith.xori %lt3A_1315, %lt3A_1317 : i1
    %and3A_1319 = arith.andi %ne3A_1318, %ne3A_1313 : i1
    %add3A_1320 = arith.addi %rem3A_1311, %select_n3A_1310 : i32
    %select_n3A_1321 = arith.select %and3A_1319, %add3A_1320, %rem3A_1311 : i32
    %add3A_1322 = vector.broadcast %select_n3A_1321 : i32 to vector<16xi32>
    %add3A_1323 = arith.addi %broadcast_in_dim3A_1305, %add3A_1322 : vector<16xi32>
    %iota3A_1324 = tpu.iota {dimensions = array<i32: 0>} : vector<16xi32>
    %add3A_1325 = arith.constant 0 : i32
    %add3A_1326 = vector.broadcast %add3A_1325 : i32 to vector<16xi32>
    %add3A_1327 = arith.addi %iota3A_1324, %add3A_1326 : vector<16xi32>
    %gather3A_1328 = tpu.vector_load_idx %arg9[%add3A_1327, %add3A_1323] : memref<64x128xf32, #tpu.memory_space<vmem>>[vector<16xi32>, vector<16xi32>], vector<16xf32>,
    %swap3A_1329 = arith.constant 11 : i32
    %swap3A_1330 = arith.index_cast %swap3A_1329 : i32 to index
    %swap3A_1331 = arith.constant 0 : index
    %swap3A_1332 = tpu.vector_load %arg14[%swap3A_1330, %swap3A_1331] {strides = array<i32>} : memref<32x64xf32, #tpu.memory_space<vmem>>, vector<16xf32>,
    tpu.vector_store %arg14[%swap3A_1330, %swap3A_1331], %gather3A_1328 {strides = array<i32>} : memref<32x64xf32, #tpu.memory_space<vmem>>, vector<16xf32>,
    %iota3A_1333 = tpu.iota {dimensions = array<i32: 0>} : vector<16xi32>
    %add3A_1334 = arith.constant 16 : i32
    %add3A_1335 = vector.broadcast %add3A_1334 : i32 to vector<16xi32>
    %add3A_1336 = arith.addi %iota3A_1333, %add3A_1335 : vector<16xi32>
    %gather3A_1337 = tpu.vector_load_idx %arg9[%add3A_1336, %add3A_1323] : memref<64x128xf32, #tpu.memory_space<vmem>>[vector<16xi32>, vector<16xi32>], vector<16xf32>,
    %swap3A_1338 = arith.constant 11 : i32
    %swap3A_1339 = arith.index_cast %swap3A_1338 : i32 to index
    %swap3A_1340 = arith.constant 16 : index
    %swap3A_1341 = tpu.vector_load %arg14[%swap3A_1339, %swap3A_1340] {strides = array<i32>} : memref<32x64xf32, #tpu.memory_space<vmem>>, vector<16xf32>,
    tpu.vector_store %arg14[%swap3A_1339, %swap3A_1340], %gather3A_1337 {strides = array<i32>} : memref<32x64xf32, #tpu.memory_space<vmem>>, vector<16xf32>,
    %iota3A_1342 = tpu.iota {dimensions = array<i32: 0>} : vector<16xi32>
    %add3A_1343 = arith.constant 32 : i32
    %add3A_1344 = vector.broadcast %add3A_1343 : i32 to vector<16xi32>
    %add3A_1345 = arith.addi %iota3A_1342, %add3A_1344 : vector<16xi32>
    %gather3A_1346 = tpu.vector_load_idx %arg9[%add3A_1345, %add3A_1323] : memref<64x128xf32, #tpu.memory_space<vmem>>[vector<16xi32>, vector<16xi32>], vector<16xf32>,
    %swap3A_1347 = arith.constant 11 : i32
    %swap3A_1348 = arith.index_cast %swap3A_1347 : i32 to index
    %swap3A_1349 = arith.constant 32 : index
    %swap3A_1350 = tpu.vector_load %arg14[%swap3A_1348, %swap3A_1349] {strides = array<i32>} : memref<32x64xf32, #tpu.memory_space<vmem>>, vector<16xf32>,
    tpu.vector_store %arg14[%swap3A_1348, %swap3A_1349], %gather3A_1346 {strides = array<i32>} : memref<32x64xf32, #tpu.memory_space<vmem>>, vector<16xf32>,
    %iota3A_1351 = tpu.iota {dimensions = array<i32: 0>} : vector<16xi32>
    %add3A_1352 = arith.constant 48 : i32
    %add3A_1353 = vector.broadcast %add3A_1352 : i32 to vector<16xi32>
    %add3A_1354 = arith.addi %iota3A_1351, %add3A_1353 : vector<16xi32>
    %gather3A_1355 = tpu.vector_load_idx %arg9[%add3A_1354, %add3A_1323] : memref<64x128xf32, #tpu.memory_space<vmem>>[vector<16xi32>, vector<16xi32>], vector<16xf32>,
    %swap3A_1356 = arith.constant 11 : i32
    %swap3A_1357 = arith.index_cast %swap3A_1356 : i32 to index
    %swap3A_1358 = arith.constant 48 : index
    %swap3A_1359 = tpu.vector_load %arg14[%swap3A_1357, %swap3A_1358] {strides = array<i32>} : memref<32x64xf32, #tpu.memory_space<vmem>>, vector<16xf32>,
    tpu.vector_store %arg14[%swap3A_1357, %swap3A_1358], %gather3A_1355 {strides = array<i32>} : memref<32x64xf32, #tpu.memory_space<vmem>>, vector<16xf32>,
    %jit3A_1360 = arith.constant 128 : i32
    %div3A_1361 = arith.divsi %squeeze3A_43, %jit3A_1360 : i32
    %sign3A_1362 = arith.constant 0 : i32
    %sign3A_1363 = arith.cmpi sgt, %squeeze3A_43, %sign3A_1362 : i32
    %sign3A_1364 = arith.extui %sign3A_1363 : i1 to i32
    %sign3A_1365 = arith.constant 0 : i32
    %sign3A_1366 = arith.cmpi slt, %squeeze3A_43, %sign3A_1365 : i32
    %sign3A_1367 = arith.extui %sign3A_1366 : i1 to i32
    %sign3A_1368 = arith.subi %sign3A_1364, %sign3A_1367 : i32
    %sign3A_1369 = arith.constant 0 : i32
    %sign3A_1370 = arith.cmpi sgt, %jit3A_1360, %sign3A_1369 : i32
    %sign3A_1371 = arith.extui %sign3A_1370 : i1 to i32
    %sign3A_1372 = arith.constant 0 : i32
    %sign3A_1373 = arith.cmpi slt, %jit3A_1360, %sign3A_1372 : i32
    %sign3A_1374 = arith.extui %sign3A_1373 : i1 to i32
    %sign3A_1375 = arith.subi %sign3A_1371, %sign3A_1374 : i32
    %ne3A_1376 = arith.cmpi ne, %sign3A_1368, %sign3A_1375 : i32
    %rem3A_1377 = arith.remsi %squeeze3A_43, %jit3A_1360 : i32
    %ne3A_1378 = arith.constant 0 : i32
    %ne3A_1379 = arith.cmpi ne, %rem3A_1377, %ne3A_1378 : i32
    %and3A_1380 = arith.andi %ne3A_1376, %ne3A_1379 : i1
    %sub3A_1381 = arith.constant 1 : i32
    %sub3A_1382 = arith.subi %div3A_1361, %sub3A_1381 : i32
    %select_n3A_1383 = arith.select %and3A_1380, %sub3A_1382, %div3A_1361 : i32
    %mul3A_1384 = arith.constant 128 : i32
    %mul3A_1385 = arith.muli %select_n3A_1383, %mul3A_1384 : i32
    %multiple_of3A_1386 = tpu.assume_multiple %mul3A_1385, 128 : i32
    %dma_start3A_1387 = arith.constant 0 : i32
    %dma_start3A_1388 = tpu.memref_slice %arg2[%dma_start3A_1387, %multiple_of3A_1386] : memref<64x100000xf32, #tpu.memory_space<hbm>> -> memref<64x128xf32, #tpu.memory_space<hbm>>
    %dma_start3A_1389 = arith.constant 0 : i32
    %dma_start3A_1390 = tpu.memref_slice %arg2[%dma_start3A_1389, %multiple_of3A_1386] : memref<64x100000xf32, #tpu.memory_space<hbm>> -> memref<64x128xf32, #tpu.memory_space<hbm>>
    tpu.enqueue_dma source(%dma_start3A_1390 : memref<64x128xf32, #tpu.memory_space<hbm>>) target(%arg9 : memref<64x128xf32, #tpu.memory_space<vmem>>) target_semaphore(%arg18 : memref<!tpu.dma_semaphore, #tpu.memory_space<semaphore_mem>>)
    %dma_wait3A_1391 = arith.constant 0 : i32
    %dma_wait3A_1392 = tpu.memref_slice %arg2[%dma_wait3A_1391, %multiple_of3A_749] : memref<64x100000xf32, #tpu.memory_space<hbm>> -> memref<64x128xf32, #tpu.memory_space<hbm>>
    %dma_wait3A_1393 = arith.constant 0 : i32
    %dma_wait3A_1394 = tpu.memref_slice %arg2[%dma_wait3A_1393, %multiple_of3A_749] : memref<64x100000xf32, #tpu.memory_space<hbm>> -> memref<64x128xf32, #tpu.memory_space<hbm>>
    tpu.wait_dma2 semaphore(%arg19 : memref<!tpu.dma_semaphore, #tpu.memory_space<semaphore_mem>>) src(%dma_wait3A_1394 : memref<64x128xf32, #tpu.memory_space<hbm>>) dst(%arg10 : memref<64x128xf32, #tpu.memory_space<vmem>>)
    %broadcast_in_dim3A_1395 = arith.constant 0 : i32
    %broadcast_in_dim3A_1396 = vector.broadcast %broadcast_in_dim3A_1395 : i32 to vector<16xi32>
    %jit3A_1397 = arith.constant 128 : i32
    %eq3A_1398 = arith.constant 0 : i32
    %eq3A_1399 = arith.cmpi eq, %jit3A_1397, %eq3A_1398 : i32
    %jit3A_1400 = arith.constant 1 : i32
    %select_n3A_1401 = arith.select %eq3A_1399, %jit3A_1400, %jit3A_1397 : i32
    %rem3A_1402 = arith.remsi %squeeze3A_27, %select_n3A_1401 : i32
    %ne3A_1403 = arith.constant 0 : i32
    %ne3A_1404 = arith.cmpi ne, %rem3A_1402, %ne3A_1403 : i32
    %lt3A_1405 = arith.constant 0 : i32
    %lt3A_1406 = arith.cmpi slt, %rem3A_1402, %lt3A_1405 : i32
    %lt3A_1407 = arith.constant 0 : i32
    %lt3A_1408 = arith.cmpi slt, %select_n3A_1401, %lt3A_1407 : i32
    %ne3A_1409 = arith.xori %lt3A_1406, %lt3A_1408 : i1
    %and3A_1410 = arith.andi %ne3A_1409, %ne3A_1404 : i1
    %add3A_1411 = arith.addi %rem3A_1402, %select_n3A_1401 : i32
    %select_n3A_1412 = arith.select %and3A_1410, %add3A_1411, %rem3A_1402 : i32
    %add3A_1413 = vector.broadcast %select_n3A_1412 : i32 to vector<16xi32>
    %add3A_1414 = arith.addi %broadcast_in_dim3A_1396, %add3A_1413 : vector<16xi32>
    %iota3A_1415 = tpu.iota {dimensions = array<i32: 0>} : vector<16xi32>
    %add3A_1416 = arith.constant 0 : i32
    %add3A_1417 = vector.broadcast %add3A_1416 : i32 to vector<16xi32>
    %add3A_1418 = arith.addi %iota3A_1415, %add3A_1417 : vector<16xi32>
    %gather3A_1419 = tpu.vector_load_idx %arg10[%add3A_1418, %add3A_1414] : memref<64x128xf32, #tpu.memory_space<vmem>>[vector<16xi32>, vector<16xi32>], vector<16xf32>,
    %swap3A_1420 = arith.constant 12 : i32
    %swap3A_1421 = arith.index_cast %swap3A_1420 : i32 to index
    %swap3A_1422 = arith.constant 0 : index
    %swap3A_1423 = tpu.vector_load %arg14[%swap3A_1421, %swap3A_1422] {strides = array<i32>} : memref<32x64xf32, #tpu.memory_space<vmem>>, vector<16xf32>,
    tpu.vector_store %arg14[%swap3A_1421, %swap3A_1422], %gather3A_1419 {strides = array<i32>} : memref<32x64xf32, #tpu.memory_space<vmem>>, vector<16xf32>,
    %iota3A_1424 = tpu.iota {dimensions = array<i32: 0>} : vector<16xi32>
    %add3A_1425 = arith.constant 16 : i32
    %add3A_1426 = vector.broadcast %add3A_1425 : i32 to vector<16xi32>
    %add3A_1427 = arith.addi %iota3A_1424, %add3A_1426 : vector<16xi32>
    %gather3A_1428 = tpu.vector_load_idx %arg10[%add3A_1427, %add3A_1414] : memref<64x128xf32, #tpu.memory_space<vmem>>[vector<16xi32>, vector<16xi32>], vector<16xf32>,
    %swap3A_1429 = arith.constant 12 : i32
    %swap3A_1430 = arith.index_cast %swap3A_1429 : i32 to index
    %swap3A_1431 = arith.constant 16 : index
    %swap3A_1432 = tpu.vector_load %arg14[%swap3A_1430, %swap3A_1431] {strides = array<i32>} : memref<32x64xf32, #tpu.memory_space<vmem>>, vector<16xf32>,
    tpu.vector_store %arg14[%swap3A_1430, %swap3A_1431], %gather3A_1428 {strides = array<i32>} : memref<32x64xf32, #tpu.memory_space<vmem>>, vector<16xf32>,
    %iota3A_1433 = tpu.iota {dimensions = array<i32: 0>} : vector<16xi32>
    %add3A_1434 = arith.constant 32 : i32
    %add3A_1435 = vector.broadcast %add3A_1434 : i32 to vector<16xi32>
    %add3A_1436 = arith.addi %iota3A_1433, %add3A_1435 : vector<16xi32>
    %gather3A_1437 = tpu.vector_load_idx %arg10[%add3A_1436, %add3A_1414] : memref<64x128xf32, #tpu.memory_space<vmem>>[vector<16xi32>, vector<16xi32>], vector<16xf32>,
    %swap3A_1438 = arith.constant 12 : i32
    %swap3A_1439 = arith.index_cast %swap3A_1438 : i32 to index
    %swap3A_1440 = arith.constant 32 : index
    %swap3A_1441 = tpu.vector_load %arg14[%swap3A_1439, %swap3A_1440] {strides = array<i32>} : memref<32x64xf32, #tpu.memory_space<vmem>>, vector<16xf32>,
    tpu.vector_store %arg14[%swap3A_1439, %swap3A_1440], %gather3A_1437 {strides = array<i32>} : memref<32x64xf32, #tpu.memory_space<vmem>>, vector<16xf32>,
    %iota3A_1442 = tpu.iota {dimensions = array<i32: 0>} : vector<16xi32>
    %add3A_1443 = arith.constant 48 : i32
    %add3A_1444 = vector.broadcast %add3A_1443 : i32 to vector<16xi32>
    %add3A_1445 = arith.addi %iota3A_1442, %add3A_1444 : vector<16xi32>
    %gather3A_1446 = tpu.vector_load_idx %arg10[%add3A_1445, %add3A_1414] : memref<64x128xf32, #tpu.memory_space<vmem>>[vector<16xi32>, vector<16xi32>], vector<16xf32>,
    %swap3A_1447 = arith.constant 12 : i32
    %swap3A_1448 = arith.index_cast %swap3A_1447 : i32 to index
    %swap3A_1449 = arith.constant 48 : index
    %swap3A_1450 = tpu.vector_load %arg14[%swap3A_1448, %swap3A_1449] {strides = array<i32>} : memref<32x64xf32, #tpu.memory_space<vmem>>, vector<16xf32>,
    tpu.vector_store %arg14[%swap3A_1448, %swap3A_1449], %gather3A_1446 {strides = array<i32>} : memref<32x64xf32, #tpu.memory_space<vmem>>, vector<16xf32>,
    %jit3A_1451 = arith.constant 128 : i32
    %div3A_1452 = arith.divsi %squeeze3A_45, %jit3A_1451 : i32
    %sign3A_1453 = arith.constant 0 : i32
    %sign3A_1454 = arith.cmpi sgt, %squeeze3A_45, %sign3A_1453 : i32
    %sign3A_1455 = arith.extui %sign3A_1454 : i1 to i32
    %sign3A_1456 = arith.constant 0 : i32
    %sign3A_1457 = arith.cmpi slt, %squeeze3A_45, %sign3A_1456 : i32
    %sign3A_1458 = arith.extui %sign3A_1457 : i1 to i32
    %sign3A_1459 = arith.subi %sign3A_1455, %sign3A_1458 : i32
    %sign3A_1460 = arith.constant 0 : i32
    %sign3A_1461 = arith.cmpi sgt, %jit3A_1451, %sign3A_1460 : i32
    %sign3A_1462 = arith.extui %sign3A_1461 : i1 to i32
    %sign3A_1463 = arith.constant 0 : i32
    %sign3A_1464 = arith.cmpi slt, %jit3A_1451, %sign3A_1463 : i32
    %sign3A_1465 = arith.extui %sign3A_1464 : i1 to i32
    %sign3A_1466 = arith.subi %sign3A_1462, %sign3A_1465 : i32
    %ne3A_1467 = arith.cmpi ne, %sign3A_1459, %sign3A_1466 : i32
    %rem3A_1468 = arith.remsi %squeeze3A_45, %jit3A_1451 : i32
    %ne3A_1469 = arith.constant 0 : i32
    %ne3A_1470 = arith.cmpi ne, %rem3A_1468, %ne3A_1469 : i32
    %and3A_1471 = arith.andi %ne3A_1467, %ne3A_1470 : i1
    %sub3A_1472 = arith.constant 1 : i32
    %sub3A_1473 = arith.subi %div3A_1452, %sub3A_1472 : i32
    %select_n3A_1474 = arith.select %and3A_1471, %sub3A_1473, %div3A_1452 : i32
    %mul3A_1475 = arith.constant 128 : i32
    %mul3A_1476 = arith.muli %select_n3A_1474, %mul3A_1475 : i32
    %multiple_of3A_1477 = tpu.assume_multiple %mul3A_1476, 128 : i32
    %dma_start3A_1478 = arith.constant 0 : i32
    %dma_start3A_1479 = tpu.memref_slice %arg2[%dma_start3A_1478, %multiple_of3A_1477] : memref<64x100000xf32, #tpu.memory_space<hbm>> -> memref<64x128xf32, #tpu.memory_space<hbm>>
    %dma_start3A_1480 = arith.constant 0 : i32
    %dma_start3A_1481 = tpu.memref_slice %arg2[%dma_start3A_1480, %multiple_of3A_1477] : memref<64x100000xf32, #tpu.memory_space<hbm>> -> memref<64x128xf32, #tpu.memory_space<hbm>>
    tpu.enqueue_dma source(%dma_start3A_1481 : memref<64x128xf32, #tpu.memory_space<hbm>>) target(%arg10 : memref<64x128xf32, #tpu.memory_space<vmem>>) target_semaphore(%arg19 : memref<!tpu.dma_semaphore, #tpu.memory_space<semaphore_mem>>)
    %dma_wait3A_1482 = arith.constant 0 : i32
    %dma_wait3A_1483 = tpu.memref_slice %arg2[%dma_wait3A_1482, %multiple_of3A_840] : memref<64x100000xf32, #tpu.memory_space<hbm>> -> memref<64x128xf32, #tpu.memory_space<hbm>>
    %dma_wait3A_1484 = arith.constant 0 : i32
    %dma_wait3A_1485 = tpu.memref_slice %arg2[%dma_wait3A_1484, %multiple_of3A_840] : memref<64x100000xf32, #tpu.memory_space<hbm>> -> memref<64x128xf32, #tpu.memory_space<hbm>>
    tpu.wait_dma2 semaphore(%arg20 : memref<!tpu.dma_semaphore, #tpu.memory_space<semaphore_mem>>) src(%dma_wait3A_1485 : memref<64x128xf32, #tpu.memory_space<hbm>>) dst(%arg11 : memref<64x128xf32, #tpu.memory_space<vmem>>)
    %broadcast_in_dim3A_1486 = arith.constant 0 : i32
    %broadcast_in_dim3A_1487 = vector.broadcast %broadcast_in_dim3A_1486 : i32 to vector<16xi32>
    %jit3A_1488 = arith.constant 128 : i32
    %eq3A_1489 = arith.constant 0 : i32
    %eq3A_1490 = arith.cmpi eq, %jit3A_1488, %eq3A_1489 : i32
    %jit3A_1491 = arith.constant 1 : i32
    %select_n3A_1492 = arith.select %eq3A_1490, %jit3A_1491, %jit3A_1488 : i32
    %rem3A_1493 = arith.remsi %squeeze3A_29, %select_n3A_1492 : i32
    %ne3A_1494 = arith.constant 0 : i32
    %ne3A_1495 = arith.cmpi ne, %rem3A_1493, %ne3A_1494 : i32
    %lt3A_1496 = arith.constant 0 : i32
    %lt3A_1497 = arith.cmpi slt, %rem3A_1493, %lt3A_1496 : i32
    %lt3A_1498 = arith.constant 0 : i32
    %lt3A_1499 = arith.cmpi slt, %select_n3A_1492, %lt3A_1498 : i32
    %ne3A_1500 = arith.xori %lt3A_1497, %lt3A_1499 : i1
    %and3A_1501 = arith.andi %ne3A_1500, %ne3A_1495 : i1
    %add3A_1502 = arith.addi %rem3A_1493, %select_n3A_1492 : i32
    %select_n3A_1503 = arith.select %and3A_1501, %add3A_1502, %rem3A_1493 : i32
    %add3A_1504 = vector.broadcast %select_n3A_1503 : i32 to vector<16xi32>
    %add3A_1505 = arith.addi %broadcast_in_dim3A_1487, %add3A_1504 : vector<16xi32>
    %iota3A_1506 = tpu.iota {dimensions = array<i32: 0>} : vector<16xi32>
    %add3A_1507 = arith.constant 0 : i32
    %add3A_1508 = vector.broadcast %add3A_1507 : i32 to vector<16xi32>
    %add3A_1509 = arith.addi %iota3A_1506, %add3A_1508 : vector<16xi32>
    %gather3A_1510 = tpu.vector_load_idx %arg11[%add3A_1509, %add3A_1505] : memref<64x128xf32, #tpu.memory_space<vmem>>[vector<16xi32>, vector<16xi32>], vector<16xf32>,
    %swap3A_1511 = arith.constant 13 : i32
    %swap3A_1512 = arith.index_cast %swap3A_1511 : i32 to index
    %swap3A_1513 = arith.constant 0 : index
    %swap3A_1514 = tpu.vector_load %arg14[%swap3A_1512, %swap3A_1513] {strides = array<i32>} : memref<32x64xf32, #tpu.memory_space<vmem>>, vector<16xf32>,
    tpu.vector_store %arg14[%swap3A_1512, %swap3A_1513], %gather3A_1510 {strides = array<i32>} : memref<32x64xf32, #tpu.memory_space<vmem>>, vector<16xf32>,
    %iota3A_1515 = tpu.iota {dimensions = array<i32: 0>} : vector<16xi32>
    %add3A_1516 = arith.constant 16 : i32
    %add3A_1517 = vector.broadcast %add3A_1516 : i32 to vector<16xi32>
    %add3A_1518 = arith.addi %iota3A_1515, %add3A_1517 : vector<16xi32>
    %gather3A_1519 = tpu.vector_load_idx %arg11[%add3A_1518, %add3A_1505] : memref<64x128xf32, #tpu.memory_space<vmem>>[vector<16xi32>, vector<16xi32>], vector<16xf32>,
    %swap3A_1520 = arith.constant 13 : i32
    %swap3A_1521 = arith.index_cast %swap3A_1520 : i32 to index
    %swap3A_1522 = arith.constant 16 : index
    %swap3A_1523 = tpu.vector_load %arg14[%swap3A_1521, %swap3A_1522] {strides = array<i32>} : memref<32x64xf32, #tpu.memory_space<vmem>>, vector<16xf32>,
    tpu.vector_store %arg14[%swap3A_1521, %swap3A_1522], %gather3A_1519 {strides = array<i32>} : memref<32x64xf32, #tpu.memory_space<vmem>>, vector<16xf32>,
    %iota3A_1524 = tpu.iota {dimensions = array<i32: 0>} : vector<16xi32>
    %add3A_1525 = arith.constant 32 : i32
    %add3A_1526 = vector.broadcast %add3A_1525 : i32 to vector<16xi32>
    %add3A_1527 = arith.addi %iota3A_1524, %add3A_1526 : vector<16xi32>
    %gather3A_1528 = tpu.vector_load_idx %arg11[%add3A_1527, %add3A_1505] : memref<64x128xf32, #tpu.memory_space<vmem>>[vector<16xi32>, vector<16xi32>], vector<16xf32>,
    %swap3A_1529 = arith.constant 13 : i32
    %swap3A_1530 = arith.index_cast %swap3A_1529 : i32 to index
    %swap3A_1531 = arith.constant 32 : index
    %swap3A_1532 = tpu.vector_load %arg14[%swap3A_1530, %swap3A_1531] {strides = array<i32>} : memref<32x64xf32, #tpu.memory_space<vmem>>, vector<16xf32>,
    tpu.vector_store %arg14[%swap3A_1530, %swap3A_1531], %gather3A_1528 {strides = array<i32>} : memref<32x64xf32, #tpu.memory_space<vmem>>, vector<16xf32>,
    %iota3A_1533 = tpu.iota {dimensions = array<i32: 0>} : vector<16xi32>
    %add3A_1534 = arith.constant 48 : i32
    %add3A_1535 = vector.broadcast %add3A_1534 : i32 to vector<16xi32>
    %add3A_1536 = arith.addi %iota3A_1533, %add3A_1535 : vector<16xi32>
    %gather3A_1537 = tpu.vector_load_idx %arg11[%add3A_1536, %add3A_1505] : memref<64x128xf32, #tpu.memory_space<vmem>>[vector<16xi32>, vector<16xi32>], vector<16xf32>,
    %swap3A_1538 = arith.constant 13 : i32
    %swap3A_1539 = arith.index_cast %swap3A_1538 : i32 to index
    %swap3A_1540 = arith.constant 48 : index
    %swap3A_1541 = tpu.vector_load %arg14[%swap3A_1539, %swap3A_1540] {strides = array<i32>} : memref<32x64xf32, #tpu.memory_space<vmem>>, vector<16xf32>,
    tpu.vector_store %arg14[%swap3A_1539, %swap3A_1540], %gather3A_1537 {strides = array<i32>} : memref<32x64xf32, #tpu.memory_space<vmem>>, vector<16xf32>,
    %jit3A_1542 = arith.constant 128 : i32
    %div3A_1543 = arith.divsi %squeeze3A_47, %jit3A_1542 : i32
    %sign3A_1544 = arith.constant 0 : i32
    %sign3A_1545 = arith.cmpi sgt, %squeeze3A_47, %sign3A_1544 : i32
    %sign3A_1546 = arith.extui %sign3A_1545 : i1 to i32
    %sign3A_1547 = arith.constant 0 : i32
    %sign3A_1548 = arith.cmpi slt, %squeeze3A_47, %sign3A_1547 : i32
    %sign3A_1549 = arith.extui %sign3A_1548 : i1 to i32
    %sign3A_1550 = arith.subi %sign3A_1546, %sign3A_1549 : i32
    %sign3A_1551 = arith.constant 0 : i32
    %sign3A_1552 = arith.cmpi sgt, %jit3A_1542, %sign3A_1551 : i32
    %sign3A_1553 = arith.extui %sign3A_1552 : i1 to i32
    %sign3A_1554 = arith.constant 0 : i32
    %sign3A_1555 = arith.cmpi slt, %jit3A_1542, %sign3A_1554 : i32
    %sign3A_1556 = arith.extui %sign3A_1555 : i1 to i32
    %sign3A_1557 = arith.subi %sign3A_1553, %sign3A_1556 : i32
    %ne3A_1558 = arith.cmpi ne, %sign3A_1550, %sign3A_1557 : i32
    %rem3A_1559 = arith.remsi %squeeze3A_47, %jit3A_1542 : i32
    %ne3A_1560 = arith.constant 0 : i32
    %ne3A_1561 = arith.cmpi ne, %rem3A_1559, %ne3A_1560 : i32
    %and3A_1562 = arith.andi %ne3A_1558, %ne3A_1561 : i1
    %sub3A_1563 = arith.constant 1 : i32
    %sub3A_1564 = arith.subi %div3A_1543, %sub3A_1563 : i32
    %select_n3A_1565 = arith.select %and3A_1562, %sub3A_1564, %div3A_1543 : i32
    %mul3A_1566 = arith.constant 128 : i32
    %mul3A_1567 = arith.muli %select_n3A_1565, %mul3A_1566 : i32
    %multiple_of3A_1568 = tpu.assume_multiple %mul3A_1567, 128 : i32
    %dma_start3A_1569 = arith.constant 0 : i32
    %dma_start3A_1570 = tpu.memref_slice %arg2[%dma_start3A_1569, %multiple_of3A_1568] : memref<64x100000xf32, #tpu.memory_space<hbm>> -> memref<64x128xf32, #tpu.memory_space<hbm>>
    %dma_start3A_1571 = arith.constant 0 : i32
    %dma_start3A_1572 = tpu.memref_slice %arg2[%dma_start3A_1571, %multiple_of3A_1568] : memref<64x100000xf32, #tpu.memory_space<hbm>> -> memref<64x128xf32, #tpu.memory_space<hbm>>
    tpu.enqueue_dma source(%dma_start3A_1572 : memref<64x128xf32, #tpu.memory_space<hbm>>) target(%arg11 : memref<64x128xf32, #tpu.memory_space<vmem>>) target_semaphore(%arg20 : memref<!tpu.dma_semaphore, #tpu.memory_space<semaphore_mem>>)
    %dma_wait3A_1573 = arith.constant 0 : i32
    %dma_wait3A_1574 = tpu.memref_slice %arg2[%dma_wait3A_1573, %multiple_of3A_931] : memref<64x100000xf32, #tpu.memory_space<hbm>> -> memref<64x128xf32, #tpu.memory_space<hbm>>
    %dma_wait3A_1575 = arith.constant 0 : i32
    %dma_wait3A_1576 = tpu.memref_slice %arg2[%dma_wait3A_1575, %multiple_of3A_931] : memref<64x100000xf32, #tpu.memory_space<hbm>> -> memref<64x128xf32, #tpu.memory_space<hbm>>
    tpu.wait_dma2 semaphore(%arg21 : memref<!tpu.dma_semaphore, #tpu.memory_space<semaphore_mem>>) src(%dma_wait3A_1576 : memref<64x128xf32, #tpu.memory_space<hbm>>) dst(%arg12 : memref<64x128xf32, #tpu.memory_space<vmem>>)
    %broadcast_in_dim3A_1577 = arith.constant 0 : i32
    %broadcast_in_dim3A_1578 = vector.broadcast %broadcast_in_dim3A_1577 : i32 to vector<16xi32>
    %jit3A_1579 = arith.constant 128 : i32
    %eq3A_1580 = arith.constant 0 : i32
    %eq3A_1581 = arith.cmpi eq, %jit3A_1579, %eq3A_1580 : i32
    %jit3A_1582 = arith.constant 1 : i32
    %select_n3A_1583 = arith.select %eq3A_1581, %jit3A_1582, %jit3A_1579 : i32
    %rem3A_1584 = arith.remsi %squeeze3A_31, %select_n3A_1583 : i32
    %ne3A_1585 = arith.constant 0 : i32
    %ne3A_1586 = arith.cmpi ne, %rem3A_1584, %ne3A_1585 : i32
    %lt3A_1587 = arith.constant 0 : i32
    %lt3A_1588 = arith.cmpi slt, %rem3A_1584, %lt3A_1587 : i32
    %lt3A_1589 = arith.constant 0 : i32
    %lt3A_1590 = arith.cmpi slt, %select_n3A_1583, %lt3A_1589 : i32
    %ne3A_1591 = arith.xori %lt3A_1588, %lt3A_1590 : i1
    %and3A_1592 = arith.andi %ne3A_1591, %ne3A_1586 : i1
    %add3A_1593 = arith.addi %rem3A_1584, %select_n3A_1583 : i32
    %select_n3A_1594 = arith.select %and3A_1592, %add3A_1593, %rem3A_1584 : i32
    %add3A_1595 = vector.broadcast %select_n3A_1594 : i32 to vector<16xi32>
    %add3A_1596 = arith.addi %broadcast_in_dim3A_1578, %add3A_1595 : vector<16xi32>
    %iota3A_1597 = tpu.iota {dimensions = array<i32: 0>} : vector<16xi32>
    %add3A_1598 = arith.constant 0 : i32
    %add3A_1599 = vector.broadcast %add3A_1598 : i32 to vector<16xi32>
    %add3A_1600 = arith.addi %iota3A_1597, %add3A_1599 : vector<16xi32>
    %gather3A_1601 = tpu.vector_load_idx %arg12[%add3A_1600, %add3A_1596] : memref<64x128xf32, #tpu.memory_space<vmem>>[vector<16xi32>, vector<16xi32>], vector<16xf32>,
    %swap3A_1602 = arith.constant 14 : i32
    %swap3A_1603 = arith.index_cast %swap3A_1602 : i32 to index
    %swap3A_1604 = arith.constant 0 : index
    %swap3A_1605 = tpu.vector_load %arg14[%swap3A_1603, %swap3A_1604] {strides = array<i32>} : memref<32x64xf32, #tpu.memory_space<vmem>>, vector<16xf32>,
    tpu.vector_store %arg14[%swap3A_1603, %swap3A_1604], %gather3A_1601 {strides = array<i32>} : memref<32x64xf32, #tpu.memory_space<vmem>>, vector<16xf32>,
    %iota3A_1606 = tpu.iota {dimensions = array<i32: 0>} : vector<16xi32>
    %add3A_1607 = arith.constant 16 : i32
    %add3A_1608 = vector.broadcast %add3A_1607 : i32 to vector<16xi32>
    %add3A_1609 = arith.addi %iota3A_1606, %add3A_1608 : vector<16xi32>
    %gather3A_1610 = tpu.vector_load_idx %arg12[%add3A_1609, %add3A_1596] : memref<64x128xf32, #tpu.memory_space<vmem>>[vector<16xi32>, vector<16xi32>], vector<16xf32>,
    %swap3A_1611 = arith.constant 14 : i32
    %swap3A_1612 = arith.index_cast %swap3A_1611 : i32 to index
    %swap3A_1613 = arith.constant 16 : index
    %swap3A_1614 = tpu.vector_load %arg14[%swap3A_1612, %swap3A_1613] {strides = array<i32>} : memref<32x64xf32, #tpu.memory_space<vmem>>, vector<16xf32>,
    tpu.vector_store %arg14[%swap3A_1612, %swap3A_1613], %gather3A_1610 {strides = array<i32>} : memref<32x64xf32, #tpu.memory_space<vmem>>, vector<16xf32>,
    %iota3A_1615 = tpu.iota {dimensions = array<i32: 0>} : vector<16xi32>
    %add3A_1616 = arith.constant 32 : i32
    %add3A_1617 = vector.broadcast %add3A_1616 : i32 to vector<16xi32>
    %add3A_1618 = arith.addi %iota3A_1615, %add3A_1617 : vector<16xi32>
    %gather3A_1619 = tpu.vector_load_idx %arg12[%add3A_1618, %add3A_1596] : memref<64x128xf32, #tpu.memory_space<vmem>>[vector<16xi32>, vector<16xi32>], vector<16xf32>,
    %swap3A_1620 = arith.constant 14 : i32
    %swap3A_1621 = arith.index_cast %swap3A_1620 : i32 to index
    %swap3A_1622 = arith.constant 32 : index
    %swap3A_1623 = tpu.vector_load %arg14[%swap3A_1621, %swap3A_1622] {strides = array<i32>} : memref<32x64xf32, #tpu.memory_space<vmem>>, vector<16xf32>,
    tpu.vector_store %arg14[%swap3A_1621, %swap3A_1622], %gather3A_1619 {strides = array<i32>} : memref<32x64xf32, #tpu.memory_space<vmem>>, vector<16xf32>,
    %iota3A_1624 = tpu.iota {dimensions = array<i32: 0>} : vector<16xi32>
    %add3A_1625 = arith.constant 48 : i32
    %add3A_1626 = vector.broadcast %add3A_1625 : i32 to vector<16xi32>
    %add3A_1627 = arith.addi %iota3A_1624, %add3A_1626 : vector<16xi32>
    %gather3A_1628 = tpu.vector_load_idx %arg12[%add3A_1627, %add3A_1596] : memref<64x128xf32, #tpu.memory_space<vmem>>[vector<16xi32>, vector<16xi32>], vector<16xf32>,
    %swap3A_1629 = arith.constant 14 : i32
    %swap3A_1630 = arith.index_cast %swap3A_1629 : i32 to index
    %swap3A_1631 = arith.constant 48 : index
    %swap3A_1632 = tpu.vector_load %arg14[%swap3A_1630, %swap3A_1631] {strides = array<i32>} : memref<32x64xf32, #tpu.memory_space<vmem>>, vector<16xf32>,
    tpu.vector_store %arg14[%swap3A_1630, %swap3A_1631], %gather3A_1628 {strides = array<i32>} : memref<32x64xf32, #tpu.memory_space<vmem>>, vector<16xf32>,
    %jit3A_1633 = arith.constant 128 : i32
    %div3A_1634 = arith.divsi %squeeze3A_49, %jit3A_1633 : i32
    %sign3A_1635 = arith.constant 0 : i32
    %sign3A_1636 = arith.cmpi sgt, %squeeze3A_49, %sign3A_1635 : i32
    %sign3A_1637 = arith.extui %sign3A_1636 : i1 to i32
    %sign3A_1638 = arith.constant 0 : i32
    %sign3A_1639 = arith.cmpi slt, %squeeze3A_49, %sign3A_1638 : i32
    %sign3A_1640 = arith.extui %sign3A_1639 : i1 to i32
    %sign3A_1641 = arith.subi %sign3A_1637, %sign3A_1640 : i32
    %sign3A_1642 = arith.constant 0 : i32
    %sign3A_1643 = arith.cmpi sgt, %jit3A_1633, %sign3A_1642 : i32
    %sign3A_1644 = arith.extui %sign3A_1643 : i1 to i32
    %sign3A_1645 = arith.constant 0 : i32
    %sign3A_1646 = arith.cmpi slt, %jit3A_1633, %sign3A_1645 : i32
    %sign3A_1647 = arith.extui %sign3A_1646 : i1 to i32
    %sign3A_1648 = arith.subi %sign3A_1644, %sign3A_1647 : i32
    %ne3A_1649 = arith.cmpi ne, %sign3A_1641, %sign3A_1648 : i32
    %rem3A_1650 = arith.remsi %squeeze3A_49, %jit3A_1633 : i32
    %ne3A_1651 = arith.constant 0 : i32
    %ne3A_1652 = arith.cmpi ne, %rem3A_1650, %ne3A_1651 : i32
    %and3A_1653 = arith.andi %ne3A_1649, %ne3A_1652 : i1
    %sub3A_1654 = arith.constant 1 : i32
    %sub3A_1655 = arith.subi %div3A_1634, %sub3A_1654 : i32
    %select_n3A_1656 = arith.select %and3A_1653, %sub3A_1655, %div3A_1634 : i32
    %mul3A_1657 = arith.constant 128 : i32
    %mul3A_1658 = arith.muli %select_n3A_1656, %mul3A_1657 : i32
    %multiple_of3A_1659 = tpu.assume_multiple %mul3A_1658, 128 : i32
    %dma_start3A_1660 = arith.constant 0 : i32
    %dma_start3A_1661 = tpu.memref_slice %arg2[%dma_start3A_1660, %multiple_of3A_1659] : memref<64x100000xf32, #tpu.memory_space<hbm>> -> memref<64x128xf32, #tpu.memory_space<hbm>>
    %dma_start3A_1662 = arith.constant 0 : i32
    %dma_start3A_1663 = tpu.memref_slice %arg2[%dma_start3A_1662, %multiple_of3A_1659] : memref<64x100000xf32, #tpu.memory_space<hbm>> -> memref<64x128xf32, #tpu.memory_space<hbm>>
    tpu.enqueue_dma source(%dma_start3A_1663 : memref<64x128xf32, #tpu.memory_space<hbm>>) target(%arg12 : memref<64x128xf32, #tpu.memory_space<vmem>>) target_semaphore(%arg21 : memref<!tpu.dma_semaphore, #tpu.memory_space<semaphore_mem>>)
    %dma_wait3A_1664 = arith.constant 0 : i32
    %dma_wait3A_1665 = tpu.memref_slice %arg2[%dma_wait3A_1664, %multiple_of3A_1022] : memref<64x100000xf32, #tpu.memory_space<hbm>> -> memref<64x128xf32, #tpu.memory_space<hbm>>
    %dma_wait3A_1666 = arith.constant 0 : i32
    %dma_wait3A_1667 = tpu.memref_slice %arg2[%dma_wait3A_1666, %multiple_of3A_1022] : memref<64x100000xf32, #tpu.memory_space<hbm>> -> memref<64x128xf32, #tpu.memory_space<hbm>>
    tpu.wait_dma2 semaphore(%arg22 : memref<!tpu.dma_semaphore, #tpu.memory_space<semaphore_mem>>) src(%dma_wait3A_1667 : memref<64x128xf32, #tpu.memory_space<hbm>>) dst(%arg13 : memref<64x128xf32, #tpu.memory_space<vmem>>)
    %broadcast_in_dim3A_1668 = arith.constant 0 : i32
    %broadcast_in_dim3A_1669 = vector.broadcast %broadcast_in_dim3A_1668 : i32 to vector<16xi32>
    %jit3A_1670 = arith.constant 128 : i32
    %eq3A_1671 = arith.constant 0 : i32
    %eq3A_1672 = arith.cmpi eq, %jit3A_1670, %eq3A_1671 : i32
    %jit3A_1673 = arith.constant 1 : i32
    %select_n3A_1674 = arith.select %eq3A_1672, %jit3A_1673, %jit3A_1670 : i32
    %rem3A_1675 = arith.remsi %squeeze3A_33, %select_n3A_1674 : i32
    %ne3A_1676 = arith.constant 0 : i32
    %ne3A_1677 = arith.cmpi ne, %rem3A_1675, %ne3A_1676 : i32
    %lt3A_1678 = arith.constant 0 : i32
    %lt3A_1679 = arith.cmpi slt, %rem3A_1675, %lt3A_1678 : i32
    %lt3A_1680 = arith.constant 0 : i32
    %lt3A_1681 = arith.cmpi slt, %select_n3A_1674, %lt3A_1680 : i32
    %ne3A_1682 = arith.xori %lt3A_1679, %lt3A_1681 : i1
    %and3A_1683 = arith.andi %ne3A_1682, %ne3A_1677 : i1
    %add3A_1684 = arith.addi %rem3A_1675, %select_n3A_1674 : i32
    %select_n3A_1685 = arith.select %and3A_1683, %add3A_1684, %rem3A_1675 : i32
    %add3A_1686 = vector.broadcast %select_n3A_1685 : i32 to vector<16xi32>
    %add3A_1687 = arith.addi %broadcast_in_dim3A_1669, %add3A_1686 : vector<16xi32>
    %iota3A_1688 = tpu.iota {dimensions = array<i32: 0>} : vector<16xi32>
    %add3A_1689 = arith.constant 0 : i32
    %add3A_1690 = vector.broadcast %add3A_1689 : i32 to vector<16xi32>
    %add3A_1691 = arith.addi %iota3A_1688, %add3A_1690 : vector<16xi32>
    %gather3A_1692 = tpu.vector_load_idx %arg13[%add3A_1691, %add3A_1687] : memref<64x128xf32, #tpu.memory_space<vmem>>[vector<16xi32>, vector<16xi32>], vector<16xf32>,
    %swap3A_1693 = arith.constant 15 : i32
    %swap3A_1694 = arith.index_cast %swap3A_1693 : i32 to index
    %swap3A_1695 = arith.constant 0 : index
    %swap3A_1696 = tpu.vector_load %arg14[%swap3A_1694, %swap3A_1695] {strides = array<i32>} : memref<32x64xf32, #tpu.memory_space<vmem>>, vector<16xf32>,
    tpu.vector_store %arg14[%swap3A_1694, %swap3A_1695], %gather3A_1692 {strides = array<i32>} : memref<32x64xf32, #tpu.memory_space<vmem>>, vector<16xf32>,
    %iota3A_1697 = tpu.iota {dimensions = array<i32: 0>} : vector<16xi32>
    %add3A_1698 = arith.constant 16 : i32
    %add3A_1699 = vector.broadcast %add3A_1698 : i32 to vector<16xi32>
    %add3A_1700 = arith.addi %iota3A_1697, %add3A_1699 : vector<16xi32>
    %gather3A_1701 = tpu.vector_load_idx %arg13[%add3A_1700, %add3A_1687] : memref<64x128xf32, #tpu.memory_space<vmem>>[vector<16xi32>, vector<16xi32>], vector<16xf32>,
    %swap3A_1702 = arith.constant 15 : i32
    %swap3A_1703 = arith.index_cast %swap3A_1702 : i32 to index
    %swap3A_1704 = arith.constant 16 : index
    %swap3A_1705 = tpu.vector_load %arg14[%swap3A_1703, %swap3A_1704] {strides = array<i32>} : memref<32x64xf32, #tpu.memory_space<vmem>>, vector<16xf32>,
    tpu.vector_store %arg14[%swap3A_1703, %swap3A_1704], %gather3A_1701 {strides = array<i32>} : memref<32x64xf32, #tpu.memory_space<vmem>>, vector<16xf32>,
    %iota3A_1706 = tpu.iota {dimensions = array<i32: 0>} : vector<16xi32>
    %add3A_1707 = arith.constant 32 : i32
    %add3A_1708 = vector.broadcast %add3A_1707 : i32 to vector<16xi32>
    %add3A_1709 = arith.addi %iota3A_1706, %add3A_1708 : vector<16xi32>
    %gather3A_1710 = tpu.vector_load_idx %arg13[%add3A_1709, %add3A_1687] : memref<64x128xf32, #tpu.memory_space<vmem>>[vector<16xi32>, vector<16xi32>], vector<16xf32>,
    %swap3A_1711 = arith.constant 15 : i32
    %swap3A_1712 = arith.index_cast %swap3A_1711 : i32 to index
    %swap3A_1713 = arith.constant 32 : index
    %swap3A_1714 = tpu.vector_load %arg14[%swap3A_1712, %swap3A_1713] {strides = array<i32>} : memref<32x64xf32, #tpu.memory_space<vmem>>, vector<16xf32>,
    tpu.vector_store %arg14[%swap3A_1712, %swap3A_1713], %gather3A_1710 {strides = array<i32>} : memref<32x64xf32, #tpu.memory_space<vmem>>, vector<16xf32>,
    %iota3A_1715 = tpu.iota {dimensions = array<i32: 0>} : vector<16xi32>
    %add3A_1716 = arith.constant 48 : i32
    %add3A_1717 = vector.broadcast %add3A_1716 : i32 to vector<16xi32>
    %add3A_1718 = arith.addi %iota3A_1715, %add3A_1717 : vector<16xi32>
    %gather3A_1719 = tpu.vector_load_idx %arg13[%add3A_1718, %add3A_1687] : memref<64x128xf32, #tpu.memory_space<vmem>>[vector<16xi32>, vector<16xi32>], vector<16xf32>,
    %swap3A_1720 = arith.constant 15 : i32
    %swap3A_1721 = arith.index_cast %swap3A_1720 : i32 to index
    %swap3A_1722 = arith.constant 48 : index
    %swap3A_1723 = tpu.vector_load %arg14[%swap3A_1721, %swap3A_1722] {strides = array<i32>} : memref<32x64xf32, #tpu.memory_space<vmem>>, vector<16xf32>,
    tpu.vector_store %arg14[%swap3A_1721, %swap3A_1722], %gather3A_1719 {strides = array<i32>} : memref<32x64xf32, #tpu.memory_space<vmem>>, vector<16xf32>,
    %jit3A_1724 = arith.constant 128 : i32
    %div3A_1725 = arith.divsi %squeeze3A_51, %jit3A_1724 : i32
    %sign3A_1726 = arith.constant 0 : i32
    %sign3A_1727 = arith.cmpi sgt, %squeeze3A_51, %sign3A_1726 : i32
    %sign3A_1728 = arith.extui %sign3A_1727 : i1 to i32
    %sign3A_1729 = arith.constant 0 : i32
    %sign3A_1730 = arith.cmpi slt, %squeeze3A_51, %sign3A_1729 : i32
    %sign3A_1731 = arith.extui %sign3A_1730 : i1 to i32
    %sign3A_1732 = arith.subi %sign3A_1728, %sign3A_1731 : i32
    %sign3A_1733 = arith.constant 0 : i32
    %sign3A_1734 = arith.cmpi sgt, %jit3A_1724, %sign3A_1733 : i32
    %sign3A_1735 = arith.extui %sign3A_1734 : i1 to i32
    %sign3A_1736 = arith.constant 0 : i32
    %sign3A_1737 = arith.cmpi slt, %jit3A_1724, %sign3A_1736 : i32
    %sign3A_1738 = arith.extui %sign3A_1737 : i1 to i32
    %sign3A_1739 = arith.subi %sign3A_1735, %sign3A_1738 : i32
    %ne3A_1740 = arith.cmpi ne, %sign3A_1732, %sign3A_1739 : i32
    %rem3A_1741 = arith.remsi %squeeze3A_51, %jit3A_1724 : i32
    %ne3A_1742 = arith.constant 0 : i32
    %ne3A_1743 = arith.cmpi ne, %rem3A_1741, %ne3A_1742 : i32
    %and3A_1744 = arith.andi %ne3A_1740, %ne3A_1743 : i1
    %sub3A_1745 = arith.constant 1 : i32
    %sub3A_1746 = arith.subi %div3A_1725, %sub3A_1745 : i32
    %select_n3A_1747 = arith.select %and3A_1744, %sub3A_1746, %div3A_1725 : i32
    %mul3A_1748 = arith.constant 128 : i32
    %mul3A_1749 = arith.muli %select_n3A_1747, %mul3A_1748 : i32
    %multiple_of3A_1750 = tpu.assume_multiple %mul3A_1749, 128 : i32
    %dma_start3A_1751 = arith.constant 0 : i32
    %dma_start3A_1752 = tpu.memref_slice %arg2[%dma_start3A_1751, %multiple_of3A_1750] : memref<64x100000xf32, #tpu.memory_space<hbm>> -> memref<64x128xf32, #tpu.memory_space<hbm>>
    %dma_start3A_1753 = arith.constant 0 : i32
    %dma_start3A_1754 = tpu.memref_slice %arg2[%dma_start3A_1753, %multiple_of3A_1750] : memref<64x100000xf32, #tpu.memory_space<hbm>> -> memref<64x128xf32, #tpu.memory_space<hbm>>
    tpu.enqueue_dma source(%dma_start3A_1754 : memref<64x128xf32, #tpu.memory_space<hbm>>) target(%arg13 : memref<64x128xf32, #tpu.memory_space<vmem>>) target_semaphore(%arg22 : memref<!tpu.dma_semaphore, #tpu.memory_space<semaphore_mem>>)
    %dma_wait3A_1755 = arith.constant 0 : i32
    %dma_wait3A_1756 = tpu.memref_slice %arg2[%dma_wait3A_1755, %multiple_of3A_1113] : memref<64x100000xf32, #tpu.memory_space<hbm>> -> memref<64x128xf32, #tpu.memory_space<hbm>>
    %dma_wait3A_1757 = arith.constant 0 : i32
    %dma_wait3A_1758 = tpu.memref_slice %arg2[%dma_wait3A_1757, %multiple_of3A_1113] : memref<64x100000xf32, #tpu.memory_space<hbm>> -> memref<64x128xf32, #tpu.memory_space<hbm>>
    tpu.wait_dma2 semaphore(%arg15 : memref<!tpu.dma_semaphore, #tpu.memory_space<semaphore_mem>>) src(%dma_wait3A_1758 : memref<64x128xf32, #tpu.memory_space<hbm>>) dst(%arg6 : memref<64x128xf32, #tpu.memory_space<vmem>>)
    %broadcast_in_dim3A_1759 = arith.constant 0 : i32
    %broadcast_in_dim3A_1760 = vector.broadcast %broadcast_in_dim3A_1759 : i32 to vector<16xi32>
    %jit3A_1761 = arith.constant 128 : i32
    %eq3A_1762 = arith.constant 0 : i32
    %eq3A_1763 = arith.cmpi eq, %jit3A_1761, %eq3A_1762 : i32
    %jit3A_1764 = arith.constant 1 : i32
    %select_n3A_1765 = arith.select %eq3A_1763, %jit3A_1764, %jit3A_1761 : i32
    %rem3A_1766 = arith.remsi %squeeze3A_37, %select_n3A_1765 : i32
    %ne3A_1767 = arith.constant 0 : i32
    %ne3A_1768 = arith.cmpi ne, %rem3A_1766, %ne3A_1767 : i32
    %lt3A_1769 = arith.constant 0 : i32
    %lt3A_1770 = arith.cmpi slt, %rem3A_1766, %lt3A_1769 : i32
    %lt3A_1771 = arith.constant 0 : i32
    %lt3A_1772 = arith.cmpi slt, %select_n3A_1765, %lt3A_1771 : i32
    %ne3A_1773 = arith.xori %lt3A_1770, %lt3A_1772 : i1
    %and3A_1774 = arith.andi %ne3A_1773, %ne3A_1768 : i1
    %add3A_1775 = arith.addi %rem3A_1766, %select_n3A_1765 : i32
    %select_n3A_1776 = arith.select %and3A_1774, %add3A_1775, %rem3A_1766 : i32
    %add3A_1777 = vector.broadcast %select_n3A_1776 : i32 to vector<16xi32>
    %add3A_1778 = arith.addi %broadcast_in_dim3A_1760, %add3A_1777 : vector<16xi32>
    %iota3A_1779 = tpu.iota {dimensions = array<i32: 0>} : vector<16xi32>
    %add3A_1780 = arith.constant 0 : i32
    %add3A_1781 = vector.broadcast %add3A_1780 : i32 to vector<16xi32>
    %add3A_1782 = arith.addi %iota3A_1779, %add3A_1781 : vector<16xi32>
    %gather3A_1783 = tpu.vector_load_idx %arg6[%add3A_1782, %add3A_1778] : memref<64x128xf32, #tpu.memory_space<vmem>>[vector<16xi32>, vector<16xi32>], vector<16xf32>,
    %swap3A_1784 = arith.constant 16 : i32
    %swap3A_1785 = arith.index_cast %swap3A_1784 : i32 to index
    %swap3A_1786 = arith.constant 0 : index
    %swap3A_1787 = tpu.vector_load %arg14[%swap3A_1785, %swap3A_1786] {strides = array<i32>} : memref<32x64xf32, #tpu.memory_space<vmem>>, vector<16xf32>,
    tpu.vector_store %arg14[%swap3A_1785, %swap3A_1786], %gather3A_1783 {strides = array<i32>} : memref<32x64xf32, #tpu.memory_space<vmem>>, vector<16xf32>,
    %iota3A_1788 = tpu.iota {dimensions = array<i32: 0>} : vector<16xi32>
    %add3A_1789 = arith.constant 16 : i32
    %add3A_1790 = vector.broadcast %add3A_1789 : i32 to vector<16xi32>
    %add3A_1791 = arith.addi %iota3A_1788, %add3A_1790 : vector<16xi32>
    %gather3A_1792 = tpu.vector_load_idx %arg6[%add3A_1791, %add3A_1778] : memref<64x128xf32, #tpu.memory_space<vmem>>[vector<16xi32>, vector<16xi32>], vector<16xf32>,
    %swap3A_1793 = arith.constant 16 : i32
    %swap3A_1794 = arith.index_cast %swap3A_1793 : i32 to index
    %swap3A_1795 = arith.constant 16 : index
    %swap3A_1796 = tpu.vector_load %arg14[%swap3A_1794, %swap3A_1795] {strides = array<i32>} : memref<32x64xf32, #tpu.memory_space<vmem>>, vector<16xf32>,
    tpu.vector_store %arg14[%swap3A_1794, %swap3A_1795], %gather3A_1792 {strides = array<i32>} : memref<32x64xf32, #tpu.memory_space<vmem>>, vector<16xf32>,
    %iota3A_1797 = tpu.iota {dimensions = array<i32: 0>} : vector<16xi32>
    %add3A_1798 = arith.constant 32 : i32
    %add3A_1799 = vector.broadcast %add3A_1798 : i32 to vector<16xi32>
    %add3A_1800 = arith.addi %iota3A_1797, %add3A_1799 : vector<16xi32>
    %gather3A_1801 = tpu.vector_load_idx %arg6[%add3A_1800, %add3A_1778] : memref<64x128xf32, #tpu.memory_space<vmem>>[vector<16xi32>, vector<16xi32>], vector<16xf32>,
    %swap3A_1802 = arith.constant 16 : i32
    %swap3A_1803 = arith.index_cast %swap3A_1802 : i32 to index
    %swap3A_1804 = arith.constant 32 : index
    %swap3A_1805 = tpu.vector_load %arg14[%swap3A_1803, %swap3A_1804] {strides = array<i32>} : memref<32x64xf32, #tpu.memory_space<vmem>>, vector<16xf32>,
    tpu.vector_store %arg14[%swap3A_1803, %swap3A_1804], %gather3A_1801 {strides = array<i32>} : memref<32x64xf32, #tpu.memory_space<vmem>>, vector<16xf32>,
    %iota3A_1806 = tpu.iota {dimensions = array<i32: 0>} : vector<16xi32>
    %add3A_1807 = arith.constant 48 : i32
    %add3A_1808 = vector.broadcast %add3A_1807 : i32 to vector<16xi32>
    %add3A_1809 = arith.addi %iota3A_1806, %add3A_1808 : vector<16xi32>
    %gather3A_1810 = tpu.vector_load_idx %arg6[%add3A_1809, %add3A_1778] : memref<64x128xf32, #tpu.memory_space<vmem>>[vector<16xi32>, vector<16xi32>], vector<16xf32>,
    %swap3A_1811 = arith.constant 16 : i32
    %swap3A_1812 = arith.index_cast %swap3A_1811 : i32 to index
    %swap3A_1813 = arith.constant 48 : index
    %swap3A_1814 = tpu.vector_load %arg14[%swap3A_1812, %swap3A_1813] {strides = array<i32>} : memref<32x64xf32, #tpu.memory_space<vmem>>, vector<16xf32>,
    tpu.vector_store %arg14[%swap3A_1812, %swap3A_1813], %gather3A_1810 {strides = array<i32>} : memref<32x64xf32, #tpu.memory_space<vmem>>, vector<16xf32>,
    %jit3A_1815 = arith.constant 128 : i32
    %div3A_1816 = arith.divsi %squeeze3A_53, %jit3A_1815 : i32
    %sign3A_1817 = arith.constant 0 : i32
    %sign3A_1818 = arith.cmpi sgt, %squeeze3A_53, %sign3A_1817 : i32
    %sign3A_1819 = arith.extui %sign3A_1818 : i1 to i32
    %sign3A_1820 = arith.constant 0 : i32
    %sign3A_1821 = arith.cmpi slt, %squeeze3A_53, %sign3A_1820 : i32
    %sign3A_1822 = arith.extui %sign3A_1821 : i1 to i32
    %sign3A_1823 = arith.subi %sign3A_1819, %sign3A_1822 : i32
    %sign3A_1824 = arith.constant 0 : i32
    %sign3A_1825 = arith.cmpi sgt, %jit3A_1815, %sign3A_1824 : i32
    %sign3A_1826 = arith.extui %sign3A_1825 : i1 to i32
    %sign3A_1827 = arith.constant 0 : i32
    %sign3A_1828 = arith.cmpi slt, %jit3A_1815, %sign3A_1827 : i32
    %sign3A_1829 = arith.extui %sign3A_1828 : i1 to i32
    %sign3A_1830 = arith.subi %sign3A_1826, %sign3A_1829 : i32
    %ne3A_1831 = arith.cmpi ne, %sign3A_1823, %sign3A_1830 : i32
    %rem3A_1832 = arith.remsi %squeeze3A_53, %jit3A_1815 : i32
    %ne3A_1833 = arith.constant 0 : i32
    %ne3A_1834 = arith.cmpi ne, %rem3A_1832, %ne3A_1833 : i32
    %and3A_1835 = arith.andi %ne3A_1831, %ne3A_1834 : i1
    %sub3A_1836 = arith.constant 1 : i32
    %sub3A_1837 = arith.subi %div3A_1816, %sub3A_1836 : i32
    %select_n3A_1838 = arith.select %and3A_1835, %sub3A_1837, %div3A_1816 : i32
    %mul3A_1839 = arith.constant 128 : i32
    %mul3A_1840 = arith.muli %select_n3A_1838, %mul3A_1839 : i32
    %multiple_of3A_1841 = tpu.assume_multiple %mul3A_1840, 128 : i32
    %dma_start3A_1842 = arith.constant 0 : i32
    %dma_start3A_1843 = tpu.memref_slice %arg2[%dma_start3A_1842, %multiple_of3A_1841] : memref<64x100000xf32, #tpu.memory_space<hbm>> -> memref<64x128xf32, #tpu.memory_space<hbm>>
    %dma_start3A_1844 = arith.constant 0 : i32
    %dma_start3A_1845 = tpu.memref_slice %arg2[%dma_start3A_1844, %multiple_of3A_1841] : memref<64x100000xf32, #tpu.memory_space<hbm>> -> memref<64x128xf32, #tpu.memory_space<hbm>>
    tpu.enqueue_dma source(%dma_start3A_1845 : memref<64x128xf32, #tpu.memory_space<hbm>>) target(%arg6 : memref<64x128xf32, #tpu.memory_space<vmem>>) target_semaphore(%arg15 : memref<!tpu.dma_semaphore, #tpu.memory_space<semaphore_mem>>)
    %dma_wait3A_1846 = arith.constant 0 : i32
    %dma_wait3A_1847 = tpu.memref_slice %arg2[%dma_wait3A_1846, %multiple_of3A_1204] : memref<64x100000xf32, #tpu.memory_space<hbm>> -> memref<64x128xf32, #tpu.memory_space<hbm>>
    %dma_wait3A_1848 = arith.constant 0 : i32
    %dma_wait3A_1849 = tpu.memref_slice %arg2[%dma_wait3A_1848, %multiple_of3A_1204] : memref<64x100000xf32, #tpu.memory_space<hbm>> -> memref<64x128xf32, #tpu.memory_space<hbm>>
    tpu.wait_dma2 semaphore(%arg16 : memref<!tpu.dma_semaphore, #tpu.memory_space<semaphore_mem>>) src(%dma_wait3A_1849 : memref<64x128xf32, #tpu.memory_space<hbm>>) dst(%arg7 : memref<64x128xf32, #tpu.memory_space<vmem>>)
    %broadcast_in_dim3A_1850 = arith.constant 0 : i32
    %broadcast_in_dim3A_1851 = vector.broadcast %broadcast_in_dim3A_1850 : i32 to vector<16xi32>
    %jit3A_1852 = arith.constant 128 : i32
    %eq3A_1853 = arith.constant 0 : i32
    %eq3A_1854 = arith.cmpi eq, %jit3A_1852, %eq3A_1853 : i32
    %jit3A_1855 = arith.constant 1 : i32
    %select_n3A_1856 = arith.select %eq3A_1854, %jit3A_1855, %jit3A_1852 : i32
    %rem3A_1857 = arith.remsi %squeeze3A_39, %select_n3A_1856 : i32
    %ne3A_1858 = arith.constant 0 : i32
    %ne3A_1859 = arith.cmpi ne, %rem3A_1857, %ne3A_1858 : i32
    %lt3A_1860 = arith.constant 0 : i32
    %lt3A_1861 = arith.cmpi slt, %rem3A_1857, %lt3A_1860 : i32
    %lt3A_1862 = arith.constant 0 : i32
    %lt3A_1863 = arith.cmpi slt, %select_n3A_1856, %lt3A_1862 : i32
    %ne3A_1864 = arith.xori %lt3A_1861, %lt3A_1863 : i1
    %and3A_1865 = arith.andi %ne3A_1864, %ne3A_1859 : i1
    %add3A_1866 = arith.addi %rem3A_1857, %select_n3A_1856 : i32
    %select_n3A_1867 = arith.select %and3A_1865, %add3A_1866, %rem3A_1857 : i32
    %add3A_1868 = vector.broadcast %select_n3A_1867 : i32 to vector<16xi32>
    %add3A_1869 = arith.addi %broadcast_in_dim3A_1851, %add3A_1868 : vector<16xi32>
    %iota3A_1870 = tpu.iota {dimensions = array<i32: 0>} : vector<16xi32>
    %add3A_1871 = arith.constant 0 : i32
    %add3A_1872 = vector.broadcast %add3A_1871 : i32 to vector<16xi32>
    %add3A_1873 = arith.addi %iota3A_1870, %add3A_1872 : vector<16xi32>
    %gather3A_1874 = tpu.vector_load_idx %arg7[%add3A_1873, %add3A_1869] : memref<64x128xf32, #tpu.memory_space<vmem>>[vector<16xi32>, vector<16xi32>], vector<16xf32>,
    %swap3A_1875 = arith.constant 17 : i32
    %swap3A_1876 = arith.index_cast %swap3A_1875 : i32 to index
    %swap3A_1877 = arith.constant 0 : index
    %swap3A_1878 = tpu.vector_load %arg14[%swap3A_1876, %swap3A_1877] {strides = array<i32>} : memref<32x64xf32, #tpu.memory_space<vmem>>, vector<16xf32>,
    tpu.vector_store %arg14[%swap3A_1876, %swap3A_1877], %gather3A_1874 {strides = array<i32>} : memref<32x64xf32, #tpu.memory_space<vmem>>, vector<16xf32>,
    %iota3A_1879 = tpu.iota {dimensions = array<i32: 0>} : vector<16xi32>
    %add3A_1880 = arith.constant 16 : i32
    %add3A_1881 = vector.broadcast %add3A_1880 : i32 to vector<16xi32>
    %add3A_1882 = arith.addi %iota3A_1879, %add3A_1881 : vector<16xi32>
    %gather3A_1883 = tpu.vector_load_idx %arg7[%add3A_1882, %add3A_1869] : memref<64x128xf32, #tpu.memory_space<vmem>>[vector<16xi32>, vector<16xi32>], vector<16xf32>,
    %swap3A_1884 = arith.constant 17 : i32
    %swap3A_1885 = arith.index_cast %swap3A_1884 : i32 to index
    %swap3A_1886 = arith.constant 16 : index
    %swap3A_1887 = tpu.vector_load %arg14[%swap3A_1885, %swap3A_1886] {strides = array<i32>} : memref<32x64xf32, #tpu.memory_space<vmem>>, vector<16xf32>,
    tpu.vector_store %arg14[%swap3A_1885, %swap3A_1886], %gather3A_1883 {strides = array<i32>} : memref<32x64xf32, #tpu.memory_space<vmem>>, vector<16xf32>,
    %iota3A_1888 = tpu.iota {dimensions = array<i32: 0>} : vector<16xi32>
    %add3A_1889 = arith.constant 32 : i32
    %add3A_1890 = vector.broadcast %add3A_1889 : i32 to vector<16xi32>
    %add3A_1891 = arith.addi %iota3A_1888, %add3A_1890 : vector<16xi32>
    %gather3A_1892 = tpu.vector_load_idx %arg7[%add3A_1891, %add3A_1869] : memref<64x128xf32, #tpu.memory_space<vmem>>[vector<16xi32>, vector<16xi32>], vector<16xf32>,
    %swap3A_1893 = arith.constant 17 : i32
    %swap3A_1894 = arith.index_cast %swap3A_1893 : i32 to index
    %swap3A_1895 = arith.constant 32 : index
    %swap3A_1896 = tpu.vector_load %arg14[%swap3A_1894, %swap3A_1895] {strides = array<i32>} : memref<32x64xf32, #tpu.memory_space<vmem>>, vector<16xf32>,
    tpu.vector_store %arg14[%swap3A_1894, %swap3A_1895], %gather3A_1892 {strides = array<i32>} : memref<32x64xf32, #tpu.memory_space<vmem>>, vector<16xf32>,
    %iota3A_1897 = tpu.iota {dimensions = array<i32: 0>} : vector<16xi32>
    %add3A_1898 = arith.constant 48 : i32
    %add3A_1899 = vector.broadcast %add3A_1898 : i32 to vector<16xi32>
    %add3A_1900 = arith.addi %iota3A_1897, %add3A_1899 : vector<16xi32>
    %gather3A_1901 = tpu.vector_load_idx %arg7[%add3A_1900, %add3A_1869] : memref<64x128xf32, #tpu.memory_space<vmem>>[vector<16xi32>, vector<16xi32>], vector<16xf32>,
    %swap3A_1902 = arith.constant 17 : i32
    %swap3A_1903 = arith.index_cast %swap3A_1902 : i32 to index
    %swap3A_1904 = arith.constant 48 : index
    %swap3A_1905 = tpu.vector_load %arg14[%swap3A_1903, %swap3A_1904] {strides = array<i32>} : memref<32x64xf32, #tpu.memory_space<vmem>>, vector<16xf32>,
    tpu.vector_store %arg14[%swap3A_1903, %swap3A_1904], %gather3A_1901 {strides = array<i32>} : memref<32x64xf32, #tpu.memory_space<vmem>>, vector<16xf32>,
    %jit3A_1906 = arith.constant 128 : i32
    %div3A_1907 = arith.divsi %squeeze3A_55, %jit3A_1906 : i32
    %sign3A_1908 = arith.constant 0 : i32
    %sign3A_1909 = arith.cmpi sgt, %squeeze3A_55, %sign3A_1908 : i32
    %sign3A_1910 = arith.extui %sign3A_1909 : i1 to i32
    %sign3A_1911 = arith.constant 0 : i32
    %sign3A_1912 = arith.cmpi slt, %squeeze3A_55, %sign3A_1911 : i32
    %sign3A_1913 = arith.extui %sign3A_1912 : i1 to i32
    %sign3A_1914 = arith.subi %sign3A_1910, %sign3A_1913 : i32
    %sign3A_1915 = arith.constant 0 : i32
    %sign3A_1916 = arith.cmpi sgt, %jit3A_1906, %sign3A_1915 : i32
    %sign3A_1917 = arith.extui %sign3A_1916 : i1 to i32
    %sign3A_1918 = arith.constant 0 : i32
    %sign3A_1919 = arith.cmpi slt, %jit3A_1906, %sign3A_1918 : i32
    %sign3A_1920 = arith.extui %sign3A_1919 : i1 to i32
    %sign3A_1921 = arith.subi %sign3A_1917, %sign3A_1920 : i32
    %ne3A_1922 = arith.cmpi ne, %sign3A_1914, %sign3A_1921 : i32
    %rem3A_1923 = arith.remsi %squeeze3A_55, %jit3A_1906 : i32
    %ne3A_1924 = arith.constant 0 : i32
    %ne3A_1925 = arith.cmpi ne, %rem3A_1923, %ne3A_1924 : i32
    %and3A_1926 = arith.andi %ne3A_1922, %ne3A_1925 : i1
    %sub3A_1927 = arith.constant 1 : i32
    %sub3A_1928 = arith.subi %div3A_1907, %sub3A_1927 : i32
    %select_n3A_1929 = arith.select %and3A_1926, %sub3A_1928, %div3A_1907 : i32
    %mul3A_1930 = arith.constant 128 : i32
    %mul3A_1931 = arith.muli %select_n3A_1929, %mul3A_1930 : i32
    %multiple_of3A_1932 = tpu.assume_multiple %mul3A_1931, 128 : i32
    %dma_start3A_1933 = arith.constant 0 : i32
    %dma_start3A_1934 = tpu.memref_slice %arg2[%dma_start3A_1933, %multiple_of3A_1932] : memref<64x100000xf32, #tpu.memory_space<hbm>> -> memref<64x128xf32, #tpu.memory_space<hbm>>
    %dma_start3A_1935 = arith.constant 0 : i32
    %dma_start3A_1936 = tpu.memref_slice %arg2[%dma_start3A_1935, %multiple_of3A_1932] : memref<64x100000xf32, #tpu.memory_space<hbm>> -> memref<64x128xf32, #tpu.memory_space<hbm>>
    tpu.enqueue_dma source(%dma_start3A_1936 : memref<64x128xf32, #tpu.memory_space<hbm>>) target(%arg7 : memref<64x128xf32, #tpu.memory_space<vmem>>) target_semaphore(%arg16 : memref<!tpu.dma_semaphore, #tpu.memory_space<semaphore_mem>>)
    %dma_wait3A_1937 = arith.constant 0 : i32
    %dma_wait3A_1938 = tpu.memref_slice %arg2[%dma_wait3A_1937, %multiple_of3A_1295] : memref<64x100000xf32, #tpu.memory_space<hbm>> -> memref<64x128xf32, #tpu.memory_space<hbm>>
    %dma_wait3A_1939 = arith.constant 0 : i32
    %dma_wait3A_1940 = tpu.memref_slice %arg2[%dma_wait3A_1939, %multiple_of3A_1295] : memref<64x100000xf32, #tpu.memory_space<hbm>> -> memref<64x128xf32, #tpu.memory_space<hbm>>
    tpu.wait_dma2 semaphore(%arg17 : memref<!tpu.dma_semaphore, #tpu.memory_space<semaphore_mem>>) src(%dma_wait3A_1940 : memref<64x128xf32, #tpu.memory_space<hbm>>) dst(%arg8 : memref<64x128xf32, #tpu.memory_space<vmem>>)
    %broadcast_in_dim3A_1941 = arith.constant 0 : i32
    %broadcast_in_dim3A_1942 = vector.broadcast %broadcast_in_dim3A_1941 : i32 to vector<16xi32>
    %jit3A_1943 = arith.constant 128 : i32
    %eq3A_1944 = arith.constant 0 : i32
    %eq3A_1945 = arith.cmpi eq, %jit3A_1943, %eq3A_1944 : i32
    %jit3A_1946 = arith.constant 1 : i32
    %select_n3A_1947 = arith.select %eq3A_1945, %jit3A_1946, %jit3A_1943 : i32
    %rem3A_1948 = arith.remsi %squeeze3A_41, %select_n3A_1947 : i32
    %ne3A_1949 = arith.constant 0 : i32
    %ne3A_1950 = arith.cmpi ne, %rem3A_1948, %ne3A_1949 : i32
    %lt3A_1951 = arith.constant 0 : i32
    %lt3A_1952 = arith.cmpi slt, %rem3A_1948, %lt3A_1951 : i32
    %lt3A_1953 = arith.constant 0 : i32
    %lt3A_1954 = arith.cmpi slt, %select_n3A_1947, %lt3A_1953 : i32
    %ne3A_1955 = arith.xori %lt3A_1952, %lt3A_1954 : i1
    %and3A_1956 = arith.andi %ne3A_1955, %ne3A_1950 : i1
    %add3A_1957 = arith.addi %rem3A_1948, %select_n3A_1947 : i32
    %select_n3A_1958 = arith.select %and3A_1956, %add3A_1957, %rem3A_1948 : i32
    %add3A_1959 = vector.broadcast %select_n3A_1958 : i32 to vector<16xi32>
    %add3A_1960 = arith.addi %broadcast_in_dim3A_1942, %add3A_1959 : vector<16xi32>
    %iota3A_1961 = tpu.iota {dimensions = array<i32: 0>} : vector<16xi32>
    %add3A_1962 = arith.constant 0 : i32
    %add3A_1963 = vector.broadcast %add3A_1962 : i32 to vector<16xi32>
    %add3A_1964 = arith.addi %iota3A_1961, %add3A_1963 : vector<16xi32>
    %gather3A_1965 = tpu.vector_load_idx %arg8[%add3A_1964, %add3A_1960] : memref<64x128xf32, #tpu.memory_space<vmem>>[vector<16xi32>, vector<16xi32>], vector<16xf32>,
    %swap3A_1966 = arith.constant 18 : i32
    %swap3A_1967 = arith.index_cast %swap3A_1966 : i32 to index
    %swap3A_1968 = arith.constant 0 : index
    %swap3A_1969 = tpu.vector_load %arg14[%swap3A_1967, %swap3A_1968] {strides = array<i32>} : memref<32x64xf32, #tpu.memory_space<vmem>>, vector<16xf32>,
    tpu.vector_store %arg14[%swap3A_1967, %swap3A_1968], %gather3A_1965 {strides = array<i32>} : memref<32x64xf32, #tpu.memory_space<vmem>>, vector<16xf32>,
    %iota3A_1970 = tpu.iota {dimensions = array<i32: 0>} : vector<16xi32>
    %add3A_1971 = arith.constant 16 : i32
    %add3A_1972 = vector.broadcast %add3A_1971 : i32 to vector<16xi32>
    %add3A_1973 = arith.addi %iota3A_1970, %add3A_1972 : vector<16xi32>
    %gather3A_1974 = tpu.vector_load_idx %arg8[%add3A_1973, %add3A_1960] : memref<64x128xf32, #tpu.memory_space<vmem>>[vector<16xi32>, vector<16xi32>], vector<16xf32>,
    %swap3A_1975 = arith.constant 18 : i32
    %swap3A_1976 = arith.index_cast %swap3A_1975 : i32 to index
    %swap3A_1977 = arith.constant 16 : index
    %swap3A_1978 = tpu.vector_load %arg14[%swap3A_1976, %swap3A_1977] {strides = array<i32>} : memref<32x64xf32, #tpu.memory_space<vmem>>, vector<16xf32>,
    tpu.vector_store %arg14[%swap3A_1976, %swap3A_1977], %gather3A_1974 {strides = array<i32>} : memref<32x64xf32, #tpu.memory_space<vmem>>, vector<16xf32>,
    %iota3A_1979 = tpu.iota {dimensions = array<i32: 0>} : vector<16xi32>
    %add3A_1980 = arith.constant 32 : i32
    %add3A_1981 = vector.broadcast %add3A_1980 : i32 to vector<16xi32>
    %add3A_1982 = arith.addi %iota3A_1979, %add3A_1981 : vector<16xi32>
    %gather3A_1983 = tpu.vector_load_idx %arg8[%add3A_1982, %add3A_1960] : memref<64x128xf32, #tpu.memory_space<vmem>>[vector<16xi32>, vector<16xi32>], vector<16xf32>,
    %swap3A_1984 = arith.constant 18 : i32
    %swap3A_1985 = arith.index_cast %swap3A_1984 : i32 to index
    %swap3A_1986 = arith.constant 32 : index
    %swap3A_1987 = tpu.vector_load %arg14[%swap3A_1985, %swap3A_1986] {strides = array<i32>} : memref<32x64xf32, #tpu.memory_space<vmem>>, vector<16xf32>,
    tpu.vector_store %arg14[%swap3A_1985, %swap3A_1986], %gather3A_1983 {strides = array<i32>} : memref<32x64xf32, #tpu.memory_space<vmem>>, vector<16xf32>,
    %iota3A_1988 = tpu.iota {dimensions = array<i32: 0>} : vector<16xi32>
    %add3A_1989 = arith.constant 48 : i32
    %add3A_1990 = vector.broadcast %add3A_1989 : i32 to vector<16xi32>
    %add3A_1991 = arith.addi %iota3A_1988, %add3A_1990 : vector<16xi32>
    %gather3A_1992 = tpu.vector_load_idx %arg8[%add3A_1991, %add3A_1960] : memref<64x128xf32, #tpu.memory_space<vmem>>[vector<16xi32>, vector<16xi32>], vector<16xf32>,
    %swap3A_1993 = arith.constant 18 : i32
    %swap3A_1994 = arith.index_cast %swap3A_1993 : i32 to index
    %swap3A_1995 = arith.constant 48 : index
    %swap3A_1996 = tpu.vector_load %arg14[%swap3A_1994, %swap3A_1995] {strides = array<i32>} : memref<32x64xf32, #tpu.memory_space<vmem>>, vector<16xf32>,
    tpu.vector_store %arg14[%swap3A_1994, %swap3A_1995], %gather3A_1992 {strides = array<i32>} : memref<32x64xf32, #tpu.memory_space<vmem>>, vector<16xf32>,
    %jit3A_1997 = arith.constant 128 : i32
    %div3A_1998 = arith.divsi %squeeze3A_57, %jit3A_1997 : i32
    %sign3A_1999 = arith.constant 0 : i32
    %sign3A_2000 = arith.cmpi sgt, %squeeze3A_57, %sign3A_1999 : i32
    %sign3A_2001 = arith.extui %sign3A_2000 : i1 to i32
    %sign3A_2002 = arith.constant 0 : i32
    %sign3A_2003 = arith.cmpi slt, %squeeze3A_57, %sign3A_2002 : i32
    %sign3A_2004 = arith.extui %sign3A_2003 : i1 to i32
    %sign3A_2005 = arith.subi %sign3A_2001, %sign3A_2004 : i32
    %sign3A_2006 = arith.constant 0 : i32
    %sign3A_2007 = arith.cmpi sgt, %jit3A_1997, %sign3A_2006 : i32
    %sign3A_2008 = arith.extui %sign3A_2007 : i1 to i32
    %sign3A_2009 = arith.constant 0 : i32
    %sign3A_2010 = arith.cmpi slt, %jit3A_1997, %sign3A_2009 : i32
    %sign3A_2011 = arith.extui %sign3A_2010 : i1 to i32
    %sign3A_2012 = arith.subi %sign3A_2008, %sign3A_2011 : i32
    %ne3A_2013 = arith.cmpi ne, %sign3A_2005, %sign3A_2012 : i32
    %rem3A_2014 = arith.remsi %squeeze3A_57, %jit3A_1997 : i32
    %ne3A_2015 = arith.constant 0 : i32
    %ne3A_2016 = arith.cmpi ne, %rem3A_2014, %ne3A_2015 : i32
    %and3A_2017 = arith.andi %ne3A_2013, %ne3A_2016 : i1
    %sub3A_2018 = arith.constant 1 : i32
    %sub3A_2019 = arith.subi %div3A_1998, %sub3A_2018 : i32
    %select_n3A_2020 = arith.select %and3A_2017, %sub3A_2019, %div3A_1998 : i32
    %mul3A_2021 = arith.constant 128 : i32
    %mul3A_2022 = arith.muli %select_n3A_2020, %mul3A_2021 : i32
    %multiple_of3A_2023 = tpu.assume_multiple %mul3A_2022, 128 : i32
    %dma_start3A_2024 = arith.constant 0 : i32
    %dma_start3A_2025 = tpu.memref_slice %arg2[%dma_start3A_2024, %multiple_of3A_2023] : memref<64x100000xf32, #tpu.memory_space<hbm>> -> memref<64x128xf32, #tpu.memory_space<hbm>>
    %dma_start3A_2026 = arith.constant 0 : i32
    %dma_start3A_2027 = tpu.memref_slice %arg2[%dma_start3A_2026, %multiple_of3A_2023] : memref<64x100000xf32, #tpu.memory_space<hbm>> -> memref<64x128xf32, #tpu.memory_space<hbm>>
    tpu.enqueue_dma source(%dma_start3A_2027 : memref<64x128xf32, #tpu.memory_space<hbm>>) target(%arg8 : memref<64x128xf32, #tpu.memory_space<vmem>>) target_semaphore(%arg17 : memref<!tpu.dma_semaphore, #tpu.memory_space<semaphore_mem>>)
    %dma_wait3A_2028 = arith.constant 0 : i32
    %dma_wait3A_2029 = tpu.memref_slice %arg2[%dma_wait3A_2028, %multiple_of3A_1386] : memref<64x100000xf32, #tpu.memory_space<hbm>> -> memref<64x128xf32, #tpu.memory_space<hbm>>
    %dma_wait3A_2030 = arith.constant 0 : i32
    %dma_wait3A_2031 = tpu.memref_slice %arg2[%dma_wait3A_2030, %multiple_of3A_1386] : memref<64x100000xf32, #tpu.memory_space<hbm>> -> memref<64x128xf32, #tpu.memory_space<hbm>>
    tpu.wait_dma2 semaphore(%arg18 : memref<!tpu.dma_semaphore, #tpu.memory_space<semaphore_mem>>) src(%dma_wait3A_2031 : memref<64x128xf32, #tpu.memory_space<hbm>>) dst(%arg9 : memref<64x128xf32, #tpu.memory_space<vmem>>)
    %broadcast_in_dim3A_2032 = arith.constant 0 : i32
    %broadcast_in_dim3A_2033 = vector.broadcast %broadcast_in_dim3A_2032 : i32 to vector<16xi32>
    %jit3A_2034 = arith.constant 128 : i32
    %eq3A_2035 = arith.constant 0 : i32
    %eq3A_2036 = arith.cmpi eq, %jit3A_2034, %eq3A_2035 : i32
    %jit3A_2037 = arith.constant 1 : i32
    %select_n3A_2038 = arith.select %eq3A_2036, %jit3A_2037, %jit3A_2034 : i32
    %rem3A_2039 = arith.remsi %squeeze3A_43, %select_n3A_2038 : i32
    %ne3A_2040 = arith.constant 0 : i32
    %ne3A_2041 = arith.cmpi ne, %rem3A_2039, %ne3A_2040 : i32
    %lt3A_2042 = arith.constant 0 : i32
    %lt3A_2043 = arith.cmpi slt, %rem3A_2039, %lt3A_2042 : i32
    %lt3A_2044 = arith.constant 0 : i32
    %lt3A_2045 = arith.cmpi slt, %select_n3A_2038, %lt3A_2044 : i32
    %ne3A_2046 = arith.xori %lt3A_2043, %lt3A_2045 : i1
    %and3A_2047 = arith.andi %ne3A_2046, %ne3A_2041 : i1
    %add3A_2048 = arith.addi %rem3A_2039, %select_n3A_2038 : i32
    %select_n3A_2049 = arith.select %and3A_2047, %add3A_2048, %rem3A_2039 : i32
    %add3A_2050 = vector.broadcast %select_n3A_2049 : i32 to vector<16xi32>
    %add3A_2051 = arith.addi %broadcast_in_dim3A_2033, %add3A_2050 : vector<16xi32>
    %iota3A_2052 = tpu.iota {dimensions = array<i32: 0>} : vector<16xi32>
    %add3A_2053 = arith.constant 0 : i32
    %add3A_2054 = vector.broadcast %add3A_2053 : i32 to vector<16xi32>
    %add3A_2055 = arith.addi %iota3A_2052, %add3A_2054 : vector<16xi32>
    %gather3A_2056 = tpu.vector_load_idx %arg9[%add3A_2055, %add3A_2051] : memref<64x128xf32, #tpu.memory_space<vmem>>[vector<16xi32>, vector<16xi32>], vector<16xf32>,
    %swap3A_2057 = arith.constant 19 : i32
    %swap3A_2058 = arith.index_cast %swap3A_2057 : i32 to index
    %swap3A_2059 = arith.constant 0 : index
    %swap3A_2060 = tpu.vector_load %arg14[%swap3A_2058, %swap3A_2059] {strides = array<i32>} : memref<32x64xf32, #tpu.memory_space<vmem>>, vector<16xf32>,
    tpu.vector_store %arg14[%swap3A_2058, %swap3A_2059], %gather3A_2056 {strides = array<i32>} : memref<32x64xf32, #tpu.memory_space<vmem>>, vector<16xf32>,
    %iota3A_2061 = tpu.iota {dimensions = array<i32: 0>} : vector<16xi32>
    %add3A_2062 = arith.constant 16 : i32
    %add3A_2063 = vector.broadcast %add3A_2062 : i32 to vector<16xi32>
    %add3A_2064 = arith.addi %iota3A_2061, %add3A_2063 : vector<16xi32>
    %gather3A_2065 = tpu.vector_load_idx %arg9[%add3A_2064, %add3A_2051] : memref<64x128xf32, #tpu.memory_space<vmem>>[vector<16xi32>, vector<16xi32>], vector<16xf32>,
    %swap3A_2066 = arith.constant 19 : i32
    %swap3A_2067 = arith.index_cast %swap3A_2066 : i32 to index
    %swap3A_2068 = arith.constant 16 : index
    %swap3A_2069 = tpu.vector_load %arg14[%swap3A_2067, %swap3A_2068] {strides = array<i32>} : memref<32x64xf32, #tpu.memory_space<vmem>>, vector<16xf32>,
    tpu.vector_store %arg14[%swap3A_2067, %swap3A_2068], %gather3A_2065 {strides = array<i32>} : memref<32x64xf32, #tpu.memory_space<vmem>>, vector<16xf32>,
    %iota3A_2070 = tpu.iota {dimensions = array<i32: 0>} : vector<16xi32>
    %add3A_2071 = arith.constant 32 : i32
    %add3A_2072 = vector.broadcast %add3A_2071 : i32 to vector<16xi32>
    %add3A_2073 = arith.addi %iota3A_2070, %add3A_2072 : vector<16xi32>
    %gather3A_2074 = tpu.vector_load_idx %arg9[%add3A_2073, %add3A_2051] : memref<64x128xf32, #tpu.memory_space<vmem>>[vector<16xi32>, vector<16xi32>], vector<16xf32>,
    %swap3A_2075 = arith.constant 19 : i32
    %swap3A_2076 = arith.index_cast %swap3A_2075 : i32 to index
    %swap3A_2077 = arith.constant 32 : index
    %swap3A_2078 = tpu.vector_load %arg14[%swap3A_2076, %swap3A_2077] {strides = array<i32>} : memref<32x64xf32, #tpu.memory_space<vmem>>, vector<16xf32>,
    tpu.vector_store %arg14[%swap3A_2076, %swap3A_2077], %gather3A_2074 {strides = array<i32>} : memref<32x64xf32, #tpu.memory_space<vmem>>, vector<16xf32>,
    %iota3A_2079 = tpu.iota {dimensions = array<i32: 0>} : vector<16xi32>
    %add3A_2080 = arith.constant 48 : i32
    %add3A_2081 = vector.broadcast %add3A_2080 : i32 to vector<16xi32>
    %add3A_2082 = arith.addi %iota3A_2079, %add3A_2081 : vector<16xi32>
    %gather3A_2083 = tpu.vector_load_idx %arg9[%add3A_2082, %add3A_2051] : memref<64x128xf32, #tpu.memory_space<vmem>>[vector<16xi32>, vector<16xi32>], vector<16xf32>,
    %swap3A_2084 = arith.constant 19 : i32
    %swap3A_2085 = arith.index_cast %swap3A_2084 : i32 to index
    %swap3A_2086 = arith.constant 48 : index
    %swap3A_2087 = tpu.vector_load %arg14[%swap3A_2085, %swap3A_2086] {strides = array<i32>} : memref<32x64xf32, #tpu.memory_space<vmem>>, vector<16xf32>,
    tpu.vector_store %arg14[%swap3A_2085, %swap3A_2086], %gather3A_2083 {strides = array<i32>} : memref<32x64xf32, #tpu.memory_space<vmem>>, vector<16xf32>,
    %jit3A_2088 = arith.constant 128 : i32
    %div3A_2089 = arith.divsi %squeeze3A_59, %jit3A_2088 : i32
    %sign3A_2090 = arith.constant 0 : i32
    %sign3A_2091 = arith.cmpi sgt, %squeeze3A_59, %sign3A_2090 : i32
    %sign3A_2092 = arith.extui %sign3A_2091 : i1 to i32
    %sign3A_2093 = arith.constant 0 : i32
    %sign3A_2094 = arith.cmpi slt, %squeeze3A_59, %sign3A_2093 : i32
    %sign3A_2095 = arith.extui %sign3A_2094 : i1 to i32
    %sign3A_2096 = arith.subi %sign3A_2092, %sign3A_2095 : i32
    %sign3A_2097 = arith.constant 0 : i32
    %sign3A_2098 = arith.cmpi sgt, %jit3A_2088, %sign3A_2097 : i32
    %sign3A_2099 = arith.extui %sign3A_2098 : i1 to i32
    %sign3A_2100 = arith.constant 0 : i32
    %sign3A_2101 = arith.cmpi slt, %jit3A_2088, %sign3A_2100 : i32
    %sign3A_2102 = arith.extui %sign3A_2101 : i1 to i32
    %sign3A_2103 = arith.subi %sign3A_2099, %sign3A_2102 : i32
    %ne3A_2104 = arith.cmpi ne, %sign3A_2096, %sign3A_2103 : i32
    %rem3A_2105 = arith.remsi %squeeze3A_59, %jit3A_2088 : i32
    %ne3A_2106 = arith.constant 0 : i32
    %ne3A_2107 = arith.cmpi ne, %rem3A_2105, %ne3A_2106 : i32
    %and3A_2108 = arith.andi %ne3A_2104, %ne3A_2107 : i1
    %sub3A_2109 = arith.constant 1 : i32
    %sub3A_2110 = arith.subi %div3A_2089, %sub3A_2109 : i32
    %select_n3A_2111 = arith.select %and3A_2108, %sub3A_2110, %div3A_2089 : i32
    %mul3A_2112 = arith.constant 128 : i32
    %mul3A_2113 = arith.muli %select_n3A_2111, %mul3A_2112 : i32
    %multiple_of3A_2114 = tpu.assume_multiple %mul3A_2113, 128 : i32
    %dma_start3A_2115 = arith.constant 0 : i32
    %dma_start3A_2116 = tpu.memref_slice %arg2[%dma_start3A_2115, %multiple_of3A_2114] : memref<64x100000xf32, #tpu.memory_space<hbm>> -> memref<64x128xf32, #tpu.memory_space<hbm>>
    %dma_start3A_2117 = arith.constant 0 : i32
    %dma_start3A_2118 = tpu.memref_slice %arg2[%dma_start3A_2117, %multiple_of3A_2114] : memref<64x100000xf32, #tpu.memory_space<hbm>> -> memref<64x128xf32, #tpu.memory_space<hbm>>
    tpu.enqueue_dma source(%dma_start3A_2118 : memref<64x128xf32, #tpu.memory_space<hbm>>) target(%arg9 : memref<64x128xf32, #tpu.memory_space<vmem>>) target_semaphore(%arg18 : memref<!tpu.dma_semaphore, #tpu.memory_space<semaphore_mem>>)
    %dma_wait3A_2119 = arith.constant 0 : i32
    %dma_wait3A_2120 = tpu.memref_slice %arg2[%dma_wait3A_2119, %multiple_of3A_1477] : memref<64x100000xf32, #tpu.memory_space<hbm>> -> memref<64x128xf32, #tpu.memory_space<hbm>>
    %dma_wait3A_2121 = arith.constant 0 : i32
    %dma_wait3A_2122 = tpu.memref_slice %arg2[%dma_wait3A_2121, %multiple_of3A_1477] : memref<64x100000xf32, #tpu.memory_space<hbm>> -> memref<64x128xf32, #tpu.memory_space<hbm>>
    tpu.wait_dma2 semaphore(%arg19 : memref<!tpu.dma_semaphore, #tpu.memory_space<semaphore_mem>>) src(%dma_wait3A_2122 : memref<64x128xf32, #tpu.memory_space<hbm>>) dst(%arg10 : memref<64x128xf32, #tpu.memory_space<vmem>>)
    %broadcast_in_dim3A_2123 = arith.constant 0 : i32
    %broadcast_in_dim3A_2124 = vector.broadcast %broadcast_in_dim3A_2123 : i32 to vector<16xi32>
    %jit3A_2125 = arith.constant 128 : i32
    %eq3A_2126 = arith.constant 0 : i32
    %eq3A_2127 = arith.cmpi eq, %jit3A_2125, %eq3A_2126 : i32
    %jit3A_2128 = arith.constant 1 : i32
    %select_n3A_2129 = arith.select %eq3A_2127, %jit3A_2128, %jit3A_2125 : i32
    %rem3A_2130 = arith.remsi %squeeze3A_45, %select_n3A_2129 : i32
    %ne3A_2131 = arith.constant 0 : i32
    %ne3A_2132 = arith.cmpi ne, %rem3A_2130, %ne3A_2131 : i32
    %lt3A_2133 = arith.constant 0 : i32
    %lt3A_2134 = arith.cmpi slt, %rem3A_2130, %lt3A_2133 : i32
    %lt3A_2135 = arith.constant 0 : i32
    %lt3A_2136 = arith.cmpi slt, %select_n3A_2129, %lt3A_2135 : i32
    %ne3A_2137 = arith.xori %lt3A_2134, %lt3A_2136 : i1
    %and3A_2138 = arith.andi %ne3A_2137, %ne3A_2132 : i1
    %add3A_2139 = arith.addi %rem3A_2130, %select_n3A_2129 : i32
    %select_n3A_2140 = arith.select %and3A_2138, %add3A_2139, %rem3A_2130 : i32
    %add3A_2141 = vector.broadcast %select_n3A_2140 : i32 to vector<16xi32>
    %add3A_2142 = arith.addi %broadcast_in_dim3A_2124, %add3A_2141 : vector<16xi32>
    %iota3A_2143 = tpu.iota {dimensions = array<i32: 0>} : vector<16xi32>
    %add3A_2144 = arith.constant 0 : i32
    %add3A_2145 = vector.broadcast %add3A_2144 : i32 to vector<16xi32>
    %add3A_2146 = arith.addi %iota3A_2143, %add3A_2145 : vector<16xi32>
    %gather3A_2147 = tpu.vector_load_idx %arg10[%add3A_2146, %add3A_2142] : memref<64x128xf32, #tpu.memory_space<vmem>>[vector<16xi32>, vector<16xi32>], vector<16xf32>,
    %swap3A_2148 = arith.constant 20 : i32
    %swap3A_2149 = arith.index_cast %swap3A_2148 : i32 to index
    %swap3A_2150 = arith.constant 0 : index
    %swap3A_2151 = tpu.vector_load %arg14[%swap3A_2149, %swap3A_2150] {strides = array<i32>} : memref<32x64xf32, #tpu.memory_space<vmem>>, vector<16xf32>,
    tpu.vector_store %arg14[%swap3A_2149, %swap3A_2150], %gather3A_2147 {strides = array<i32>} : memref<32x64xf32, #tpu.memory_space<vmem>>, vector<16xf32>,
    %iota3A_2152 = tpu.iota {dimensions = array<i32: 0>} : vector<16xi32>
    %add3A_2153 = arith.constant 16 : i32
    %add3A_2154 = vector.broadcast %add3A_2153 : i32 to vector<16xi32>
    %add3A_2155 = arith.addi %iota3A_2152, %add3A_2154 : vector<16xi32>
    %gather3A_2156 = tpu.vector_load_idx %arg10[%add3A_2155, %add3A_2142] : memref<64x128xf32, #tpu.memory_space<vmem>>[vector<16xi32>, vector<16xi32>], vector<16xf32>,
    %swap3A_2157 = arith.constant 20 : i32
    %swap3A_2158 = arith.index_cast %swap3A_2157 : i32 to index
    %swap3A_2159 = arith.constant 16 : index
    %swap3A_2160 = tpu.vector_load %arg14[%swap3A_2158, %swap3A_2159] {strides = array<i32>} : memref<32x64xf32, #tpu.memory_space<vmem>>, vector<16xf32>,
    tpu.vector_store %arg14[%swap3A_2158, %swap3A_2159], %gather3A_2156 {strides = array<i32>} : memref<32x64xf32, #tpu.memory_space<vmem>>, vector<16xf32>,
    %iota3A_2161 = tpu.iota {dimensions = array<i32: 0>} : vector<16xi32>
    %add3A_2162 = arith.constant 32 : i32
    %add3A_2163 = vector.broadcast %add3A_2162 : i32 to vector<16xi32>
    %add3A_2164 = arith.addi %iota3A_2161, %add3A_2163 : vector<16xi32>
    %gather3A_2165 = tpu.vector_load_idx %arg10[%add3A_2164, %add3A_2142] : memref<64x128xf32, #tpu.memory_space<vmem>>[vector<16xi32>, vector<16xi32>], vector<16xf32>,
    %swap3A_2166 = arith.constant 20 : i32
    %swap3A_2167 = arith.index_cast %swap3A_2166 : i32 to index
    %swap3A_2168 = arith.constant 32 : index
    %swap3A_2169 = tpu.vector_load %arg14[%swap3A_2167, %swap3A_2168] {strides = array<i32>} : memref<32x64xf32, #tpu.memory_space<vmem>>, vector<16xf32>,
    tpu.vector_store %arg14[%swap3A_2167, %swap3A_2168], %gather3A_2165 {strides = array<i32>} : memref<32x64xf32, #tpu.memory_space<vmem>>, vector<16xf32>,
    %iota3A_2170 = tpu.iota {dimensions = array<i32: 0>} : vector<16xi32>
    %add3A_2171 = arith.constant 48 : i32
    %add3A_2172 = vector.broadcast %add3A_2171 : i32 to vector<16xi32>
    %add3A_2173 = arith.addi %iota3A_2170, %add3A_2172 : vector<16xi32>
    %gather3A_2174 = tpu.vector_load_idx %arg10[%add3A_2173, %add3A_2142] : memref<64x128xf32, #tpu.memory_space<vmem>>[vector<16xi32>, vector<16xi32>], vector<16xf32>,
    %swap3A_2175 = arith.constant 20 : i32
    %swap3A_2176 = arith.index_cast %swap3A_2175 : i32 to index
    %swap3A_2177 = arith.constant 48 : index
    %swap3A_2178 = tpu.vector_load %arg14[%swap3A_2176, %swap3A_2177] {strides = array<i32>} : memref<32x64xf32, #tpu.memory_space<vmem>>, vector<16xf32>,
    tpu.vector_store %arg14[%swap3A_2176, %swap3A_2177], %gather3A_2174 {strides = array<i32>} : memref<32x64xf32, #tpu.memory_space<vmem>>, vector<16xf32>,
    %jit3A_2179 = arith.constant 128 : i32
    %div3A_2180 = arith.divsi %squeeze3A_61, %jit3A_2179 : i32
    %sign3A_2181 = arith.constant 0 : i32
    %sign3A_2182 = arith.cmpi sgt, %squeeze3A_61, %sign3A_2181 : i32
    %sign3A_2183 = arith.extui %sign3A_2182 : i1 to i32
    %sign3A_2184 = arith.constant 0 : i32
    %sign3A_2185 = arith.cmpi slt, %squeeze3A_61, %sign3A_2184 : i32
    %sign3A_2186 = arith.extui %sign3A_2185 : i1 to i32
    %sign3A_2187 = arith.subi %sign3A_2183, %sign3A_2186 : i32
    %sign3A_2188 = arith.constant 0 : i32
    %sign3A_2189 = arith.cmpi sgt, %jit3A_2179, %sign3A_2188 : i32
    %sign3A_2190 = arith.extui %sign3A_2189 : i1 to i32
    %sign3A_2191 = arith.constant 0 : i32
    %sign3A_2192 = arith.cmpi slt, %jit3A_2179, %sign3A_2191 : i32
    %sign3A_2193 = arith.extui %sign3A_2192 : i1 to i32
    %sign3A_2194 = arith.subi %sign3A_2190, %sign3A_2193 : i32
    %ne3A_2195 = arith.cmpi ne, %sign3A_2187, %sign3A_2194 : i32
    %rem3A_2196 = arith.remsi %squeeze3A_61, %jit3A_2179 : i32
    %ne3A_2197 = arith.constant 0 : i32
    %ne3A_2198 = arith.cmpi ne, %rem3A_2196, %ne3A_2197 : i32
    %and3A_2199 = arith.andi %ne3A_2195, %ne3A_2198 : i1
    %sub3A_2200 = arith.constant 1 : i32
    %sub3A_2201 = arith.subi %div3A_2180, %sub3A_2200 : i32
    %select_n3A_2202 = arith.select %and3A_2199, %sub3A_2201, %div3A_2180 : i32
    %mul3A_2203 = arith.constant 128 : i32
    %mul3A_2204 = arith.muli %select_n3A_2202, %mul3A_2203 : i32
    %multiple_of3A_2205 = tpu.assume_multiple %mul3A_2204, 128 : i32
    %dma_start3A_2206 = arith.constant 0 : i32
    %dma_start3A_2207 = tpu.memref_slice %arg2[%dma_start3A_2206, %multiple_of3A_2205] : memref<64x100000xf32, #tpu.memory_space<hbm>> -> memref<64x128xf32, #tpu.memory_space<hbm>>
    %dma_start3A_2208 = arith.constant 0 : i32
    %dma_start3A_2209 = tpu.memref_slice %arg2[%dma_start3A_2208, %multiple_of3A_2205] : memref<64x100000xf32, #tpu.memory_space<hbm>> -> memref<64x128xf32, #tpu.memory_space<hbm>>
    tpu.enqueue_dma source(%dma_start3A_2209 : memref<64x128xf32, #tpu.memory_space<hbm>>) target(%arg10 : memref<64x128xf32, #tpu.memory_space<vmem>>) target_semaphore(%arg19 : memref<!tpu.dma_semaphore, #tpu.memory_space<semaphore_mem>>)
    %dma_wait3A_2210 = arith.constant 0 : i32
    %dma_wait3A_2211 = tpu.memref_slice %arg2[%dma_wait3A_2210, %multiple_of3A_1568] : memref<64x100000xf32, #tpu.memory_space<hbm>> -> memref<64x128xf32, #tpu.memory_space<hbm>>
    %dma_wait3A_2212 = arith.constant 0 : i32
    %dma_wait3A_2213 = tpu.memref_slice %arg2[%dma_wait3A_2212, %multiple_of3A_1568] : memref<64x100000xf32, #tpu.memory_space<hbm>> -> memref<64x128xf32, #tpu.memory_space<hbm>>
    tpu.wait_dma2 semaphore(%arg20 : memref<!tpu.dma_semaphore, #tpu.memory_space<semaphore_mem>>) src(%dma_wait3A_2213 : memref<64x128xf32, #tpu.memory_space<hbm>>) dst(%arg11 : memref<64x128xf32, #tpu.memory_space<vmem>>)
    %broadcast_in_dim3A_2214 = arith.constant 0 : i32
    %broadcast_in_dim3A_2215 = vector.broadcast %broadcast_in_dim3A_2214 : i32 to vector<16xi32>
    %jit3A_2216 = arith.constant 128 : i32
    %eq3A_2217 = arith.constant 0 : i32
    %eq3A_2218 = arith.cmpi eq, %jit3A_2216, %eq3A_2217 : i32
    %jit3A_2219 = arith.constant 1 : i32
    %select_n3A_2220 = arith.select %eq3A_2218, %jit3A_2219, %jit3A_2216 : i32
    %rem3A_2221 = arith.remsi %squeeze3A_47, %select_n3A_2220 : i32
    %ne3A_2222 = arith.constant 0 : i32
    %ne3A_2223 = arith.cmpi ne, %rem3A_2221, %ne3A_2222 : i32
    %lt3A_2224 = arith.constant 0 : i32
    %lt3A_2225 = arith.cmpi slt, %rem3A_2221, %lt3A_2224 : i32
    %lt3A_2226 = arith.constant 0 : i32
    %lt3A_2227 = arith.cmpi slt, %select_n3A_2220, %lt3A_2226 : i32
    %ne3A_2228 = arith.xori %lt3A_2225, %lt3A_2227 : i1
    %and3A_2229 = arith.andi %ne3A_2228, %ne3A_2223 : i1
    %add3A_2230 = arith.addi %rem3A_2221, %select_n3A_2220 : i32
    %select_n3A_2231 = arith.select %and3A_2229, %add3A_2230, %rem3A_2221 : i32
    %add3A_2232 = vector.broadcast %select_n3A_2231 : i32 to vector<16xi32>
    %add3A_2233 = arith.addi %broadcast_in_dim3A_2215, %add3A_2232 : vector<16xi32>
    %iota3A_2234 = tpu.iota {dimensions = array<i32: 0>} : vector<16xi32>
    %add3A_2235 = arith.constant 0 : i32
    %add3A_2236 = vector.broadcast %add3A_2235 : i32 to vector<16xi32>
    %add3A_2237 = arith.addi %iota3A_2234, %add3A_2236 : vector<16xi32>
    %gather3A_2238 = tpu.vector_load_idx %arg11[%add3A_2237, %add3A_2233] : memref<64x128xf32, #tpu.memory_space<vmem>>[vector<16xi32>, vector<16xi32>], vector<16xf32>,
    %swap3A_2239 = arith.constant 21 : i32
    %swap3A_2240 = arith.index_cast %swap3A_2239 : i32 to index
    %swap3A_2241 = arith.constant 0 : index
    %swap3A_2242 = tpu.vector_load %arg14[%swap3A_2240, %swap3A_2241] {strides = array<i32>} : memref<32x64xf32, #tpu.memory_space<vmem>>, vector<16xf32>,
    tpu.vector_store %arg14[%swap3A_2240, %swap3A_2241], %gather3A_2238 {strides = array<i32>} : memref<32x64xf32, #tpu.memory_space<vmem>>, vector<16xf32>,
    %iota3A_2243 = tpu.iota {dimensions = array<i32: 0>} : vector<16xi32>
    %add3A_2244 = arith.constant 16 : i32
    %add3A_2245 = vector.broadcast %add3A_2244 : i32 to vector<16xi32>
    %add3A_2246 = arith.addi %iota3A_2243, %add3A_2245 : vector<16xi32>
    %gather3A_2247 = tpu.vector_load_idx %arg11[%add3A_2246, %add3A_2233] : memref<64x128xf32, #tpu.memory_space<vmem>>[vector<16xi32>, vector<16xi32>], vector<16xf32>,
    %swap3A_2248 = arith.constant 21 : i32
    %swap3A_2249 = arith.index_cast %swap3A_2248 : i32 to index
    %swap3A_2250 = arith.constant 16 : index
    %swap3A_2251 = tpu.vector_load %arg14[%swap3A_2249, %swap3A_2250] {strides = array<i32>} : memref<32x64xf32, #tpu.memory_space<vmem>>, vector<16xf32>,
    tpu.vector_store %arg14[%swap3A_2249, %swap3A_2250], %gather3A_2247 {strides = array<i32>} : memref<32x64xf32, #tpu.memory_space<vmem>>, vector<16xf32>,
    %iota3A_2252 = tpu.iota {dimensions = array<i32: 0>} : vector<16xi32>
    %add3A_2253 = arith.constant 32 : i32
    %add3A_2254 = vector.broadcast %add3A_2253 : i32 to vector<16xi32>
    %add3A_2255 = arith.addi %iota3A_2252, %add3A_2254 : vector<16xi32>
    %gather3A_2256 = tpu.vector_load_idx %arg11[%add3A_2255, %add3A_2233] : memref<64x128xf32, #tpu.memory_space<vmem>>[vector<16xi32>, vector<16xi32>], vector<16xf32>,
    %swap3A_2257 = arith.constant 21 : i32
    %swap3A_2258 = arith.index_cast %swap3A_2257 : i32 to index
    %swap3A_2259 = arith.constant 32 : index
    %swap3A_2260 = tpu.vector_load %arg14[%swap3A_2258, %swap3A_2259] {strides = array<i32>} : memref<32x64xf32, #tpu.memory_space<vmem>>, vector<16xf32>,
    tpu.vector_store %arg14[%swap3A_2258, %swap3A_2259], %gather3A_2256 {strides = array<i32>} : memref<32x64xf32, #tpu.memory_space<vmem>>, vector<16xf32>,
    %iota3A_2261 = tpu.iota {dimensions = array<i32: 0>} : vector<16xi32>
    %add3A_2262 = arith.constant 48 : i32
    %add3A_2263 = vector.broadcast %add3A_2262 : i32 to vector<16xi32>
    %add3A_2264 = arith.addi %iota3A_2261, %add3A_2263 : vector<16xi32>
    %gather3A_2265 = tpu.vector_load_idx %arg11[%add3A_2264, %add3A_2233] : memref<64x128xf32, #tpu.memory_space<vmem>>[vector<16xi32>, vector<16xi32>], vector<16xf32>,
    %swap3A_2266 = arith.constant 21 : i32
    %swap3A_2267 = arith.index_cast %swap3A_2266 : i32 to index
    %swap3A_2268 = arith.constant 48 : index
    %swap3A_2269 = tpu.vector_load %arg14[%swap3A_2267, %swap3A_2268] {strides = array<i32>} : memref<32x64xf32, #tpu.memory_space<vmem>>, vector<16xf32>,
    tpu.vector_store %arg14[%swap3A_2267, %swap3A_2268], %gather3A_2265 {strides = array<i32>} : memref<32x64xf32, #tpu.memory_space<vmem>>, vector<16xf32>,
    %jit3A_2270 = arith.constant 128 : i32
    %div3A_2271 = arith.divsi %squeeze3A_63, %jit3A_2270 : i32
    %sign3A_2272 = arith.constant 0 : i32
    %sign3A_2273 = arith.cmpi sgt, %squeeze3A_63, %sign3A_2272 : i32
    %sign3A_2274 = arith.extui %sign3A_2273 : i1 to i32
    %sign3A_2275 = arith.constant 0 : i32
    %sign3A_2276 = arith.cmpi slt, %squeeze3A_63, %sign3A_2275 : i32
    %sign3A_2277 = arith.extui %sign3A_2276 : i1 to i32
    %sign3A_2278 = arith.subi %sign3A_2274, %sign3A_2277 : i32
    %sign3A_2279 = arith.constant 0 : i32
    %sign3A_2280 = arith.cmpi sgt, %jit3A_2270, %sign3A_2279 : i32
    %sign3A_2281 = arith.extui %sign3A_2280 : i1 to i32
    %sign3A_2282 = arith.constant 0 : i32
    %sign3A_2283 = arith.cmpi slt, %jit3A_2270, %sign3A_2282 : i32
    %sign3A_2284 = arith.extui %sign3A_2283 : i1 to i32
    %sign3A_2285 = arith.subi %sign3A_2281, %sign3A_2284 : i32
    %ne3A_2286 = arith.cmpi ne, %sign3A_2278, %sign3A_2285 : i32
    %rem3A_2287 = arith.remsi %squeeze3A_63, %jit3A_2270 : i32
    %ne3A_2288 = arith.constant 0 : i32
    %ne3A_2289 = arith.cmpi ne, %rem3A_2287, %ne3A_2288 : i32
    %and3A_2290 = arith.andi %ne3A_2286, %ne3A_2289 : i1
    %sub3A_2291 = arith.constant 1 : i32
    %sub3A_2292 = arith.subi %div3A_2271, %sub3A_2291 : i32
    %select_n3A_2293 = arith.select %and3A_2290, %sub3A_2292, %div3A_2271 : i32
    %mul3A_2294 = arith.constant 128 : i32
    %mul3A_2295 = arith.muli %select_n3A_2293, %mul3A_2294 : i32
    %multiple_of3A_2296 = tpu.assume_multiple %mul3A_2295, 128 : i32
    %dma_start3A_2297 = arith.constant 0 : i32
    %dma_start3A_2298 = tpu.memref_slice %arg2[%dma_start3A_2297, %multiple_of3A_2296] : memref<64x100000xf32, #tpu.memory_space<hbm>> -> memref<64x128xf32, #tpu.memory_space<hbm>>
    %dma_start3A_2299 = arith.constant 0 : i32
    %dma_start3A_2300 = tpu.memref_slice %arg2[%dma_start3A_2299, %multiple_of3A_2296] : memref<64x100000xf32, #tpu.memory_space<hbm>> -> memref<64x128xf32, #tpu.memory_space<hbm>>
    tpu.enqueue_dma source(%dma_start3A_2300 : memref<64x128xf32, #tpu.memory_space<hbm>>) target(%arg11 : memref<64x128xf32, #tpu.memory_space<vmem>>) target_semaphore(%arg20 : memref<!tpu.dma_semaphore, #tpu.memory_space<semaphore_mem>>)
    %dma_wait3A_2301 = arith.constant 0 : i32
    %dma_wait3A_2302 = tpu.memref_slice %arg2[%dma_wait3A_2301, %multiple_of3A_1659] : memref<64x100000xf32, #tpu.memory_space<hbm>> -> memref<64x128xf32, #tpu.memory_space<hbm>>
    %dma_wait3A_2303 = arith.constant 0 : i32
    %dma_wait3A_2304 = tpu.memref_slice %arg2[%dma_wait3A_2303, %multiple_of3A_1659] : memref<64x100000xf32, #tpu.memory_space<hbm>> -> memref<64x128xf32, #tpu.memory_space<hbm>>
    tpu.wait_dma2 semaphore(%arg21 : memref<!tpu.dma_semaphore, #tpu.memory_space<semaphore_mem>>) src(%dma_wait3A_2304 : memref<64x128xf32, #tpu.memory_space<hbm>>) dst(%arg12 : memref<64x128xf32, #tpu.memory_space<vmem>>)
    %broadcast_in_dim3A_2305 = arith.constant 0 : i32
    %broadcast_in_dim3A_2306 = vector.broadcast %broadcast_in_dim3A_2305 : i32 to vector<16xi32>
    %jit3A_2307 = arith.constant 128 : i32
    %eq3A_2308 = arith.constant 0 : i32
    %eq3A_2309 = arith.cmpi eq, %jit3A_2307, %eq3A_2308 : i32
    %jit3A_2310 = arith.constant 1 : i32
    %select_n3A_2311 = arith.select %eq3A_2309, %jit3A_2310, %jit3A_2307 : i32
    %rem3A_2312 = arith.remsi %squeeze3A_49, %select_n3A_2311 : i32
    %ne3A_2313 = arith.constant 0 : i32
    %ne3A_2314 = arith.cmpi ne, %rem3A_2312, %ne3A_2313 : i32
    %lt3A_2315 = arith.constant 0 : i32
    %lt3A_2316 = arith.cmpi slt, %rem3A_2312, %lt3A_2315 : i32
    %lt3A_2317 = arith.constant 0 : i32
    %lt3A_2318 = arith.cmpi slt, %select_n3A_2311, %lt3A_2317 : i32
    %ne3A_2319 = arith.xori %lt3A_2316, %lt3A_2318 : i1
    %and3A_2320 = arith.andi %ne3A_2319, %ne3A_2314 : i1
    %add3A_2321 = arith.addi %rem3A_2312, %select_n3A_2311 : i32
    %select_n3A_2322 = arith.select %and3A_2320, %add3A_2321, %rem3A_2312 : i32
    %add3A_2323 = vector.broadcast %select_n3A_2322 : i32 to vector<16xi32>
    %add3A_2324 = arith.addi %broadcast_in_dim3A_2306, %add3A_2323 : vector<16xi32>
    %iota3A_2325 = tpu.iota {dimensions = array<i32: 0>} : vector<16xi32>
    %add3A_2326 = arith.constant 0 : i32
    %add3A_2327 = vector.broadcast %add3A_2326 : i32 to vector<16xi32>
    %add3A_2328 = arith.addi %iota3A_2325, %add3A_2327 : vector<16xi32>
    %gather3A_2329 = tpu.vector_load_idx %arg12[%add3A_2328, %add3A_2324] : memref<64x128xf32, #tpu.memory_space<vmem>>[vector<16xi32>, vector<16xi32>], vector<16xf32>,
    %swap3A_2330 = arith.constant 22 : i32
    %swap3A_2331 = arith.index_cast %swap3A_2330 : i32 to index
    %swap3A_2332 = arith.constant 0 : index
    %swap3A_2333 = tpu.vector_load %arg14[%swap3A_2331, %swap3A_2332] {strides = array<i32>} : memref<32x64xf32, #tpu.memory_space<vmem>>, vector<16xf32>,
    tpu.vector_store %arg14[%swap3A_2331, %swap3A_2332], %gather3A_2329 {strides = array<i32>} : memref<32x64xf32, #tpu.memory_space<vmem>>, vector<16xf32>,
    %iota3A_2334 = tpu.iota {dimensions = array<i32: 0>} : vector<16xi32>
    %add3A_2335 = arith.constant 16 : i32
    %add3A_2336 = vector.broadcast %add3A_2335 : i32 to vector<16xi32>
    %add3A_2337 = arith.addi %iota3A_2334, %add3A_2336 : vector<16xi32>
    %gather3A_2338 = tpu.vector_load_idx %arg12[%add3A_2337, %add3A_2324] : memref<64x128xf32, #tpu.memory_space<vmem>>[vector<16xi32>, vector<16xi32>], vector<16xf32>,
    %swap3A_2339 = arith.constant 22 : i32
    %swap3A_2340 = arith.index_cast %swap3A_2339 : i32 to index
    %swap3A_2341 = arith.constant 16 : index
    %swap3A_2342 = tpu.vector_load %arg14[%swap3A_2340, %swap3A_2341] {strides = array<i32>} : memref<32x64xf32, #tpu.memory_space<vmem>>, vector<16xf32>,
    tpu.vector_store %arg14[%swap3A_2340, %swap3A_2341], %gather3A_2338 {strides = array<i32>} : memref<32x64xf32, #tpu.memory_space<vmem>>, vector<16xf32>,
    %iota3A_2343 = tpu.iota {dimensions = array<i32: 0>} : vector<16xi32>
    %add3A_2344 = arith.constant 32 : i32
    %add3A_2345 = vector.broadcast %add3A_2344 : i32 to vector<16xi32>
    %add3A_2346 = arith.addi %iota3A_2343, %add3A_2345 : vector<16xi32>
    %gather3A_2347 = tpu.vector_load_idx %arg12[%add3A_2346, %add3A_2324] : memref<64x128xf32, #tpu.memory_space<vmem>>[vector<16xi32>, vector<16xi32>], vector<16xf32>,
    %swap3A_2348 = arith.constant 22 : i32
    %swap3A_2349 = arith.index_cast %swap3A_2348 : i32 to index
    %swap3A_2350 = arith.constant 32 : index
    %swap3A_2351 = tpu.vector_load %arg14[%swap3A_2349, %swap3A_2350] {strides = array<i32>} : memref<32x64xf32, #tpu.memory_space<vmem>>, vector<16xf32>,
    tpu.vector_store %arg14[%swap3A_2349, %swap3A_2350], %gather3A_2347 {strides = array<i32>} : memref<32x64xf32, #tpu.memory_space<vmem>>, vector<16xf32>,
    %iota3A_2352 = tpu.iota {dimensions = array<i32: 0>} : vector<16xi32>
    %add3A_2353 = arith.constant 48 : i32
    %add3A_2354 = vector.broadcast %add3A_2353 : i32 to vector<16xi32>
    %add3A_2355 = arith.addi %iota3A_2352, %add3A_2354 : vector<16xi32>
    %gather3A_2356 = tpu.vector_load_idx %arg12[%add3A_2355, %add3A_2324] : memref<64x128xf32, #tpu.memory_space<vmem>>[vector<16xi32>, vector<16xi32>], vector<16xf32>,
    %swap3A_2357 = arith.constant 22 : i32
    %swap3A_2358 = arith.index_cast %swap3A_2357 : i32 to index
    %swap3A_2359 = arith.constant 48 : index
    %swap3A_2360 = tpu.vector_load %arg14[%swap3A_2358, %swap3A_2359] {strides = array<i32>} : memref<32x64xf32, #tpu.memory_space<vmem>>, vector<16xf32>,
    tpu.vector_store %arg14[%swap3A_2358, %swap3A_2359], %gather3A_2356 {strides = array<i32>} : memref<32x64xf32, #tpu.memory_space<vmem>>, vector<16xf32>,
    %jit3A_2361 = arith.constant 128 : i32
    %div3A_2362 = arith.divsi %squeeze3A_65, %jit3A_2361 : i32
    %sign3A_2363 = arith.constant 0 : i32
    %sign3A_2364 = arith.cmpi sgt, %squeeze3A_65, %sign3A_2363 : i32
    %sign3A_2365 = arith.extui %sign3A_2364 : i1 to i32
    %sign3A_2366 = arith.constant 0 : i32
    %sign3A_2367 = arith.cmpi slt, %squeeze3A_65, %sign3A_2366 : i32
    %sign3A_2368 = arith.extui %sign3A_2367 : i1 to i32
    %sign3A_2369 = arith.subi %sign3A_2365, %sign3A_2368 : i32
    %sign3A_2370 = arith.constant 0 : i32
    %sign3A_2371 = arith.cmpi sgt, %jit3A_2361, %sign3A_2370 : i32
    %sign3A_2372 = arith.extui %sign3A_2371 : i1 to i32
    %sign3A_2373 = arith.constant 0 : i32
    %sign3A_2374 = arith.cmpi slt, %jit3A_2361, %sign3A_2373 : i32
    %sign3A_2375 = arith.extui %sign3A_2374 : i1 to i32
    %sign3A_2376 = arith.subi %sign3A_2372, %sign3A_2375 : i32
    %ne3A_2377 = arith.cmpi ne, %sign3A_2369, %sign3A_2376 : i32
    %rem3A_2378 = arith.remsi %squeeze3A_65, %jit3A_2361 : i32
    %ne3A_2379 = arith.constant 0 : i32
    %ne3A_2380 = arith.cmpi ne, %rem3A_2378, %ne3A_2379 : i32
    %and3A_2381 = arith.andi %ne3A_2377, %ne3A_2380 : i1
    %sub3A_2382 = arith.constant 1 : i32
    %sub3A_2383 = arith.subi %div3A_2362, %sub3A_2382 : i32
    %select_n3A_2384 = arith.select %and3A_2381, %sub3A_2383, %div3A_2362 : i32
    %mul3A_2385 = arith.constant 128 : i32
    %mul3A_2386 = arith.muli %select_n3A_2384, %mul3A_2385 : i32
    %multiple_of3A_2387 = tpu.assume_multiple %mul3A_2386, 128 : i32
    %dma_start3A_2388 = arith.constant 0 : i32
    %dma_start3A_2389 = tpu.memref_slice %arg2[%dma_start3A_2388, %multiple_of3A_2387] : memref<64x100000xf32, #tpu.memory_space<hbm>> -> memref<64x128xf32, #tpu.memory_space<hbm>>
    %dma_start3A_2390 = arith.constant 0 : i32
    %dma_start3A_2391 = tpu.memref_slice %arg2[%dma_start3A_2390, %multiple_of3A_2387] : memref<64x100000xf32, #tpu.memory_space<hbm>> -> memref<64x128xf32, #tpu.memory_space<hbm>>
    tpu.enqueue_dma source(%dma_start3A_2391 : memref<64x128xf32, #tpu.memory_space<hbm>>) target(%arg12 : memref<64x128xf32, #tpu.memory_space<vmem>>) target_semaphore(%arg21 : memref<!tpu.dma_semaphore, #tpu.memory_space<semaphore_mem>>)
    %dma_wait3A_2392 = arith.constant 0 : i32
    %dma_wait3A_2393 = tpu.memref_slice %arg2[%dma_wait3A_2392, %multiple_of3A_1750] : memref<64x100000xf32, #tpu.memory_space<hbm>> -> memref<64x128xf32, #tpu.memory_space<hbm>>
    %dma_wait3A_2394 = arith.constant 0 : i32
    %dma_wait3A_2395 = tpu.memref_slice %arg2[%dma_wait3A_2394, %multiple_of3A_1750] : memref<64x100000xf32, #tpu.memory_space<hbm>> -> memref<64x128xf32, #tpu.memory_space<hbm>>
    tpu.wait_dma2 semaphore(%arg22 : memref<!tpu.dma_semaphore, #tpu.memory_space<semaphore_mem>>) src(%dma_wait3A_2395 : memref<64x128xf32, #tpu.memory_space<hbm>>) dst(%arg13 : memref<64x128xf32, #tpu.memory_space<vmem>>)
    %broadcast_in_dim3A_2396 = arith.constant 0 : i32
    %broadcast_in_dim3A_2397 = vector.broadcast %broadcast_in_dim3A_2396 : i32 to vector<16xi32>
    %jit3A_2398 = arith.constant 128 : i32
    %eq3A_2399 = arith.constant 0 : i32
    %eq3A_2400 = arith.cmpi eq, %jit3A_2398, %eq3A_2399 : i32
    %jit3A_2401 = arith.constant 1 : i32
    %select_n3A_2402 = arith.select %eq3A_2400, %jit3A_2401, %jit3A_2398 : i32
    %rem3A_2403 = arith.remsi %squeeze3A_51, %select_n3A_2402 : i32
    %ne3A_2404 = arith.constant 0 : i32
    %ne3A_2405 = arith.cmpi ne, %rem3A_2403, %ne3A_2404 : i32
    %lt3A_2406 = arith.constant 0 : i32
    %lt3A_2407 = arith.cmpi slt, %rem3A_2403, %lt3A_2406 : i32
    %lt3A_2408 = arith.constant 0 : i32
    %lt3A_2409 = arith.cmpi slt, %select_n3A_2402, %lt3A_2408 : i32
    %ne3A_2410 = arith.xori %lt3A_2407, %lt3A_2409 : i1
    %and3A_2411 = arith.andi %ne3A_2410, %ne3A_2405 : i1
    %add3A_2412 = arith.addi %rem3A_2403, %select_n3A_2402 : i32
    %select_n3A_2413 = arith.select %and3A_2411, %add3A_2412, %rem3A_2403 : i32
    %add3A_2414 = vector.broadcast %select_n3A_2413 : i32 to vector<16xi32>
    %add3A_2415 = arith.addi %broadcast_in_dim3A_2397, %add3A_2414 : vector<16xi32>
    %iota3A_2416 = tpu.iota {dimensions = array<i32: 0>} : vector<16xi32>
    %add3A_2417 = arith.constant 0 : i32
    %add3A_2418 = vector.broadcast %add3A_2417 : i32 to vector<16xi32>
    %add3A_2419 = arith.addi %iota3A_2416, %add3A_2418 : vector<16xi32>
    %gather3A_2420 = tpu.vector_load_idx %arg13[%add3A_2419, %add3A_2415] : memref<64x128xf32, #tpu.memory_space<vmem>>[vector<16xi32>, vector<16xi32>], vector<16xf32>,
    %swap3A_2421 = arith.constant 23 : i32
    %swap3A_2422 = arith.index_cast %swap3A_2421 : i32 to index
    %swap3A_2423 = arith.constant 0 : index
    %swap3A_2424 = tpu.vector_load %arg14[%swap3A_2422, %swap3A_2423] {strides = array<i32>} : memref<32x64xf32, #tpu.memory_space<vmem>>, vector<16xf32>,
    tpu.vector_store %arg14[%swap3A_2422, %swap3A_2423], %gather3A_2420 {strides = array<i32>} : memref<32x64xf32, #tpu.memory_space<vmem>>, vector<16xf32>,
    %iota3A_2425 = tpu.iota {dimensions = array<i32: 0>} : vector<16xi32>
    %add3A_2426 = arith.constant 16 : i32
    %add3A_2427 = vector.broadcast %add3A_2426 : i32 to vector<16xi32>
    %add3A_2428 = arith.addi %iota3A_2425, %add3A_2427 : vector<16xi32>
    %gather3A_2429 = tpu.vector_load_idx %arg13[%add3A_2428, %add3A_2415] : memref<64x128xf32, #tpu.memory_space<vmem>>[vector<16xi32>, vector<16xi32>], vector<16xf32>,
    %swap3A_2430 = arith.constant 23 : i32
    %swap3A_2431 = arith.index_cast %swap3A_2430 : i32 to index
    %swap3A_2432 = arith.constant 16 : index
    %swap3A_2433 = tpu.vector_load %arg14[%swap3A_2431, %swap3A_2432] {strides = array<i32>} : memref<32x64xf32, #tpu.memory_space<vmem>>, vector<16xf32>,
    tpu.vector_store %arg14[%swap3A_2431, %swap3A_2432], %gather3A_2429 {strides = array<i32>} : memref<32x64xf32, #tpu.memory_space<vmem>>, vector<16xf32>,
    %iota3A_2434 = tpu.iota {dimensions = array<i32: 0>} : vector<16xi32>
    %add3A_2435 = arith.constant 32 : i32
    %add3A_2436 = vector.broadcast %add3A_2435 : i32 to vector<16xi32>
    %add3A_2437 = arith.addi %iota3A_2434, %add3A_2436 : vector<16xi32>
    %gather3A_2438 = tpu.vector_load_idx %arg13[%add3A_2437, %add3A_2415] : memref<64x128xf32, #tpu.memory_space<vmem>>[vector<16xi32>, vector<16xi32>], vector<16xf32>,
    %swap3A_2439 = arith.constant 23 : i32
    %swap3A_2440 = arith.index_cast %swap3A_2439 : i32 to index
    %swap3A_2441 = arith.constant 32 : index
    %swap3A_2442 = tpu.vector_load %arg14[%swap3A_2440, %swap3A_2441] {strides = array<i32>} : memref<32x64xf32, #tpu.memory_space<vmem>>, vector<16xf32>,
    tpu.vector_store %arg14[%swap3A_2440, %swap3A_2441], %gather3A_2438 {strides = array<i32>} : memref<32x64xf32, #tpu.memory_space<vmem>>, vector<16xf32>,
    %iota3A_2443 = tpu.iota {dimensions = array<i32: 0>} : vector<16xi32>
    %add3A_2444 = arith.constant 48 : i32
    %add3A_2445 = vector.broadcast %add3A_2444 : i32 to vector<16xi32>
    %add3A_2446 = arith.addi %iota3A_2443, %add3A_2445 : vector<16xi32>
    %gather3A_2447 = tpu.vector_load_idx %arg13[%add3A_2446, %add3A_2415] : memref<64x128xf32, #tpu.memory_space<vmem>>[vector<16xi32>, vector<16xi32>], vector<16xf32>,
    %swap3A_2448 = arith.constant 23 : i32
    %swap3A_2449 = arith.index_cast %swap3A_2448 : i32 to index
    %swap3A_2450 = arith.constant 48 : index
    %swap3A_2451 = tpu.vector_load %arg14[%swap3A_2449, %swap3A_2450] {strides = array<i32>} : memref<32x64xf32, #tpu.memory_space<vmem>>, vector<16xf32>,
    tpu.vector_store %arg14[%swap3A_2449, %swap3A_2450], %gather3A_2447 {strides = array<i32>} : memref<32x64xf32, #tpu.memory_space<vmem>>, vector<16xf32>,
    %jit3A_2452 = arith.constant 128 : i32
    %div3A_2453 = arith.divsi %squeeze3A_67, %jit3A_2452 : i32
    %sign3A_2454 = arith.constant 0 : i32
    %sign3A_2455 = arith.cmpi sgt, %squeeze3A_67, %sign3A_2454 : i32
    %sign3A_2456 = arith.extui %sign3A_2455 : i1 to i32
    %sign3A_2457 = arith.constant 0 : i32
    %sign3A_2458 = arith.cmpi slt, %squeeze3A_67, %sign3A_2457 : i32
    %sign3A_2459 = arith.extui %sign3A_2458 : i1 to i32
    %sign3A_2460 = arith.subi %sign3A_2456, %sign3A_2459 : i32
    %sign3A_2461 = arith.constant 0 : i32
    %sign3A_2462 = arith.cmpi sgt, %jit3A_2452, %sign3A_2461 : i32
    %sign3A_2463 = arith.extui %sign3A_2462 : i1 to i32
    %sign3A_2464 = arith.constant 0 : i32
    %sign3A_2465 = arith.cmpi slt, %jit3A_2452, %sign3A_2464 : i32
    %sign3A_2466 = arith.extui %sign3A_2465 : i1 to i32
    %sign3A_2467 = arith.subi %sign3A_2463, %sign3A_2466 : i32
    %ne3A_2468 = arith.cmpi ne, %sign3A_2460, %sign3A_2467 : i32
    %rem3A_2469 = arith.remsi %squeeze3A_67, %jit3A_2452 : i32
    %ne3A_2470 = arith.constant 0 : i32
    %ne3A_2471 = arith.cmpi ne, %rem3A_2469, %ne3A_2470 : i32
    %and3A_2472 = arith.andi %ne3A_2468, %ne3A_2471 : i1
    %sub3A_2473 = arith.constant 1 : i32
    %sub3A_2474 = arith.subi %div3A_2453, %sub3A_2473 : i32
    %select_n3A_2475 = arith.select %and3A_2472, %sub3A_2474, %div3A_2453 : i32
    %mul3A_2476 = arith.constant 128 : i32
    %mul3A_2477 = arith.muli %select_n3A_2475, %mul3A_2476 : i32
    %multiple_of3A_2478 = tpu.assume_multiple %mul3A_2477, 128 : i32
    %dma_start3A_2479 = arith.constant 0 : i32
    %dma_start3A_2480 = tpu.memref_slice %arg2[%dma_start3A_2479, %multiple_of3A_2478] : memref<64x100000xf32, #tpu.memory_space<hbm>> -> memref<64x128xf32, #tpu.memory_space<hbm>>
    %dma_start3A_2481 = arith.constant 0 : i32
    %dma_start3A_2482 = tpu.memref_slice %arg2[%dma_start3A_2481, %multiple_of3A_2478] : memref<64x100000xf32, #tpu.memory_space<hbm>> -> memref<64x128xf32, #tpu.memory_space<hbm>>
    tpu.enqueue_dma source(%dma_start3A_2482 : memref<64x128xf32, #tpu.memory_space<hbm>>) target(%arg13 : memref<64x128xf32, #tpu.memory_space<vmem>>) target_semaphore(%arg22 : memref<!tpu.dma_semaphore, #tpu.memory_space<semaphore_mem>>)
    %dma_wait3A_2483 = arith.constant 0 : i32
    %dma_wait3A_2484 = tpu.memref_slice %arg2[%dma_wait3A_2483, %multiple_of3A_1841] : memref<64x100000xf32, #tpu.memory_space<hbm>> -> memref<64x128xf32, #tpu.memory_space<hbm>>
    %dma_wait3A_2485 = arith.constant 0 : i32
    %dma_wait3A_2486 = tpu.memref_slice %arg2[%dma_wait3A_2485, %multiple_of3A_1841] : memref<64x100000xf32, #tpu.memory_space<hbm>> -> memref<64x128xf32, #tpu.memory_space<hbm>>
    tpu.wait_dma2 semaphore(%arg15 : memref<!tpu.dma_semaphore, #tpu.memory_space<semaphore_mem>>) src(%dma_wait3A_2486 : memref<64x128xf32, #tpu.memory_space<hbm>>) dst(%arg6 : memref<64x128xf32, #tpu.memory_space<vmem>>)
    %broadcast_in_dim3A_2487 = arith.constant 0 : i32
    %broadcast_in_dim3A_2488 = vector.broadcast %broadcast_in_dim3A_2487 : i32 to vector<16xi32>
    %jit3A_2489 = arith.constant 128 : i32
    %eq3A_2490 = arith.constant 0 : i32
    %eq3A_2491 = arith.cmpi eq, %jit3A_2489, %eq3A_2490 : i32
    %jit3A_2492 = arith.constant 1 : i32
    %select_n3A_2493 = arith.select %eq3A_2491, %jit3A_2492, %jit3A_2489 : i32
    %rem3A_2494 = arith.remsi %squeeze3A_53, %select_n3A_2493 : i32
    %ne3A_2495 = arith.constant 0 : i32
    %ne3A_2496 = arith.cmpi ne, %rem3A_2494, %ne3A_2495 : i32
    %lt3A_2497 = arith.constant 0 : i32
    %lt3A_2498 = arith.cmpi slt, %rem3A_2494, %lt3A_2497 : i32
    %lt3A_2499 = arith.constant 0 : i32
    %lt3A_2500 = arith.cmpi slt, %select_n3A_2493, %lt3A_2499 : i32
    %ne3A_2501 = arith.xori %lt3A_2498, %lt3A_2500 : i1
    %and3A_2502 = arith.andi %ne3A_2501, %ne3A_2496 : i1
    %add3A_2503 = arith.addi %rem3A_2494, %select_n3A_2493 : i32
    %select_n3A_2504 = arith.select %and3A_2502, %add3A_2503, %rem3A_2494 : i32
    %add3A_2505 = vector.broadcast %select_n3A_2504 : i32 to vector<16xi32>
    %add3A_2506 = arith.addi %broadcast_in_dim3A_2488, %add3A_2505 : vector<16xi32>
    %iota3A_2507 = tpu.iota {dimensions = array<i32: 0>} : vector<16xi32>
    %add3A_2508 = arith.constant 0 : i32
    %add3A_2509 = vector.broadcast %add3A_2508 : i32 to vector<16xi32>
    %add3A_2510 = arith.addi %iota3A_2507, %add3A_2509 : vector<16xi32>
    %gather3A_2511 = tpu.vector_load_idx %arg6[%add3A_2510, %add3A_2506] : memref<64x128xf32, #tpu.memory_space<vmem>>[vector<16xi32>, vector<16xi32>], vector<16xf32>,
    %swap3A_2512 = arith.constant 24 : i32
    %swap3A_2513 = arith.index_cast %swap3A_2512 : i32 to index
    %swap3A_2514 = arith.constant 0 : index
    %swap3A_2515 = tpu.vector_load %arg14[%swap3A_2513, %swap3A_2514] {strides = array<i32>} : memref<32x64xf32, #tpu.memory_space<vmem>>, vector<16xf32>,
    tpu.vector_store %arg14[%swap3A_2513, %swap3A_2514], %gather3A_2511 {strides = array<i32>} : memref<32x64xf32, #tpu.memory_space<vmem>>, vector<16xf32>,
    %iota3A_2516 = tpu.iota {dimensions = array<i32: 0>} : vector<16xi32>
    %add3A_2517 = arith.constant 16 : i32
    %add3A_2518 = vector.broadcast %add3A_2517 : i32 to vector<16xi32>
    %add3A_2519 = arith.addi %iota3A_2516, %add3A_2518 : vector<16xi32>
    %gather3A_2520 = tpu.vector_load_idx %arg6[%add3A_2519, %add3A_2506] : memref<64x128xf32, #tpu.memory_space<vmem>>[vector<16xi32>, vector<16xi32>], vector<16xf32>,
    %swap3A_2521 = arith.constant 24 : i32
    %swap3A_2522 = arith.index_cast %swap3A_2521 : i32 to index
    %swap3A_2523 = arith.constant 16 : index
    %swap3A_2524 = tpu.vector_load %arg14[%swap3A_2522, %swap3A_2523] {strides = array<i32>} : memref<32x64xf32, #tpu.memory_space<vmem>>, vector<16xf32>,
    tpu.vector_store %arg14[%swap3A_2522, %swap3A_2523], %gather3A_2520 {strides = array<i32>} : memref<32x64xf32, #tpu.memory_space<vmem>>, vector<16xf32>,
    %iota3A_2525 = tpu.iota {dimensions = array<i32: 0>} : vector<16xi32>
    %add3A_2526 = arith.constant 32 : i32
    %add3A_2527 = vector.broadcast %add3A_2526 : i32 to vector<16xi32>
    %add3A_2528 = arith.addi %iota3A_2525, %add3A_2527 : vector<16xi32>
    %gather3A_2529 = tpu.vector_load_idx %arg6[%add3A_2528, %add3A_2506] : memref<64x128xf32, #tpu.memory_space<vmem>>[vector<16xi32>, vector<16xi32>], vector<16xf32>,
    %swap3A_2530 = arith.constant 24 : i32
    %swap3A_2531 = arith.index_cast %swap3A_2530 : i32 to index
    %swap3A_2532 = arith.constant 32 : index
    %swap3A_2533 = tpu.vector_load %arg14[%swap3A_2531, %swap3A_2532] {strides = array<i32>} : memref<32x64xf32, #tpu.memory_space<vmem>>, vector<16xf32>,
    tpu.vector_store %arg14[%swap3A_2531, %swap3A_2532], %gather3A_2529 {strides = array<i32>} : memref<32x64xf32, #tpu.memory_space<vmem>>, vector<16xf32>,
    %iota3A_2534 = tpu.iota {dimensions = array<i32: 0>} : vector<16xi32>
    %add3A_2535 = arith.constant 48 : i32
    %add3A_2536 = vector.broadcast %add3A_2535 : i32 to vector<16xi32>
    %add3A_2537 = arith.addi %iota3A_2534, %add3A_2536 : vector<16xi32>
    %gather3A_2538 = tpu.vector_load_idx %arg6[%add3A_2537, %add3A_2506] : memref<64x128xf32, #tpu.memory_space<vmem>>[vector<16xi32>, vector<16xi32>], vector<16xf32>,
    %swap3A_2539 = arith.constant 24 : i32
    %swap3A_2540 = arith.index_cast %swap3A_2539 : i32 to index
    %swap3A_2541 = arith.constant 48 : index
    %swap3A_2542 = tpu.vector_load %arg14[%swap3A_2540, %swap3A_2541] {strides = array<i32>} : memref<32x64xf32, #tpu.memory_space<vmem>>, vector<16xf32>,
    tpu.vector_store %arg14[%swap3A_2540, %swap3A_2541], %gather3A_2538 {strides = array<i32>} : memref<32x64xf32, #tpu.memory_space<vmem>>, vector<16xf32>,
    %dma_wait3A_2543 = arith.constant 0 : i32
    %dma_wait3A_2544 = tpu.memref_slice %arg2[%dma_wait3A_2543, %multiple_of3A_1932] : memref<64x100000xf32, #tpu.memory_space<hbm>> -> memref<64x128xf32, #tpu.memory_space<hbm>>
    %dma_wait3A_2545 = arith.constant 0 : i32
    %dma_wait3A_2546 = tpu.memref_slice %arg2[%dma_wait3A_2545, %multiple_of3A_1932] : memref<64x100000xf32, #tpu.memory_space<hbm>> -> memref<64x128xf32, #tpu.memory_space<hbm>>
    tpu.wait_dma2 semaphore(%arg16 : memref<!tpu.dma_semaphore, #tpu.memory_space<semaphore_mem>>) src(%dma_wait3A_2546 : memref<64x128xf32, #tpu.memory_space<hbm>>) dst(%arg7 : memref<64x128xf32, #tpu.memory_space<vmem>>)
    %broadcast_in_dim3A_2547 = arith.constant 0 : i32
    %broadcast_in_dim3A_2548 = vector.broadcast %broadcast_in_dim3A_2547 : i32 to vector<16xi32>
    %jit3A_2549 = arith.constant 128 : i32
    %eq3A_2550 = arith.constant 0 : i32
    %eq3A_2551 = arith.cmpi eq, %jit3A_2549, %eq3A_2550 : i32
    %jit3A_2552 = arith.constant 1 : i32
    %select_n3A_2553 = arith.select %eq3A_2551, %jit3A_2552, %jit3A_2549 : i32
    %rem3A_2554 = arith.remsi %squeeze3A_55, %select_n3A_2553 : i32
    %ne3A_2555 = arith.constant 0 : i32
    %ne3A_2556 = arith.cmpi ne, %rem3A_2554, %ne3A_2555 : i32
    %lt3A_2557 = arith.constant 0 : i32
    %lt3A_2558 = arith.cmpi slt, %rem3A_2554, %lt3A_2557 : i32
    %lt3A_2559 = arith.constant 0 : i32
    %lt3A_2560 = arith.cmpi slt, %select_n3A_2553, %lt3A_2559 : i32
    %ne3A_2561 = arith.xori %lt3A_2558, %lt3A_2560 : i1
    %and3A_2562 = arith.andi %ne3A_2561, %ne3A_2556 : i1
    %add3A_2563 = arith.addi %rem3A_2554, %select_n3A_2553 : i32
    %select_n3A_2564 = arith.select %and3A_2562, %add3A_2563, %rem3A_2554 : i32
    %add3A_2565 = vector.broadcast %select_n3A_2564 : i32 to vector<16xi32>
    %add3A_2566 = arith.addi %broadcast_in_dim3A_2548, %add3A_2565 : vector<16xi32>
    %iota3A_2567 = tpu.iota {dimensions = array<i32: 0>} : vector<16xi32>
    %add3A_2568 = arith.constant 0 : i32
    %add3A_2569 = vector.broadcast %add3A_2568 : i32 to vector<16xi32>
    %add3A_2570 = arith.addi %iota3A_2567, %add3A_2569 : vector<16xi32>
    %gather3A_2571 = tpu.vector_load_idx %arg7[%add3A_2570, %add3A_2566] : memref<64x128xf32, #tpu.memory_space<vmem>>[vector<16xi32>, vector<16xi32>], vector<16xf32>,
    %swap3A_2572 = arith.constant 25 : i32
    %swap3A_2573 = arith.index_cast %swap3A_2572 : i32 to index
    %swap3A_2574 = arith.constant 0 : index
    %swap3A_2575 = tpu.vector_load %arg14[%swap3A_2573, %swap3A_2574] {strides = array<i32>} : memref<32x64xf32, #tpu.memory_space<vmem>>, vector<16xf32>,
    tpu.vector_store %arg14[%swap3A_2573, %swap3A_2574], %gather3A_2571 {strides = array<i32>} : memref<32x64xf32, #tpu.memory_space<vmem>>, vector<16xf32>,
    %iota3A_2576 = tpu.iota {dimensions = array<i32: 0>} : vector<16xi32>
    %add3A_2577 = arith.constant 16 : i32
    %add3A_2578 = vector.broadcast %add3A_2577 : i32 to vector<16xi32>
    %add3A_2579 = arith.addi %iota3A_2576, %add3A_2578 : vector<16xi32>
    %gather3A_2580 = tpu.vector_load_idx %arg7[%add3A_2579, %add3A_2566] : memref<64x128xf32, #tpu.memory_space<vmem>>[vector<16xi32>, vector<16xi32>], vector<16xf32>,
    %swap3A_2581 = arith.constant 25 : i32
    %swap3A_2582 = arith.index_cast %swap3A_2581 : i32 to index
    %swap3A_2583 = arith.constant 16 : index
    %swap3A_2584 = tpu.vector_load %arg14[%swap3A_2582, %swap3A_2583] {strides = array<i32>} : memref<32x64xf32, #tpu.memory_space<vmem>>, vector<16xf32>,
    tpu.vector_store %arg14[%swap3A_2582, %swap3A_2583], %gather3A_2580 {strides = array<i32>} : memref<32x64xf32, #tpu.memory_space<vmem>>, vector<16xf32>,
    %iota3A_2585 = tpu.iota {dimensions = array<i32: 0>} : vector<16xi32>
    %add3A_2586 = arith.constant 32 : i32
    %add3A_2587 = vector.broadcast %add3A_2586 : i32 to vector<16xi32>
    %add3A_2588 = arith.addi %iota3A_2585, %add3A_2587 : vector<16xi32>
    %gather3A_2589 = tpu.vector_load_idx %arg7[%add3A_2588, %add3A_2566] : memref<64x128xf32, #tpu.memory_space<vmem>>[vector<16xi32>, vector<16xi32>], vector<16xf32>,
    %swap3A_2590 = arith.constant 25 : i32
    %swap3A_2591 = arith.index_cast %swap3A_2590 : i32 to index
    %swap3A_2592 = arith.constant 32 : index
    %swap3A_2593 = tpu.vector_load %arg14[%swap3A_2591, %swap3A_2592] {strides = array<i32>} : memref<32x64xf32, #tpu.memory_space<vmem>>, vector<16xf32>,
    tpu.vector_store %arg14[%swap3A_2591, %swap3A_2592], %gather3A_2589 {strides = array<i32>} : memref<32x64xf32, #tpu.memory_space<vmem>>, vector<16xf32>,
    %iota3A_2594 = tpu.iota {dimensions = array<i32: 0>} : vector<16xi32>
    %add3A_2595 = arith.constant 48 : i32
    %add3A_2596 = vector.broadcast %add3A_2595 : i32 to vector<16xi32>
    %add3A_2597 = arith.addi %iota3A_2594, %add3A_2596 : vector<16xi32>
    %gather3A_2598 = tpu.vector_load_idx %arg7[%add3A_2597, %add3A_2566] : memref<64x128xf32, #tpu.memory_space<vmem>>[vector<16xi32>, vector<16xi32>], vector<16xf32>,
    %swap3A_2599 = arith.constant 25 : i32
    %swap3A_2600 = arith.index_cast %swap3A_2599 : i32 to index
    %swap3A_2601 = arith.constant 48 : index
    %swap3A_2602 = tpu.vector_load %arg14[%swap3A_2600, %swap3A_2601] {strides = array<i32>} : memref<32x64xf32, #tpu.memory_space<vmem>>, vector<16xf32>,
    tpu.vector_store %arg14[%swap3A_2600, %swap3A_2601], %gather3A_2598 {strides = array<i32>} : memref<32x64xf32, #tpu.memory_space<vmem>>, vector<16xf32>,
    %dma_wait3A_2603 = arith.constant 0 : i32
    %dma_wait3A_2604 = tpu.memref_slice %arg2[%dma_wait3A_2603, %multiple_of3A_2023] : memref<64x100000xf32, #tpu.memory_space<hbm>> -> memref<64x128xf32, #tpu.memory_space<hbm>>
    %dma_wait3A_2605 = arith.constant 0 : i32
    %dma_wait3A_2606 = tpu.memref_slice %arg2[%dma_wait3A_2605, %multiple_of3A_2023] : memref<64x100000xf32, #tpu.memory_space<hbm>> -> memref<64x128xf32, #tpu.memory_space<hbm>>
    tpu.wait_dma2 semaphore(%arg17 : memref<!tpu.dma_semaphore, #tpu.memory_space<semaphore_mem>>) src(%dma_wait3A_2606 : memref<64x128xf32, #tpu.memory_space<hbm>>) dst(%arg8 : memref<64x128xf32, #tpu.memory_space<vmem>>)
    %broadcast_in_dim3A_2607 = arith.constant 0 : i32
    %broadcast_in_dim3A_2608 = vector.broadcast %broadcast_in_dim3A_2607 : i32 to vector<16xi32>
    %jit3A_2609 = arith.constant 128 : i32
    %eq3A_2610 = arith.constant 0 : i32
    %eq3A_2611 = arith.cmpi eq, %jit3A_2609, %eq3A_2610 : i32
    %jit3A_2612 = arith.constant 1 : i32
    %select_n3A_2613 = arith.select %eq3A_2611, %jit3A_2612, %jit3A_2609 : i32
    %rem3A_2614 = arith.remsi %squeeze3A_57, %select_n3A_2613 : i32
    %ne3A_2615 = arith.constant 0 : i32
    %ne3A_2616 = arith.cmpi ne, %rem3A_2614, %ne3A_2615 : i32
    %lt3A_2617 = arith.constant 0 : i32
    %lt3A_2618 = arith.cmpi slt, %rem3A_2614, %lt3A_2617 : i32
    %lt3A_2619 = arith.constant 0 : i32
    %lt3A_2620 = arith.cmpi slt, %select_n3A_2613, %lt3A_2619 : i32
    %ne3A_2621 = arith.xori %lt3A_2618, %lt3A_2620 : i1
    %and3A_2622 = arith.andi %ne3A_2621, %ne3A_2616 : i1
    %add3A_2623 = arith.addi %rem3A_2614, %select_n3A_2613 : i32
    %select_n3A_2624 = arith.select %and3A_2622, %add3A_2623, %rem3A_2614 : i32
    %add3A_2625 = vector.broadcast %select_n3A_2624 : i32 to vector<16xi32>
    %add3A_2626 = arith.addi %broadcast_in_dim3A_2608, %add3A_2625 : vector<16xi32>
    %iota3A_2627 = tpu.iota {dimensions = array<i32: 0>} : vector<16xi32>
    %add3A_2628 = arith.constant 0 : i32
    %add3A_2629 = vector.broadcast %add3A_2628 : i32 to vector<16xi32>
    %add3A_2630 = arith.addi %iota3A_2627, %add3A_2629 : vector<16xi32>
    %gather3A_2631 = tpu.vector_load_idx %arg8[%add3A_2630, %add3A_2626] : memref<64x128xf32, #tpu.memory_space<vmem>>[vector<16xi32>, vector<16xi32>], vector<16xf32>,
    %swap3A_2632 = arith.constant 26 : i32
    %swap3A_2633 = arith.index_cast %swap3A_2632 : i32 to index
    %swap3A_2634 = arith.constant 0 : index
    %swap3A_2635 = tpu.vector_load %arg14[%swap3A_2633, %swap3A_2634] {strides = array<i32>} : memref<32x64xf32, #tpu.memory_space<vmem>>, vector<16xf32>,
    tpu.vector_store %arg14[%swap3A_2633, %swap3A_2634], %gather3A_2631 {strides = array<i32>} : memref<32x64xf32, #tpu.memory_space<vmem>>, vector<16xf32>,
    %iota3A_2636 = tpu.iota {dimensions = array<i32: 0>} : vector<16xi32>
    %add3A_2637 = arith.constant 16 : i32
    %add3A_2638 = vector.broadcast %add3A_2637 : i32 to vector<16xi32>
    %add3A_2639 = arith.addi %iota3A_2636, %add3A_2638 : vector<16xi32>
    %gather3A_2640 = tpu.vector_load_idx %arg8[%add3A_2639, %add3A_2626] : memref<64x128xf32, #tpu.memory_space<vmem>>[vector<16xi32>, vector<16xi32>], vector<16xf32>,
    %swap3A_2641 = arith.constant 26 : i32
    %swap3A_2642 = arith.index_cast %swap3A_2641 : i32 to index
    %swap3A_2643 = arith.constant 16 : index
    %swap3A_2644 = tpu.vector_load %arg14[%swap3A_2642, %swap3A_2643] {strides = array<i32>} : memref<32x64xf32, #tpu.memory_space<vmem>>, vector<16xf32>,
    tpu.vector_store %arg14[%swap3A_2642, %swap3A_2643], %gather3A_2640 {strides = array<i32>} : memref<32x64xf32, #tpu.memory_space<vmem>>, vector<16xf32>,
    %iota3A_2645 = tpu.iota {dimensions = array<i32: 0>} : vector<16xi32>
    %add3A_2646 = arith.constant 32 : i32
    %add3A_2647 = vector.broadcast %add3A_2646 : i32 to vector<16xi32>
    %add3A_2648 = arith.addi %iota3A_2645, %add3A_2647 : vector<16xi32>
    %gather3A_2649 = tpu.vector_load_idx %arg8[%add3A_2648, %add3A_2626] : memref<64x128xf32, #tpu.memory_space<vmem>>[vector<16xi32>, vector<16xi32>], vector<16xf32>,
    %swap3A_2650 = arith.constant 26 : i32
    %swap3A_2651 = arith.index_cast %swap3A_2650 : i32 to index
    %swap3A_2652 = arith.constant 32 : index
    %swap3A_2653 = tpu.vector_load %arg14[%swap3A_2651, %swap3A_2652] {strides = array<i32>} : memref<32x64xf32, #tpu.memory_space<vmem>>, vector<16xf32>,
    tpu.vector_store %arg14[%swap3A_2651, %swap3A_2652], %gather3A_2649 {strides = array<i32>} : memref<32x64xf32, #tpu.memory_space<vmem>>, vector<16xf32>,
    %iota3A_2654 = tpu.iota {dimensions = array<i32: 0>} : vector<16xi32>
    %add3A_2655 = arith.constant 48 : i32
    %add3A_2656 = vector.broadcast %add3A_2655 : i32 to vector<16xi32>
    %add3A_2657 = arith.addi %iota3A_2654, %add3A_2656 : vector<16xi32>
    %gather3A_2658 = tpu.vector_load_idx %arg8[%add3A_2657, %add3A_2626] : memref<64x128xf32, #tpu.memory_space<vmem>>[vector<16xi32>, vector<16xi32>], vector<16xf32>,
    %swap3A_2659 = arith.constant 26 : i32
    %swap3A_2660 = arith.index_cast %swap3A_2659 : i32 to index
    %swap3A_2661 = arith.constant 48 : index
    %swap3A_2662 = tpu.vector_load %arg14[%swap3A_2660, %swap3A_2661] {strides = array<i32>} : memref<32x64xf32, #tpu.memory_space<vmem>>, vector<16xf32>,
    tpu.vector_store %arg14[%swap3A_2660, %swap3A_2661], %gather3A_2658 {strides = array<i32>} : memref<32x64xf32, #tpu.memory_space<vmem>>, vector<16xf32>,
    %dma_wait3A_2663 = arith.constant 0 : i32
    %dma_wait3A_2664 = tpu.memref_slice %arg2[%dma_wait3A_2663, %multiple_of3A_2114] : memref<64x100000xf32, #tpu.memory_space<hbm>> -> memref<64x128xf32, #tpu.memory_space<hbm>>
    %dma_wait3A_2665 = arith.constant 0 : i32
    %dma_wait3A_2666 = tpu.memref_slice %arg2[%dma_wait3A_2665, %multiple_of3A_2114] : memref<64x100000xf32, #tpu.memory_space<hbm>> -> memref<64x128xf32, #tpu.memory_space<hbm>>
    tpu.wait_dma2 semaphore(%arg18 : memref<!tpu.dma_semaphore, #tpu.memory_space<semaphore_mem>>) src(%dma_wait3A_2666 : memref<64x128xf32, #tpu.memory_space<hbm>>) dst(%arg9 : memref<64x128xf32, #tpu.memory_space<vmem>>)
    %broadcast_in_dim3A_2667 = arith.constant 0 : i32
    %broadcast_in_dim3A_2668 = vector.broadcast %broadcast_in_dim3A_2667 : i32 to vector<16xi32>
    %jit3A_2669 = arith.constant 128 : i32
    %eq3A_2670 = arith.constant 0 : i32
    %eq3A_2671 = arith.cmpi eq, %jit3A_2669, %eq3A_2670 : i32
    %jit3A_2672 = arith.constant 1 : i32
    %select_n3A_2673 = arith.select %eq3A_2671, %jit3A_2672, %jit3A_2669 : i32
    %rem3A_2674 = arith.remsi %squeeze3A_59, %select_n3A_2673 : i32
    %ne3A_2675 = arith.constant 0 : i32
    %ne3A_2676 = arith.cmpi ne, %rem3A_2674, %ne3A_2675 : i32
    %lt3A_2677 = arith.constant 0 : i32
    %lt3A_2678 = arith.cmpi slt, %rem3A_2674, %lt3A_2677 : i32
    %lt3A_2679 = arith.constant 0 : i32
    %lt3A_2680 = arith.cmpi slt, %select_n3A_2673, %lt3A_2679 : i32
    %ne3A_2681 = arith.xori %lt3A_2678, %lt3A_2680 : i1
    %and3A_2682 = arith.andi %ne3A_2681, %ne3A_2676 : i1
    %add3A_2683 = arith.addi %rem3A_2674, %select_n3A_2673 : i32
    %select_n3A_2684 = arith.select %and3A_2682, %add3A_2683, %rem3A_2674 : i32
    %add3A_2685 = vector.broadcast %select_n3A_2684 : i32 to vector<16xi32>
    %add3A_2686 = arith.addi %broadcast_in_dim3A_2668, %add3A_2685 : vector<16xi32>
    %iota3A_2687 = tpu.iota {dimensions = array<i32: 0>} : vector<16xi32>
    %add3A_2688 = arith.constant 0 : i32
    %add3A_2689 = vector.broadcast %add3A_2688 : i32 to vector<16xi32>
    %add3A_2690 = arith.addi %iota3A_2687, %add3A_2689 : vector<16xi32>
    %gather3A_2691 = tpu.vector_load_idx %arg9[%add3A_2690, %add3A_2686] : memref<64x128xf32, #tpu.memory_space<vmem>>[vector<16xi32>, vector<16xi32>], vector<16xf32>,
    %swap3A_2692 = arith.constant 27 : i32
    %swap3A_2693 = arith.index_cast %swap3A_2692 : i32 to index
    %swap3A_2694 = arith.constant 0 : index
    %swap3A_2695 = tpu.vector_load %arg14[%swap3A_2693, %swap3A_2694] {strides = array<i32>} : memref<32x64xf32, #tpu.memory_space<vmem>>, vector<16xf32>,
    tpu.vector_store %arg14[%swap3A_2693, %swap3A_2694], %gather3A_2691 {strides = array<i32>} : memref<32x64xf32, #tpu.memory_space<vmem>>, vector<16xf32>,
    %iota3A_2696 = tpu.iota {dimensions = array<i32: 0>} : vector<16xi32>
    %add3A_2697 = arith.constant 16 : i32
    %add3A_2698 = vector.broadcast %add3A_2697 : i32 to vector<16xi32>
    %add3A_2699 = arith.addi %iota3A_2696, %add3A_2698 : vector<16xi32>
    %gather3A_2700 = tpu.vector_load_idx %arg9[%add3A_2699, %add3A_2686] : memref<64x128xf32, #tpu.memory_space<vmem>>[vector<16xi32>, vector<16xi32>], vector<16xf32>,
    %swap3A_2701 = arith.constant 27 : i32
    %swap3A_2702 = arith.index_cast %swap3A_2701 : i32 to index
    %swap3A_2703 = arith.constant 16 : index
    %swap3A_2704 = tpu.vector_load %arg14[%swap3A_2702, %swap3A_2703] {strides = array<i32>} : memref<32x64xf32, #tpu.memory_space<vmem>>, vector<16xf32>,
    tpu.vector_store %arg14[%swap3A_2702, %swap3A_2703], %gather3A_2700 {strides = array<i32>} : memref<32x64xf32, #tpu.memory_space<vmem>>, vector<16xf32>,
    %iota3A_2705 = tpu.iota {dimensions = array<i32: 0>} : vector<16xi32>
    %add3A_2706 = arith.constant 32 : i32
    %add3A_2707 = vector.broadcast %add3A_2706 : i32 to vector<16xi32>
    %add3A_2708 = arith.addi %iota3A_2705, %add3A_2707 : vector<16xi32>
    %gather3A_2709 = tpu.vector_load_idx %arg9[%add3A_2708, %add3A_2686] : memref<64x128xf32, #tpu.memory_space<vmem>>[vector<16xi32>, vector<16xi32>], vector<16xf32>,
    %swap3A_2710 = arith.constant 27 : i32
    %swap3A_2711 = arith.index_cast %swap3A_2710 : i32 to index
    %swap3A_2712 = arith.constant 32 : index
    %swap3A_2713 = tpu.vector_load %arg14[%swap3A_2711, %swap3A_2712] {strides = array<i32>} : memref<32x64xf32, #tpu.memory_space<vmem>>, vector<16xf32>,
    tpu.vector_store %arg14[%swap3A_2711, %swap3A_2712], %gather3A_2709 {strides = array<i32>} : memref<32x64xf32, #tpu.memory_space<vmem>>, vector<16xf32>,
    %iota3A_2714 = tpu.iota {dimensions = array<i32: 0>} : vector<16xi32>
    %add3A_2715 = arith.constant 48 : i32
    %add3A_2716 = vector.broadcast %add3A_2715 : i32 to vector<16xi32>
    %add3A_2717 = arith.addi %iota3A_2714, %add3A_2716 : vector<16xi32>
    %gather3A_2718 = tpu.vector_load_idx %arg9[%add3A_2717, %add3A_2686] : memref<64x128xf32, #tpu.memory_space<vmem>>[vector<16xi32>, vector<16xi32>], vector<16xf32>,
    %swap3A_2719 = arith.constant 27 : i32
    %swap3A_2720 = arith.index_cast %swap3A_2719 : i32 to index
    %swap3A_2721 = arith.constant 48 : index
    %swap3A_2722 = tpu.vector_load %arg14[%swap3A_2720, %swap3A_2721] {strides = array<i32>} : memref<32x64xf32, #tpu.memory_space<vmem>>, vector<16xf32>,
    tpu.vector_store %arg14[%swap3A_2720, %swap3A_2721], %gather3A_2718 {strides = array<i32>} : memref<32x64xf32, #tpu.memory_space<vmem>>, vector<16xf32>,
    %dma_wait3A_2723 = arith.constant 0 : i32
    %dma_wait3A_2724 = tpu.memref_slice %arg2[%dma_wait3A_2723, %multiple_of3A_2205] : memref<64x100000xf32, #tpu.memory_space<hbm>> -> memref<64x128xf32, #tpu.memory_space<hbm>>
    %dma_wait3A_2725 = arith.constant 0 : i32
    %dma_wait3A_2726 = tpu.memref_slice %arg2[%dma_wait3A_2725, %multiple_of3A_2205] : memref<64x100000xf32, #tpu.memory_space<hbm>> -> memref<64x128xf32, #tpu.memory_space<hbm>>
    tpu.wait_dma2 semaphore(%arg19 : memref<!tpu.dma_semaphore, #tpu.memory_space<semaphore_mem>>) src(%dma_wait3A_2726 : memref<64x128xf32, #tpu.memory_space<hbm>>) dst(%arg10 : memref<64x128xf32, #tpu.memory_space<vmem>>)
    %broadcast_in_dim3A_2727 = arith.constant 0 : i32
    %broadcast_in_dim3A_2728 = vector.broadcast %broadcast_in_dim3A_2727 : i32 to vector<16xi32>
    %jit3A_2729 = arith.constant 128 : i32
    %eq3A_2730 = arith.constant 0 : i32
    %eq3A_2731 = arith.cmpi eq, %jit3A_2729, %eq3A_2730 : i32
    %jit3A_2732 = arith.constant 1 : i32
    %select_n3A_2733 = arith.select %eq3A_2731, %jit3A_2732, %jit3A_2729 : i32
    %rem3A_2734 = arith.remsi %squeeze3A_61, %select_n3A_2733 : i32
    %ne3A_2735 = arith.constant 0 : i32
    %ne3A_2736 = arith.cmpi ne, %rem3A_2734, %ne3A_2735 : i32
    %lt3A_2737 = arith.constant 0 : i32
    %lt3A_2738 = arith.cmpi slt, %rem3A_2734, %lt3A_2737 : i32
    %lt3A_2739 = arith.constant 0 : i32
    %lt3A_2740 = arith.cmpi slt, %select_n3A_2733, %lt3A_2739 : i32
    %ne3A_2741 = arith.xori %lt3A_2738, %lt3A_2740 : i1
    %and3A_2742 = arith.andi %ne3A_2741, %ne3A_2736 : i1
    %add3A_2743 = arith.addi %rem3A_2734, %select_n3A_2733 : i32
    %select_n3A_2744 = arith.select %and3A_2742, %add3A_2743, %rem3A_2734 : i32
    %add3A_2745 = vector.broadcast %select_n3A_2744 : i32 to vector<16xi32>
    %add3A_2746 = arith.addi %broadcast_in_dim3A_2728, %add3A_2745 : vector<16xi32>
    %iota3A_2747 = tpu.iota {dimensions = array<i32: 0>} : vector<16xi32>
    %add3A_2748 = arith.constant 0 : i32
    %add3A_2749 = vector.broadcast %add3A_2748 : i32 to vector<16xi32>
    %add3A_2750 = arith.addi %iota3A_2747, %add3A_2749 : vector<16xi32>
    %gather3A_2751 = tpu.vector_load_idx %arg10[%add3A_2750, %add3A_2746] : memref<64x128xf32, #tpu.memory_space<vmem>>[vector<16xi32>, vector<16xi32>], vector<16xf32>,
    %swap3A_2752 = arith.constant 28 : i32
    %swap3A_2753 = arith.index_cast %swap3A_2752 : i32 to index
    %swap3A_2754 = arith.constant 0 : index
    %swap3A_2755 = tpu.vector_load %arg14[%swap3A_2753, %swap3A_2754] {strides = array<i32>} : memref<32x64xf32, #tpu.memory_space<vmem>>, vector<16xf32>,
    tpu.vector_store %arg14[%swap3A_2753, %swap3A_2754], %gather3A_2751 {strides = array<i32>} : memref<32x64xf32, #tpu.memory_space<vmem>>, vector<16xf32>,
    %iota3A_2756 = tpu.iota {dimensions = array<i32: 0>} : vector<16xi32>
    %add3A_2757 = arith.constant 16 : i32
    %add3A_2758 = vector.broadcast %add3A_2757 : i32 to vector<16xi32>
    %add3A_2759 = arith.addi %iota3A_2756, %add3A_2758 : vector<16xi32>
    %gather3A_2760 = tpu.vector_load_idx %arg10[%add3A_2759, %add3A_2746] : memref<64x128xf32, #tpu.memory_space<vmem>>[vector<16xi32>, vector<16xi32>], vector<16xf32>,
    %swap3A_2761 = arith.constant 28 : i32
    %swap3A_2762 = arith.index_cast %swap3A_2761 : i32 to index
    %swap3A_2763 = arith.constant 16 : index
    %swap3A_2764 = tpu.vector_load %arg14[%swap3A_2762, %swap3A_2763] {strides = array<i32>} : memref<32x64xf32, #tpu.memory_space<vmem>>, vector<16xf32>,
    tpu.vector_store %arg14[%swap3A_2762, %swap3A_2763], %gather3A_2760 {strides = array<i32>} : memref<32x64xf32, #tpu.memory_space<vmem>>, vector<16xf32>,
    %iota3A_2765 = tpu.iota {dimensions = array<i32: 0>} : vector<16xi32>
    %add3A_2766 = arith.constant 32 : i32
    %add3A_2767 = vector.broadcast %add3A_2766 : i32 to vector<16xi32>
    %add3A_2768 = arith.addi %iota3A_2765, %add3A_2767 : vector<16xi32>
    %gather3A_2769 = tpu.vector_load_idx %arg10[%add3A_2768, %add3A_2746] : memref<64x128xf32, #tpu.memory_space<vmem>>[vector<16xi32>, vector<16xi32>], vector<16xf32>,
    %swap3A_2770 = arith.constant 28 : i32
    %swap3A_2771 = arith.index_cast %swap3A_2770 : i32 to index
    %swap3A_2772 = arith.constant 32 : index
    %swap3A_2773 = tpu.vector_load %arg14[%swap3A_2771, %swap3A_2772] {strides = array<i32>} : memref<32x64xf32, #tpu.memory_space<vmem>>, vector<16xf32>,
    tpu.vector_store %arg14[%swap3A_2771, %swap3A_2772], %gather3A_2769 {strides = array<i32>} : memref<32x64xf32, #tpu.memory_space<vmem>>, vector<16xf32>,
    %iota3A_2774 = tpu.iota {dimensions = array<i32: 0>} : vector<16xi32>
    %add3A_2775 = arith.constant 48 : i32
    %add3A_2776 = vector.broadcast %add3A_2775 : i32 to vector<16xi32>
    %add3A_2777 = arith.addi %iota3A_2774, %add3A_2776 : vector<16xi32>
    %gather3A_2778 = tpu.vector_load_idx %arg10[%add3A_2777, %add3A_2746] : memref<64x128xf32, #tpu.memory_space<vmem>>[vector<16xi32>, vector<16xi32>], vector<16xf32>,
    %swap3A_2779 = arith.constant 28 : i32
    %swap3A_2780 = arith.index_cast %swap3A_2779 : i32 to index
    %swap3A_2781 = arith.constant 48 : index
    %swap3A_2782 = tpu.vector_load %arg14[%swap3A_2780, %swap3A_2781] {strides = array<i32>} : memref<32x64xf32, #tpu.memory_space<vmem>>, vector<16xf32>,
    tpu.vector_store %arg14[%swap3A_2780, %swap3A_2781], %gather3A_2778 {strides = array<i32>} : memref<32x64xf32, #tpu.memory_space<vmem>>, vector<16xf32>,
    %dma_wait3A_2783 = arith.constant 0 : i32
    %dma_wait3A_2784 = tpu.memref_slice %arg2[%dma_wait3A_2783, %multiple_of3A_2296] : memref<64x100000xf32, #tpu.memory_space<hbm>> -> memref<64x128xf32, #tpu.memory_space<hbm>>
    %dma_wait3A_2785 = arith.constant 0 : i32
    %dma_wait3A_2786 = tpu.memref_slice %arg2[%dma_wait3A_2785, %multiple_of3A_2296] : memref<64x100000xf32, #tpu.memory_space<hbm>> -> memref<64x128xf32, #tpu.memory_space<hbm>>
    tpu.wait_dma2 semaphore(%arg20 : memref<!tpu.dma_semaphore, #tpu.memory_space<semaphore_mem>>) src(%dma_wait3A_2786 : memref<64x128xf32, #tpu.memory_space<hbm>>) dst(%arg11 : memref<64x128xf32, #tpu.memory_space<vmem>>)
    %broadcast_in_dim3A_2787 = arith.constant 0 : i32
    %broadcast_in_dim3A_2788 = vector.broadcast %broadcast_in_dim3A_2787 : i32 to vector<16xi32>
    %jit3A_2789 = arith.constant 128 : i32
    %eq3A_2790 = arith.constant 0 : i32
    %eq3A_2791 = arith.cmpi eq, %jit3A_2789, %eq3A_2790 : i32
    %jit3A_2792 = arith.constant 1 : i32
    %select_n3A_2793 = arith.select %eq3A_2791, %jit3A_2792, %jit3A_2789 : i32
    %rem3A_2794 = arith.remsi %squeeze3A_63, %select_n3A_2793 : i32
    %ne3A_2795 = arith.constant 0 : i32
    %ne3A_2796 = arith.cmpi ne, %rem3A_2794, %ne3A_2795 : i32
    %lt3A_2797 = arith.constant 0 : i32
    %lt3A_2798 = arith.cmpi slt, %rem3A_2794, %lt3A_2797 : i32
    %lt3A_2799 = arith.constant 0 : i32
    %lt3A_2800 = arith.cmpi slt, %select_n3A_2793, %lt3A_2799 : i32
    %ne3A_2801 = arith.xori %lt3A_2798, %lt3A_2800 : i1
    %and3A_2802 = arith.andi %ne3A_2801, %ne3A_2796 : i1
    %add3A_2803 = arith.addi %rem3A_2794, %select_n3A_2793 : i32
    %select_n3A_2804 = arith.select %and3A_2802, %add3A_2803, %rem3A_2794 : i32
    %add3A_2805 = vector.broadcast %select_n3A_2804 : i32 to vector<16xi32>
    %add3A_2806 = arith.addi %broadcast_in_dim3A_2788, %add3A_2805 : vector<16xi32>
    %iota3A_2807 = tpu.iota {dimensions = array<i32: 0>} : vector<16xi32>
    %add3A_2808 = arith.constant 0 : i32
    %add3A_2809 = vector.broadcast %add3A_2808 : i32 to vector<16xi32>
    %add3A_2810 = arith.addi %iota3A_2807, %add3A_2809 : vector<16xi32>
    %gather3A_2811 = tpu.vector_load_idx %arg11[%add3A_2810, %add3A_2806] : memref<64x128xf32, #tpu.memory_space<vmem>>[vector<16xi32>, vector<16xi32>], vector<16xf32>,
    %swap3A_2812 = arith.constant 29 : i32
    %swap3A_2813 = arith.index_cast %swap3A_2812 : i32 to index
    %swap3A_2814 = arith.constant 0 : index
    %swap3A_2815 = tpu.vector_load %arg14[%swap3A_2813, %swap3A_2814] {strides = array<i32>} : memref<32x64xf32, #tpu.memory_space<vmem>>, vector<16xf32>,
    tpu.vector_store %arg14[%swap3A_2813, %swap3A_2814], %gather3A_2811 {strides = array<i32>} : memref<32x64xf32, #tpu.memory_space<vmem>>, vector<16xf32>,
    %iota3A_2816 = tpu.iota {dimensions = array<i32: 0>} : vector<16xi32>
    %add3A_2817 = arith.constant 16 : i32
    %add3A_2818 = vector.broadcast %add3A_2817 : i32 to vector<16xi32>
    %add3A_2819 = arith.addi %iota3A_2816, %add3A_2818 : vector<16xi32>
    %gather3A_2820 = tpu.vector_load_idx %arg11[%add3A_2819, %add3A_2806] : memref<64x128xf32, #tpu.memory_space<vmem>>[vector<16xi32>, vector<16xi32>], vector<16xf32>,
    %swap3A_2821 = arith.constant 29 : i32
    %swap3A_2822 = arith.index_cast %swap3A_2821 : i32 to index
    %swap3A_2823 = arith.constant 16 : index
    %swap3A_2824 = tpu.vector_load %arg14[%swap3A_2822, %swap3A_2823] {strides = array<i32>} : memref<32x64xf32, #tpu.memory_space<vmem>>, vector<16xf32>,
    tpu.vector_store %arg14[%swap3A_2822, %swap3A_2823], %gather3A_2820 {strides = array<i32>} : memref<32x64xf32, #tpu.memory_space<vmem>>, vector<16xf32>,
    %iota3A_2825 = tpu.iota {dimensions = array<i32: 0>} : vector<16xi32>
    %add3A_2826 = arith.constant 32 : i32
    %add3A_2827 = vector.broadcast %add3A_2826 : i32 to vector<16xi32>
    %add3A_2828 = arith.addi %iota3A_2825, %add3A_2827 : vector<16xi32>
    %gather3A_2829 = tpu.vector_load_idx %arg11[%add3A_2828, %add3A_2806] : memref<64x128xf32, #tpu.memory_space<vmem>>[vector<16xi32>, vector<16xi32>], vector<16xf32>,
    %swap3A_2830 = arith.constant 29 : i32
    %swap3A_2831 = arith.index_cast %swap3A_2830 : i32 to index
    %swap3A_2832 = arith.constant 32 : index
    %swap3A_2833 = tpu.vector_load %arg14[%swap3A_2831, %swap3A_2832] {strides = array<i32>} : memref<32x64xf32, #tpu.memory_space<vmem>>, vector<16xf32>,
    tpu.vector_store %arg14[%swap3A_2831, %swap3A_2832], %gather3A_2829 {strides = array<i32>} : memref<32x64xf32, #tpu.memory_space<vmem>>, vector<16xf32>,
    %iota3A_2834 = tpu.iota {dimensions = array<i32: 0>} : vector<16xi32>
    %add3A_2835 = arith.constant 48 : i32
    %add3A_2836 = vector.broadcast %add3A_2835 : i32 to vector<16xi32>
    %add3A_2837 = arith.addi %iota3A_2834, %add3A_2836 : vector<16xi32>
    %gather3A_2838 = tpu.vector_load_idx %arg11[%add3A_2837, %add3A_2806] : memref<64x128xf32, #tpu.memory_space<vmem>>[vector<16xi32>, vector<16xi32>], vector<16xf32>,
    %swap3A_2839 = arith.constant 29 : i32
    %swap3A_2840 = arith.index_cast %swap3A_2839 : i32 to index
    %swap3A_2841 = arith.constant 48 : index
    %swap3A_2842 = tpu.vector_load %arg14[%swap3A_2840, %swap3A_2841] {strides = array<i32>} : memref<32x64xf32, #tpu.memory_space<vmem>>, vector<16xf32>,
    tpu.vector_store %arg14[%swap3A_2840, %swap3A_2841], %gather3A_2838 {strides = array<i32>} : memref<32x64xf32, #tpu.memory_space<vmem>>, vector<16xf32>,
    %dma_wait3A_2843 = arith.constant 0 : i32
    %dma_wait3A_2844 = tpu.memref_slice %arg2[%dma_wait3A_2843, %multiple_of3A_2387] : memref<64x100000xf32, #tpu.memory_space<hbm>> -> memref<64x128xf32, #tpu.memory_space<hbm>>
    %dma_wait3A_2845 = arith.constant 0 : i32
    %dma_wait3A_2846 = tpu.memref_slice %arg2[%dma_wait3A_2845, %multiple_of3A_2387] : memref<64x100000xf32, #tpu.memory_space<hbm>> -> memref<64x128xf32, #tpu.memory_space<hbm>>
    tpu.wait_dma2 semaphore(%arg21 : memref<!tpu.dma_semaphore, #tpu.memory_space<semaphore_mem>>) src(%dma_wait3A_2846 : memref<64x128xf32, #tpu.memory_space<hbm>>) dst(%arg12 : memref<64x128xf32, #tpu.memory_space<vmem>>)
    %broadcast_in_dim3A_2847 = arith.constant 0 : i32
    %broadcast_in_dim3A_2848 = vector.broadcast %broadcast_in_dim3A_2847 : i32 to vector<16xi32>
    %jit3A_2849 = arith.constant 128 : i32
    %eq3A_2850 = arith.constant 0 : i32
    %eq3A_2851 = arith.cmpi eq, %jit3A_2849, %eq3A_2850 : i32
    %jit3A_2852 = arith.constant 1 : i32
    %select_n3A_2853 = arith.select %eq3A_2851, %jit3A_2852, %jit3A_2849 : i32
    %rem3A_2854 = arith.remsi %squeeze3A_65, %select_n3A_2853 : i32
    %ne3A_2855 = arith.constant 0 : i32
    %ne3A_2856 = arith.cmpi ne, %rem3A_2854, %ne3A_2855 : i32
    %lt3A_2857 = arith.constant 0 : i32
    %lt3A_2858 = arith.cmpi slt, %rem3A_2854, %lt3A_2857 : i32
    %lt3A_2859 = arith.constant 0 : i32
    %lt3A_2860 = arith.cmpi slt, %select_n3A_2853, %lt3A_2859 : i32
    %ne3A_2861 = arith.xori %lt3A_2858, %lt3A_2860 : i1
    %and3A_2862 = arith.andi %ne3A_2861, %ne3A_2856 : i1
    %add3A_2863 = arith.addi %rem3A_2854, %select_n3A_2853 : i32
    %select_n3A_2864 = arith.select %and3A_2862, %add3A_2863, %rem3A_2854 : i32
    %add3A_2865 = vector.broadcast %select_n3A_2864 : i32 to vector<16xi32>
    %add3A_2866 = arith.addi %broadcast_in_dim3A_2848, %add3A_2865 : vector<16xi32>
    %iota3A_2867 = tpu.iota {dimensions = array<i32: 0>} : vector<16xi32>
    %add3A_2868 = arith.constant 0 : i32
    %add3A_2869 = vector.broadcast %add3A_2868 : i32 to vector<16xi32>
    %add3A_2870 = arith.addi %iota3A_2867, %add3A_2869 : vector<16xi32>
    %gather3A_2871 = tpu.vector_load_idx %arg12[%add3A_2870, %add3A_2866] : memref<64x128xf32, #tpu.memory_space<vmem>>[vector<16xi32>, vector<16xi32>], vector<16xf32>,
    %swap3A_2872 = arith.constant 30 : i32
    %swap3A_2873 = arith.index_cast %swap3A_2872 : i32 to index
    %swap3A_2874 = arith.constant 0 : index
    %swap3A_2875 = tpu.vector_load %arg14[%swap3A_2873, %swap3A_2874] {strides = array<i32>} : memref<32x64xf32, #tpu.memory_space<vmem>>, vector<16xf32>,
    tpu.vector_store %arg14[%swap3A_2873, %swap3A_2874], %gather3A_2871 {strides = array<i32>} : memref<32x64xf32, #tpu.memory_space<vmem>>, vector<16xf32>,
    %iota3A_2876 = tpu.iota {dimensions = array<i32: 0>} : vector<16xi32>
    %add3A_2877 = arith.constant 16 : i32
    %add3A_2878 = vector.broadcast %add3A_2877 : i32 to vector<16xi32>
    %add3A_2879 = arith.addi %iota3A_2876, %add3A_2878 : vector<16xi32>
    %gather3A_2880 = tpu.vector_load_idx %arg12[%add3A_2879, %add3A_2866] : memref<64x128xf32, #tpu.memory_space<vmem>>[vector<16xi32>, vector<16xi32>], vector<16xf32>,
    %swap3A_2881 = arith.constant 30 : i32
    %swap3A_2882 = arith.index_cast %swap3A_2881 : i32 to index
    %swap3A_2883 = arith.constant 16 : index
    %swap3A_2884 = tpu.vector_load %arg14[%swap3A_2882, %swap3A_2883] {strides = array<i32>} : memref<32x64xf32, #tpu.memory_space<vmem>>, vector<16xf32>,
    tpu.vector_store %arg14[%swap3A_2882, %swap3A_2883], %gather3A_2880 {strides = array<i32>} : memref<32x64xf32, #tpu.memory_space<vmem>>, vector<16xf32>,
    %iota3A_2885 = tpu.iota {dimensions = array<i32: 0>} : vector<16xi32>
    %add3A_2886 = arith.constant 32 : i32
    %add3A_2887 = vector.broadcast %add3A_2886 : i32 to vector<16xi32>
    %add3A_2888 = arith.addi %iota3A_2885, %add3A_2887 : vector<16xi32>
    %gather3A_2889 = tpu.vector_load_idx %arg12[%add3A_2888, %add3A_2866] : memref<64x128xf32, #tpu.memory_space<vmem>>[vector<16xi32>, vector<16xi32>], vector<16xf32>,
    %swap3A_2890 = arith.constant 30 : i32
    %swap3A_2891 = arith.index_cast %swap3A_2890 : i32 to index
    %swap3A_2892 = arith.constant 32 : index
    %swap3A_2893 = tpu.vector_load %arg14[%swap3A_2891, %swap3A_2892] {strides = array<i32>} : memref<32x64xf32, #tpu.memory_space<vmem>>, vector<16xf32>,
    tpu.vector_store %arg14[%swap3A_2891, %swap3A_2892], %gather3A_2889 {strides = array<i32>} : memref<32x64xf32, #tpu.memory_space<vmem>>, vector<16xf32>,
    %iota3A_2894 = tpu.iota {dimensions = array<i32: 0>} : vector<16xi32>
    %add3A_2895 = arith.constant 48 : i32
    %add3A_2896 = vector.broadcast %add3A_2895 : i32 to vector<16xi32>
    %add3A_2897 = arith.addi %iota3A_2894, %add3A_2896 : vector<16xi32>
    %gather3A_2898 = tpu.vector_load_idx %arg12[%add3A_2897, %add3A_2866] : memref<64x128xf32, #tpu.memory_space<vmem>>[vector<16xi32>, vector<16xi32>], vector<16xf32>,
    %swap3A_2899 = arith.constant 30 : i32
    %swap3A_2900 = arith.index_cast %swap3A_2899 : i32 to index
    %swap3A_2901 = arith.constant 48 : index
    %swap3A_2902 = tpu.vector_load %arg14[%swap3A_2900, %swap3A_2901] {strides = array<i32>} : memref<32x64xf32, #tpu.memory_space<vmem>>, vector<16xf32>,
    tpu.vector_store %arg14[%swap3A_2900, %swap3A_2901], %gather3A_2898 {strides = array<i32>} : memref<32x64xf32, #tpu.memory_space<vmem>>, vector<16xf32>,
    %dma_wait3A_2903 = arith.constant 0 : i32
    %dma_wait3A_2904 = tpu.memref_slice %arg2[%dma_wait3A_2903, %multiple_of3A_2478] : memref<64x100000xf32, #tpu.memory_space<hbm>> -> memref<64x128xf32, #tpu.memory_space<hbm>>
    %dma_wait3A_2905 = arith.constant 0 : i32
    %dma_wait3A_2906 = tpu.memref_slice %arg2[%dma_wait3A_2905, %multiple_of3A_2478] : memref<64x100000xf32, #tpu.memory_space<hbm>> -> memref<64x128xf32, #tpu.memory_space<hbm>>
    tpu.wait_dma2 semaphore(%arg22 : memref<!tpu.dma_semaphore, #tpu.memory_space<semaphore_mem>>) src(%dma_wait3A_2906 : memref<64x128xf32, #tpu.memory_space<hbm>>) dst(%arg13 : memref<64x128xf32, #tpu.memory_space<vmem>>)
    %broadcast_in_dim3A_2907 = arith.constant 0 : i32
    %broadcast_in_dim3A_2908 = vector.broadcast %broadcast_in_dim3A_2907 : i32 to vector<16xi32>
    %jit3A_2909 = arith.constant 128 : i32
    %eq3A_2910 = arith.constant 0 : i32
    %eq3A_2911 = arith.cmpi eq, %jit3A_2909, %eq3A_2910 : i32
    %jit3A_2912 = arith.constant 1 : i32
    %select_n3A_2913 = arith.select %eq3A_2911, %jit3A_2912, %jit3A_2909 : i32
    %rem3A_2914 = arith.remsi %squeeze3A_67, %select_n3A_2913 : i32
    %ne3A_2915 = arith.constant 0 : i32
    %ne3A_2916 = arith.cmpi ne, %rem3A_2914, %ne3A_2915 : i32
    %lt3A_2917 = arith.constant 0 : i32
    %lt3A_2918 = arith.cmpi slt, %rem3A_2914, %lt3A_2917 : i32
    %lt3A_2919 = arith.constant 0 : i32
    %lt3A_2920 = arith.cmpi slt, %select_n3A_2913, %lt3A_2919 : i32
    %ne3A_2921 = arith.xori %lt3A_2918, %lt3A_2920 : i1
    %and3A_2922 = arith.andi %ne3A_2921, %ne3A_2916 : i1
    %add3A_2923 = arith.addi %rem3A_2914, %select_n3A_2913 : i32
    %select_n3A_2924 = arith.select %and3A_2922, %add3A_2923, %rem3A_2914 : i32
    %add3A_2925 = vector.broadcast %select_n3A_2924 : i32 to vector<16xi32>
    %add3A_2926 = arith.addi %broadcast_in_dim3A_2908, %add3A_2925 : vector<16xi32>
    %iota3A_2927 = tpu.iota {dimensions = array<i32: 0>} : vector<16xi32>
    %add3A_2928 = arith.constant 0 : i32
    %add3A_2929 = vector.broadcast %add3A_2928 : i32 to vector<16xi32>
    %add3A_2930 = arith.addi %iota3A_2927, %add3A_2929 : vector<16xi32>
    %gather3A_2931 = tpu.vector_load_idx %arg13[%add3A_2930, %add3A_2926] : memref<64x128xf32, #tpu.memory_space<vmem>>[vector<16xi32>, vector<16xi32>], vector<16xf32>,
    %swap3A_2932 = arith.constant 31 : i32
    %swap3A_2933 = arith.index_cast %swap3A_2932 : i32 to index
    %swap3A_2934 = arith.constant 0 : index
    %swap3A_2935 = tpu.vector_load %arg14[%swap3A_2933, %swap3A_2934] {strides = array<i32>} : memref<32x64xf32, #tpu.memory_space<vmem>>, vector<16xf32>,
    tpu.vector_store %arg14[%swap3A_2933, %swap3A_2934], %gather3A_2931 {strides = array<i32>} : memref<32x64xf32, #tpu.memory_space<vmem>>, vector<16xf32>,
    %iota3A_2936 = tpu.iota {dimensions = array<i32: 0>} : vector<16xi32>
    %add3A_2937 = arith.constant 16 : i32
    %add3A_2938 = vector.broadcast %add3A_2937 : i32 to vector<16xi32>
    %add3A_2939 = arith.addi %iota3A_2936, %add3A_2938 : vector<16xi32>
    %gather3A_2940 = tpu.vector_load_idx %arg13[%add3A_2939, %add3A_2926] : memref<64x128xf32, #tpu.memory_space<vmem>>[vector<16xi32>, vector<16xi32>], vector<16xf32>,
    %swap3A_2941 = arith.constant 31 : i32
    %swap3A_2942 = arith.index_cast %swap3A_2941 : i32 to index
    %swap3A_2943 = arith.constant 16 : index
    %swap3A_2944 = tpu.vector_load %arg14[%swap3A_2942, %swap3A_2943] {strides = array<i32>} : memref<32x64xf32, #tpu.memory_space<vmem>>, vector<16xf32>,
    tpu.vector_store %arg14[%swap3A_2942, %swap3A_2943], %gather3A_2940 {strides = array<i32>} : memref<32x64xf32, #tpu.memory_space<vmem>>, vector<16xf32>,
    %iota3A_2945 = tpu.iota {dimensions = array<i32: 0>} : vector<16xi32>
    %add3A_2946 = arith.constant 32 : i32
    %add3A_2947 = vector.broadcast %add3A_2946 : i32 to vector<16xi32>
    %add3A_2948 = arith.addi %iota3A_2945, %add3A_2947 : vector<16xi32>
    %gather3A_2949 = tpu.vector_load_idx %arg13[%add3A_2948, %add3A_2926] : memref<64x128xf32, #tpu.memory_space<vmem>>[vector<16xi32>, vector<16xi32>], vector<16xf32>,
    %swap3A_2950 = arith.constant 31 : i32
    %swap3A_2951 = arith.index_cast %swap3A_2950 : i32 to index
    %swap3A_2952 = arith.constant 32 : index
    %swap3A_2953 = tpu.vector_load %arg14[%swap3A_2951, %swap3A_2952] {strides = array<i32>} : memref<32x64xf32, #tpu.memory_space<vmem>>, vector<16xf32>,
    tpu.vector_store %arg14[%swap3A_2951, %swap3A_2952], %gather3A_2949 {strides = array<i32>} : memref<32x64xf32, #tpu.memory_space<vmem>>, vector<16xf32>,
    %iota3A_2954 = tpu.iota {dimensions = array<i32: 0>} : vector<16xi32>
    %add3A_2955 = arith.constant 48 : i32
    %add3A_2956 = vector.broadcast %add3A_2955 : i32 to vector<16xi32>
    %add3A_2957 = arith.addi %iota3A_2954, %add3A_2956 : vector<16xi32>
    %gather3A_2958 = tpu.vector_load_idx %arg13[%add3A_2957, %add3A_2926] : memref<64x128xf32, #tpu.memory_space<vmem>>[vector<16xi32>, vector<16xi32>], vector<16xf32>,
    %swap3A_2959 = arith.constant 31 : i32
    %swap3A_2960 = arith.index_cast %swap3A_2959 : i32 to index
    %swap3A_2961 = arith.constant 48 : index
    %swap3A_2962 = tpu.vector_load %arg14[%swap3A_2960, %swap3A_2961] {strides = array<i32>} : memref<32x64xf32, #tpu.memory_space<vmem>>, vector<16xf32>,
    tpu.vector_store %arg14[%swap3A_2960, %swap3A_2961], %gather3A_2958 {strides = array<i32>} : memref<32x64xf32, #tpu.memory_space<vmem>>, vector<16xf32>,
    "tpu.region"() ({
      %run_scoped3A = tpu.sem_alloc : memref<!tpu.dma_semaphore, #tpu.memory_space<semaphore_mem>>
      %dma_start3A_2963 = arith.constant 0 : i32
      %dma_start3A_2964 = tpu.memref_slice %arg4[%mul3A_2, %dma_start3A_2963] : memref<1024x64xf32, #tpu.memory_space<hbm>> -> memref<32x64xf32, #tpu.memory_space<hbm>>
      %dma_start3A_2965 = arith.constant 0 : i32
      %dma_start3A_2966 = tpu.memref_slice %arg4[%mul3A_2, %dma_start3A_2965] : memref<1024x64xf32, #tpu.memory_space<hbm>> -> memref<32x64xf32, #tpu.memory_space<hbm>>
      tpu.enqueue_dma source(%arg14 : memref<32x64xf32, #tpu.memory_space<vmem>>) target(%dma_start3A_2966 : memref<32x64xf32, #tpu.memory_space<hbm>>) target_semaphore(%run_scoped3A : memref<!tpu.dma_semaphore, #tpu.memory_space<semaphore_mem>>)
      %dma_wait3A_2967 = arith.constant 0 : i32
      %dma_wait3A_2968 = tpu.memref_slice %arg4[%mul3A_2, %dma_wait3A_2967] : memref<1024x64xf32, #tpu.memory_space<hbm>> -> memref<32x64xf32, #tpu.memory_space<hbm>>
      %dma_wait3A_2969 = arith.constant 0 : i32
      %dma_wait3A_2970 = tpu.memref_slice %arg4[%mul3A_2, %dma_wait3A_2969] : memref<1024x64xf32, #tpu.memory_space<hbm>> -> memref<32x64xf32, #tpu.memory_space<hbm>>
      tpu.wait_dma2 semaphore(%run_scoped3A : memref<!tpu.dma_semaphore, #tpu.memory_space<semaphore_mem>>) src(%arg14 : memref<32x64xf32, #tpu.memory_space<vmem>>) dst(%dma_wait3A_2970 : memref<32x64xf32, #tpu.memory_space<hbm>>)
      tpu.yield
    }) : () -> ()
    return
  }
}

module attributes {stable_mosaic.version = 14 : i64} {
  func.func @_norm_body(%arg0: i32, %arg1: memref<1024x64xf32, #tpu.memory_space<vmem>>, %arg2: memref<64x4096xf32, #tpu.memory_space<vmem>>, %arg3: memref<4096xf32, #tpu.memory_space<vmem>>, %arg4: memref<1x1024xf32, #tpu.memory_space<vmem>>, %arg5: memref<1x1024xf32, #tpu.memory_space<vmem>>, %arg6: memref<4096x1024xf32, #tpu.memory_space<vmem>>) attributes {dimension_semantics = [#tpu.dimension_semantics<arbitrary>], iteration_bounds = array<i64: 25>, scalar_prefetch = 0 : i64, scratch_operands = 0 : i64, tpu.core_type = #tpu.core_type<tc>, window_params = [{pipeline_mode = #tpu.pipeline_mode<synchronous>, transform_indices = @transform_0, window_bounds = array<i64: 1024, 64>}, {transform_indices = @transform_1, window_bounds = array<i64: 64, 4096>}, {transform_indices = @transform_2, window_bounds = array<i64: 4096>}, {pipeline_mode = #tpu.pipeline_mode<synchronous>, transform_indices = @transform_3, window_bounds = array<i64: 1, 1024>}, {pipeline_mode = #tpu.pipeline_mode<synchronous>, transform_indices = @transform_4, window_bounds = array<i64: 1, 1024>}, {transform_indices = @transform_5, window_bounds = array<i64: 4096, 1024>}]} {
    %get3A = arith.constant 0 : index
    %get3A_0 = arith.constant 0 : index
    %get3A_1 = vector.load %arg2[%get3A, %get3A_0] : memref<64x4096xf32, #tpu.memory_space<vmem>>, vector<64x4096xf32>
    %get3A_2 = arith.constant 0 : index
    %get3A_3 = arith.constant 0 : index
    %get3A_4 = vector.load %arg1[%get3A_2, %get3A_3] : memref<1024x64xf32, #tpu.memory_space<vmem>>, vector<1024x64xf32>
    %dot_general3A = arith.constant dense<0.000000e+00> : vector<4096x1024xf32>
    %dot_general3A_5 = tpu.matmul %get3A_1, %get3A_4, %dot_general3A {dimension_numbers = #tpu.dot_dimension_numbers<[0], [1], [1], [0], [0, 1, 1, 0], [], []>, transpose_lhs_hint = false} : vector<64x4096xf32>, vector<1024x64xf32>, vector<4096x1024xf32> -> vector<4096x1024xf32>
    %get3A_6 = arith.constant 0 : index
    %get3A_7 = vector.load %arg3[%get3A_6] : memref<4096xf32, #tpu.memory_space<vmem>>, vector<4096xf32>
    %exp3A = math.exp %get3A_7 : vector<4096xf32>
    %broadcast_in_dim3A = vector.shape_cast %exp3A : vector<4096xf32> to vector<4096x1xf32>
    %get3A_8 = arith.constant 0 : index
    %get3A_9 = arith.constant 0 : index
    %get3A_10 = vector.load %arg4[%get3A_8, %get3A_9] : memref<1x1024xf32, #tpu.memory_space<vmem>>, vector<1x1024xf32>
    %sub3A = vector.broadcast %get3A_10 : vector<1x1024xf32> to vector<4096x1024xf32>
    %sub3A_11 = arith.subf %dot_general3A_5, %sub3A : vector<4096x1024xf32>
    %exp23A = math.exp2 %sub3A_11 : vector<4096x1024xf32>
    %mul3A = vector.broadcast %broadcast_in_dim3A : vector<4096x1xf32> to vector<4096x1024xf32>
    %mul3A_12 = arith.mulf %exp23A, %mul3A : vector<4096x1024xf32>
    %get3A_13 = arith.constant 0 : index
    %get3A_14 = arith.constant 0 : index
    %get3A_15 = vector.load %arg5[%get3A_13, %get3A_14] : memref<1x1024xf32, #tpu.memory_space<vmem>>, vector<1x1024xf32>
    %div3A = arith.constant 1.000000e+00 : f32
    %div3A_16 = vector.broadcast %div3A : f32 to vector<1x1024xf32>
    %div3A_17 = arith.divf %div3A_16, %get3A_15 : vector<1x1024xf32>
    %mul3A_18 = vector.broadcast %div3A_17 : vector<1x1024xf32> to vector<4096x1024xf32>
    %mul3A_19 = arith.mulf %mul3A_12, %mul3A_18 : vector<4096x1024xf32>
    %swap3A = arith.constant 0 : index
    %swap3A_20 = arith.constant 0 : index
    %swap3A_21 = vector.load %arg6[%swap3A, %swap3A_20] : memref<4096x1024xf32, #tpu.memory_space<vmem>>, vector<4096x1024xf32>
    tpu.vector_store %arg6[%swap3A, %swap3A_20], %mul3A_19 {strides = array<i32>} : memref<4096x1024xf32, #tpu.memory_space<vmem>>, vector<4096x1024xf32>,
    return
  }
  func.func @transform_0(%arg0: i32) -> (i32, i32) {
    %c0_i32 = arith.constant 0 : i32
    %c0_i32_0 = arith.constant 0 : i32
    %c0_i32_1 = arith.constant 0 : i32
    return %c0_i32, %c0_i32_0 : i32, i32
  }
  func.func @transform_1(%arg0: i32) -> (i32, i32) {
    %c0_i32 = arith.constant 0 : i32
    %c0_i32_0 = arith.constant 0 : i32
    return %c0_i32, %arg0 : i32, i32
  }
  func.func @transform_2(%arg0: i32) -> i32 {
    %c0_i32 = arith.constant 0 : i32
    return %arg0 : i32
  }
  func.func @transform_3(%arg0: i32) -> (i32, i32) {
    %c0_i32 = arith.constant 0 : i32
    %c0_i32_0 = arith.constant 0 : i32
    %c0_i32_1 = arith.constant 0 : i32
    return %c0_i32, %c0_i32_0 : i32, i32
  }
  func.func @transform_4(%arg0: i32) -> (i32, i32) {
    %c0_i32 = arith.constant 0 : i32
    %c0_i32_0 = arith.constant 0 : i32
    %c0_i32_1 = arith.constant 0 : i32
    return %c0_i32, %c0_i32_0 : i32, i32
  }
  func.func @transform_5(%arg0: i32) -> (i32, i32) {
    %c0_i32 = arith.constant 0 : i32
    %c0_i32_0 = arith.constant 0 : i32
    return %arg0, %c0_i32 : i32, i32
  }
}

module attributes {stable_mosaic.version = 14 : i64} {
  func.func @_stats_body(%arg0: i32, %arg1: memref<1024x64xf32, #tpu.memory_space<vmem>>, %arg2: memref<64x4096xf32, #tpu.memory_space<vmem>>, %arg3: memref<4096xf32, #tpu.memory_space<vmem>>, %arg4: memref<1x1024xf32, #tpu.memory_space<vmem>>, %arg5: memref<1x1024xf32, #tpu.memory_space<vmem>>) attributes {dimension_semantics = [#tpu.dimension_semantics<arbitrary>], iteration_bounds = array<i64: 25>, scalar_prefetch = 0 : i64, scratch_operands = 0 : i64, tpu.core_type = #tpu.core_type<tc>, window_params = [{pipeline_mode = #tpu.pipeline_mode<synchronous>, transform_indices = @transform_0, window_bounds = array<i64: 1024, 64>}, {transform_indices = @transform_1, window_bounds = array<i64: 64, 4096>}, {transform_indices = @transform_2, window_bounds = array<i64: 4096>}, {pipeline_mode = #tpu.pipeline_mode<synchronous>, transform_indices = @transform_3, window_bounds = array<i64: 1, 1024>}, {pipeline_mode = #tpu.pipeline_mode<synchronous>, transform_indices = @transform_4, window_bounds = array<i64: 1, 1024>}]} {
    %get3A = arith.constant 0 : index
    %get3A_0 = arith.constant 0 : index
    %get3A_1 = vector.load %arg2[%get3A, %get3A_0] : memref<64x4096xf32, #tpu.memory_space<vmem>>, vector<64x4096xf32>
    %get3A_2 = arith.constant 0 : index
    %get3A_3 = arith.constant 0 : index
    %get3A_4 = vector.load %arg1[%get3A_2, %get3A_3] : memref<1024x64xf32, #tpu.memory_space<vmem>>, vector<1024x64xf32>
    %dot_general3A = arith.constant dense<0.000000e+00> : vector<4096x1024xf32>
    %dot_general3A_5 = tpu.matmul %get3A_1, %get3A_4, %dot_general3A {dimension_numbers = #tpu.dot_dimension_numbers<[0], [1], [1], [0], [0, 1, 1, 0], [], []>, transpose_lhs_hint = false} : vector<64x4096xf32>, vector<1024x64xf32>, vector<4096x1024xf32> -> vector<4096x1024xf32>
    %get3A_6 = arith.constant 0 : index
    %get3A_7 = vector.load %arg3[%get3A_6] : memref<4096xf32, #tpu.memory_space<vmem>>, vector<4096xf32>
    %exp3A = math.exp %get3A_7 : vector<4096xf32>
    %broadcast_in_dim3A = vector.shape_cast %exp3A : vector<4096xf32> to vector<4096x1xf32>
    %eq3A = arith.constant 0 : i32
    %eq3A_8 = arith.cmpi eq, %arg0, %eq3A : i32
    %convert_element_type3A = arith.extui %eq3A_8 : i1 to i32
    %cond3A = arith.constant 0 : i32
    %cond3A_9 = arith.cmpi ne, %convert_element_type3A, %cond3A : i32
    scf.if %cond3A_9 {
      %reduce_max3A = arith.constant dense<0xFF800000> : vector<1024xf32>
      %reduce_max3A_19 = vector.multi_reduction <maximumf>, %dot_general3A_5, %reduce_max3A [0] : vector<4096x1024xf32> to vector<1024xf32>
      %broadcast_in_dim3A_20 = vector.shape_cast %reduce_max3A_19 : vector<1024xf32> to vector<1x1024xf32>
      %swap3A = arith.constant 0 : index
      %swap3A_21 = arith.constant 0 : index
      %swap3A_22 = vector.load %arg4[%swap3A, %swap3A_21] : memref<1x1024xf32, #tpu.memory_space<vmem>>, vector<1x1024xf32>
      tpu.vector_store %arg4[%swap3A, %swap3A_21], %broadcast_in_dim3A_20 {strides = array<i32>} : memref<1x1024xf32, #tpu.memory_space<vmem>>, vector<1x1024xf32>,
      %broadcast_in_dim3A_23 = arith.constant 0.000000e+00 : f32
      %broadcast_in_dim3A_24 = vector.broadcast %broadcast_in_dim3A_23 : f32 to vector<1x1024xf32>
      %swap3A_25 = arith.constant 0 : index
      %swap3A_26 = arith.constant 0 : index
      %swap3A_27 = vector.load %arg5[%swap3A_25, %swap3A_26] : memref<1x1024xf32, #tpu.memory_space<vmem>>, vector<1x1024xf32>
      tpu.vector_store %arg5[%swap3A_25, %swap3A_26], %broadcast_in_dim3A_24 {strides = array<i32>} : memref<1x1024xf32, #tpu.memory_space<vmem>>, vector<1x1024xf32>,
    } else {
    }
    %ne3A = arith.constant 24 : i32
    %ne3A_10 = arith.cmpi ne, %arg0, %ne3A : i32
    %convert_element_type3A_11 = arith.extui %ne3A_10 : i1 to i32
    %cond3A_12 = arith.constant 0 : i32
    %cond3A_13 = arith.cmpi ne, %convert_element_type3A_11, %cond3A_12 : i32
    scf.if %cond3A_13 {
      %get3A_19 = arith.constant 0 : index
      %get3A_20 = arith.constant 0 : index
      %get3A_21 = vector.load %arg4[%get3A_19, %get3A_20] : memref<1x1024xf32, #tpu.memory_space<vmem>>, vector<1x1024xf32>
      %sub3A = vector.broadcast %get3A_21 : vector<1x1024xf32> to vector<4096x1024xf32>
      %sub3A_22 = arith.subf %dot_general3A_5, %sub3A : vector<4096x1024xf32>
      %exp23A = math.exp2 %sub3A_22 : vector<4096x1024xf32>
      %dot_general3A_23 = arith.constant dense<0.000000e+00> : vector<1x1024xf32>
      %dot_general3A_24 = tpu.matmul %broadcast_in_dim3A, %exp23A, %dot_general3A_23 {dimension_numbers = #tpu.dot_dimension_numbers<[0], [0], [1], [1], [0, 1, 1, 1], [], []>, transpose_lhs_hint = false} : vector<4096x1xf32>, vector<4096x1024xf32>, vector<1x1024xf32> -> vector<1x1024xf32>
      %get3A_25 = arith.constant 0 : index
      %get3A_26 = arith.constant 0 : index
      %get3A_27 = vector.load %arg5[%get3A_25, %get3A_26] : memref<1x1024xf32, #tpu.memory_space<vmem>>, vector<1x1024xf32>
      %add3A = arith.addf %get3A_27, %dot_general3A_24 : vector<1x1024xf32>
      %swap3A = arith.constant 0 : index
      %swap3A_28 = arith.constant 0 : index
      %swap3A_29 = vector.load %arg5[%swap3A, %swap3A_28] : memref<1x1024xf32, #tpu.memory_space<vmem>>, vector<1x1024xf32>
      tpu.vector_store %arg5[%swap3A, %swap3A_28], %add3A {strides = array<i32>} : memref<1x1024xf32, #tpu.memory_space<vmem>>, vector<1x1024xf32>,
    } else {
    }
    %eq3A_14 = arith.constant 24 : i32
    %eq3A_15 = arith.cmpi eq, %arg0, %eq3A_14 : i32
    %convert_element_type3A_16 = arith.extui %eq3A_15 : i1 to i32
    %cond3A_17 = arith.constant 0 : i32
    %cond3A_18 = arith.cmpi ne, %convert_element_type3A_16, %cond3A_17 : i32
    scf.if %cond3A_18 {
      %iota3A = tpu.iota {dimensions = array<i32: 0>} : vector<4096x1xi32>
      %mul3A = arith.constant 4096 : i32
      %mul3A_19 = arith.muli %arg0, %mul3A : i32
      %add3A = vector.broadcast %mul3A_19 : i32 to vector<4096x1xi32>
      %add3A_20 = arith.addi %iota3A, %add3A : vector<4096x1xi32>
      %lt3A = arith.constant 100000 : i32
      %lt3A_21 = vector.broadcast %lt3A : i32 to vector<4096x1xi32>
      %lt3A_22 = arith.cmpi slt, %add3A_20, %lt3A_21 : vector<4096x1xi32>
      %jit3A = arith.constant -1.000000e+30 : f32
      %broadcast_in_dim3A_23 = vector.shape_cast %lt3A_22 : vector<4096x1xi1> to vector<4096x1xi1>
      %broadcast_in_dim3A_24 = vector.broadcast %broadcast_in_dim3A_23 : vector<4096x1xi1> to vector<4096x1024xi1>
      %broadcast_in_dim3A_25 = vector.broadcast %jit3A : f32 to vector<4096x1024xf32>
      %select_n3A = arith.select %broadcast_in_dim3A_24, %dot_general3A_5, %broadcast_in_dim3A_25 : vector<4096x1024xi1>, vector<4096x1024xf32>
      %jit3A_26 = arith.constant 0.000000e+00 : f32
      %broadcast_in_dim3A_27 = vector.broadcast %jit3A_26 : f32 to vector<4096x1xf32>
      %select_n3A_28 = arith.select %lt3A_22, %broadcast_in_dim3A, %broadcast_in_dim3A_27 : vector<4096x1xi1>, vector<4096x1xf32>
      %get3A_29 = arith.constant 0 : index
      %get3A_30 = arith.constant 0 : index
      %get3A_31 = vector.load %arg4[%get3A_29, %get3A_30] : memref<1x1024xf32, #tpu.memory_space<vmem>>, vector<1x1024xf32>
      %sub3A = vector.broadcast %get3A_31 : vector<1x1024xf32> to vector<4096x1024xf32>
      %sub3A_32 = arith.subf %select_n3A, %sub3A : vector<4096x1024xf32>
      %exp23A = math.exp2 %sub3A_32 : vector<4096x1024xf32>
      %dot_general3A_33 = arith.constant dense<0.000000e+00> : vector<1x1024xf32>
      %dot_general3A_34 = tpu.matmul %select_n3A_28, %exp23A, %dot_general3A_33 {dimension_numbers = #tpu.dot_dimension_numbers<[0], [0], [1], [1], [0, 1, 1, 1], [], []>, transpose_lhs_hint = false} : vector<4096x1xf32>, vector<4096x1024xf32>, vector<1x1024xf32> -> vector<1x1024xf32>
      %get3A_35 = arith.constant 0 : index
      %get3A_36 = arith.constant 0 : index
      %get3A_37 = vector.load %arg5[%get3A_35, %get3A_36] : memref<1x1024xf32, #tpu.memory_space<vmem>>, vector<1x1024xf32>
      %add3A_38 = arith.addf %get3A_37, %dot_general3A_34 : vector<1x1024xf32>
      %swap3A = arith.constant 0 : index
      %swap3A_39 = arith.constant 0 : index
      %swap3A_40 = vector.load %arg5[%swap3A, %swap3A_39] : memref<1x1024xf32, #tpu.memory_space<vmem>>, vector<1x1024xf32>
      tpu.vector_store %arg5[%swap3A, %swap3A_39], %add3A_38 {strides = array<i32>} : memref<1x1024xf32, #tpu.memory_space<vmem>>, vector<1x1024xf32>,
    } else {
    }
    return
  }
  func.func @transform_0(%arg0: i32) -> (i32, i32) {
    %c0_i32 = arith.constant 0 : i32
    %c0_i32_0 = arith.constant 0 : i32
    %c0_i32_1 = arith.constant 0 : i32
    return %c0_i32, %c0_i32_0 : i32, i32
  }
  func.func @transform_1(%arg0: i32) -> (i32, i32) {
    %c0_i32 = arith.constant 0 : i32
    %c0_i32_0 = arith.constant 0 : i32
    return %c0_i32, %arg0 : i32, i32
  }
  func.func @transform_2(%arg0: i32) -> i32 {
    %c0_i32 = arith.constant 0 : i32
    return %arg0 : i32
  }
  func.func @transform_3(%arg0: i32) -> (i32, i32) {
    %c0_i32 = arith.constant 0 : i32
    %c0_i32_0 = arith.constant 0 : i32
    %c0_i32_1 = arith.constant 0 : i32
    return %c0_i32, %c0_i32_0 : i32, i32
  }
  func.func @transform_4(%arg0: i32) -> (i32, i32) {
    %c0_i32 = arith.constant 0 : i32
    %c0_i32_0 = arith.constant 0 : i32
    %c0_i32_1 = arith.constant 0 : i32
    return %c0_i32, %c0_i32_0 : i32, i32
  }
}

</mosaic_0001>

<sc_bundles>
// kernel: kernel.5.cloned.1.call-start
scs
__scs_entry_jumppad:
0x0: {  	(pc) =	sbr.rel $0x88, $3  }
0x1: {  	(tag) =	ssettag $0x0;
	lr =	simm.s32 $0x1  }
0x2: {  	[smem:$0x3F9D] =	sst lr;
	_ =	strace $0xD0000000  }
0x3: {  	_ = 	snop  }
0x4: {  	_ = 	snop  }
0x5: {  	_ = 	snop  }
0x6: {  	_ = 	snop  }
0x7: {  	_ = 	snop  }
__scs_overlays_trampoline_lowered:
0x8: {  	[smem:$0x3FAC] =	sst s0  }
0x9: {  	[smem:$0x3FAD] =	sst s1  }
0xa: {  	[smem:$0x3FAE] =	sst s2  }
0xb: {  	[smem:$0x3FAF] =	sst s3  }
0xc: {  	[smem:$0x3FB0] =	sst s4  }
0xd: {  	[smem:$0x3FB1] =	sst s5  }
0xe: {  	[smem:$0x3FB2] =	sst s6  }
0xf: {  	[smem:$0x3FB3] =	sst s7  }
0x10: {  	[smem:$0x3FB4] =	sst s8  }
0x11: {  	[smem:$0x3FB5] =	sst s9;
	s0 =	simm.s32 @!p0 $0x0  }
0x12: {  	s1 =	sld [smem:$0x3F9B];
	s0 =	simm.s32 @p0 $0x1  }
0x13: {  	[smem:$0x3FB6] =	sst s0;
	s0 =	simm.s32 @!p1 $0x0  }
0x14: {  	s2 =	sld [smem:$0x3F9A];
	s0 =	simm.s32 @p1 $0x1  }
0x15: {  	[smem:$0x3FB7] =	sst s0;
	s0 =	simm.s32 @!p2 $0x0  }
0x16: {  	s3 =	sld [smem:$0x3FDB];
	s0 =	simm.s32 @p2 $0x1  }
0x17: {  	s4 =	simm.s32 $0x1BF5;
	[smem:$0x3FB9] =	sst s0  }
0x18: {  	s0 =	sld [smem:$0x3F9C];
	_ =	swait.ge [sflag:s4], $0x0  }
0x19: {  	s7 =	sld [smem:$0x3F9D]  }
0x1a: {  	s8 =	sadd.s32 $0xFFFFE003, lr  }
0x1b: {  	s9 =	sadd.s32 $0xFFFFFEF7, lr;
	s5 =	simm.s32 $0xFFFFFFFF;
	p2 =	slt.u32 s8, $0xFFFFF086  }
0x1c: {  	p1 =	slt.u32 s9, $0xF7A;
	s5 =	simm.s32 @!p2 $0x0  }
0x1d: {  	s5 =	simm.s32 @p1 $0x1;
	p0 =	seq.s32 s7, s2  }
0x1e: {  	s7 =	smul.u32 @!p0 $0xF7A, s2;
	p2 =	seq.s32 @!p0 s5, $0x0  }
0x1f: {  	s9 =	smul.u32 $0xF7A, s1;
	s8 =	simm.s32 @!p0 $0x1BF5;
	p2 =	por !p2, p0  }
0x20: {  	[sflag:s8] =	ssyncset.s32 @!p0 $0xFFFFF086;
	s6 =	sadd.s32 @!p0 s3, s7;
	s7 =	simm.s32 @!p0 $0x108  }
0x21: {  	s3 =	sadd.s32 s3, s9;
	s6 =	sadd.s32 @!p0 $0x88, s6;
	s7 =	simm.s32 @p2 $0x1082  }
0x22: {  	[simem:s7], [sflag:s8] =	dma.local @!p0 [hbm:s6], $0xF7A  }
0x23: {  	s9 =	sor.u32 $0xD0000000, s2;
	s6 =	simm.s32 $0x108;
	_ =	swait.ge @!p0 [sflag:s8], $0x0  }
0x24: {  	s3 =	sadd.s32 $0x88, s3;
	s6 =	simm.s32 @!p1 $0x1082;
	[sflag:s4] =	ssyncset.s32 $0xFFFFF086  }
0x25: {  	[simem:s6], [sflag:s4] =	dma.local [hbm:s3], $0xF7A  }
0x26: {  	[smem:$0x3F9D] =	sst s1;
	(tag) =	ssettag s2;
	_ =	strace s9  }
0x27: {  	s1 =	sld [smem:$0x3FAD]  }
0x28: {  	s2 =	sld [smem:$0x3FAE]  }
0x29: {  	s4 =	sld [smem:$0x3FB0]  }
0x2a: {  	p0 =	seq.s32 s5, $0x0;
	s5 =	sld [smem:$0x3FB1]  }
0x2b: {  	s6 =	sld [smem:$0x3FB2]  }
0x2c: {  	s7 =	sld [smem:$0x3FB3]  }
0x2d: {  	s3 =	simm.s32 $0x108;
	s8 =	sld [smem:$0x3FB4]  }
0x2e: {  	s3 =	simm.s32 @!p0 $0x1082;
	s9 =	sld [smem:$0x3FB5]  }
0x2f: {  	lr =	sadd.s32 s0, s3;
	s0 =	sld [smem:$0x3FAC]  }
0x30: {  	s3 =	sld [smem:$0x3FAF]  }
0x31: {  	[smem:$0x3FB8] =	sst s10  }
0x32: {  	s10 =	sld [smem:$0x3FB6];
	_ =	sdelay $0x3  }
0x33: {  	p0 =	seq.s32 s10, $0x1;
	s10 =	sld [smem:$0x3FB8];
	_ =	sdelay $0x3  }
0x34: {  	[smem:$0x3FB8] =	sst s10  }
0x35: {  	s10 =	sld [smem:$0x3FB7];
	_ =	sdelay $0x3  }
0x36: {  	p1 =	seq.s32 s10, $0x1;
	s10 =	sld [smem:$0x3FB8];
	_ =	sdelay $0x3  }
0x37: {  	[smem:$0x3FB8] =	sst s10  }
0x38: {  	s10 =	sld [smem:$0x3FB9]  }
0x39: {  	_ = 	snop;
	(pc) =	sbr.ind lr, $3  }
0x3a: {  	_ = 	snop  }
0x3b: {  	_ = 	snop  }
0x3c: {  	p2 =	seq.s32 s10, $0x1;
	s10 =	sld [smem:$0x3FB8]  }
0x3d: {  	_ =	shalt  }
0x3e: {  	_ =	shalt  }
0x3f: {  	_ =	shalt  }
0x40: {  	_ =	shalt  }
0x41: {  	_ =	shalt  }
0x42: {  	_ =	shalt  }
0x43: {  	_ =	shalt  }
0x44: {  	_ =	shalt  }
0x45: {  	_ =	shalt  }
0x46: {  	_ =	shalt  }
0x47: {  	_ =	shalt  }
0x48: {  	_ =	shalt  }
0x49: {  	_ =	shalt  }
0x4a: {  	_ =	shalt  }
0x4b: {  	_ =	shalt  }
0x4c: {  	_ =	shalt  }
0x4d: {  	_ =	shalt  }
0x4e: {  	_ =	shalt  }
0x4f: {  	_ =	shalt  }
0x50: {  	_ =	shalt  }
0x51: {  	_ =	shalt  }
0x52: {  	_ =	shalt  }
0x53: {  	_ =	shalt  }
0x54: {  	_ =	shalt  }
0x55: {  	_ =	shalt  }
0x56: {  	_ =	shalt  }
0x57: {  	_ =	shalt  }
0x58: {  	_ =	shalt  }
0x59: {  	_ =	shalt  }
0x5a: {  	_ =	shalt  }
0x5b: {  	_ =	shalt  }
0x5c: {  	_ =	shalt  }
0x5d: {  	_ =	shalt  }
0x5e: {  	_ =	shalt  }
0x5f: {  	_ =	shalt  }
0x60: {  	_ =	shalt  }
0x61: {  	_ =	shalt  }
0x62: {  	_ =	shalt  }
0x63: {  	_ =	shalt  }
0x64: {  	_ =	shalt  }
0x65: {  	_ =	shalt  }
0x66: {  	_ =	shalt  }
0x67: {  	_ =	shalt  }
0x68: {  	_ =	shalt  }
0x69: {  	_ =	shalt  }
0x6a: {  	_ =	shalt  }
0x6b: {  	_ =	shalt  }
0x6c: {  	_ =	shalt  }
0x6d: {  	_ =	shalt  }
0x6e: {  	_ =	shalt  }
0x6f: {  	_ =	shalt  }
0x70: {  	_ =	shalt  }
0x71: {  	_ =	shalt  }
0x72: {  	_ =	shalt  }
0x73: {  	_ =	shalt  }
0x74: {  	_ =	shalt  }
0x75: {  	_ =	shalt  }
0x76: {  	_ =	shalt  }
0x77: {  	_ =	shalt  }
0x78: {  	_ =	shalt  }
0x79: {  	_ =	shalt  }
0x7a: {  	_ =	shalt  }
0x7b: {  	_ =	shalt  }
0x7c: {  	_ =	shalt  }
0x7d: {  	_ =	shalt  }
0x7e: {  	_ =	shalt  }
0x7f: {  	_ =	shalt  }
0x80: {  	_ =	shalt  }
0x81: {  	_ =	shalt  }
0x82: {  	_ =	shalt  }
0x83: {  	_ =	shalt  }
0x84: {  	_ =	shalt  }
0x85: {  	_ =	shalt  }
0x86: {  	_ =	shalt  }
0x87: {  	_ =	shalt  }
.Lfunc_end0:
.L_simem_size_0:
called_computation_lowered:
.L_overlay_start_0:
0x88: {  	s2 =	sld [smem:$0x3FD9]  }
0x89: {  	s3 =	sld [smem:$0x3FFE];
	_ =	sdelay $0x1  }
0x8a: {  	s1 =	srdreg.scid  }
0x8b: {  	s0 =	sand.u32 $0x1, s1  }
0x8c: {  	s18 =	sshll.u32 s0, $0xA;
	s2 =	sadd.s32 s3, s2  }
0x8d: {  	s2 =	sadd.s32 s2, s18  }
0x8e: {  	[smem:$0x3FC4] =	sst s2  }
0x8f: {  	_ = 	snop  }
0x90: {  	s2 =	sld [smem:$0x3FC9]  }
0x91: {  	s19 =	sld [smem:$0x3FC8]  }
0x92: {  	s4 =	sld [smem:$0x3FD0];
	(tm) =	ssettm $0x1  }
0x93: {  	s5 =	sld [smem:$0x3FFB];
	_ =	sdelay $0x3  }
0x94: {  	_ =	strace s5  }
0x95: {  	s5 =	sld [smem:$0x3FFC];
	_ =	sdelay $0x3  }
0x96: {  	_ =	strace s5  }
0x97: {  	s5 =	sld [smem:$0x3FFD];
	_ =	sdelay $0x3  }
0x98: {  	_ =	strace s5  }
0x99: {  	_ =	strace $0x8FFFFFFF  }
0x9a: {  	s20 =	sld [smem:$0x3FDB];
	_ =	sdelay $0x1  }
0x9b: {  	s6 =	simm.s32 $_scs_section_size  }
0x9c: {  	s7 =	simm.s32 $_size__tile_overlayer_lowered;
	s8 =	simm.s32 $_tile_overlayer_lowered  }
0x9d: {  	s23 =	simm.s32 $0x1BFF;
	s22 =	sshll.u32 s8, $0x1;
	s5 =	sadd.s32 s6, s20  }
0x9e: {  	s9 =	simm.s32 $0x0;
	s21 =	sshll.u32 s7, $0x1;
	s7 =	sadd.s32 s22, s5  }
0x9f: {  	[timem:s9], [sflag:s23] =	dma.local [hbm:s7], s21  }
0xa0: {  	_ =	swait.ge [sflag:s23], s21  }
0xa1: {  	s6 =	ssub.s32 $0x0, s21;
	[sflag:s23] =	ssyncset.done $0x0  }
0xa2: {  	[sflag:s23] =	ssyncadd.s32 s6;
	_ =	sdelay $0x1  }
0xa3: {  	s24 =	simm.s32 $0x1B8B  }
0xa4: {  	_ =	swait.ge [sflag:s24], $0x1  }
0xa5: {  	[sflag:s24] =	ssyncset.done $0x0  }
0xa6: {  	s25 =	simm.s32 $0x1B8E;
	[sflag:s24] =	ssyncadd.s32 $0xFFFFFFFF  }
0xa7: {  	s26 =	simm.s32 $execute0_lowered;
	[smem:$0x3FD2] =	sst s25  }
0xa8: {  	s6 =	sshll.u32 s26, $0x1;
	_ =	strace $0x80000046;
	[dreg:$0x1] =	wrdreg $0xFFFFFFFF  }
0xa9: {  	s28 =	simm.s32 $_size_execute0_lowered;
	s5 =	sadd.s32 s5, s6;
	[dreg:$0x0] =	wrdreg $0x0  }
0xaa: {  	s6 =	sshll.u32 s28, $0x1;
	[dreg:$0x2] =	wrdreg s5  }
0xab: {  	[dreg:$0x3] =	wrdreg s6  }
0xac: {  	[dreg:$0x4] =	wrdreg $0xC0  }
0xad: {  	_ =	task [dreg:s9], $0x5FFFF  }
0xae: {  	[dreg:$0x1] =	wrdreg $0xFFFFFFFF  }
0xaf: {  	[dreg:$0x0] =	wrdreg $0x60  }
0xb0: {  	[dreg:$0x2] =	wrdreg s19  }
0xb1: {  	[dreg:$0x3] =	wrdreg s2  }
0xb2: {  	[dreg:$0x4] =	wrdreg s4  }
0xb3: {  	[dreg:$0x5] =	wrdreg $0x9  }
0xb4: {  	_ =	task.clear_ibuf [dreg:s9], $0x6FFFF;
	_ =	strace $0x90000046  }
0xb5: {  	s29 =	simm.s32 $0x9;
	_ =	strace $0x80000048  }
0xb6: {  	_ =	swait.ge [sflag:s29], $0x1  }
0xb7: {  	[sflag:s29] =	ssyncadd.s32 $0xFFFFFFFF  }
0xb8: {  	_ =	strace $0x90000048  }
0xb9: {  	_ =	sfence  }
0xba: {  	s30 =	sld [smem:$0x0];
	_ =	sdelay $0x2  }
0xbb: {  	s31 =	sshll.u32 s1, $0xD;
	s1 =	sshrl.u32 s1, $0x2  }
0xbc: {  	s3 =	sand.u32 $0x4000, s31;
	s1 =	sadd.s32 s1, s30  }
0xbd: {  	s0 =	sor.u32 s3, s0;
	s1 =	sshll.u32 s1, $0x11  }
0xbe: {  	s0 =	sor.u32 s1, s0  }
0xbf: {  	s0 =	sadd.s32 $0x8F2B, s0  }
0xc0: {  	[sflag:s0] =	ssyncadd.remote.s32 $0x1  }
0xc1: {  	_ =	sfence.sel $0xFFFF  }
0xc2: {  	[dreg:$0x0] =	wrdreg $0xFFFFFFFF;
	(pc) =	sbr.abs _section_cstart, $3  }
0xc3: {  	[dreg:$0x1] =	wrdreg $0xFFFFFFFF  }
0xc4: {  	_ =	task.clear_ibuf [dreg:s9], $0x2FFFF;
	_ =	strace $0x9FFFFFFF  }
0xc5: {  	(tm) =	ssettm $0x7FFFFFFF  }
tec
execute0_lowered:
.L_overlay_start_1:
0x0: {  	(tag) =	ssettag $0x1  }
0x1: {  	s1 =	rddreg [dreg:$0x0]  }
0x2: {  	s0 =	rddreg [dreg:$0x1]  }
0x3: {  	s2 =	rddreg [dreg:$0x2];
	s3 =	srdreg.scid  }
0x4: {  	s4 =	stileid.u32;
	s6 =	simm.s32 $0x0;
	s7 =	simm.s32 $0x400  }
0x5: {  	s8 =	simm.s32 $0xC3800;
	s18 =	simm.s32 $0x80;
	s10 =	simm.s32 $0x2080  }
0x6: {  	s11 =	simm.s32 $0x4080;
	s12 =	simm.s32 $0x6080;
	s13 =	simm.s32 $0x8080  }
0x7: {  	s14 =	simm.s32 $0xA080;
	s15 =	simm.s32 $0xC080;
	s3 =	sand.u32 $0x1, s3  }
0x8: {  	s4 =	sshll.u32 s4, $0x6;
	[smem:$0x7FF] =	sst s6;
	s5 =	sshll.u32 s3, $0x5  }
0x9: {  	s31 =	simm.s32 $0x10080;
	_ =	strace $0x80000047;
	s4 =	sor.u32 s5, s4  }
0xa: {  	v0 =	vlaneseq.u32;
	s3 =	ssub.s32 $0x2, s3;
	[dreg:$0x6] =	wrdreg s31;
	s5 =	sshrl.u32 s4, $0x3  }
0xb: {  	v0 =	vmul.u32 $0x80, v0;
	s29 =	sshrl.u32 s3, $0x1;
	s4 =	sshll.u32 s4, $0x4;
	s0 =	sadd.s32 s0, s5  }
0xc: {  	s3 =	ssub.s32 s3, s29;
	s30 =	sadd.s32 s2, s4;
	[dreg:$0x4] =	wrdreg s0  }
0xd: {  	s16 =	simm.s32 $0xE080;
	v1 =	vor.u32 $0x800, v0;
	v2 =	vor.u32 $0x1000, v0;
	v3 =	vor.u32 $0x1800, v0;
	s2 =	smax.u32 s3, $0x1;
	[dreg:$0x5] =	wrdreg s30  }
.LBB2_1:
0xe: {  	[dreg:$0x7] =	wrdreg s2  }
0xf: {  	s0 =	rddreg [dreg:$0x4];
	s6 =	simm.s32 $0x0;
	s9 =	simm.s32 $0x9  }
0x10: {  	[tilespmem:s6], [sflag:$0x9] =	stream.linear.gather [hbm4b:s0+s6], $0x20, $0x38;
	[tilespmem:$0x11080] =	vst v63  }
0x11: {  	_ =	swait.ge [sflag:s9], $0x20  }
0x12: {  	[sflag:s9] =	ssyncset.done $0x0  }
0x13: {  	[sflag:s9] =	ssyncadd.s32 $0xFFFFFFE0  }
0x14: {  	v4 =	vld [tilespmem:$0x0];
	_ =	sdelay $0x4  }
0x15: {  	(v2sf) =	vpush v4, $0x0  }
0x16: {  	(v2sf) =	vpush v4, $0x2  }
0x17: {  	(v2sf) =	vpush v4, $0x3  }
0x18: {  	(v2sf) =	vpush v4, $0x4  }
0x19: {  	(v2sf) =	vpush v4, $0x5  }
0x1a: {  	(v2sf) =	vpush v4, $0x6  }
0x1b: {  	(v2sf) =	vpush v4, $0x7  }
0x1c: {  	(v2sf) =	vpush v4, $0x8  }
0x1d: {  	(v2sf) =	vpush v4, $0x9  }
0x1e: {  	(v2sf) =	vpush v4, $0xA  }
0x1f: {  	v5 =	vld [tilespmem:$0x10];
	(v2sf) =	vpush v4, $0xB  }
0x20: {  	(v2sf) =	vpush v4, $0xC  }
0x21: {  	(v2sf) =	vpush v4, $0xD  }
0x22: {  	(v2sf) =	vpush v4, $0xE  }
0x23: {  	(v2sf) =	vpush v4, $0xF  }
0x24: {  	s3 =	spop (v2sf);
	(v2sf) =	vpush v5, $0x0  }
0x25: {  	s2 =	spop (v2sf);
	(v2sf) =	vpush v5, $0x1  }
0x26: {  	s26 =	spop (v2sf);
	(v2sf) =	vpush v5, $0x2  }
0x27: {  	s31 =	spop (v2sf);
	(v2sf) =	vpush v5, $0x3  }
0x28: {  	s30 =	spop (v2sf);
	(v2sf) =	vpush v5, $0x4  }
0x29: {  	s29 =	spop (v2sf);
	(v2sf) =	vpush v5, $0x5  }
0x2a: {  	s28 =	spop (v2sf);
	(v2sf) =	vpush v5, $0x6  }
0x2b: {  	s9 =	spop (v2sf);
	(v2sf) =	vpush v5, $0x7  }
0x2c: {  	s0 =	spop (v2sf);
	(v2sf) =	vpush v5, $0x8  }
0x2d: {  	s25 =	spop (v2sf);
	(v2sf) =	vpush v5, $0x9  }
0x2e: {  	s24 =	spop (v2sf)  }
0x2f: {  	(v2sf) =	vpush v5, $0xA;
	s4 =	spop (v2sf)  }
0x30: {  	s5 =	sshra.s32 s3, $0x1F;
	(v2sf) =	vpush v5, $0xB;
	s23 =	spop (v2sf)  }
0x31: {  	s5 =	sshrl.u32 s5, $0x19;
	(v2sf) =	vpush v5, $0xC;
	s22 =	spop (v2sf)  }
0x32: {  	s5 =	sadd.s32 s5, s3;
	(v2sf) =	vpush v5, $0xD;
	s21 =	spop (v2sf)  }
0x33: {  	s17 =	sand.u32 $0xFFFFFF80, s5;
	s20 =	spop (v2sf);
	(v2sf) =	vpush v5, $0xE  }
0x34: {  	p0 =	slt.s32 s3, $0x1;
	p1 =	sne.s32 s3, s17;
	s19 =	spop (v2sf);
	(v2sf) =	vpush v5, $0xF  }
0x35: {  	s5 =	sshrl.u32 s5, $0x7;
	p0 =	por !p0, !p1;
	s6 =	spop (v2sf);
	(v2sf) =	vpush v4, $0x1  }
0x36: {  	p0 =	por !p0, !p0;
	[dreg:$0x15] =	wrdreg s6;
	s17 =	spop (v2sf)  }
0x37: {  	s6 =	simm.s32 $0x1;
	[dreg:$0x14] =	wrdreg s17;
	s17 =	spop (v2sf)  }
0x38: {  	s6 =	simm.s32 @!p0 $0x0;
	[dreg:$0x13] =	wrdreg s17;
	s17 =	spop (v2sf)  }
0x39: {  	s5 =	ssub.s32 s5, s6;
	[dreg:$0x12] =	wrdreg s17;
	s17 =	spop (v2sf)  }
0x3a: {  	s5 =	sshll.u32 s5, $0x7;
	[dreg:$0x11] =	wrdreg s17;
	s17 =	spop (v2sf)  }
0x3b: {  	s5 =	sand.u32 $0x1FFFFF80, s5;
	[dreg:$0x10] =	wrdreg s17;
	s17 =	spop (v2sf)  }
0x3c: {  	s5 =	sadd.s32 s1, s5;
	[dreg:$0xf] =	wrdreg s17;
	s17 =	spop (v2sf)  }
0x3d: {  	[tilespmem:s18], [sflag:$0x1] =	stream.strided.gather [hbm4b:s5+s7], $0x2000, s8, s7, $0x38;
	[tilespmem:$0x11080] =	vst v63  }
0x3e: {  	[dreg:$0xe] =	wrdreg s17;
	s17 =	spop (v2sf)  }
0x3f: {  	s6 =	spop (v2sf)  }
0x40: {  	[dreg:$0xd] =	wrdreg s17;
	s17 =	spop (v2sf)  }
0x41: {  	[dreg:$0xc] =	wrdreg s6;
	s6 =	spop (v2sf)  }
0x42: {  	[dreg:$0xb] =	wrdreg s17;
	s17 =	spop (v2sf)  }
0x43: {  	[dreg:$0xa] =	wrdreg s6;
	s6 =	spop (v2sf)  }
0x44: {  	s5 =	spop (v2sf)  }
0x45: {  	[dreg:$0x9] =	wrdreg s17;
	s17 =	sshra.s32 s5, $0x1F  }
0x46: {  	[dreg:$0x8] =	wrdreg s6;
	s6 =	sshrl.u32 s17, $0x19  }
0x47: {  	s6 =	sadd.s32 s6, s5  }
0x48: {  	s17 =	sand.u32 $0xFFFFFF80, s6  }
0x49: {  	p6 =	slt.s32 s5, $0x1;
	p5 =	sne.s32 s5, s17  }
0x4a: {  	p0 =	por !p6, !p5  }
0x4b: {  	s17 =	simm.s32 $0x1;
	p0 =	por !p0, !p0  }
0x4c: {  	s6 =	sshrl.u32 s6, $0x7;
	s17 =	simm.s32 @!p0 $0x0  }
0x4d: {  	s6 =	ssub.s32 s6, s17  }
0x4e: {  	s6 =	sshll.u32 s6, $0x7  }
0x4f: {  	s6 =	sand.u32 $0x1FFFFF80, s6  }
0x50: {  	s17 =	sshra.s32 s2, $0x1F;
	s6 =	sadd.s32 s1, s6  }
0x51: {  	[tilespmem:s10], [sflag:$0x2] =	stream.strided.gather [hbm4b:s6+s7], $0x2000, s8, s7, $0x38;
	[tilespmem:$0x11080] =	vst v63  }
0x52: {  	s6 =	sshrl.u32 s17, $0x19  }
0x53: {  	s6 =	sadd.s32 s6, s2  }
0x54: {  	s17 =	sand.u32 $0xFFFFFF80, s6  }
0x55: {  	p2 =	slt.s32 s2, $0x1;
	p1 =	sne.s32 s2, s17  }
0x56: {  	p0 =	por !p2, !p1  }
0x57: {  	s17 =	simm.s32 $0x1;
	p0 =	por !p0, !p0  }
0x58: {  	s6 =	sshrl.u32 s6, $0x7;
	s17 =	simm.s32 @!p0 $0x0  }
0x59: {  	s6 =	ssub.s32 s6, s17  }
0x5a: {  	s6 =	sshll.u32 s6, $0x7  }
0x5b: {  	s6 =	sand.u32 $0x1FFFFF80, s6  }
0x5c: {  	s17 =	sshra.s32 s26, $0x1F;
	s6 =	sadd.s32 s1, s6  }
0x5d: {  	[tilespmem:s11], [sflag:$0x3] =	stream.strided.gather [hbm4b:s6+s7], $0x2000, s8, s7, $0x38;
	[tilespmem:$0x11080] =	vst v63  }
0x5e: {  	s6 =	sshrl.u32 s17, $0x19  }
0x5f: {  	s6 =	sadd.s32 s6, s26  }
0x60: {  	s17 =	sand.u32 $0xFFFFFF80, s6  }
0x61: {  	p4 =	slt.s32 s26, $0x1;
	p3 =	sne.s32 s26, s17  }
0x62: {  	p0 =	por !p4, !p3  }
0x63: {  	s17 =	simm.s32 $0x1;
	p0 =	por !p0, !p0  }
0x64: {  	s6 =	sshrl.u32 s6, $0x7;
	s17 =	simm.s32 @!p0 $0x0  }
0x65: {  	s6 =	ssub.s32 s6, s17  }
0x66: {  	s6 =	sshll.u32 s6, $0x7  }
0x67: {  	s6 =	sand.u32 $0x1FFFFF80, s6  }
0x68: {  	s17 =	sshra.s32 s31, $0x1F;
	s6 =	sadd.s32 s1, s6  }
0x69: {  	[tilespmem:s12], [sflag:$0x4] =	stream.strided.gather [hbm4b:s6+s7], $0x2000, s8, s7, $0x38;
	[tilespmem:$0x11080] =	vst v63  }
0x6a: {  	s6 =	sshrl.u32 s17, $0x19  }
0x6b: {  	s6 =	sadd.s32 s6, s31  }
0x6c: {  	s17 =	sand.u32 $0xFFFFFF80, s6  }
0x6d: {  	p6 =	slt.s32 s31, $0x1;
	p5 =	sne.s32 s31, s17  }
0x6e: {  	p0 =	por !p6, !p5  }
0x6f: {  	s17 =	simm.s32 $0x1;
	p0 =	por !p0, !p0  }
0x70: {  	s6 =	sshrl.u32 s6, $0x7;
	s17 =	simm.s32 @!p0 $0x0  }
0x71: {  	s6 =	ssub.s32 s6, s17  }
0x72: {  	s6 =	sshll.u32 s6, $0x7  }
0x73: {  	s6 =	sand.u32 $0x1FFFFF80, s6  }
0x74: {  	s17 =	sshra.s32 s30, $0x1F;
	s6 =	sadd.s32 s1, s6  }
0x75: {  	[tilespmem:s13], [sflag:$0x5] =	stream.strided.gather [hbm4b:s6+s7], $0x2000, s8, s7, $0x38;
	[tilespmem:$0x11080] =	vst v63  }
0x76: {  	s6 =	sshrl.u32 s17, $0x19  }
0x77: {  	s6 =	sadd.s32 s6, s30  }
0x78: {  	s17 =	sand.u32 $0xFFFFFF80, s6  }
0x79: {  	p2 =	slt.s32 s30, $0x1;
	p1 =	sne.s32 s30, s17  }
0x7a: {  	p0 =	por !p2, !p1  }
0x7b: {  	s17 =	simm.s32 $0x1;
	p0 =	por !p0, !p0  }
0x7c: {  	s6 =	sshrl.u32 s6, $0x7;
	s17 =	simm.s32 @!p0 $0x0  }
0x7d: {  	s6 =	ssub.s32 s6, s17  }
0x7e: {  	s6 =	sshll.u32 s6, $0x7  }
0x7f: {  	s6 =	sand.u32 $0x1FFFFF80, s6  }
0x80: {  	s17 =	sshra.s32 s29, $0x1F;
	s6 =	sadd.s32 s1, s6  }
0x81: {  	[tilespmem:s14], [sflag:$0x6] =	stream.strided.gather [hbm4b:s6+s7], $0x2000, s8, s7, $0x38;
	[tilespmem:$0x11080] =	vst v63  }
0x82: {  	s6 =	sshrl.u32 s17, $0x19  }
0x83: {  	s6 =	sadd.s32 s6, s29  }
0x84: {  	s17 =	sand.u32 $0xFFFFFF80, s6  }
0x85: {  	p4 =	slt.s32 s29, $0x1;
	p3 =	sne.s32 s29, s17  }
0x86: {  	p0 =	por !p4, !p3  }
0x87: {  	s17 =	simm.s32 $0x1;
	p0 =	por !p0, !p0  }
0x88: {  	s6 =	sshrl.u32 s6, $0x7;
	s17 =	simm.s32 @!p0 $0x0  }
0x89: {  	s6 =	ssub.s32 s6, s17  }
0x8a: {  	s6 =	sshll.u32 s6, $0x7  }
0x8b: {  	s6 =	sand.u32 $0x1FFFFF80, s6  }
0x8c: {  	s17 =	sshra.s32 s28, $0x1F;
	s6 =	sadd.s32 s1, s6  }
0x8d: {  	[tilespmem:s15], [sflag:$0x7] =	stream.strided.gather [hbm4b:s6+s7], $0x2000, s8, s7, $0x38;
	[tilespmem:$0x11080] =	vst v63  }
0x8e: {  	s6 =	sshrl.u32 s17, $0x19  }
0x8f: {  	s6 =	sadd.s32 s6, s28  }
0x90: {  	s17 =	sand.u32 $0xFFFFFF80, s6  }
0x91: {  	p6 =	slt.s32 s28, $0x1;
	p5 =	sne.s32 s28, s17  }
0x92: {  	p0 =	por !p6, !p5  }
0x93: {  	s17 =	simm.s32 $0x1;
	p0 =	por !p0, !p0  }
0x94: {  	s6 =	sshrl.u32 s6, $0x7;
	s17 =	simm.s32 @!p0 $0x0  }
0x95: {  	s6 =	ssub.s32 s6, s17  }
0x96: {  	s6 =	sshll.u32 s6, $0x7  }
0x97: {  	s3 =	sand.u32 $0x7F, s3;
	s6 =	sand.u32 $0x1FFFFF80, s6  }
0x98: {  	v4 =	vor.u32 s3, v0;
	s17 =	simm.s32 $0x1;
	s6 =	sadd.s32 s1, s6  }
0x99: {  	[tilespmem:s16], [sflag:$0x8] =	stream.strided.gather [hbm4b:s6+s7], $0x2000, s8, s7, $0x38;
	[tilespmem:$0x11080] =	vst v63  }
0x9a: {  	_ =	swait.ge [sflag:s17], $0x2000  }
0x9b: {  	[sflag:s17] =	ssyncset.done $0x0  }
0x9c: {  	[sflag:s17] =	ssyncadd.s32 $0xFFFFE000  }
0x9d: {  	v4 =	vld.idx.msk [tilespmem:v4+s18+$0x0], $0xffff  }
0x9e: {  	v5 =	vor.u32 s3, v1;
	_ =	sdelay $0x3  }
0x9f: {  	[tilespmem:$0x10080] =	vst v4  }
0xa0: {  	v4 =	vld.idx.msk [tilespmem:v5+s18+$0x0], $0xffff  }
0xa1: {  	v5 =	vor.u32 s3, v2;
	_ =	sdelay $0x3  }
0xa2: {  	[tilespmem:$0x10090] =	vst v4  }
0xa3: {  	s6 =	sshra.s32 s9, $0x1F;
	v4 =	vld.idx.msk [tilespmem:v5+s18+$0x0], $0xffff  }
0xa4: {  	s6 =	sshrl.u32 s6, $0x19;
	v5 =	vor.u32 s3, v3  }
0xa5: {  	s3 =	sadd.s32 s6, s9  }
0xa6: {  	s6 =	sand.u32 $0xFFFFFF80, s3  }
0xa7: {  	p2 =	slt.s32 s9, $0x1;
	p1 =	sne.s32 s9, s6  }
0xa8: {  	p0 =	por !p2, !p1;
	[tilespmem:$0x100A0] =	vst v4  }
0xa9: {  	s6 =	simm.s32 $0x1;
	p0 =	por !p0, !p0;
	v4 =	vld.idx.msk [tilespmem:v5+s18+$0x0], $0xffff  }
0xaa: {  	s3 =	sshrl.u32 s3, $0x7;
	s6 =	simm.s32 @!p0 $0x0  }
0xab: {  	s3 =	ssub.s32 s3, s6  }
0xac: {  	s3 =	sshll.u32 s3, $0x7  }
0xad: {  	s5 =	sand.u32 $0x7F, s5;
	s3 =	sand.u32 $0x1FFFFF80, s3  }
0xae: {  	s6 =	simm.s32 $0x2;
	s3 =	sadd.s32 s1, s3;
	[tilespmem:$0x100B0] =	vst v4;
	v4 =	vor.u32 s5, v0  }
0xaf: {  	[tilespmem:s18], [sflag:$0x1] =	stream.strided.gather [hbm4b:s3+s7], $0x2000, s8, s7, $0x38;
	[tilespmem:$0x11080] =	vst v63  }
0xb0: {  	_ =	swait.ge [sflag:s6], $0x2000  }
0xb1: {  	[sflag:s6] =	ssyncset.done $0x0  }
0xb2: {  	[sflag:s6] =	ssyncadd.s32 $0xFFFFE000  }
0xb3: {  	v4 =	vld.idx.msk [tilespmem:v4+s10+$0x0], $0xffff  }
0xb4: {  	v5 =	vor.u32 s5, v1;
	_ =	sdelay $0x3  }
0xb5: {  	[tilespmem:$0x10100] =	vst v4  }
0xb6: {  	v4 =	vld.idx.msk [tilespmem:v5+s10+$0x0], $0xffff  }
0xb7: {  	v5 =	vor.u32 s5, v2;
	_ =	sdelay $0x3  }
0xb8: {  	[tilespmem:$0x10110] =	vst v4  }
0xb9: {  	s3 =	sshra.s32 s0, $0x1F;
	v4 =	vld.idx.msk [tilespmem:v5+s10+$0x0], $0xffff  }
0xba: {  	s3 =	sshrl.u32 s3, $0x19;
	v5 =	vor.u32 s5, v3  }
0xbb: {  	s3 =	sadd.s32 s3, s0  }
0xbc: {  	s5 =	sand.u32 $0xFFFFFF80, s3  }
0xbd: {  	p4 =	slt.s32 s0, $0x1;
	p3 =	sne.s32 s0, s5  }
0xbe: {  	p0 =	por !p4, !p3;
	[tilespmem:$0x10120] =	vst v4  }
0xbf: {  	s5 =	simm.s32 $0x1;
	p0 =	por !p0, !p0;
	v4 =	vld.idx.msk [tilespmem:v5+s10+$0x0], $0xffff  }
0xc0: {  	s3 =	sshrl.u32 s3, $0x7;
	s5 =	simm.s32 @!p0 $0x0  }
0xc1: {  	s3 =	ssub.s32 s3, s5  }
0xc2: {  	s3 =	sshll.u32 s3, $0x7  }
0xc3: {  	s2 =	sand.u32 $0x7F, s2;
	s3 =	sand.u32 $0x1FFFFF80, s3  }
0xc4: {  	s5 =	simm.s32 $0x3;
	s3 =	sadd.s32 s1, s3;
	[tilespmem:$0x10130] =	vst v4;
	v4 =	vor.u32 s2, v0  }
0xc5: {  	[tilespmem:s10], [sflag:$0x2] =	stream.strided.gather [hbm4b:s3+s7], $0x2000, s8, s7, $0x38;
	[tilespmem:$0x11080] =	vst v63  }
0xc6: {  	_ =	swait.ge [sflag:s5], $0x2000  }
0xc7: {  	[sflag:s5] =	ssyncset.done $0x0  }
0xc8: {  	[sflag:s5] =	ssyncadd.s32 $0xFFFFE000  }
0xc9: {  	v4 =	vld.idx.msk [tilespmem:v4+s11+$0x0], $0xffff  }
0xca: {  	v5 =	vor.u32 s2, v1;
	_ =	sdelay $0x3  }
0xcb: {  	[tilespmem:$0x10180] =	vst v4  }
0xcc: {  	v4 =	vld.idx.msk [tilespmem:v5+s11+$0x0], $0xffff  }
0xcd: {  	v5 =	vor.u32 s2, v2;
	_ =	sdelay $0x3  }
0xce: {  	[tilespmem:$0x10190] =	vst v4  }
0xcf: {  	s3 =	sshra.s32 s25, $0x1F;
	v4 =	vld.idx.msk [tilespmem:v5+s11+$0x0], $0xffff  }
0xd0: {  	s3 =	sshrl.u32 s3, $0x19;
	v5 =	vor.u32 s2, v3  }
0xd1: {  	s2 =	sadd.s32 s3, s25  }
0xd2: {  	s3 =	sand.u32 $0xFFFFFF80, s2  }
0xd3: {  	p6 =	slt.s32 s25, $0x1;
	p5 =	sne.s32 s25, s3  }
0xd4: {  	p0 =	por !p6, !p5;
	[tilespmem:$0x101A0] =	vst v4  }
0xd5: {  	s3 =	simm.s32 $0x1;
	p0 =	por !p0, !p0;
	v4 =	vld.idx.msk [tilespmem:v5+s11+$0x0], $0xffff  }
0xd6: {  	s2 =	sshrl.u32 s2, $0x7;
	s3 =	simm.s32 @!p0 $0x0  }
0xd7: {  	s2 =	ssub.s32 s2, s3  }
0xd8: {  	s2 =	sshll.u32 s2, $0x7  }
0xd9: {  	s3 =	sand.u32 $0x7F, s26;
	s2 =	sand.u32 $0x1FFFFF80, s2  }
0xda: {  	s26 =	simm.s32 $0x4;
	s2 =	sadd.s32 s1, s2;
	[tilespmem:$0x101B0] =	vst v4;
	v4 =	vor.u32 s3, v0  }
0xdb: {  	[tilespmem:s11], [sflag:$0x3] =	stream.strided.gather [hbm4b:s2+s7], $0x2000, s8, s7, $0x38;
	[tilespmem:$0x11080] =	vst v63  }
0xdc: {  	_ =	swait.ge [sflag:s26], $0x2000  }
0xdd: {  	[sflag:s26] =	ssyncset.done $0x0  }
0xde: {  	[sflag:s26] =	ssyncadd.s32 $0xFFFFE000  }
0xdf: {  	v4 =	vld.idx.msk [tilespmem:v4+s12+$0x0], $0xffff  }
0xe0: {  	v5 =	vor.u32 s3, v1;
	_ =	sdelay $0x3  }
0xe1: {  	[tilespmem:$0x10200] =	vst v4  }
0xe2: {  	v4 =	vld.idx.msk [tilespmem:v5+s12+$0x0], $0xffff  }
0xe3: {  	v5 =	vor.u32 s3, v2;
	_ =	sdelay $0x3  }
0xe4: {  	[tilespmem:$0x10210] =	vst v4  }
0xe5: {  	s2 =	sshra.s32 s24, $0x1F;
	v4 =	vld.idx.msk [tilespmem:v5+s12+$0x0], $0xffff  }
0xe6: {  	s2 =	sshrl.u32 s2, $0x19;
	v5 =	vor.u32 s3, v3  }
0xe7: {  	s2 =	sadd.s32 s2, s24  }
0xe8: {  	s3 =	sand.u32 $0xFFFFFF80, s2  }
0xe9: {  	p2 =	slt.s32 s24, $0x1;
	p1 =	sne.s32 s24, s3  }
0xea: {  	p0 =	por !p2, !p1;
	[tilespmem:$0x10220] =	vst v4  }
0xeb: {  	s3 =	simm.s32 $0x1;
	p0 =	por !p0, !p0;
	v4 =	vld.idx.msk [tilespmem:v5+s12+$0x0], $0xffff  }
0xec: {  	s2 =	sshrl.u32 s2, $0x7;
	s3 =	simm.s32 @!p0 $0x0  }
0xed: {  	s2 =	ssub.s32 s2, s3  }
0xee: {  	s2 =	sshll.u32 s2, $0x7  }
0xef: {  	s3 =	sand.u32 $0x7F, s31;
	s2 =	sand.u32 $0x1FFFFF80, s2  }
0xf0: {  	s31 =	simm.s32 $0x5;
	s2 =	sadd.s32 s1, s2;
	[tilespmem:$0x10230] =	vst v4;
	v4 =	vor.u32 s3, v0  }
0xf1: {  	[tilespmem:s12], [sflag:$0x4] =	stream.strided.gather [hbm4b:s2+s7], $0x2000, s8, s7, $0x38;
	[tilespmem:$0x11080] =	vst v63  }
0xf2: {  	_ =	swait.ge [sflag:s31], $0x2000  }
0xf3: {  	[sflag:s31] =	ssyncset.done $0x0  }
0xf4: {  	[sflag:s31] =	ssyncadd.s32 $0xFFFFE000  }
0xf5: {  	v4 =	vld.idx.msk [tilespmem:v4+s13+$0x0], $0xffff  }
0xf6: {  	v5 =	vor.u32 s3, v1;
	_ =	sdelay $0x3  }
0xf7: {  	[tilespmem:$0x10280] =	vst v4  }
0xf8: {  	v4 =	vld.idx.msk [tilespmem:v5+s13+$0x0], $0xffff  }
0xf9: {  	v5 =	vor.u32 s3, v2;
	_ =	sdelay $0x3  }
0xfa: {  	[tilespmem:$0x10290] =	vst v4  }
0xfb: {  	s2 =	sshra.s32 s4, $0x1F;
	v4 =	vld.idx.msk [tilespmem:v5+s13+$0x0], $0xffff  }
0xfc: {  	s2 =	sshrl.u32 s2, $0x19;
	v5 =	vor.u32 s3, v3  }
0xfd: {  	s2 =	sadd.s32 s2, s4  }
0xfe: {  	s3 =	sand.u32 $0xFFFFFF80, s2  }
0xff: {  	p4 =	slt.s32 s4, $0x1;
	p3 =	sne.s32 s4, s3  }
0x100: {  	p0 =	por !p4, !p3;
	[tilespmem:$0x102A0] =	vst v4  }
0x101: {  	s3 =	simm.s32 $0x1;
	p0 =	por !p0, !p0;
	v4 =	vld.idx.msk [tilespmem:v5+s13+$0x0], $0xffff  }
0x102: {  	s2 =	sshrl.u32 s2, $0x7;
	s3 =	simm.s32 @!p0 $0x0  }
0x103: {  	s2 =	ssub.s32 s2, s3  }
0x104: {  	s2 =	sshll.u32 s2, $0x7  }
0x105: {  	s3 =	sand.u32 $0x7F, s30;
	s2 =	sand.u32 $0x1FFFFF80, s2  }
0x106: {  	s30 =	simm.s32 $0x6;
	s2 =	sadd.s32 s1, s2;
	[tilespmem:$0x102B0] =	vst v4;
	v4 =	vor.u32 s3, v0  }
0x107: {  	[tilespmem:s13], [sflag:$0x5] =	stream.strided.gather [hbm4b:s2+s7], $0x2000, s8, s7, $0x38;
	[tilespmem:$0x11080] =	vst v63  }
0x108: {  	_ =	swait.ge [sflag:s30], $0x2000  }
0x109: {  	[sflag:s30] =	ssyncset.done $0x0  }
0x10a: {  	[sflag:s30] =	ssyncadd.s32 $0xFFFFE000  }
0x10b: {  	v4 =	vld.idx.msk [tilespmem:v4+s14+$0x0], $0xffff  }
0x10c: {  	v5 =	vor.u32 s3, v1;
	_ =	sdelay $0x3  }
0x10d: {  	[tilespmem:$0x10300] =	vst v4  }
0x10e: {  	v4 =	vld.idx.msk [tilespmem:v5+s14+$0x0], $0xffff  }
0x10f: {  	v5 =	vor.u32 s3, v2;
	_ =	sdelay $0x3  }
0x110: {  	[tilespmem:$0x10310] =	vst v4  }
0x111: {  	s2 =	sshra.s32 s23, $0x1F;
	v4 =	vld.idx.msk [tilespmem:v5+s14+$0x0], $0xffff  }
0x112: {  	s2 =	sshrl.u32 s2, $0x19;
	v5 =	vor.u32 s3, v3  }
0x113: {  	s2 =	sadd.s32 s2, s23  }
0x114: {  	s3 =	sand.u32 $0xFFFFFF80, s2  }
0x115: {  	p6 =	slt.s32 s23, $0x1;
	p5 =	sne.s32 s23, s3  }
0x116: {  	p0 =	por !p6, !p5;
	[tilespmem:$0x10320] =	vst v4  }
0x117: {  	s3 =	simm.s32 $0x1;
	p0 =	por !p0, !p0;
	v4 =	vld.idx.msk [tilespmem:v5+s14+$0x0], $0xffff  }
0x118: {  	s2 =	sshrl.u32 s2, $0x7;
	s3 =	simm.s32 @!p0 $0x0  }
0x119: {  	s2 =	ssub.s32 s2, s3  }
0x11a: {  	s2 =	sshll.u32 s2, $0x7  }
0x11b: {  	s3 =	sand.u32 $0x7F, s29;
	s2 =	sand.u32 $0x1FFFFF80, s2  }
0x11c: {  	s29 =	simm.s32 $0x7;
	s2 =	sadd.s32 s1, s2;
	[tilespmem:$0x10330] =	vst v4;
	v4 =	vor.u32 s3, v0  }
0x11d: {  	[tilespmem:s14], [sflag:$0x6] =	stream.strided.gather [hbm4b:s2+s7], $0x2000, s8, s7, $0x38;
	[tilespmem:$0x11080] =	vst v63  }
0x11e: {  	_ =	swait.ge [sflag:s29], $0x2000  }
0x11f: {  	[sflag:s29] =	ssyncset.done $0x0  }
0x120: {  	[sflag:s29] =	ssyncadd.s32 $0xFFFFE000  }
0x121: {  	v4 =	vld.idx.msk [tilespmem:v4+s15+$0x0], $0xffff  }
0x122: {  	v5 =	vor.u32 s3, v1;
	_ =	sdelay $0x3  }
0x123: {  	[tilespmem:$0x10380] =	vst v4  }
0x124: {  	v4 =	vld.idx.msk [tilespmem:v5+s15+$0x0], $0xffff  }
0x125: {  	v5 =	vor.u32 s3, v2;
	_ =	sdelay $0x3  }
0x126: {  	[tilespmem:$0x10390] =	vst v4  }
0x127: {  	s2 =	sshra.s32 s22, $0x1F;
	v4 =	vld.idx.msk [tilespmem:v5+s15+$0x0], $0xffff  }
0x128: {  	s2 =	sshrl.u32 s2, $0x19;
	v5 =	vor.u32 s3, v3  }
0x129: {  	s2 =	sadd.s32 s2, s22  }
0x12a: {  	s3 =	sand.u32 $0xFFFFFF80, s2  }
0x12b: {  	p2 =	slt.s32 s22, $0x1;
	p1 =	sne.s32 s22, s3  }
0x12c: {  	p0 =	por !p2, !p1;
	[tilespmem:$0x103A0] =	vst v4  }
0x12d: {  	s3 =	simm.s32 $0x1;
	p0 =	por !p0, !p0;
	v4 =	vld.idx.msk [tilespmem:v5+s15+$0x0], $0xffff  }
0x12e: {  	s2 =	sshrl.u32 s2, $0x7;
	s3 =	simm.s32 @!p0 $0x0  }
0x12f: {  	s2 =	ssub.s32 s2, s3  }
0x130: {  	s2 =	sshll.u32 s2, $0x7  }
0x131: {  	s3 =	sand.u32 $0x7F, s28;
	s2 =	sand.u32 $0x1FFFFF80, s2  }
0x132: {  	s28 =	simm.s32 $0x8;
	s2 =	sadd.s32 s1, s2;
	[tilespmem:$0x103B0] =	vst v4;
	v4 =	vor.u32 s3, v0  }
0x133: {  	[tilespmem:s15], [sflag:$0x7] =	stream.strided.gather [hbm4b:s2+s7], $0x2000, s8, s7, $0x38;
	[tilespmem:$0x11080] =	vst v63  }
0x134: {  	_ =	swait.ge [sflag:s28], $0x2000  }
0x135: {  	[sflag:s28] =	ssyncset.done $0x0  }
0x136: {  	[sflag:s28] =	ssyncadd.s32 $0xFFFFE000  }
0x137: {  	v4 =	vld.idx.msk [tilespmem:v4+s16+$0x0], $0xffff  }
0x138: {  	v5 =	vor.u32 s3, v1;
	_ =	sdelay $0x3  }
0x139: {  	[tilespmem:$0x10400] =	vst v4  }
0x13a: {  	v4 =	vld.idx.msk [tilespmem:v5+s16+$0x0], $0xffff  }
0x13b: {  	v5 =	vor.u32 s3, v2;
	_ =	sdelay $0x3  }
0x13c: {  	[tilespmem:$0x10410] =	vst v4  }
0x13d: {  	s2 =	sshra.s32 s21, $0x1F;
	v4 =	vld.idx.msk [tilespmem:v5+s16+$0x0], $0xffff  }
0x13e: {  	s2 =	sshrl.u32 s2, $0x19;
	v5 =	vor.u32 s3, v3  }
0x13f: {  	s2 =	sadd.s32 s2, s21  }
0x140: {  	s3 =	sand.u32 $0xFFFFFF80, s2  }
0x141: {  	p3 =	slt.s32 s21, $0x1;
	p4 =	sne.s32 s21, s3  }
0x142: {  	p0 =	por !p3, !p4;
	[tilespmem:$0x10420] =	vst v4  }
0x143: {  	s3 =	simm.s32 $0x1;
	p0 =	por !p0, !p0;
	v4 =	vld.idx.msk [tilespmem:v5+s16+$0x0], $0xffff  }
0x144: {  	s2 =	sshrl.u32 s2, $0x7;
	s3 =	simm.s32 @!p0 $0x0  }
0x145: {  	s2 =	ssub.s32 s2, s3  }
0x146: {  	s2 =	sshll.u32 s2, $0x7  }
0x147: {  	s3 =	sand.u32 $0x7F, s9;
	s2 =	sand.u32 $0x1FFFFF80, s2  }
0x148: {  	s2 =	sadd.s32 s1, s2;
	[tilespmem:$0x10430] =	vst v4;
	v4 =	vor.u32 s3, v0  }
0x149: {  	[tilespmem:s16], [sflag:$0x8] =	stream.strided.gather [hbm4b:s2+s7], $0x2000, s8, s7, $0x38;
	[tilespmem:$0x11080] =	vst v63  }
0x14a: {  	_ =	swait.ge [sflag:s17], $0x2000  }
0x14b: {  	[sflag:s17] =	ssyncset.done $0x0  }
0x14c: {  	[sflag:s17] =	ssyncadd.s32 $0xFFFFE000  }
0x14d: {  	v4 =	vld.idx.msk [tilespmem:v4+s18+$0x0], $0xffff  }
0x14e: {  	v5 =	vor.u32 s3, v1;
	_ =	sdelay $0x3  }
0x14f: {  	[tilespmem:$0x10480] =	vst v4  }
0x150: {  	v4 =	vld.idx.msk [tilespmem:v5+s18+$0x0], $0xffff  }
0x151: {  	v5 =	vor.u32 s3, v2;
	_ =	sdelay $0x3  }
0x152: {  	[tilespmem:$0x10490] =	vst v4  }
0x153: {  	s9 =	sshra.s32 s20, $0x1F;
	v4 =	vld.idx.msk [tilespmem:v5+s18+$0x0], $0xffff  }
0x154: {  	s2 =	sshrl.u32 s9, $0x19;
	v5 =	vor.u32 s3, v3  }
0x155: {  	s2 =	sadd.s32 s2, s20  }
0x156: {  	s9 =	sand.u32 $0xFFFFFF80, s2  }
0x157: {  	p5 =	slt.s32 s20, $0x1;
	p6 =	sne.s32 s20, s9  }
0x158: {  	p0 =	por !p5, !p6;
	[tilespmem:$0x104A0] =	vst v4  }
0x159: {  	p0 =	por !p0, !p0;
	s3 =	simm.s32 $0x1;
	v4 =	vld.idx.msk [tilespmem:v5+s18+$0x0], $0xffff  }
0x15a: {  	s2 =	sshrl.u32 s2, $0x7;
	s3 =	simm.s32 @!p0 $0x0  }
0x15b: {  	s2 =	ssub.s32 s2, s3  }
0x15c: {  	s2 =	sshll.u32 s2, $0x7  }
0x15d: {  	s0 =	sand.u32 $0x7F, s0;
	s2 =	sand.u32 $0x1FFFFF80, s2  }
0x15e: {  	s2 =	sadd.s32 s1, s2;
	[tilespmem:$0x104B0] =	vst v4;
	v4 =	vor.u32 s0, v0  }
0x15f: {  	[tilespmem:s18], [sflag:$0x1] =	stream.strided.gather [hbm4b:s2+s7], $0x2000, s8, s7, $0x38;
	[tilespmem:$0x11080] =	vst v63  }
0x160: {  	_ =	swait.ge [sflag:s6], $0x2000  }
0x161: {  	[sflag:s6] =	ssyncset.done $0x0  }
0x162: {  	[sflag:s6] =	ssyncadd.s32 $0xFFFFE000  }
0x163: {  	v4 =	vld.idx.msk [tilespmem:v4+s10+$0x0], $0xffff  }
0x164: {  	v5 =	vor.u32 s0, v1;
	_ =	sdelay $0x3  }
0x165: {  	[tilespmem:$0x10500] =	vst v4  }
0x166: {  	v4 =	vld.idx.msk [tilespmem:v5+s10+$0x0], $0xffff  }
0x167: {  	v5 =	vor.u32 s0, v2;
	_ =	sdelay $0x3  }
0x168: {  	[tilespmem:$0x10510] =	vst v4  }
0x169: {  	s9 =	sshra.s32 s19, $0x1F;
	v4 =	vld.idx.msk [tilespmem:v5+s10+$0x0], $0xffff  }
0x16a: {  	s3 =	sshrl.u32 s9, $0x19;
	v5 =	vor.u32 s0, v3  }
0x16b: {  	s0 =	sadd.s32 s3, s19  }
0x16c: {  	s9 =	sand.u32 $0xFFFFFF80, s0  }
0x16d: {  	p1 =	slt.s32 s19, $0x1;
	p2 =	sne.s32 s19, s9  }
0x16e: {  	p0 =	por !p1, !p2;
	[tilespmem:$0x10520] =	vst v4  }
0x16f: {  	s2 =	simm.s32 $0x1;
	p0 =	por !p0, !p0;
	v4 =	vld.idx.msk [tilespmem:v5+s10+$0x0], $0xffff  }
0x170: {  	s0 =	sshrl.u32 s0, $0x7;
	s2 =	simm.s32 @!p0 $0x0  }
0x171: {  	s0 =	ssub.s32 s0, s2  }
0x172: {  	s0 =	sshll.u32 s0, $0x7  }
0x173: {  	s25 =	sand.u32 $0x7F, s25;
	s0 =	sand.u32 $0x1FFFFF80, s0  }
0x174: {  	s0 =	sadd.s32 s1, s0;
	[tilespmem:$0x10530] =	vst v4;
	v4 =	vor.u32 s25, v0  }
0x175: {  	[tilespmem:s10], [sflag:$0x2] =	stream.strided.gather [hbm4b:s0+s7], $0x2000, s8, s7, $0x38;
	[tilespmem:$0x11080] =	vst v63  }
0x176: {  	_ =	swait.ge [sflag:s5], $0x2000  }
0x177: {  	[sflag:s5] =	ssyncset.done $0x0  }
0x178: {  	[sflag:s5] =	ssyncadd.s32 $0xFFFFE000  }
0x179: {  	v4 =	vld.idx.msk [tilespmem:v4+s11+$0x0], $0xffff  }
0x17a: {  	v5 =	vor.u32 s25, v1;
	_ =	sdelay $0x3  }
0x17b: {  	[tilespmem:$0x10580] =	vst v4  }
0x17c: {  	v4 =	vld.idx.msk [tilespmem:v5+s11+$0x0], $0xffff  }
0x17d: {  	v5 =	vor.u32 s25, v2;
	_ =	sdelay $0x3  }
0x17e: {  	s3 =	rddreg [dreg:$0x15];
	[tilespmem:$0x10590] =	vst v4  }
0x17f: {  	s9 =	sshra.s32 s3, $0x1F;
	v4 =	vld.idx.msk [tilespmem:v5+s11+$0x0], $0xffff  }
0x180: {  	s0 =	sshrl.u32 s9, $0x19;
	v5 =	vor.u32 s25, v3  }
0x181: {  	s0 =	sadd.s32 s0, s3  }
0x182: {  	s25 =	sand.u32 $0xFFFFFF80, s0  }
0x183: {  	p3 =	slt.s32 s3, $0x1;
	p4 =	sne.s32 s3, s25  }
0x184: {  	p0 =	por !p3, !p4;
	[tilespmem:$0x105A0] =	vst v4  }
0x185: {  	s2 =	simm.s32 $0x1;
	p0 =	por !p0, !p0;
	v4 =	vld.idx.msk [tilespmem:v5+s11+$0x0], $0xffff  }
0x186: {  	s0 =	sshrl.u32 s0, $0x7;
	s2 =	simm.s32 @!p0 $0x0  }
0x187: {  	s0 =	ssub.s32 s0, s2  }
0x188: {  	s0 =	sshll.u32 s0, $0x7  }
0x189: {  	s3 =	sand.u32 $0x7F, s24;
	s0 =	sand.u32 $0x1FFFFF80, s0  }
0x18a: {  	s0 =	sadd.s32 s1, s0;
	[tilespmem:$0x105B0] =	vst v4;
	v4 =	vor.u32 s3, v0  }
0x18b: {  	[tilespmem:s11], [sflag:$0x3] =	stream.strided.gather [hbm4b:s0+s7], $0x2000, s8, s7, $0x38;
	[tilespmem:$0x11080] =	vst v63  }
0x18c: {  	_ =	swait.ge [sflag:s26], $0x2000  }
0x18d: {  	[sflag:s26] =	ssyncset.done $0x0  }
0x18e: {  	[sflag:s26] =	ssyncadd.s32 $0xFFFFE000  }
0x18f: {  	v4 =	vld.idx.msk [tilespmem:v4+s12+$0x0], $0xffff  }
0x190: {  	v5 =	vor.u32 s3, v1;
	_ =	sdelay $0x3  }
0x191: {  	[tilespmem:$0x10600] =	vst v4  }
0x192: {  	v4 =	vld.idx.msk [tilespmem:v5+s12+$0x0], $0xffff  }
0x193: {  	v5 =	vor.u32 s3, v2;
	_ =	sdelay $0x3  }
0x194: {  	s25 =	rddreg [dreg:$0x14];
	[tilespmem:$0x10610] =	vst v4  }
0x195: {  	s9 =	sshra.s32 s25, $0x1F;
	v4 =	vld.idx.msk [tilespmem:v5+s12+$0x0], $0xffff  }
0x196: {  	s0 =	sshrl.u32 s9, $0x19;
	v5 =	vor.u32 s3, v3  }
0x197: {  	s0 =	sadd.s32 s0, s25  }
0x198: {  	s24 =	sand.u32 $0xFFFFFF80, s0  }
0x199: {  	p5 =	slt.s32 s25, $0x1;
	p6 =	sne.s32 s25, s24  }
0x19a: {  	p0 =	por !p5, !p6;
	[tilespmem:$0x10620] =	vst v4  }
0x19b: {  	s2 =	simm.s32 $0x1;
	p0 =	por !p0, !p0;
	v4 =	vld.idx.msk [tilespmem:v5+s12+$0x0], $0xffff  }
0x19c: {  	s0 =	sshrl.u32 s0, $0x7;
	s2 =	simm.s32 @!p0 $0x0  }
0x19d: {  	s0 =	ssub.s32 s0, s2  }
0x19e: {  	s0 =	sshll.u32 s0, $0x7  }
0x19f: {  	s0 =	sand.u32 $0x1FFFFF80, s0;
	s3 =	sand.u32 $0x7F, s4  }
0x1a0: {  	s0 =	sadd.s32 s1, s0;
	[tilespmem:$0x10630] =	vst v4;
	v4 =	vor.u32 s3, v0  }
0x1a1: {  	[tilespmem:s12], [sflag:$0x4] =	stream.strided.gather [hbm4b:s0+s7], $0x2000, s8, s7, $0x38;
	[tilespmem:$0x11080] =	vst v63  }
0x1a2: {  	_ =	swait.ge [sflag:s31], $0x2000  }
0x1a3: {  	[sflag:s31] =	ssyncset.done $0x0  }
0x1a4: {  	[sflag:s31] =	ssyncadd.s32 $0xFFFFE000  }
0x1a5: {  	v4 =	vld.idx.msk [tilespmem:v4+s13+$0x0], $0xffff  }
0x1a6: {  	v5 =	vor.u32 s3, v1;
	_ =	sdelay $0x3  }
0x1a7: {  	[tilespmem:$0x10680] =	vst v4  }
0x1a8: {  	v4 =	vld.idx.msk [tilespmem:v5+s13+$0x0], $0xffff  }
0x1a9: {  	v5 =	vor.u32 s3, v2;
	_ =	sdelay $0x3  }
0x1aa: {  	s24 =	rddreg [dreg:$0x13];
	[tilespmem:$0x10690] =	vst v4  }
0x1ab: {  	s4 =	sshra.s32 s24, $0x1F;
	v4 =	vld.idx.msk [tilespmem:v5+s13+$0x0], $0xffff  }
0x1ac: {  	s0 =	sshrl.u32 s4, $0x19;
	v5 =	vor.u32 s3, v3  }
0x1ad: {  	s0 =	sadd.s32 s0, s24  }
0x1ae: {  	s9 =	sand.u32 $0xFFFFFF80, s0  }
0x1af: {  	p1 =	slt.s32 s24, $0x1;
	p2 =	sne.s32 s24, s9  }
0x1b0: {  	p0 =	por !p1, !p2;
	[tilespmem:$0x106A0] =	vst v4  }
0x1b1: {  	s2 =	simm.s32 $0x1;
	p0 =	por !p0, !p0;
	v4 =	vld.idx.msk [tilespmem:v5+s13+$0x0], $0xffff  }
0x1b2: {  	s0 =	sshrl.u32 s0, $0x7;
	s2 =	simm.s32 @!p0 $0x0  }
0x1b3: {  	s0 =	ssub.s32 s0, s2  }
0x1b4: {  	s0 =	sshll.u32 s0, $0x7  }
0x1b5: {  	s23 =	sand.u32 $0x7F, s23;
	s0 =	sand.u32 $0x1FFFFF80, s0  }
0x1b6: {  	s0 =	sadd.s32 s1, s0;
	[tilespmem:$0x106B0] =	vst v4;
	v4 =	vor.u32 s23, v0  }
0x1b7: {  	[tilespmem:s13], [sflag:$0x5] =	stream.strided.gather [hbm4b:s0+s7], $0x2000, s8, s7, $0x38;
	[tilespmem:$0x11080] =	vst v63  }
0x1b8: {  	_ =	swait.ge [sflag:s30], $0x2000  }
0x1b9: {  	[sflag:s30] =	ssyncset.done $0x0  }
0x1ba: {  	[sflag:s30] =	ssyncadd.s32 $0xFFFFE000  }
0x1bb: {  	v4 =	vld.idx.msk [tilespmem:v4+s14+$0x0], $0xffff  }
0x1bc: {  	v5 =	vor.u32 s23, v1;
	_ =	sdelay $0x3  }
0x1bd: {  	[tilespmem:$0x10700] =	vst v4  }
0x1be: {  	v4 =	vld.idx.msk [tilespmem:v5+s14+$0x0], $0xffff  }
0x1bf: {  	v5 =	vor.u32 s23, v2;
	_ =	sdelay $0x3  }
0x1c0: {  	s9 =	rddreg [dreg:$0x12];
	[tilespmem:$0x10710] =	vst v4  }
0x1c1: {  	s3 =	sshra.s32 s9, $0x1F;
	v4 =	vld.idx.msk [tilespmem:v5+s14+$0x0], $0xffff  }
0x1c2: {  	s0 =	sshrl.u32 s3, $0x19;
	v5 =	vor.u32 s23, v3  }
0x1c3: {  	s0 =	sadd.s32 s0, s9  }
0x1c4: {  	s4 =	sand.u32 $0xFFFFFF80, s0  }
0x1c5: {  	p3 =	slt.s32 s9, $0x1;
	p4 =	sne.s32 s9, s4  }
0x1c6: {  	p0 =	por !p3, !p4;
	[tilespmem:$0x10720] =	vst v4  }
0x1c7: {  	s2 =	simm.s32 $0x1;
	p0 =	por !p0, !p0;
	v4 =	vld.idx.msk [tilespmem:v5+s14+$0x0], $0xffff  }
0x1c8: {  	s0 =	sshrl.u32 s0, $0x7;
	s2 =	simm.s32 @!p0 $0x0  }
0x1c9: {  	s0 =	ssub.s32 s0, s2  }
0x1ca: {  	s0 =	sshll.u32 s0, $0x7  }
0x1cb: {  	s22 =	sand.u32 $0x7F, s22;
	s0 =	sand.u32 $0x1FFFFF80, s0  }
0x1cc: {  	s0 =	sadd.s32 s1, s0;
	[tilespmem:$0x10730] =	vst v4;
	v4 =	vor.u32 s22, v0  }
0x1cd: {  	[tilespmem:s14], [sflag:$0x6] =	stream.strided.gather [hbm4b:s0+s7], $0x2000, s8, s7, $0x38;
	[tilespmem:$0x11080] =	vst v63  }
0x1ce: {  	_ =	swait.ge [sflag:s29], $0x2000  }
0x1cf: {  	[sflag:s29] =	ssyncset.done $0x0  }
0x1d0: {  	[sflag:s29] =	ssyncadd.s32 $0xFFFFE000  }
0x1d1: {  	v4 =	vld.idx.msk [tilespmem:v4+s15+$0x0], $0xffff  }
0x1d2: {  	v5 =	vor.u32 s22, v1;
	_ =	sdelay $0x3  }
0x1d3: {  	[tilespmem:$0x10780] =	vst v4  }
0x1d4: {  	v4 =	vld.idx.msk [tilespmem:v5+s15+$0x0], $0xffff  }
0x1d5: {  	v5 =	vor.u32 s22, v2;
	_ =	sdelay $0x3  }
0x1d6: {  	s4 =	rddreg [dreg:$0x11];
	[tilespmem:$0x10790] =	vst v4  }
0x1d7: {  	s23 =	sshra.s32 s4, $0x1F;
	v4 =	vld.idx.msk [tilespmem:v5+s15+$0x0], $0xffff  }
0x1d8: {  	s0 =	sshrl.u32 s23, $0x19;
	v5 =	vor.u32 s22, v3  }
0x1d9: {  	s0 =	sadd.s32 s0, s4  }
0x1da: {  	s3 =	sand.u32 $0xFFFFFF80, s0  }
0x1db: {  	p5 =	slt.s32 s4, $0x1;
	p6 =	sne.s32 s4, s3  }
0x1dc: {  	p0 =	por !p5, !p6;
	[tilespmem:$0x107A0] =	vst v4  }
0x1dd: {  	s2 =	simm.s32 $0x1;
	p0 =	por !p0, !p0;
	v4 =	vld.idx.msk [tilespmem:v5+s15+$0x0], $0xffff  }
0x1de: {  	s0 =	sshrl.u32 s0, $0x7;
	s2 =	simm.s32 @!p0 $0x0  }
0x1df: {  	s0 =	ssub.s32 s0, s2  }
0x1e0: {  	s0 =	sshll.u32 s0, $0x7  }
0x1e1: {  	s21 =	sand.u32 $0x7F, s21;
	s0 =	sand.u32 $0x1FFFFF80, s0  }
0x1e2: {  	s0 =	sadd.s32 s1, s0;
	[tilespmem:$0x107B0] =	vst v4;
	v4 =	vor.u32 s21, v0  }
0x1e3: {  	[tilespmem:s15], [sflag:$0x7] =	stream.strided.gather [hbm4b:s0+s7], $0x2000, s8, s7, $0x38;
	[tilespmem:$0x11080] =	vst v63  }
0x1e4: {  	_ =	swait.ge [sflag:s28], $0x2000  }
0x1e5: {  	[sflag:s28] =	ssyncset.done $0x0  }
0x1e6: {  	[sflag:s28] =	ssyncadd.s32 $0xFFFFE000  }
0x1e7: {  	v4 =	vld.idx.msk [tilespmem:v4+s16+$0x0], $0xffff  }
0x1e8: {  	v5 =	vor.u32 s21, v1;
	_ =	sdelay $0x3  }
0x1e9: {  	[tilespmem:$0x10800] =	vst v4  }
0x1ea: {  	v4 =	vld.idx.msk [tilespmem:v5+s16+$0x0], $0xffff  }
0x1eb: {  	v5 =	vor.u32 s21, v2;
	_ =	sdelay $0x3  }
0x1ec: {  	s3 =	rddreg [dreg:$0x10];
	[tilespmem:$0x10810] =	vst v4  }
0x1ed: {  	s22 =	sshra.s32 s3, $0x1F;
	v4 =	vld.idx.msk [tilespmem:v5+s16+$0x0], $0xffff  }
0x1ee: {  	s0 =	sshrl.u32 s22, $0x19;
	v5 =	vor.u32 s21, v3  }
0x1ef: {  	s0 =	sadd.s32 s0, s3  }
0x1f0: {  	s23 =	sand.u32 $0xFFFFFF80, s0  }
0x1f1: {  	p1 =	slt.s32 s3, $0x1;
	p2 =	sne.s32 s3, s23  }
0x1f2: {  	p0 =	por !p1, !p2;
	[tilespmem:$0x10820] =	vst v4  }
0x1f3: {  	s2 =	simm.s32 $0x1;
	p0 =	por !p0, !p0;
	v4 =	vld.idx.msk [tilespmem:v5+s16+$0x0], $0xffff  }
0x1f4: {  	s0 =	sshrl.u32 s0, $0x7;
	s2 =	simm.s32 @!p0 $0x0  }
0x1f5: {  	s0 =	ssub.s32 s0, s2  }
0x1f6: {  	s0 =	sshll.u32 s0, $0x7  }
0x1f7: {  	s0 =	sand.u32 $0x1FFFFF80, s0;
	s21 =	sand.u32 $0x7F, s20  }
0x1f8: {  	s0 =	sadd.s32 s1, s0;
	[tilespmem:$0x10830] =	vst v4;
	v4 =	vor.u32 s21, v0  }
0x1f9: {  	[tilespmem:s16], [sflag:$0x8] =	stream.strided.gather [hbm4b:s0+s7], $0x2000, s8, s7, $0x38;
	[tilespmem:$0x11080] =	vst v63  }
0x1fa: {  	_ =	swait.ge [sflag:s17], $0x2000  }
0x1fb: {  	[sflag:s17] =	ssyncset.done $0x0  }
0x1fc: {  	[sflag:s17] =	ssyncadd.s32 $0xFFFFE000  }
0x1fd: {  	v4 =	vld.idx.msk [tilespmem:v4+s18+$0x0], $0xffff  }
0x1fe: {  	v5 =	vor.u32 s21, v1;
	_ =	sdelay $0x3  }
0x1ff: {  	[tilespmem:$0x10880] =	vst v4  }
0x200: {  	v4 =	vld.idx.msk [tilespmem:v5+s18+$0x0], $0xffff  }
0x201: {  	v5 =	vor.u32 s21, v2;
	_ =	sdelay $0x3  }
0x202: {  	s23 =	rddreg [dreg:$0xf];
	[tilespmem:$0x10890] =	vst v4  }
0x203: {  	s22 =	sshra.s32 s23, $0x1F;
	v4 =	vld.idx.msk [tilespmem:v5+s18+$0x0], $0xffff  }
0x204: {  	s0 =	sshrl.u32 s22, $0x19;
	v5 =	vor.u32 s21, v3  }
0x205: {  	s0 =	sadd.s32 s0, s23  }
0x206: {  	s20 =	sand.u32 $0xFFFFFF80, s0  }
0x207: {  	p3 =	slt.s32 s23, $0x1;
	p4 =	sne.s32 s23, s20  }
0x208: {  	p0 =	por !p3, !p4;
	[tilespmem:$0x108A0] =	vst v4  }
0x209: {  	s2 =	simm.s32 $0x1;
	p0 =	por !p0, !p0;
	v4 =	vld.idx.msk [tilespmem:v5+s18+$0x0], $0xffff  }
0x20a: {  	s0 =	sshrl.u32 s0, $0x7;
	s2 =	simm.s32 @!p0 $0x0  }
0x20b: {  	s0 =	ssub.s32 s0, s2  }
0x20c: {  	s0 =	sshll.u32 s0, $0x7  }
0x20d: {  	s0 =	sand.u32 $0x1FFFFF80, s0;
	s21 =	sand.u32 $0x7F, s19  }
0x20e: {  	s0 =	sadd.s32 s1, s0;
	[tilespmem:$0x108B0] =	vst v4;
	v4 =	vor.u32 s21, v0  }
0x20f: {  	[tilespmem:s18], [sflag:$0x1] =	stream.strided.gather [hbm4b:s0+s7], $0x2000, s8, s7, $0x38;
	[tilespmem:$0x11080] =	vst v63  }
0x210: {  	_ =	swait.ge [sflag:s6], $0x2000  }
0x211: {  	[sflag:s6] =	ssyncset.done $0x0  }
0x212: {  	[sflag:s6] =	ssyncadd.s32 $0xFFFFE000  }
0x213: {  	v4 =	vld.idx.msk [tilespmem:v4+s10+$0x0], $0xffff  }
0x214: {  	v5 =	vor.u32 s21, v1;
	_ =	sdelay $0x3  }
0x215: {  	[tilespmem:$0x10900] =	vst v4  }
0x216: {  	v4 =	vld.idx.msk [tilespmem:v5+s10+$0x0], $0xffff  }
0x217: {  	v5 =	vor.u32 s21, v2;
	_ =	sdelay $0x3  }
0x218: {  	s22 =	rddreg [dreg:$0xe];
	[tilespmem:$0x10910] =	vst v4  }
0x219: {  	s19 =	sshra.s32 s22, $0x1F;
	v4 =	vld.idx.msk [tilespmem:v5+s10+$0x0], $0xffff  }
0x21a: {  	s0 =	sshrl.u32 s19, $0x19;
	v5 =	vor.u32 s21, v3  }
0x21b: {  	s0 =	sadd.s32 s0, s22  }
0x21c: {  	s20 =	sand.u32 $0xFFFFFF80, s0  }
0x21d: {  	p5 =	slt.s32 s22, $0x1;
	p6 =	sne.s32 s22, s20  }
0x21e: {  	p0 =	por !p5, !p6;
	[tilespmem:$0x10920] =	vst v4  }
0x21f: {  	s2 =	simm.s32 $0x1;
	p0 =	por !p0, !p0;
	v4 =	vld.idx.msk [tilespmem:v5+s10+$0x0], $0xffff  }
0x220: {  	s0 =	sshrl.u32 s0, $0x7;
	s2 =	simm.s32 @!p0 $0x0  }
0x221: {  	s0 =	ssub.s32 s0, s2  }
0x222: {  	s0 =	sshll.u32 s0, $0x7;
	s21 =	rddreg [dreg:$0x15]  }
0x223: {  	s0 =	sand.u32 $0x1FFFFF80, s0;
	s2 =	sand.u32 $0x7F, s21  }
0x224: {  	s0 =	sadd.s32 s1, s0;
	[tilespmem:$0x10930] =	vst v4;
	v4 =	vor.u32 s2, v0  }
0x225: {  	[tilespmem:s10], [sflag:$0x2] =	stream.strided.gather [hbm4b:s0+s7], $0x2000, s8, s7, $0x38;
	[tilespmem:$0x11080] =	vst v63  }
0x226: {  	_ =	swait.ge [sflag:s5], $0x2000  }
0x227: {  	[sflag:s5] =	ssyncset.done $0x0  }
0x228: {  	[sflag:s5] =	ssyncadd.s32 $0xFFFFE000  }
0x229: {  	v4 =	vld.idx.msk [tilespmem:v4+s11+$0x0], $0xffff  }
0x22a: {  	v5 =	vor.u32 s2, v1;
	_ =	sdelay $0x3  }
0x22b: {  	[tilespmem:$0x10980] =	vst v4  }
0x22c: {  	v4 =	vld.idx.msk [tilespmem:v5+s11+$0x0], $0xffff  }
0x22d: {  	v5 =	vor.u32 s2, v2;
	_ =	sdelay $0x3  }
0x22e: {  	s21 =	rddreg [dreg:$0xd];
	[tilespmem:$0x10990] =	vst v4  }
0x22f: {  	s19 =	sshra.s32 s21, $0x1F;
	v4 =	vld.idx.msk [tilespmem:v5+s11+$0x0], $0xffff  }
0x230: {  	s0 =	sshrl.u32 s19, $0x19;
	v5 =	vor.u32 s2, v3  }
0x231: {  	s0 =	sadd.s32 s0, s21  }
0x232: {  	s20 =	sand.u32 $0xFFFFFF80, s0  }
0x233: {  	p1 =	slt.s32 s21, $0x1;
	p2 =	sne.s32 s21, s20  }
0x234: {  	p0 =	por !p1, !p2;
	[tilespmem:$0x109A0] =	vst v4  }
0x235: {  	p0 =	por !p0, !p0;
	s2 =	simm.s32 $0x1;
	v4 =	vld.idx.msk [tilespmem:v5+s11+$0x0], $0xffff  }
0x236: {  	s0 =	sshrl.u32 s0, $0x7;
	s2 =	simm.s32 @!p0 $0x0  }
0x237: {  	s0 =	ssub.s32 s0, s2  }
0x238: {  	s0 =	sshll.u32 s0, $0x7  }
0x239: {  	s19 =	sand.u32 $0x7F, s25;
	s0 =	sand.u32 $0x1FFFFF80, s0  }
0x23a: {  	s0 =	sadd.s32 s1, s0;
	[tilespmem:$0x109B0] =	vst v4;
	v4 =	vor.u32 s19, v0  }
0x23b: {  	[tilespmem:s11], [sflag:$0x3] =	stream.strided.gather [hbm4b:s0+s7], $0x2000, s8, s7, $0x38;
	[tilespmem:$0x11080] =	vst v63  }
0x23c: {  	_ =	swait.ge [sflag:s26], $0x2000  }
0x23d: {  	[sflag:s26] =	ssyncset.done $0x0  }
0x23e: {  	[sflag:s26] =	ssyncadd.s32 $0xFFFFE000  }
0x23f: {  	v4 =	vld.idx.msk [tilespmem:v4+s12+$0x0], $0xffff  }
0x240: {  	v5 =	vor.u32 s19, v1;
	_ =	sdelay $0x3  }
0x241: {  	[tilespmem:$0x10A00] =	vst v4  }
0x242: {  	v4 =	vld.idx.msk [tilespmem:v5+s12+$0x0], $0xffff  }
0x243: {  	v5 =	vor.u32 s19, v2;
	_ =	sdelay $0x3  }
0x244: {  	s20 =	rddreg [dreg:$0xc];
	[tilespmem:$0x10A10] =	vst v4  }
0x245: {  	s25 =	sshra.s32 s20, $0x1F;
	v4 =	vld.idx.msk [tilespmem:v5+s12+$0x0], $0xffff  }
0x246: {  	s0 =	sshrl.u32 s25, $0x19;
	v5 =	vor.u32 s19, v3  }
0x247: {  	s0 =	sadd.s32 s0, s20  }
0x248: {  	s19 =	sand.u32 $0xFFFFFF80, s0  }
0x249: {  	p3 =	slt.s32 s20, $0x1;
	p4 =	sne.s32 s20, s19  }
0x24a: {  	p0 =	por !p3, !p4;
	[tilespmem:$0x10A20] =	vst v4  }
0x24b: {  	s2 =	simm.s32 $0x1;
	p0 =	por !p0, !p0;
	v4 =	vld.idx.msk [tilespmem:v5+s12+$0x0], $0xffff  }
0x24c: {  	s0 =	sshrl.u32 s0, $0x7;
	s2 =	simm.s32 @!p0 $0x0  }
0x24d: {  	s0 =	ssub.s32 s0, s2  }
0x24e: {  	s0 =	sshll.u32 s0, $0x7  }
0x24f: {  	s25 =	sand.u32 $0x7F, s24;
	s0 =	sand.u32 $0x1FFFFF80, s0  }
0x250: {  	s0 =	sadd.s32 s1, s0;
	[tilespmem:$0x10A30] =	vst v4;
	v4 =	vor.u32 s25, v0  }
0x251: {  	[tilespmem:s12], [sflag:$0x4] =	stream.strided.gather [hbm4b:s0+s7], $0x2000, s8, s7, $0x38;
	[tilespmem:$0x11080] =	vst v63  }
0x252: {  	_ =	swait.ge [sflag:s31], $0x2000  }
0x253: {  	[sflag:s31] =	ssyncset.done $0x0  }
0x254: {  	[sflag:s31] =	ssyncadd.s32 $0xFFFFE000  }
0x255: {  	v4 =	vld.idx.msk [tilespmem:v4+s13+$0x0], $0xffff  }
0x256: {  	v5 =	vor.u32 s25, v1;
	_ =	sdelay $0x3  }
0x257: {  	[tilespmem:$0x10A80] =	vst v4  }
0x258: {  	v4 =	vld.idx.msk [tilespmem:v5+s13+$0x0], $0xffff  }
0x259: {  	v5 =	vor.u32 s25, v2;
	_ =	sdelay $0x3  }
0x25a: {  	s19 =	rddreg [dreg:$0xb];
	[tilespmem:$0x10A90] =	vst v4  }
0x25b: {  	s24 =	sshra.s32 s19, $0x1F;
	v4 =	vld.idx.msk [tilespmem:v5+s13+$0x0], $0xffff  }
0x25c: {  	s0 =	sshrl.u32 s24, $0x19;
	v5 =	vor.u32 s25, v3  }
0x25d: {  	s0 =	sadd.s32 s0, s19  }
0x25e: {  	s25 =	sand.u32 $0xFFFFFF80, s0  }
0x25f: {  	p5 =	slt.s32 s19, $0x1;
	p6 =	sne.s32 s19, s25  }
0x260: {  	p0 =	por !p5, !p6;
	[tilespmem:$0x10AA0] =	vst v4  }
0x261: {  	s2 =	simm.s32 $0x1;
	p0 =	por !p0, !p0;
	v4 =	vld.idx.msk [tilespmem:v5+s13+$0x0], $0xffff  }
0x262: {  	s0 =	sshrl.u32 s0, $0x7;
	s2 =	simm.s32 @!p0 $0x0  }
0x263: {  	s0 =	ssub.s32 s0, s2  }
0x264: {  	s0 =	sshll.u32 s0, $0x7  }
0x265: {  	s24 =	sand.u32 $0x7F, s9;
	s0 =	sand.u32 $0x1FFFFF80, s0  }
0x266: {  	s0 =	sadd.s32 s1, s0;
	[tilespmem:$0x10AB0] =	vst v4;
	v4 =	vor.u32 s24, v0  }
0x267: {  	[tilespmem:s13], [sflag:$0x5] =	stream.strided.gather [hbm4b:s0+s7], $0x2000, s8, s7, $0x38;
	[tilespmem:$0x11080] =	vst v63  }
0x268: {  	_ =	swait.ge [sflag:s30], $0x2000  }
0x269: {  	[sflag:s30] =	ssyncset.done $0x0  }
0x26a: {  	[sflag:s30] =	ssyncadd.s32 $0xFFFFE000  }
0x26b: {  	v4 =	vld.idx.msk [tilespmem:v4+s14+$0x0], $0xffff  }
0x26c: {  	v5 =	vor.u32 s24, v1;
	_ =	sdelay $0x3  }
0x26d: {  	[tilespmem:$0x10B00] =	vst v4  }
0x26e: {  	v4 =	vld.idx.msk [tilespmem:v5+s14+$0x0], $0xffff  }
0x26f: {  	v5 =	vor.u32 s24, v2;
	_ =	sdelay $0x3  }
0x270: {  	s9 =	rddreg [dreg:$0xa];
	[tilespmem:$0x10B10] =	vst v4  }
0x271: {  	s25 =	sshra.s32 s9, $0x1F;
	v4 =	vld.idx.msk [tilespmem:v5+s14+$0x0], $0xffff  }
0x272: {  	s0 =	sshrl.u32 s25, $0x19;
	v5 =	vor.u32 s24, v3  }
0x273: {  	s0 =	sadd.s32 s0, s9  }
0x274: {  	s24 =	sand.u32 $0xFFFFFF80, s0  }
0x275: {  	p1 =	slt.s32 s9, $0x1;
	p2 =	sne.s32 s9, s24  }
0x276: {  	p0 =	por !p1, !p2;
	[tilespmem:$0x10B20] =	vst v4  }
0x277: {  	s2 =	simm.s32 $0x1;
	p0 =	por !p0, !p0;
	v4 =	vld.idx.msk [tilespmem:v5+s14+$0x0], $0xffff  }
0x278: {  	s0 =	sshrl.u32 s0, $0x7;
	s2 =	simm.s32 @!p0 $0x0  }
0x279: {  	s0 =	ssub.s32 s0, s2  }
0x27a: {  	s0 =	sshll.u32 s0, $0x7  }
0x27b: {  	s25 =	sand.u32 $0x7F, s4;
	s0 =	sand.u32 $0x1FFFFF80, s0  }
0x27c: {  	s0 =	sadd.s32 s1, s0;
	[tilespmem:$0x10B30] =	vst v4;
	v4 =	vor.u32 s25, v0  }
0x27d: {  	[tilespmem:s14], [sflag:$0x6] =	stream.strided.gather [hbm4b:s0+s7], $0x2000, s8, s7, $0x38;
	[tilespmem:$0x11080] =	vst v63  }
0x27e: {  	_ =	swait.ge [sflag:s29], $0x2000  }
0x27f: {  	[sflag:s29] =	ssyncset.done $0x0  }
0x280: {  	[sflag:s29] =	ssyncadd.s32 $0xFFFFE000  }
0x281: {  	v4 =	vld.idx.msk [tilespmem:v4+s15+$0x0], $0xffff  }
0x282: {  	v5 =	vor.u32 s25, v1;
	_ =	sdelay $0x3  }
0x283: {  	[tilespmem:$0x10B80] =	vst v4  }
0x284: {  	v4 =	vld.idx.msk [tilespmem:v5+s15+$0x0], $0xffff  }
0x285: {  	v5 =	vor.u32 s25, v2;
	_ =	sdelay $0x3  }
0x286: {  	s4 =	rddreg [dreg:$0x9];
	[tilespmem:$0x10B90] =	vst v4  }
0x287: {  	s24 =	sshra.s32 s4, $0x1F;
	v4 =	vld.idx.msk [tilespmem:v5+s15+$0x0], $0xffff  }
0x288: {  	s0 =	sshrl.u32 s24, $0x19;
	v5 =	vor.u32 s25, v3  }
0x289: {  	s0 =	sadd.s32 s0, s4  }
0x28a: {  	s25 =	sand.u32 $0xFFFFFF80, s0  }
0x28b: {  	p3 =	slt.s32 s4, $0x1;
	p4 =	sne.s32 s4, s25  }
0x28c: {  	p0 =	por !p3, !p4;
	[tilespmem:$0x10BA0] =	vst v4  }
0x28d: {  	s2 =	simm.s32 $0x1;
	p0 =	por !p0, !p0;
	v4 =	vld.idx.msk [tilespmem:v5+s15+$0x0], $0xffff  }
0x28e: {  	s0 =	sshrl.u32 s0, $0x7;
	s2 =	simm.s32 @!p0 $0x0  }
0x28f: {  	s0 =	ssub.s32 s0, s2  }
0x290: {  	s0 =	sshll.u32 s0, $0x7  }
0x291: {  	s24 =	sand.u32 $0x7F, s3;
	s0 =	sand.u32 $0x1FFFFF80, s0  }
0x292: {  	s0 =	sadd.s32 s1, s0;
	[tilespmem:$0x10BB0] =	vst v4;
	v4 =	vor.u32 s24, v0  }
0x293: {  	[tilespmem:s15], [sflag:$0x7] =	stream.strided.gather [hbm4b:s0+s7], $0x2000, s8, s7, $0x38;
	[tilespmem:$0x11080] =	vst v63  }
0x294: {  	_ =	swait.ge [sflag:s28], $0x2000  }
0x295: {  	[sflag:s28] =	ssyncset.done $0x0  }
0x296: {  	[sflag:s28] =	ssyncadd.s32 $0xFFFFE000  }
0x297: {  	v4 =	vld.idx.msk [tilespmem:v4+s16+$0x0], $0xffff  }
0x298: {  	v5 =	vor.u32 s24, v1;
	_ =	sdelay $0x3  }
0x299: {  	[tilespmem:$0x10C00] =	vst v4  }
0x29a: {  	v4 =	vld.idx.msk [tilespmem:v5+s16+$0x0], $0xffff  }
0x29b: {  	v5 =	vor.u32 s24, v2;
	_ =	sdelay $0x3  }
0x29c: {  	s3 =	rddreg [dreg:$0x8];
	[tilespmem:$0x10C10] =	vst v4  }
0x29d: {  	s25 =	sshra.s32 s3, $0x1F;
	v4 =	vld.idx.msk [tilespmem:v5+s16+$0x0], $0xffff  }
0x29e: {  	s0 =	sshrl.u32 s25, $0x19;
	v5 =	vor.u32 s24, v3  }
0x29f: {  	s0 =	sadd.s32 s0, s3  }
0x2a0: {  	s24 =	sand.u32 $0xFFFFFF80, s0  }
0x2a1: {  	p5 =	slt.s32 s3, $0x1;
	p6 =	sne.s32 s3, s24  }
0x2a2: {  	p0 =	por !p5, !p6;
	[tilespmem:$0x10C20] =	vst v4  }
0x2a3: {  	s2 =	simm.s32 $0x1;
	p0 =	por !p0, !p0;
	v4 =	vld.idx.msk [tilespmem:v5+s16+$0x0], $0xffff  }
0x2a4: {  	s0 =	sshrl.u32 s0, $0x7;
	s2 =	simm.s32 @!p0 $0x0  }
0x2a5: {  	s0 =	ssub.s32 s0, s2  }
0x2a6: {  	s0 =	sshll.u32 s0, $0x7  }
0x2a7: {  	s25 =	sand.u32 $0x7F, s23;
	s0 =	sand.u32 $0x1FFFFF80, s0  }
0x2a8: {  	s0 =	sadd.s32 s1, s0;
	[tilespmem:$0x10C30] =	vst v4;
	v4 =	vor.u32 s25, v0  }
0x2a9: {  	[tilespmem:s16], [sflag:$0x8] =	stream.strided.gather [hbm4b:s0+s7], $0x2000, s8, s7, $0x38;
	[tilespmem:$0x11080] =	vst v63  }
0x2aa: {  	_ =	swait.ge [sflag:s17], $0x2000  }
0x2ab: {  	[sflag:s17] =	ssyncset.done $0x0  }
0x2ac: {  	[sflag:s17] =	ssyncadd.s32 $0xFFFFE000  }
0x2ad: {  	v4 =	vld.idx.msk [tilespmem:v4+s18+$0x0], $0xffff  }
0x2ae: {  	v5 =	vor.u32 s25, v1;
	_ =	sdelay $0x3  }
0x2af: {  	[tilespmem:$0x10C80] =	vst v4  }
0x2b0: {  	v4 =	vld.idx.msk [tilespmem:v5+s18+$0x0], $0xffff  }
0x2b1: {  	v5 =	vor.u32 s25, v2;
	_ =	sdelay $0x3  }
0x2b2: {  	[tilespmem:$0x10C90] =	vst v4  }
0x2b3: {  	v4 =	vld.idx.msk [tilespmem:v5+s18+$0x0], $0xffff  }
0x2b4: {  	v5 =	vor.u32 s25, v3;
	_ =	sdelay $0x3  }
0x2b5: {  	[tilespmem:$0x10CA0] =	vst v4  }
0x2b6: {  	v4 =	vld.idx.msk [tilespmem:v5+s18+$0x0], $0xffff;
	_ =	sdelay $0x2  }
0x2b7: {  	s2 =	sand.u32 $0x7F, s22  }
0x2b8: {  	v5 =	vor.u32 s2, v0  }
0x2b9: {  	[tilespmem:$0x10CB0] =	vst v4  }
0x2ba: {  	_ =	swait.ge [sflag:s6], $0x2000  }
0x2bb: {  	[sflag:s6] =	ssyncset.done $0x0  }
0x2bc: {  	[sflag:s6] =	ssyncadd.s32 $0xFFFFE000  }
0x2bd: {  	v4 =	vld.idx.msk [tilespmem:v5+s10+$0x0], $0xffff  }
0x2be: {  	v5 =	vor.u32 s2, v1;
	_ =	sdelay $0x3  }
0x2bf: {  	[tilespmem:$0x10D00] =	vst v4  }
0x2c0: {  	v4 =	vld.idx.msk [tilespmem:v5+s10+$0x0], $0xffff  }
0x2c1: {  	v5 =	vor.u32 s2, v2;
	_ =	sdelay $0x3  }
0x2c2: {  	[tilespmem:$0x10D10] =	vst v4  }
0x2c3: {  	v4 =	vld.idx.msk [tilespmem:v5+s10+$0x0], $0xffff  }
0x2c4: {  	v5 =	vor.u32 s2, v3;
	_ =	sdelay $0x3  }
0x2c5: {  	[tilespmem:$0x10D20] =	vst v4  }
0x2c6: {  	v4 =	vld.idx.msk [tilespmem:v5+s10+$0x0], $0xffff;
	_ =	sdelay $0x2  }
0x2c7: {  	s17 =	sand.u32 $0x7F, s21  }
0x2c8: {  	v5 =	vor.u32 s17, v0  }
0x2c9: {  	[tilespmem:$0x10D30] =	vst v4  }
0x2ca: {  	_ =	swait.ge [sflag:s5], $0x2000  }
0x2cb: {  	[sflag:s5] =	ssyncset.done $0x0  }
0x2cc: {  	[sflag:s5] =	ssyncadd.s32 $0xFFFFE000  }
0x2cd: {  	v4 =	vld.idx.msk [tilespmem:v5+s11+$0x0], $0xffff  }
0x2ce: {  	v5 =	vor.u32 s17, v1;
	_ =	sdelay $0x3  }
0x2cf: {  	[tilespmem:$0x10D80] =	vst v4  }
0x2d0: {  	v4 =	vld.idx.msk [tilespmem:v5+s11+$0x0], $0xffff  }
0x2d1: {  	v5 =	vor.u32 s17, v2;
	_ =	sdelay $0x3  }
0x2d2: {  	[tilespmem:$0x10D90] =	vst v4  }
0x2d3: {  	v4 =	vld.idx.msk [tilespmem:v5+s11+$0x0], $0xffff  }
0x2d4: {  	v5 =	vor.u32 s17, v3;
	_ =	sdelay $0x3  }
0x2d5: {  	[tilespmem:$0x10DA0] =	vst v4  }
0x2d6: {  	v4 =	vld.idx.msk [tilespmem:v5+s11+$0x0], $0xffff;
	_ =	sdelay $0x2  }
0x2d7: {  	s20 =	sand.u32 $0x7F, s20  }
0x2d8: {  	v5 =	vor.u32 s20, v0  }
0x2d9: {  	[tilespmem:$0x10DB0] =	vst v4  }
0x2da: {  	_ =	swait.ge [sflag:s26], $0x2000  }
0x2db: {  	[sflag:s26] =	ssyncset.done $0x0  }
0x2dc: {  	[sflag:s26] =	ssyncadd.s32 $0xFFFFE000  }
0x2dd: {  	v4 =	vld.idx.msk [tilespmem:v5+s12+$0x0], $0xffff  }
0x2de: {  	v5 =	vor.u32 s20, v1;
	_ =	sdelay $0x3  }
0x2df: {  	[tilespmem:$0x10E00] =	vst v4  }
0x2e0: {  	v4 =	vld.idx.msk [tilespmem:v5+s12+$0x0], $0xffff  }
0x2e1: {  	v5 =	vor.u32 s20, v2;
	_ =	sdelay $0x3  }
0x2e2: {  	[tilespmem:$0x10E10] =	vst v4  }
0x2e3: {  	v4 =	vld.idx.msk [tilespmem:v5+s12+$0x0], $0xffff  }
0x2e4: {  	v5 =	vor.u32 s20, v3;
	_ =	sdelay $0x3  }
0x2e5: {  	[tilespmem:$0x10E20] =	vst v4  }
0x2e6: {  	v4 =	vld.idx.msk [tilespmem:v5+s12+$0x0], $0xffff;
	_ =	sdelay $0x2  }
0x2e7: {  	s21 =	sand.u32 $0x7F, s19  }
0x2e8: {  	v5 =	vor.u32 s21, v0  }
0x2e9: {  	[tilespmem:$0x10E30] =	vst v4  }
0x2ea: {  	_ =	swait.ge [sflag:s31], $0x2000  }
0x2eb: {  	[sflag:s31] =	ssyncset.done $0x0  }
0x2ec: {  	[sflag:s31] =	ssyncadd.s32 $0xFFFFE000  }
0x2ed: {  	v4 =	vld.idx.msk [tilespmem:v5+s13+$0x0], $0xffff  }
0x2ee: {  	v5 =	vor.u32 s21, v1;
	_ =	sdelay $0x3  }
0x2ef: {  	[tilespmem:$0x10E80] =	vst v4  }
0x2f0: {  	v4 =	vld.idx.msk [tilespmem:v5+s13+$0x0], $0xffff  }
0x2f1: {  	v5 =	vor.u32 s21, v2;
	_ =	sdelay $0x3  }
0x2f2: {  	[tilespmem:$0x10E90] =	vst v4  }
0x2f3: {  	v4 =	vld.idx.msk [tilespmem:v5+s13+$0x0], $0xffff  }
0x2f4: {  	v5 =	vor.u32 s21, v3;
	_ =	sdelay $0x3  }
0x2f5: {  	[tilespmem:$0x10EA0] =	vst v4  }
0x2f6: {  	v4 =	vld.idx.msk [tilespmem:v5+s13+$0x0], $0xffff;
	_ =	sdelay $0x2  }
0x2f7: {  	s22 =	sand.u32 $0x7F, s9  }
0x2f8: {  	v5 =	vor.u32 s22, v0  }
0x2f9: {  	[tilespmem:$0x10EB0] =	vst v4  }
0x2fa: {  	_ =	swait.ge [sflag:s30], $0x2000  }
0x2fb: {  	[sflag:s30] =	ssyncset.done $0x0  }
0x2fc: {  	[sflag:s30] =	ssyncadd.s32 $0xFFFFE000  }
0x2fd: {  	v4 =	vld.idx.msk [tilespmem:v5+s14+$0x0], $0xffff  }
0x2fe: {  	v5 =	vor.u32 s22, v1;
	_ =	sdelay $0x3  }
0x2ff: {  	[tilespmem:$0x10F00] =	vst v4  }
0x300: {  	v4 =	vld.idx.msk [tilespmem:v5+s14+$0x0], $0xffff  }
0x301: {  	v5 =	vor.u32 s22, v2;
	_ =	sdelay $0x3  }
0x302: {  	[tilespmem:$0x10F10] =	vst v4  }
0x303: {  	v4 =	vld.idx.msk [tilespmem:v5+s14+$0x0], $0xffff  }
0x304: {  	v5 =	vor.u32 s22, v3;
	_ =	sdelay $0x3  }
0x305: {  	[tilespmem:$0x10F20] =	vst v4  }
0x306: {  	v4 =	vld.idx.msk [tilespmem:v5+s14+$0x0], $0xffff;
	_ =	sdelay $0x2  }
0x307: {  	s23 =	sand.u32 $0x7F, s4  }
0x308: {  	v5 =	vor.u32 s23, v0  }
0x309: {  	[tilespmem:$0x10F30] =	vst v4  }
0x30a: {  	_ =	swait.ge [sflag:s29], $0x2000  }
0x30b: {  	[sflag:s29] =	ssyncset.done $0x0  }
0x30c: {  	[sflag:s29] =	ssyncadd.s32 $0xFFFFE000  }
0x30d: {  	v4 =	vld.idx.msk [tilespmem:v5+s15+$0x0], $0xffff  }
0x30e: {  	v5 =	vor.u32 s23, v1;
	_ =	sdelay $0x3  }
0x30f: {  	[tilespmem:$0x10F80] =	vst v4  }
0x310: {  	v4 =	vld.idx.msk [tilespmem:v5+s15+$0x0], $0xffff  }
0x311: {  	v5 =	vor.u32 s23, v2;
	_ =	sdelay $0x3  }
0x312: {  	[tilespmem:$0x10F90] =	vst v4  }
0x313: {  	v4 =	vld.idx.msk [tilespmem:v5+s15+$0x0], $0xffff  }
0x314: {  	v5 =	vor.u32 s23, v3;
	_ =	sdelay $0x3  }
0x315: {  	[tilespmem:$0x10FA0] =	vst v4  }
0x316: {  	v4 =	vld.idx.msk [tilespmem:v5+s15+$0x0], $0xffff;
	_ =	sdelay $0x2  }
0x317: {  	s24 =	sand.u32 $0x7F, s3  }
0x318: {  	v5 =	vor.u32 s24, v0  }
0x319: {  	[tilespmem:$0x10FB0] =	vst v4  }
0x31a: {  	_ =	swait.ge [sflag:s28], $0x2000  }
0x31b: {  	[sflag:s28] =	ssyncset.done $0x0  }
0x31c: {  	[sflag:s28] =	ssyncadd.s32 $0xFFFFE000  }
0x31d: {  	v4 =	vld.idx.msk [tilespmem:v5+s16+$0x0], $0xffff  }
0x31e: {  	v5 =	vor.u32 s24, v1;
	_ =	sdelay $0x3  }
0x31f: {  	[tilespmem:$0x11000] =	vst v4  }
0x320: {  	v4 =	vld.idx.msk [tilespmem:v5+s16+$0x0], $0xffff  }
0x321: {  	v5 =	vor.u32 s24, v2;
	_ =	sdelay $0x3  }
0x322: {  	[tilespmem:$0x11010] =	vst v4  }
0x323: {  	v4 =	vld.idx.msk [tilespmem:v5+s16+$0x0], $0xffff  }
0x324: {  	v5 =	vor.u32 s24, v3;
	_ =	sdelay $0x3  }
0x325: {  	[tilespmem:$0x11020] =	vst v4  }
0x326: {  	v4 =	vld.idx.msk [tilespmem:v5+s16+$0x0], $0xffff;
	_ =	sdelay $0x2  }
0x327: {  	s29 =	rddreg [dreg:$0x7]  }
0x328: {  	s30 =	simm.s32 $0x9;
	s25 =	rddreg [dreg:$0x5];
	p0 =	sne.s32 s29, $0x1  }
.Ltmp0:
0x329: {  	s26 =	rddreg [dreg:$0x6];
	s28 =	simm.s32 $0x0;
	[tilespmem:$0x11030] =	vst v4;
	(pc) =	sbr.rel @p0 .LBB2_1-.Ltmp0, $4  }
0x32a: {  	[hbm4b:s25+s28] =	stream.linear.scatter [tilespmem:s26], [sflag:$0x9], $0x1000, $0x38;
	[tilespmem:$0x11080] =	vst v63  }
0x32b: {  	_ =	swait.ge [sflag:s30], $0x1000  }
0x32c: {  	s31 =	simm.s32 $0x9;
	[sflag:s30] =	ssyncset.done $0x0  }
0x32d: {  	s2 =	sadd.s32 $0xFFFFFFFF, s29;
	[sflag:s31] =	ssyncadd.s32 $0xFFFFF000  }
0x32e: {  	_ =	sfence.sel $0x180000  }
0x32f: {  	[bflag:$0x0] =	sbarrier.arrive $0xFFFF  }
0x330: {  	_ =	strace $0x90000047  }
0x331: {  	s0 =	stileid.u32;
	[bflag:$0x2] =	sbarrier.arrive $0xFFFF  }
0x332: {  	p0 =	sne.s32 s0, $0x0;
	s0 =	rddreg [dreg:$0x3]  }
0x333: {  	s0 =	sadd.s32 @!p0 $0x100000, s0  }
0x334: {  	[sflag:s0] =	ssyncadd.tile.s32 @!p0 $0x1;
	_ =	shalt  }
.Lfunc_end2:
_tile_overlayer_lowered:
.L_overlay_start_2:
0x335: {  	(tag) =	ssettag $0x2  }
0x336: {  	s0 =	rddreg [dreg:$0x0];
	s2 =	stileid.u32  }
0x337: {  	s1 =	rddreg [dreg:$0x1];
	p0 =	sne.s32 s2, $0x0  }
0x338: {  	s3 =	rddreg [dreg:$0x2];
	[bflag:$0x3] =	sbarrier.arrive $0xFFFF;
	s2 =	simm.s32 @!p0 $0x1C09  }
0x339: {  	[timem:s3], [sflag:s2] =	dma.local @!p0 [hbm:s0], s1  }
0x33a: {  	s0 =	simm.s32 @!p0 $0x9  }
0x33b: {  	_ =	swait.ge @!p0 [sflag:s0], s1  }
0x33c: {  	s1 =	ssub.s32 @!p0 $0x0, s1;
	[sflag:s0] =	ssyncset.done @!p0 $0x0  }
0x33d: {  	[sflag:s0] =	ssyncadd.s32 @!p0 s1  }
0x33e: {  	[bflag:$0x3] =	sbarrier.arrive $0xFFFF  }
0x33f: {  	_ =	shalt  }

</sc_bundles>
